<compile_context>
chip_gen: v7x
topology: tpu7x:2x2x1
jax: 0.10.2.dev20260603
libtpu: 0.0.44.dev20260713+nightly
codegen_flags: <defaults>
</compile_context>

<pallas_src>
import functools

import jax
import jax.numpy as jnp
import numpy as np
from jax import lax
from jax.experimental import pallas as pl
from jax.experimental.pallas import tpu as pltpu
from jax.experimental.pallas import tpu_sc as plsc

PI = float(np.pi)
DOWN_RATIO = 4.0
INPUT_W = 1280.0
INPUT_H = 384.0
DEPTH_MIN, DEPTH_MAX = 0.1, 100.0

_DIM_MEAN = ((4.83899871, 1.80778956, 2.11565798),
             (0.91986743, 1.75302337, 0.86220807),
             (1.78652745, 1.76500989, 0.83395625))

_ATAN_C = (0.9998660, -0.3302995, 0.1801410, -0.0851330, 0.0208351)

_L = 16
_NW = 32
_SUB = 80


def _atan_poly(r):
    a = jnp.abs(r)
    big = a > 1.0
    t = jnp.where(big, 1.0 / a, a)
    t2 = t * t
    p = jnp.full_like(t, _ATAN_C[4])
    for c in (_ATAN_C[3], _ATAN_C[2], _ATAN_C[1], _ATAN_C[0]):
        p = p * t2 + c
    p = p * t
    p = jnp.where(big, (PI / 2) - p, p)
    return jnp.where(r < 0.0, -p, p)


@functools.cache
def _build(N: int):
    f32 = jnp.float32
    i32 = jnp.int32
    G = N // _L
    GPW = -(-G // _NW)
    ROWS = GPW * _L
    NSUB = ROWS // _SUB
    GPS = _SUB // _L
    mesh = plsc.VectorSubcoreMesh(core_axis_name="c", subcore_axis_name="s",
                                  num_cores=2, num_subcores=16)

    out_type = (jax.ShapeDtypeStruct((N, 4), f32),
                jax.ShapeDtypeStruct((N, 3), f32),
                jax.ShapeDtypeStruct((N,), f32),
                jax.ShapeDtypeStruct((N,), f32))
    inbuf = lambda: [pltpu.VMEM((_SUB, 2), f32),
                     pltpu.VMEM((_SUB, 4), f32),
                     pltpu.VMEM((_SUB, 3), f32),
                     pltpu.VMEM((_SUB, 16), f32)]
    scratch = (inbuf() + inbuf() + [
        pltpu.VMEM((_SUB, 4), f32),
        pltpu.VMEM((_SUB, 3), f32),
        pltpu.VMEM((ROWS,), f32),
        pltpu.VMEM((ROWS,), i32),
        pltpu.VMEM((ROWS,), f32),
        pltpu.VMEM((ROWS,), f32),
        pltpu.SemaphoreType.DMA,
        pltpu.SemaphoreType.DMA,
    ])

    @functools.partial(
        pl.kernel, out_type=out_type, mesh=mesh, scratch_types=scratch,
        compiler_params=pltpu.CompilerParams(needs_layout_passes=False))
    def _k(cen_h, po_h, do_h, dep_h, vo_h, cls_h,
           bo_h, dm_h, dp_h, al_h, *refs):
        bufs = (refs[0:4], refs[4:8])
        bo_v, dm_v, dep_v, cls_v, dp_v, al_v, isem, osem = refs[8:]

        w = lax.axis_index("s") * 2 + lax.axis_index("c")
        base = jnp.minimum(w * ROWS, N - ROWS)

        def start_in(sc, bset):
            ssl = pl.ds(base + sc * _SUB, _SUB)
            return [pltpu.async_copy(cen_h.at[ssl], bset[0], isem),
                    pltpu.async_copy(po_h.at[ssl], bset[1], isem),
                    pltpu.async_copy(do_h.at[ssl], bset[2], isem),
                    pltpu.async_copy(vo_h.at[ssl], bset[3], isem)]

        d1 = pltpu.async_copy(dep_h.at[pl.ds(base, ROWS)], dep_v, isem)
        d2 = pltpu.async_copy(cls_h.at[pl.ds(base, ROWS)], cls_v, isem)
        pend = {0: start_in(0, bufs[0]), 1: start_in(1, bufs[1])}
        d1.wait()
        d2.wait()

        iota = lax.iota(i32, _L)
        outs = []
        for sc in range(NSUB):
            cen_v, po_v, do_v, vo_v = bufs[sc % 2]
            for d in pend.pop(sc):
                d.wait()
            for d in outs:
                d.wait()

            def group(g, carry):
                off = sc * _SUB + g * _L
                lrows = g * _L + iota

                def gat(ref, col):
                    return plsc.load_gather(
                        ref, [lrows, jnp.full((_L,), col, i32)])

                def put(ref, col, v):
                    plsc.store_scatter(
                        ref, [lrows, jnp.full((_L,), col, i32)], v)

                cx = gat(cen_v, 0)
                cy = gat(cen_v, 1)
                x1 = (cx - gat(po_v, 0)) * DOWN_RATIO
                y1 = (cy - gat(po_v, 1)) * DOWN_RATIO
                x2 = (cx + gat(po_v, 2)) * DOWN_RATIO
                y2 = (cy + gat(po_v, 3)) * DOWN_RATIO
                put(bo_v, 0, jnp.clip(x1, 0.0, INPUT_W))
                put(bo_v, 1, jnp.clip(y1, 0.0, INPUT_H))
                put(bo_v, 2, x2)
                put(bo_v, 3, y2)

                cls16 = cls_v[pl.ds(off, _L)]
                is0 = cls16 == 0
                is1 = cls16 == 1
                for j in range(3):
                    mj = jnp.where(is0, _DIM_MEAN[0][j],
                                   jnp.where(is1, _DIM_MEAN[1][j],
                                             _DIM_MEAN[2][j]))
                    put(dm_v, j, jnp.exp(gat(do_v, j)) * mj)

                dp_v[pl.ds(off, _L)] = jnp.clip(
                    jnp.exp(-dep_v[pl.ds(off, _L)]), DEPTH_MIN, DEPTH_MAX)

                m = gat(vo_v, 1) - gat(vo_v, 0)
                best = jnp.zeros((_L,), i32)
                for k in (1, 2, 3):
                    dk = gat(vo_v, 2 * k + 1) - gat(vo_v, 2 * k)
                    gt = dk > m
                    m = jnp.where(gt, dk, m)
                    best = jnp.where(gt, k, best)
                col0 = 8 + 2 * best
                s0 = plsc.load_gather(vo_v, [lrows, col0])
                s1 = plsc.load_gather(vo_v, [lrows, col0 + 1])
                alpha = _atan_poly(s0 / s1)
                alpha = alpha + jnp.where(best == 3, -(PI / 2),
                                          best.astype(f32) * (PI / 2))
                alpha = jnp.where(alpha > PI, alpha - 2 * PI, alpha)
                alpha = jnp.where(alpha < -PI, alpha + 2 * PI, alpha)
                al_v[pl.ds(off, _L)] = alpha
                return carry

            lax.fori_loop(0, GPS, group, 0)

            ssl = pl.ds(base + sc * _SUB, _SUB)
            outs = [pltpu.async_copy(bo_v, bo_h.at[ssl], osem),
                    pltpu.async_copy(dm_v, dm_h.at[ssl], osem)]
            if sc + 2 < NSUB:
                pend[sc + 2] = start_in(sc + 2, bufs[sc % 2])

        for d in outs:
            d.wait()
        pltpu.sync_copy(dp_v, dp_h.at[pl.ds(base, ROWS)])
        pltpu.sync_copy(al_v, al_h.at[pl.ds(base, ROWS)])

    return _k


def kernel(centers, pred_offset, dims_offset, depths_offset, vector_ori,
           cls_id):
    N = centers.shape[0]
    k = _build(N)
    return k(centers.astype(jnp.float32),
             pred_offset.astype(jnp.float32),
             dims_offset.astype(jnp.float32),
             depths_offset.astype(jnp.float32),
             vector_ori.astype(jnp.float32),
             cls_id.astype(jnp.int32))

# --- scband reference (transcript-rebuilt; emitter-appended) ---
"""Pipeline reference for scband-postprcess-45698452029741 (READ-ONLY COPY).

The authoritative reference and input builder live on the scoring server;
editing this copy changes nothing except your own understanding.
"""

import jax, jax.numpy as jnp
import numpy as np

PI = np.pi
DOWN_RATIO = 4
INPUT_W = 1280
INPUT_H = 384
DEPTH_MIN, DEPTH_MAX = 0.1, 100.0
ORIEN_BIN_SIZE = 4

DIM_MEAN = jnp.array([[4.83899871, 1.80778956, 2.11565798],
                      [0.91986743, 1.75302337, 0.86220807],
                      [1.78652745, 1.76500989, 0.83395625]], dtype=jnp.float32)
ALPHA_CENTERS = jnp.array([0.0, PI / 2, PI, -PI / 2], dtype=jnp.float32)


def setup_inputs(seed: int = 0) -> dict:
    key = jax.random.key(seed)
    ks = jax.random.split(key, 6)
    N = 20000
    return {
        "centers": jax.random.normal(ks[0], (N, 2), dtype=jnp.float32),
        "pred_offset": jax.random.normal(ks[1], (N, 4), dtype=jnp.float32),
        "dims_offset": jax.random.normal(ks[2], (N, 3), dtype=jnp.float32),
        "depths_offset": jax.random.normal(ks[3], (N,), dtype=jnp.float32),
        "vector_ori": jax.random.normal(ks[4], (N, 16), dtype=jnp.float32),
        "cls_id": jax.random.randint(ks[5], (N,), 0, 3, dtype=jnp.int32),
    }


def reference(centers, pred_offset, dims_offset, depths_offset, vector_ori, cls_id):
    # decode_box2d_fcos
    box2d_center = centers.reshape(-1, 2)
    box2d = jnp.concatenate([box2d_center - pred_offset[:, :2],
                             box2d_center + pred_offset[:, 2:]], axis=1)
    box2d = box2d * DOWN_RATIO
    box2d = box2d.at[:, 0:2].set(jnp.clip(box2d[:, 0:2], 0.0, INPUT_W))
    box2d = box2d.at[:, 1:2].set(jnp.clip(box2d[:, 1:2], 0.0, INPUT_H))

    # decode_dimension (dim_modes = ['exp', True, False])
    cls_flat = cls_id.reshape(-1).astype(jnp.int32)
    cls_dimension_mean = jnp.take(DIM_MEAN, cls_flat, axis=0)
    dimensions = jnp.exp(dims_offset) * cls_dimension_mean

    # decode_depth (depth_mode = 'inv_sigmoid', depth_range = [0.1, 100])
    depth = 1.0 / jax.nn.sigmoid(depths_offset) - 1.0
    depth = jnp.clip(depth, DEPTH_MIN, DEPTH_MAX)

    # decode_orientation (multibin = True, orien_bin_size = 4)
    pred_bin_cls = jax.nn.softmax(vector_ori[:, :ORIEN_BIN_SIZE * 2].reshape(-1, ORIEN_BIN_SIZE, 2), axis=2)[..., 1]
    best_bin = jnp.argmax(pred_bin_cls, axis=1)
    offsets = vector_ori[:, ORIEN_BIN_SIZE * 2:ORIEN_BIN_SIZE * 4].reshape(-1, ORIEN_BIN_SIZE, 2)
    sel = jnp.take_along_axis(offsets, best_bin[:, None, None], axis=1)[:, 0, :]
    alphas = jnp.arctan(sel[:, 0] / sel[:, 1]) + jnp.take(ALPHA_CENTERS, best_bin)
    alphas = jnp.where(alphas > PI, alphas - 2 * PI, alphas)
    alphas = jnp.where(alphas < -PI, alphas + 2 * PI, alphas)

    return (box2d, dimensions, depth, alphas)

if __name__ == "__main__":
    import jax
    _d = setup_inputs()
    print(jax.jit(kernel)(*tuple(_d.values())))

</pallas_src>

<mosaic_0001>
#map = affine_map<(d0, d1) -> (0, 0)>
#map1 = affine_map<(d0, d1) -> (0)>
module attributes {stable_mosaic.version = 14 : i64} {
  func.func @_k(%arg0: i32, %arg1: i32, %arg2: memref<20000x2xf32, #tpu.memory_space<hbm>>, %arg3: memref<20000x4xf32, #tpu.memory_space<hbm>>, %arg4: memref<20000x3xf32, #tpu.memory_space<hbm>>, %arg5: memref<20000xf32, #tpu.memory_space<hbm>>, %arg6: memref<20000x16xf32, #tpu.memory_space<hbm>>, %arg7: memref<20000xi32, #tpu.memory_space<hbm>>, %arg8: memref<20000x4xf32, #tpu.memory_space<hbm>>, %arg9: memref<20000x3xf32, #tpu.memory_space<hbm>>, %arg10: memref<20000xf32, #tpu.memory_space<hbm>>, %arg11: memref<20000xf32, #tpu.memory_space<hbm>>, %arg12: memref<80x2xf32, #tpu.memory_space<vmem>>, %arg13: memref<80x4xf32, #tpu.memory_space<vmem>>, %arg14: memref<80x3xf32, #tpu.memory_space<vmem>>, %arg15: memref<80x16xf32, #tpu.memory_space<vmem>>, %arg16: memref<80x2xf32, #tpu.memory_space<vmem>>, %arg17: memref<80x4xf32, #tpu.memory_space<vmem>>, %arg18: memref<80x3xf32, #tpu.memory_space<vmem>>, %arg19: memref<80x16xf32, #tpu.memory_space<vmem>>, %arg20: memref<80x4xf32, #tpu.memory_space<vmem>>, %arg21: memref<80x3xf32, #tpu.memory_space<vmem>>, %arg22: memref<640xf32, #tpu.memory_space<vmem>>, %arg23: memref<640xi32, #tpu.memory_space<vmem>>, %arg24: memref<640xf32, #tpu.memory_space<vmem>>, %arg25: memref<640xf32, #tpu.memory_space<vmem>>, %arg26: memref<!tpu.dma_semaphore, #tpu.memory_space<semaphore_mem>>, %arg27: memref<!tpu.dma_semaphore, #tpu.memory_space<semaphore_mem>>) attributes {dimension_semantics = [#tpu.dimension_semantics<core_parallel>, #tpu.dimension_semantics<subcore_parallel>], iteration_bounds = array<i64: 2, 16>, scalar_prefetch = 0 : i64, scratch_operands = 16 : i64, tpu.core_type = #tpu.core_type<sc_vector_subcore>, window_params = [{transform_indices = #map}, {transform_indices = #map}, {transform_indices = #map}, {transform_indices = #map1}, {transform_indices = #map}, {transform_indices = #map1}, {transform_indices = #map}, {transform_indices = #map}, {transform_indices = #map1}, {transform_indices = #map1}]} {
    %mul3A = arith.constant 2 : i32
    %mul3A_0 = arith.muli %arg1, %mul3A : i32
    %add3A = arith.addi %mul3A_0, %arg0 : i32
    %mul3A_1 = arith.constant 640 : i32
    %mul3A_2 = arith.muli %add3A, %mul3A_1 : i32
    %min3A = arith.constant 19360 : i32
    %min3A_3 = arith.minsi %mul3A_2, %min3A : i32
    %dma_start3A = tpu.memref_slice %arg5[%min3A_3] : memref<20000xf32, #tpu.memory_space<hbm>> -> memref<640xf32, #tpu.memory_space<hbm>>
    %dma_start3A_4 = tpu.memref_slice %arg5[%min3A_3] : memref<20000xf32, #tpu.memory_space<hbm>> -> memref<640xf32, #tpu.memory_space<hbm>>
    tpu.enqueue_dma source(%dma_start3A_4 : memref<640xf32, #tpu.memory_space<hbm>>) target(%arg22 : memref<640xf32, #tpu.memory_space<vmem>>) target_semaphore(%arg26 : memref<!tpu.dma_semaphore, #tpu.memory_space<semaphore_mem>>)
    %dma_start3A_5 = tpu.memref_slice %arg7[%min3A_3] : memref<20000xi32, #tpu.memory_space<hbm>> -> memref<640xi32, #tpu.memory_space<hbm>>
    %dma_start3A_6 = tpu.memref_slice %arg7[%min3A_3] : memref<20000xi32, #tpu.memory_space<hbm>> -> memref<640xi32, #tpu.memory_space<hbm>>
    tpu.enqueue_dma source(%dma_start3A_6 : memref<640xi32, #tpu.memory_space<hbm>>) target(%arg23 : memref<640xi32, #tpu.memory_space<vmem>>) target_semaphore(%arg26 : memref<!tpu.dma_semaphore, #tpu.memory_space<semaphore_mem>>)
    %add3A_7 = arith.constant 0 : i32
    %add3A_8 = arith.addi %min3A_3, %add3A_7 : i32
    %dma_start3A_9 = arith.constant 0 : i32
    %dma_start3A_10 = tpu.memref_slice %arg2[%add3A_8, %dma_start3A_9] : memref<20000x2xf32, #tpu.memory_space<hbm>> -> memref<80x2xf32, #tpu.memory_space<hbm>>
    %dma_start3A_11 = arith.constant 0 : i32
    %dma_start3A_12 = tpu.memref_slice %arg2[%add3A_8, %dma_start3A_11] : memref<20000x2xf32, #tpu.memory_space<hbm>> -> memref<80x2xf32, #tpu.memory_space<hbm>>
    tpu.enqueue_dma source(%dma_start3A_12 : memref<80x2xf32, #tpu.memory_space<hbm>>) target(%arg12 : memref<80x2xf32, #tpu.memory_space<vmem>>) target_semaphore(%arg26 : memref<!tpu.dma_semaphore, #tpu.memory_space<semaphore_mem>>)
    %dma_start3A_13 = arith.constant 0 : i32
    %dma_start3A_14 = tpu.memref_slice %arg3[%add3A_8, %dma_start3A_13] : memref<20000x4xf32, #tpu.memory_space<hbm>> -> memref<80x4xf32, #tpu.memory_space<hbm>>
    %dma_start3A_15 = arith.constant 0 : i32
    %dma_start3A_16 = tpu.memref_slice %arg3[%add3A_8, %dma_start3A_15] : memref<20000x4xf32, #tpu.memory_space<hbm>> -> memref<80x4xf32, #tpu.memory_space<hbm>>
    tpu.enqueue_dma source(%dma_start3A_16 : memref<80x4xf32, #tpu.memory_space<hbm>>) target(%arg13 : memref<80x4xf32, #tpu.memory_space<vmem>>) target_semaphore(%arg26 : memref<!tpu.dma_semaphore, #tpu.memory_space<semaphore_mem>>)
    %dma_start3A_17 = arith.constant 0 : i32
    %dma_start3A_18 = tpu.memref_slice %arg4[%add3A_8, %dma_start3A_17] : memref<20000x3xf32, #tpu.memory_space<hbm>> -> memref<80x3xf32, #tpu.memory_space<hbm>>
    %dma_start3A_19 = arith.constant 0 : i32
    %dma_start3A_20 = tpu.memref_slice %arg4[%add3A_8, %dma_start3A_19] : memref<20000x3xf32, #tpu.memory_space<hbm>> -> memref<80x3xf32, #tpu.memory_space<hbm>>
    tpu.enqueue_dma source(%dma_start3A_20 : memref<80x3xf32, #tpu.memory_space<hbm>>) target(%arg14 : memref<80x3xf32, #tpu.memory_space<vmem>>) target_semaphore(%arg26 : memref<!tpu.dma_semaphore, #tpu.memory_space<semaphore_mem>>)
    %dma_start3A_21 = arith.constant 0 : i32
    %dma_start3A_22 = tpu.memref_slice %arg6[%add3A_8, %dma_start3A_21] : memref<20000x16xf32, #tpu.memory_space<hbm>> -> memref<80x16xf32, #tpu.memory_space<hbm>>
    %dma_start3A_23 = arith.constant 0 : i32
    %dma_start3A_24 = tpu.memref_slice %arg6[%add3A_8, %dma_start3A_23] : memref<20000x16xf32, #tpu.memory_space<hbm>> -> memref<80x16xf32, #tpu.memory_space<hbm>>
    tpu.enqueue_dma source(%dma_start3A_24 : memref<80x16xf32, #tpu.memory_space<hbm>>) target(%arg15 : memref<80x16xf32, #tpu.memory_space<vmem>>) target_semaphore(%arg26 : memref<!tpu.dma_semaphore, #tpu.memory_space<semaphore_mem>>)
    %add3A_25 = arith.constant 80 : i32
    %add3A_26 = arith.addi %min3A_3, %add3A_25 : i32
    %dma_start3A_27 = arith.constant 0 : i32
    %dma_start3A_28 = tpu.memref_slice %arg2[%add3A_26, %dma_start3A_27] : memref<20000x2xf32, #tpu.memory_space<hbm>> -> memref<80x2xf32, #tpu.memory_space<hbm>>
    %dma_start3A_29 = arith.constant 0 : i32
    %dma_start3A_30 = tpu.memref_slice %arg2[%add3A_26, %dma_start3A_29] : memref<20000x2xf32, #tpu.memory_space<hbm>> -> memref<80x2xf32, #tpu.memory_space<hbm>>
    tpu.enqueue_dma source(%dma_start3A_30 : memref<80x2xf32, #tpu.memory_space<hbm>>) target(%arg16 : memref<80x2xf32, #tpu.memory_space<vmem>>) target_semaphore(%arg26 : memref<!tpu.dma_semaphore, #tpu.memory_space<semaphore_mem>>)
    %dma_start3A_31 = arith.constant 0 : i32
    %dma_start3A_32 = tpu.memref_slice %arg3[%add3A_26, %dma_start3A_31] : memref<20000x4xf32, #tpu.memory_space<hbm>> -> memref<80x4xf32, #tpu.memory_space<hbm>>
    %dma_start3A_33 = arith.constant 0 : i32
    %dma_start3A_34 = tpu.memref_slice %arg3[%add3A_26, %dma_start3A_33] : memref<20000x4xf32, #tpu.memory_space<hbm>> -> memref<80x4xf32, #tpu.memory_space<hbm>>
    tpu.enqueue_dma source(%dma_start3A_34 : memref<80x4xf32, #tpu.memory_space<hbm>>) target(%arg17 : memref<80x4xf32, #tpu.memory_space<vmem>>) target_semaphore(%arg26 : memref<!tpu.dma_semaphore, #tpu.memory_space<semaphore_mem>>)
    %dma_start3A_35 = arith.constant 0 : i32
    %dma_start3A_36 = tpu.memref_slice %arg4[%add3A_26, %dma_start3A_35] : memref<20000x3xf32, #tpu.memory_space<hbm>> -> memref<80x3xf32, #tpu.memory_space<hbm>>
    %dma_start3A_37 = arith.constant 0 : i32
    %dma_start3A_38 = tpu.memref_slice %arg4[%add3A_26, %dma_start3A_37] : memref<20000x3xf32, #tpu.memory_space<hbm>> -> memref<80x3xf32, #tpu.memory_space<hbm>>
    tpu.enqueue_dma source(%dma_start3A_38 : memref<80x3xf32, #tpu.memory_space<hbm>>) target(%arg18 : memref<80x3xf32, #tpu.memory_space<vmem>>) target_semaphore(%arg26 : memref<!tpu.dma_semaphore, #tpu.memory_space<semaphore_mem>>)
    %dma_start3A_39 = arith.constant 0 : i32
    %dma_start3A_40 = tpu.memref_slice %arg6[%add3A_26, %dma_start3A_39] : memref<20000x16xf32, #tpu.memory_space<hbm>> -> memref<80x16xf32, #tpu.memory_space<hbm>>
    %dma_start3A_41 = arith.constant 0 : i32
    %dma_start3A_42 = tpu.memref_slice %arg6[%add3A_26, %dma_start3A_41] : memref<20000x16xf32, #tpu.memory_space<hbm>> -> memref<80x16xf32, #tpu.memory_space<hbm>>
    tpu.enqueue_dma source(%dma_start3A_42 : memref<80x16xf32, #tpu.memory_space<hbm>>) target(%arg19 : memref<80x16xf32, #tpu.memory_space<vmem>>) target_semaphore(%arg26 : memref<!tpu.dma_semaphore, #tpu.memory_space<semaphore_mem>>)
    %dma_wait3A = tpu.memref_slice %arg5[%min3A_3] : memref<20000xf32, #tpu.memory_space<hbm>> -> memref<640xf32, #tpu.memory_space<hbm>>
    %dma_wait3A_43 = tpu.memref_slice %arg5[%min3A_3] : memref<20000xf32, #tpu.memory_space<hbm>> -> memref<640xf32, #tpu.memory_space<hbm>>
    tpu.wait_dma2 semaphore(%arg26 : memref<!tpu.dma_semaphore, #tpu.memory_space<semaphore_mem>>) src(%dma_wait3A_43 : memref<640xf32, #tpu.memory_space<hbm>>) dst(%arg22 : memref<640xf32, #tpu.memory_space<vmem>>)
    %dma_wait3A_44 = tpu.memref_slice %arg7[%min3A_3] : memref<20000xi32, #tpu.memory_space<hbm>> -> memref<640xi32, #tpu.memory_space<hbm>>
    %dma_wait3A_45 = tpu.memref_slice %arg7[%min3A_3] : memref<20000xi32, #tpu.memory_space<hbm>> -> memref<640xi32, #tpu.memory_space<hbm>>
    tpu.wait_dma2 semaphore(%arg26 : memref<!tpu.dma_semaphore, #tpu.memory_space<semaphore_mem>>) src(%dma_wait3A_45 : memref<640xi32, #tpu.memory_space<hbm>>) dst(%arg23 : memref<640xi32, #tpu.memory_space<vmem>>)
    %iota3A = tpu.iota {dimensions = array<i32: 0>} : vector<16xi32>
    %dma_wait3A_46 = arith.constant 0 : i32
    %dma_wait3A_47 = tpu.memref_slice %arg2[%add3A_8, %dma_wait3A_46] : memref<20000x2xf32, #tpu.memory_space<hbm>> -> memref<80x2xf32, #tpu.memory_space<hbm>>
    %dma_wait3A_48 = arith.constant 0 : i32
    %dma_wait3A_49 = tpu.memref_slice %arg2[%add3A_8, %dma_wait3A_48] : memref<20000x2xf32, #tpu.memory_space<hbm>> -> memref<80x2xf32, #tpu.memory_space<hbm>>
    tpu.wait_dma2 semaphore(%arg26 : memref<!tpu.dma_semaphore, #tpu.memory_space<semaphore_mem>>) src(%dma_wait3A_49 : memref<80x2xf32, #tpu.memory_space<hbm>>) dst(%arg12 : memref<80x2xf32, #tpu.memory_space<vmem>>)
    %dma_wait3A_50 = arith.constant 0 : i32
    %dma_wait3A_51 = tpu.memref_slice %arg3[%add3A_8, %dma_wait3A_50] : memref<20000x4xf32, #tpu.memory_space<hbm>> -> memref<80x4xf32, #tpu.memory_space<hbm>>
    %dma_wait3A_52 = arith.constant 0 : i32
    %dma_wait3A_53 = tpu.memref_slice %arg3[%add3A_8, %dma_wait3A_52] : memref<20000x4xf32, #tpu.memory_space<hbm>> -> memref<80x4xf32, #tpu.memory_space<hbm>>
    tpu.wait_dma2 semaphore(%arg26 : memref<!tpu.dma_semaphore, #tpu.memory_space<semaphore_mem>>) src(%dma_wait3A_53 : memref<80x4xf32, #tpu.memory_space<hbm>>) dst(%arg13 : memref<80x4xf32, #tpu.memory_space<vmem>>)
    %dma_wait3A_54 = arith.constant 0 : i32
    %dma_wait3A_55 = tpu.memref_slice %arg4[%add3A_8, %dma_wait3A_54] : memref<20000x3xf32, #tpu.memory_space<hbm>> -> memref<80x3xf32, #tpu.memory_space<hbm>>
    %dma_wait3A_56 = arith.constant 0 : i32
    %dma_wait3A_57 = tpu.memref_slice %arg4[%add3A_8, %dma_wait3A_56] : memref<20000x3xf32, #tpu.memory_space<hbm>> -> memref<80x3xf32, #tpu.memory_space<hbm>>
    tpu.wait_dma2 semaphore(%arg26 : memref<!tpu.dma_semaphore, #tpu.memory_space<semaphore_mem>>) src(%dma_wait3A_57 : memref<80x3xf32, #tpu.memory_space<hbm>>) dst(%arg14 : memref<80x3xf32, #tpu.memory_space<vmem>>)
    %dma_wait3A_58 = arith.constant 0 : i32
    %dma_wait3A_59 = tpu.memref_slice %arg6[%add3A_8, %dma_wait3A_58] : memref<20000x16xf32, #tpu.memory_space<hbm>> -> memref<80x16xf32, #tpu.memory_space<hbm>>
    %dma_wait3A_60 = arith.constant 0 : i32
    %dma_wait3A_61 = tpu.memref_slice %arg6[%add3A_8, %dma_wait3A_60] : memref<20000x16xf32, #tpu.memory_space<hbm>> -> memref<80x16xf32, #tpu.memory_space<hbm>>
    tpu.wait_dma2 semaphore(%arg26 : memref<!tpu.dma_semaphore, #tpu.memory_space<semaphore_mem>>) src(%dma_wait3A_61 : memref<80x16xf32, #tpu.memory_space<hbm>>) dst(%arg15 : memref<80x16xf32, #tpu.memory_space<vmem>>)
    %scan3A = arith.constant 0 : i32
    %scan3A_62 = arith.constant 0 : i32
    %scan3A_63 = arith.constant 5 : i32
    %scan3A_64 = arith.addi %scan3A_62, %scan3A_63 : i32
    %scan3A_65 = arith.constant 1 : i32
    scf.for %scan3A_473 = %scan3A_62 to %scan3A_64 step %scan3A_65  : i32 {
      %mul3A_474 = arith.constant 16 : i32
      %mul3A_475 = arith.muli %scan3A_473, %mul3A_474 : i32
      %add3A_476 = arith.constant 0 : i32
      %add3A_477 = arith.addi %add3A_476, %mul3A_475 : i32
      %mul3A_478 = arith.constant 16 : i32
      %mul3A_479 = arith.muli %scan3A_473, %mul3A_478 : i32
      %add3A_480 = vector.broadcast %mul3A_479 : i32 to vector<16xi32>
      %add3A_481 = arith.addi %add3A_480, %iota3A : vector<16xi32>
      %broadcast_in_dim3A = arith.constant 0 : i32
      %broadcast_in_dim3A_482 = vector.broadcast %broadcast_in_dim3A : i32 to vector<16xi32>
      %gather3A = tpu.vector_load_idx %arg12[%add3A_481, %broadcast_in_dim3A_482] : memref<80x2xf32, #tpu.memory_space<vmem>>[vector<16xi32>, vector<16xi32>], vector<16xf32>,
      %broadcast_in_dim3A_483 = arith.constant 1 : i32
      %broadcast_in_dim3A_484 = vector.broadcast %broadcast_in_dim3A_483 : i32 to vector<16xi32>
      %gather3A_485 = tpu.vector_load_idx %arg12[%add3A_481, %broadcast_in_dim3A_484] : memref<80x2xf32, #tpu.memory_space<vmem>>[vector<16xi32>, vector<16xi32>], vector<16xf32>,
      %broadcast_in_dim3A_486 = arith.constant 0 : i32
      %broadcast_in_dim3A_487 = vector.broadcast %broadcast_in_dim3A_486 : i32 to vector<16xi32>
      %gather3A_488 = tpu.vector_load_idx %arg13[%add3A_481, %broadcast_in_dim3A_487] : memref<80x4xf32, #tpu.memory_space<vmem>>[vector<16xi32>, vector<16xi32>], vector<16xf32>,
      %sub3A = arith.subf %gather3A, %gather3A_488 : vector<16xf32>
      %mul3A_489 = arith.constant 4.000000e+00 : f32
      %mul3A_490 = vector.broadcast %mul3A_489 : f32 to vector<16xf32>
      %mul3A_491 = arith.mulf %sub3A, %mul3A_490 : vector<16xf32>
      %broadcast_in_dim3A_492 = arith.constant 1 : i32
      %broadcast_in_dim3A_493 = vector.broadcast %broadcast_in_dim3A_492 : i32 to vector<16xi32>
      %gather3A_494 = tpu.vector_load_idx %arg13[%add3A_481, %broadcast_in_dim3A_493] : memref<80x4xf32, #tpu.memory_space<vmem>>[vector<16xi32>, vector<16xi32>], vector<16xf32>,
      %sub3A_495 = arith.subf %gather3A_485, %gather3A_494 : vector<16xf32>
      %mul3A_496 = arith.constant 4.000000e+00 : f32
      %mul3A_497 = vector.broadcast %mul3A_496 : f32 to vector<16xf32>
      %mul3A_498 = arith.mulf %sub3A_495, %mul3A_497 : vector<16xf32>
      %broadcast_in_dim3A_499 = arith.constant 2 : i32
      %broadcast_in_dim3A_500 = vector.broadcast %broadcast_in_dim3A_499 : i32 to vector<16xi32>
      %gather3A_501 = tpu.vector_load_idx %arg13[%add3A_481, %broadcast_in_dim3A_500] : memref<80x4xf32, #tpu.memory_space<vmem>>[vector<16xi32>, vector<16xi32>], vector<16xf32>,
      %add3A_502 = arith.addf %gather3A, %gather3A_501 : vector<16xf32>
      %mul3A_503 = arith.constant 4.000000e+00 : f32
      %mul3A_504 = vector.broadcast %mul3A_503 : f32 to vector<16xf32>
      %mul3A_505 = arith.mulf %add3A_502, %mul3A_504 : vector<16xf32>
      %broadcast_in_dim3A_506 = arith.constant 3 : i32
      %broadcast_in_dim3A_507 = vector.broadcast %broadcast_in_dim3A_506 : i32 to vector<16xi32>
      %gather3A_508 = tpu.vector_load_idx %arg13[%add3A_481, %broadcast_in_dim3A_507] : memref<80x4xf32, #tpu.memory_space<vmem>>[vector<16xi32>, vector<16xi32>], vector<16xf32>,
      %add3A_509 = arith.addf %gather3A_485, %gather3A_508 : vector<16xf32>
      %mul3A_510 = arith.constant 4.000000e+00 : f32
      %mul3A_511 = vector.broadcast %mul3A_510 : f32 to vector<16xf32>
      %mul3A_512 = arith.mulf %add3A_509, %mul3A_511 : vector<16xf32>
      %jit3A = arith.constant 0.000000e+00 : f32
      %jit3A_513 = arith.constant 1280 : i32
      %max3A = vector.broadcast %jit3A : f32 to vector<16xf32>
      %max3A_514 = arith.maximumf %max3A, %mul3A_491 : vector<16xf32>
      %convert_element_type3A = arith.sitofp %jit3A_513 : i32 to f32
      %min3A_515 = vector.broadcast %convert_element_type3A : f32 to vector<16xf32>
      %min3A_516 = arith.minimumf %min3A_515, %max3A_514 : vector<16xf32>
      %broadcast_in_dim3A_517 = arith.constant 0 : i32
      %broadcast_in_dim3A_518 = vector.broadcast %broadcast_in_dim3A_517 : i32 to vector<16xi32>
      tpu.vector_store_idx %arg20[%add3A_481, %broadcast_in_dim3A_518], %min3A_516 : memref<80x4xf32, #tpu.memory_space<vmem>>[vector<16xi32>, vector<16xi32>], vector<16xf32>,
      %jit3A_519 = arith.constant 0.000000e+00 : f32
      %jit3A_520 = arith.constant 384 : i32
      %max3A_521 = vector.broadcast %jit3A_519 : f32 to vector<16xf32>
      %max3A_522 = arith.maximumf %max3A_521, %mul3A_498 : vector<16xf32>
      %convert_element_type3A_523 = arith.sitofp %jit3A_520 : i32 to f32
      %min3A_524 = vector.broadcast %convert_element_type3A_523 : f32 to vector<16xf32>
      %min3A_525 = arith.minimumf %min3A_524, %max3A_522 : vector<16xf32>
      %broadcast_in_dim3A_526 = arith.constant 1 : i32
      %broadcast_in_dim3A_527 = vector.broadcast %broadcast_in_dim3A_526 : i32 to vector<16xi32>
      tpu.vector_store_idx %arg20[%add3A_481, %broadcast_in_dim3A_527], %min3A_525 : memref<80x4xf32, #tpu.memory_space<vmem>>[vector<16xi32>, vector<16xi32>], vector<16xf32>,
      %broadcast_in_dim3A_528 = arith.constant 2 : i32
      %broadcast_in_dim3A_529 = vector.broadcast %broadcast_in_dim3A_528 : i32 to vector<16xi32>
      tpu.vector_store_idx %arg20[%add3A_481, %broadcast_in_dim3A_529], %mul3A_505 : memref<80x4xf32, #tpu.memory_space<vmem>>[vector<16xi32>, vector<16xi32>], vector<16xf32>,
      %broadcast_in_dim3A_530 = arith.constant 3 : i32
      %broadcast_in_dim3A_531 = vector.broadcast %broadcast_in_dim3A_530 : i32 to vector<16xi32>
      tpu.vector_store_idx %arg20[%add3A_481, %broadcast_in_dim3A_531], %mul3A_512 : memref<80x4xf32, #tpu.memory_space<vmem>>[vector<16xi32>, vector<16xi32>], vector<16xf32>,
      %get3A = arith.index_cast %add3A_477 : i32 to index
      %get3A_532 = tpu.vector_load %arg23[%get3A] {strides = array<i32>} : memref<640xi32, #tpu.memory_space<vmem>>, vector<16xi32>,
      %eq3A = arith.constant 0 : i32
      %eq3A_533 = vector.broadcast %eq3A : i32 to vector<16xi32>
      %eq3A_534 = arith.cmpi eq, %get3A_532, %eq3A_533 : vector<16xi32>
      %eq3A_535 = arith.constant 1 : i32
      %eq3A_536 = vector.broadcast %eq3A_535 : i32 to vector<16xi32>
      %eq3A_537 = arith.cmpi eq, %get3A_532, %eq3A_536 : vector<16xi32>
      %jit3A_538 = arith.constant 0.919867455 : f32
      %jit3A_539 = arith.constant 1.7865274 : f32
      %broadcast_in_dim3A_540 = vector.broadcast %jit3A_538 : f32 to vector<16xf32>
      %broadcast_in_dim3A_541 = vector.broadcast %jit3A_539 : f32 to vector<16xf32>
      %select_n3A = arith.select %eq3A_537, %broadcast_in_dim3A_540, %broadcast_in_dim3A_541 : vector<16xi1>, vector<16xf32>
      %jit3A_542 = arith.constant 4.83899879 : f32
      %broadcast_in_dim3A_543 = vector.broadcast %jit3A_542 : f32 to vector<16xf32>
      %select_n3A_544 = arith.select %eq3A_534, %broadcast_in_dim3A_543, %select_n3A : vector<16xi1>, vector<16xf32>
      %broadcast_in_dim3A_545 = arith.constant 0 : i32
      %broadcast_in_dim3A_546 = vector.broadcast %broadcast_in_dim3A_545 : i32 to vector<16xi32>
      %gather3A_547 = tpu.vector_load_idx %arg14[%add3A_481, %broadcast_in_dim3A_546] : memref<80x3xf32, #tpu.memory_space<vmem>>[vector<16xi32>, vector<16xi32>], vector<16xf32>,
      %exp3A = math.exp %gather3A_547 : vector<16xf32>
      %mul3A_548 = arith.mulf %exp3A, %select_n3A_544 : vector<16xf32>
      %broadcast_in_dim3A_549 = arith.constant 0 : i32
      %broadcast_in_dim3A_550 = vector.broadcast %broadcast_in_dim3A_549 : i32 to vector<16xi32>
      tpu.vector_store_idx %arg21[%add3A_481, %broadcast_in_dim3A_550], %mul3A_548 : memref<80x3xf32, #tpu.memory_space<vmem>>[vector<16xi32>, vector<16xi32>], vector<16xf32>,
      %jit3A_551 = arith.constant 1.75302339 : f32
      %jit3A_552 = arith.constant 1.76500988 : f32
      %broadcast_in_dim3A_553 = vector.broadcast %jit3A_551 : f32 to vector<16xf32>
      %broadcast_in_dim3A_554 = vector.broadcast %jit3A_552 : f32 to vector<16xf32>
      %select_n3A_555 = arith.select %eq3A_537, %broadcast_in_dim3A_553, %broadcast_in_dim3A_554 : vector<16xi1>, vector<16xf32>
      %jit3A_556 = arith.constant 1.80778956 : f32
      %broadcast_in_dim3A_557 = vector.broadcast %jit3A_556 : f32 to vector<16xf32>
      %select_n3A_558 = arith.select %eq3A_534, %broadcast_in_dim3A_557, %select_n3A_555 : vector<16xi1>, vector<16xf32>
      %broadcast_in_dim3A_559 = arith.constant 1 : i32
      %broadcast_in_dim3A_560 = vector.broadcast %broadcast_in_dim3A_559 : i32 to vector<16xi32>
      %gather3A_561 = tpu.vector_load_idx %arg14[%add3A_481, %broadcast_in_dim3A_560] : memref<80x3xf32, #tpu.memory_space<vmem>>[vector<16xi32>, vector<16xi32>], vector<16xf32>,
      %exp3A_562 = math.exp %gather3A_561 : vector<16xf32>
      %mul3A_563 = arith.mulf %exp3A_562, %select_n3A_558 : vector<16xf32>
      %broadcast_in_dim3A_564 = arith.constant 1 : i32
      %broadcast_in_dim3A_565 = vector.broadcast %broadcast_in_dim3A_564 : i32 to vector<16xi32>
      tpu.vector_store_idx %arg21[%add3A_481, %broadcast_in_dim3A_565], %mul3A_563 : memref<80x3xf32, #tpu.memory_space<vmem>>[vector<16xi32>, vector<16xi32>], vector<16xf32>,
      %jit3A_566 = arith.constant 0.862208068 : f32
      %jit3A_567 = arith.constant 0.833956241 : f32
      %broadcast_in_dim3A_568 = vector.broadcast %jit3A_566 : f32 to vector<16xf32>
      %broadcast_in_dim3A_569 = vector.broadcast %jit3A_567 : f32 to vector<16xf32>
      %select_n3A_570 = arith.select %eq3A_537, %broadcast_in_dim3A_568, %broadcast_in_dim3A_569 : vector<16xi1>, vector<16xf32>
      %jit3A_571 = arith.constant 2.11565804 : f32
      %broadcast_in_dim3A_572 = vector.broadcast %jit3A_571 : f32 to vector<16xf32>
      %select_n3A_573 = arith.select %eq3A_534, %broadcast_in_dim3A_572, %select_n3A_570 : vector<16xi1>, vector<16xf32>
      %broadcast_in_dim3A_574 = arith.constant 2 : i32
      %broadcast_in_dim3A_575 = vector.broadcast %broadcast_in_dim3A_574 : i32 to vector<16xi32>
      %gather3A_576 = tpu.vector_load_idx %arg14[%add3A_481, %broadcast_in_dim3A_575] : memref<80x3xf32, #tpu.memory_space<vmem>>[vector<16xi32>, vector<16xi32>], vector<16xf32>,
      %exp3A_577 = math.exp %gather3A_576 : vector<16xf32>
      %mul3A_578 = arith.mulf %exp3A_577, %select_n3A_573 : vector<16xf32>
      %broadcast_in_dim3A_579 = arith.constant 2 : i32
      %broadcast_in_dim3A_580 = vector.broadcast %broadcast_in_dim3A_579 : i32 to vector<16xi32>
      tpu.vector_store_idx %arg21[%add3A_481, %broadcast_in_dim3A_580], %mul3A_578 : memref<80x3xf32, #tpu.memory_space<vmem>>[vector<16xi32>, vector<16xi32>], vector<16xf32>,
      %get3A_581 = arith.index_cast %add3A_477 : i32 to index
      %get3A_582 = tpu.vector_load %arg22[%get3A_581] {strides = array<i32>} : memref<640xf32, #tpu.memory_space<vmem>>, vector<16xf32>,
      %neg3A = arith.constant 0.000000e+00 : f32
      %neg3A_583 = vector.broadcast %neg3A : f32 to vector<16xf32>
      %neg3A_584 = arith.subf %neg3A_583, %get3A_582 : vector<16xf32>
      %exp3A_585 = math.exp %neg3A_584 : vector<16xf32>
      %jit3A_586 = arith.constant 1.000000e-01 : f32
      %jit3A_587 = arith.constant 1.000000e+02 : f32
      %max3A_588 = vector.broadcast %jit3A_586 : f32 to vector<16xf32>
      %max3A_589 = arith.maximumf %max3A_588, %exp3A_585 : vector<16xf32>
      %min3A_590 = vector.broadcast %jit3A_587 : f32 to vector<16xf32>
      %min3A_591 = arith.minimumf %min3A_590, %max3A_589 : vector<16xf32>
      %swap3A = arith.index_cast %add3A_477 : i32 to index
      %swap3A_592 = tpu.vector_load %arg24[%swap3A] {strides = array<i32>} : memref<640xf32, #tpu.memory_space<vmem>>, vector<16xf32>,
      tpu.vector_store %arg24[%swap3A], %min3A_591 {strides = array<i32>} : memref<640xf32, #tpu.memory_space<vmem>>, vector<16xf32>,
      %broadcast_in_dim3A_593 = arith.constant 1 : i32
      %broadcast_in_dim3A_594 = vector.broadcast %broadcast_in_dim3A_593 : i32 to vector<16xi32>
      %gather3A_595 = tpu.vector_load_idx %arg15[%add3A_481, %broadcast_in_dim3A_594] : memref<80x16xf32, #tpu.memory_space<vmem>>[vector<16xi32>, vector<16xi32>], vector<16xf32>,
      %broadcast_in_dim3A_596 = arith.constant 0 : i32
      %broadcast_in_dim3A_597 = vector.broadcast %broadcast_in_dim3A_596 : i32 to vector<16xi32>
      %gather3A_598 = tpu.vector_load_idx %arg15[%add3A_481, %broadcast_in_dim3A_597] : memref<80x16xf32, #tpu.memory_space<vmem>>[vector<16xi32>, vector<16xi32>], vector<16xf32>,
      %sub3A_599 = arith.subf %gather3A_595, %gather3A_598 : vector<16xf32>
      %broadcast_in_dim3A_600 = arith.constant 0 : i32
      %broadcast_in_dim3A_601 = vector.broadcast %broadcast_in_dim3A_600 : i32 to vector<16xi32>
      %broadcast_in_dim3A_602 = arith.constant 3 : i32
      %broadcast_in_dim3A_603 = vector.broadcast %broadcast_in_dim3A_602 : i32 to vector<16xi32>
      %gather3A_604 = tpu.vector_load_idx %arg15[%add3A_481, %broadcast_in_dim3A_603] : memref<80x16xf32, #tpu.memory_space<vmem>>[vector<16xi32>, vector<16xi32>], vector<16xf32>,
      %broadcast_in_dim3A_605 = arith.constant 2 : i32
      %broadcast_in_dim3A_606 = vector.broadcast %broadcast_in_dim3A_605 : i32 to vector<16xi32>
      %gather3A_607 = tpu.vector_load_idx %arg15[%add3A_481, %broadcast_in_dim3A_606] : memref<80x16xf32, #tpu.memory_space<vmem>>[vector<16xi32>, vector<16xi32>], vector<16xf32>,
      %sub3A_608 = arith.subf %gather3A_604, %gather3A_607 : vector<16xf32>
      %gt3A = arith.cmpf ogt, %sub3A_608, %sub3A_599 : vector<16xf32>
      %select_n3A_609 = arith.select %gt3A, %sub3A_608, %sub3A_599 : vector<16xi1>, vector<16xf32>
      %jit3A_610 = arith.constant 1 : i32
      %broadcast_in_dim3A_611 = vector.broadcast %jit3A_610 : i32 to vector<16xi32>
      %select_n3A_612 = arith.select %gt3A, %broadcast_in_dim3A_611, %broadcast_in_dim3A_601 : vector<16xi1>, vector<16xi32>
      %broadcast_in_dim3A_613 = arith.constant 5 : i32
      %broadcast_in_dim3A_614 = vector.broadcast %broadcast_in_dim3A_613 : i32 to vector<16xi32>
      %gather3A_615 = tpu.vector_load_idx %arg15[%add3A_481, %broadcast_in_dim3A_614] : memref<80x16xf32, #tpu.memory_space<vmem>>[vector<16xi32>, vector<16xi32>], vector<16xf32>,
      %broadcast_in_dim3A_616 = arith.constant 4 : i32
      %broadcast_in_dim3A_617 = vector.broadcast %broadcast_in_dim3A_616 : i32 to vector<16xi32>
      %gather3A_618 = tpu.vector_load_idx %arg15[%add3A_481, %broadcast_in_dim3A_617] : memref<80x16xf32, #tpu.memory_space<vmem>>[vector<16xi32>, vector<16xi32>], vector<16xf32>,
      %sub3A_619 = arith.subf %gather3A_615, %gather3A_618 : vector<16xf32>
      %gt3A_620 = arith.cmpf ogt, %sub3A_619, %select_n3A_609 : vector<16xf32>
      %select_n3A_621 = arith.select %gt3A_620, %sub3A_619, %select_n3A_609 : vector<16xi1>, vector<16xf32>
      %jit3A_622 = arith.constant 2 : i32
      %broadcast_in_dim3A_623 = vector.broadcast %jit3A_622 : i32 to vector<16xi32>
      %select_n3A_624 = arith.select %gt3A_620, %broadcast_in_dim3A_623, %select_n3A_612 : vector<16xi1>, vector<16xi32>
      %broadcast_in_dim3A_625 = arith.constant 7 : i32
      %broadcast_in_dim3A_626 = vector.broadcast %broadcast_in_dim3A_625 : i32 to vector<16xi32>
      %gather3A_627 = tpu.vector_load_idx %arg15[%add3A_481, %broadcast_in_dim3A_626] : memref<80x16xf32, #tpu.memory_space<vmem>>[vector<16xi32>, vector<16xi32>], vector<16xf32>,
      %broadcast_in_dim3A_628 = arith.constant 6 : i32
      %broadcast_in_dim3A_629 = vector.broadcast %broadcast_in_dim3A_628 : i32 to vector<16xi32>
      %gather3A_630 = tpu.vector_load_idx %arg15[%add3A_481, %broadcast_in_dim3A_629] : memref<80x16xf32, #tpu.memory_space<vmem>>[vector<16xi32>, vector<16xi32>], vector<16xf32>,
      %sub3A_631 = arith.subf %gather3A_627, %gather3A_630 : vector<16xf32>
      %gt3A_632 = arith.cmpf ogt, %sub3A_631, %select_n3A_621 : vector<16xf32>
      %select_n3A_633 = arith.select %gt3A_632, %sub3A_631, %select_n3A_621 : vector<16xi1>, vector<16xf32>
      %jit3A_634 = arith.constant 3 : i32
      %broadcast_in_dim3A_635 = vector.broadcast %jit3A_634 : i32 to vector<16xi32>
      %select_n3A_636 = arith.select %gt3A_632, %broadcast_in_dim3A_635, %select_n3A_624 : vector<16xi1>, vector<16xi32>
      %mul3A_637 = arith.constant 2 : i32
      %mul3A_638 = vector.broadcast %mul3A_637 : i32 to vector<16xi32>
      %mul3A_639 = arith.muli %mul3A_638, %select_n3A_636 : vector<16xi32>
      %add3A_640 = arith.constant 8 : i32
      %add3A_641 = vector.broadcast %add3A_640 : i32 to vector<16xi32>
      %add3A_642 = arith.addi %add3A_641, %mul3A_639 : vector<16xi32>
      %gather3A_643 = tpu.vector_load_idx %arg15[%add3A_481, %add3A_642] : memref<80x16xf32, #tpu.memory_space<vmem>>[vector<16xi32>, vector<16xi32>], vector<16xf32>,
      %add3A_644 = arith.constant 1 : i32
      %add3A_645 = vector.broadcast %add3A_644 : i32 to vector<16xi32>
      %add3A_646 = arith.addi %add3A_642, %add3A_645 : vector<16xi32>
      %gather3A_647 = tpu.vector_load_idx %arg15[%add3A_481, %add3A_646] : memref<80x16xf32, #tpu.memory_space<vmem>>[vector<16xi32>, vector<16xi32>], vector<16xf32>,
      %div3A = arith.divf %gather3A_643, %gather3A_647 : vector<16xf32>
      %abs3A = math.absf %div3A : vector<16xf32>
      %gt3A_648 = arith.constant 1.000000e+00 : f32
      %gt3A_649 = vector.broadcast %gt3A_648 : f32 to vector<16xf32>
      %gt3A_650 = arith.cmpf ogt, %abs3A, %gt3A_649 : vector<16xf32>
      %div3A_651 = arith.constant 1.000000e+00 : f32
      %div3A_652 = vector.broadcast %div3A_651 : f32 to vector<16xf32>
      %div3A_653 = arith.divf %div3A_652, %abs3A : vector<16xf32>
      %select_n3A_654 = arith.select %gt3A_650, %div3A_653, %abs3A : vector<16xi1>, vector<16xf32>
      %mul3A_655 = arith.mulf %select_n3A_654, %select_n3A_654 : vector<16xf32>
      %broadcast_in_dim3A_656 = arith.constant 2.083510e-02 : f32
      %broadcast_in_dim3A_657 = vector.broadcast %broadcast_in_dim3A_656 : f32 to vector<16xf32>
      %mul3A_658 = arith.mulf %broadcast_in_dim3A_657, %mul3A_655 : vector<16xf32>
      %add3A_659 = arith.constant -8.513300e-02 : f32
      %add3A_660 = vector.broadcast %add3A_659 : f32 to vector<16xf32>
      %add3A_661 = arith.addf %mul3A_658, %add3A_660 : vector<16xf32>
      %mul3A_662 = arith.mulf %add3A_661, %mul3A_655 : vector<16xf32>
      %add3A_663 = arith.constant 1.801410e-01 : f32
      %add3A_664 = vector.broadcast %add3A_663 : f32 to vector<16xf32>
      %add3A_665 = arith.addf %mul3A_662, %add3A_664 : vector<16xf32>
      %mul3A_666 = arith.mulf %add3A_665, %mul3A_655 : vector<16xf32>
      %add3A_667 = arith.constant -0.330299497 : f32
      %add3A_668 = vector.broadcast %add3A_667 : f32 to vector<16xf32>
      %add3A_669 = arith.addf %mul3A_666, %add3A_668 : vector<16xf32>
      %mul3A_670 = arith.mulf %add3A_669, %mul3A_655 : vector<16xf32>
      %add3A_671 = arith.constant 9.998660e-01 : f32
      %add3A_672 = vector.broadcast %add3A_671 : f32 to vector<16xf32>
      %add3A_673 = arith.addf %mul3A_670, %add3A_672 : vector<16xf32>
      %mul3A_674 = arith.mulf %add3A_673, %select_n3A_654 : vector<16xf32>
      %sub3A_675 = arith.constant 1.57079637 : f32
      %sub3A_676 = vector.broadcast %sub3A_675 : f32 to vector<16xf32>
      %sub3A_677 = arith.subf %sub3A_676, %mul3A_674 : vector<16xf32>
      %select_n3A_678 = arith.select %gt3A_650, %sub3A_677, %mul3A_674 : vector<16xi1>, vector<16xf32>
      %lt3A = arith.constant 0.000000e+00 : f32
      %lt3A_679 = vector.broadcast %lt3A : f32 to vector<16xf32>
      %lt3A_680 = arith.cmpf olt, %div3A, %lt3A_679 : vector<16xf32>
      %neg3A_681 = arith.constant 0.000000e+00 : f32
      %neg3A_682 = vector.broadcast %neg3A_681 : f32 to vector<16xf32>
      %neg3A_683 = arith.subf %neg3A_682, %select_n3A_678 : vector<16xf32>
      %select_n3A_684 = arith.select %lt3A_680, %neg3A_683, %select_n3A_678 : vector<16xi1>, vector<16xf32>
      %eq3A_685 = arith.constant 3 : i32
      %eq3A_686 = vector.broadcast %eq3A_685 : i32 to vector<16xi32>
      %eq3A_687 = arith.cmpi eq, %select_n3A_636, %eq3A_686 : vector<16xi32>
      %convert_element_type3A_688 = arith.sitofp %select_n3A_636 : vector<16xi32> to vector<16xf32>
      %mul3A_689 = arith.constant 1.57079637 : f32
      %mul3A_690 = vector.broadcast %mul3A_689 : f32 to vector<16xf32>
      %mul3A_691 = arith.mulf %convert_element_type3A_688, %mul3A_690 : vector<16xf32>
      %jit3A_692 = arith.constant -1.57079637 : f32
      %broadcast_in_dim3A_693 = vector.broadcast %jit3A_692 : f32 to vector<16xf32>
      %select_n3A_694 = arith.select %eq3A_687, %broadcast_in_dim3A_693, %mul3A_691 : vector<16xi1>, vector<16xf32>
      %add3A_695 = arith.addf %select_n3A_684, %select_n3A_694 : vector<16xf32>
      %gt3A_696 = arith.constant 3.14159274 : f32
      %gt3A_697 = vector.broadcast %gt3A_696 : f32 to vector<16xf32>
      %gt3A_698 = arith.cmpf ogt, %add3A_695, %gt3A_697 : vector<16xf32>
      %sub3A_699 = arith.constant 6.28318548 : f32
      %sub3A_700 = vector.broadcast %sub3A_699 : f32 to vector<16xf32>
      %sub3A_701 = arith.subf %add3A_695, %sub3A_700 : vector<16xf32>
      %select_n3A_702 = arith.select %gt3A_698, %sub3A_701, %add3A_695 : vector<16xi1>, vector<16xf32>
      %lt3A_703 = arith.constant -3.14159274 : f32
      %lt3A_704 = vector.broadcast %lt3A_703 : f32 to vector<16xf32>
      %lt3A_705 = arith.cmpf olt, %select_n3A_702, %lt3A_704 : vector<16xf32>
      %add3A_706 = arith.constant 6.28318548 : f32
      %add3A_707 = vector.broadcast %add3A_706 : f32 to vector<16xf32>
      %add3A_708 = arith.addf %select_n3A_702, %add3A_707 : vector<16xf32>
      %select_n3A_709 = arith.select %lt3A_705, %add3A_708, %select_n3A_702 : vector<16xi1>, vector<16xf32>
      %swap3A_710 = arith.index_cast %add3A_477 : i32 to index
      %swap3A_711 = tpu.vector_load %arg25[%swap3A_710] {strides = array<i32>} : memref<640xf32, #tpu.memory_space<vmem>>, vector<16xf32>,
      tpu.vector_store %arg25[%swap3A_710], %select_n3A_709 {strides = array<i32>} : memref<640xf32, #tpu.memory_space<vmem>>, vector<16xf32>,
    }
    %scan3A_66 = arith.constant 5 : i32
    %add3A_67 = arith.constant 0 : i32
    %add3A_68 = arith.addi %min3A_3, %add3A_67 : i32
    %dma_start3A_69 = arith.constant 0 : i32
    %dma_start3A_70 = tpu.memref_slice %arg8[%add3A_68, %dma_start3A_69] : memref<20000x4xf32, #tpu.memory_space<hbm>> -> memref<80x4xf32, #tpu.memory_space<hbm>>
    %dma_start3A_71 = arith.constant 0 : i32
    %dma_start3A_72 = tpu.memref_slice %arg8[%add3A_68, %dma_start3A_71] : memref<20000x4xf32, #tpu.memory_space<hbm>> -> memref<80x4xf32, #tpu.memory_space<hbm>>
    tpu.enqueue_dma source(%arg20 : memref<80x4xf32, #tpu.memory_space<vmem>>) target(%dma_start3A_72 : memref<80x4xf32, #tpu.memory_space<hbm>>) target_semaphore(%arg27 : memref<!tpu.dma_semaphore, #tpu.memory_space<semaphore_mem>>)
    %dma_start3A_73 = arith.constant 0 : i32
    %dma_start3A_74 = tpu.memref_slice %arg9[%add3A_68, %dma_start3A_73] : memref<20000x3xf32, #tpu.memory_space<hbm>> -> memref<80x3xf32, #tpu.memory_space<hbm>>
    %dma_start3A_75 = arith.constant 0 : i32
    %dma_start3A_76 = tpu.memref_slice %arg9[%add3A_68, %dma_start3A_75] : memref<20000x3xf32, #tpu.memory_space<hbm>> -> memref<80x3xf32, #tpu.memory_space<hbm>>
    tpu.enqueue_dma source(%arg21 : memref<80x3xf32, #tpu.memory_space<vmem>>) target(%dma_start3A_76 : memref<80x3xf32, #tpu.memory_space<hbm>>) target_semaphore(%arg27 : memref<!tpu.dma_semaphore, #tpu.memory_space<semaphore_mem>>)
    %add3A_77 = arith.constant 160 : i32
    %add3A_78 = arith.addi %min3A_3, %add3A_77 : i32
    %dma_start3A_79 = arith.constant 0 : i32
    %dma_start3A_80 = tpu.memref_slice %arg2[%add3A_78, %dma_start3A_79] : memref<20000x2xf32, #tpu.memory_space<hbm>> -> memref<80x2xf32, #tpu.memory_space<hbm>>
    %dma_start3A_81 = arith.constant 0 : i32
    %dma_start3A_82 = tpu.memref_slice %arg2[%add3A_78, %dma_start3A_81] : memref<20000x2xf32, #tpu.memory_space<hbm>> -> memref<80x2xf32, #tpu.memory_space<hbm>>
    tpu.enqueue_dma source(%dma_start3A_82 : memref<80x2xf32, #tpu.memory_space<hbm>>) target(%arg12 : memref<80x2xf32, #tpu.memory_space<vmem>>) target_semaphore(%arg26 : memref<!tpu.dma_semaphore, #tpu.memory_space<semaphore_mem>>)
    %dma_start3A_83 = arith.constant 0 : i32
    %dma_start3A_84 = tpu.memref_slice %arg3[%add3A_78, %dma_start3A_83] : memref<20000x4xf32, #tpu.memory_space<hbm>> -> memref<80x4xf32, #tpu.memory_space<hbm>>
    %dma_start3A_85 = arith.constant 0 : i32
    %dma_start3A_86 = tpu.memref_slice %arg3[%add3A_78, %dma_start3A_85] : memref<20000x4xf32, #tpu.memory_space<hbm>> -> memref<80x4xf32, #tpu.memory_space<hbm>>
    tpu.enqueue_dma source(%dma_start3A_86 : memref<80x4xf32, #tpu.memory_space<hbm>>) target(%arg13 : memref<80x4xf32, #tpu.memory_space<vmem>>) target_semaphore(%arg26 : memref<!tpu.dma_semaphore, #tpu.memory_space<semaphore_mem>>)
    %dma_start3A_87 = arith.constant 0 : i32
    %dma_start3A_88 = tpu.memref_slice %arg4[%add3A_78, %dma_start3A_87] : memref<20000x3xf32, #tpu.memory_space<hbm>> -> memref<80x3xf32, #tpu.memory_space<hbm>>
    %dma_start3A_89 = arith.constant 0 : i32
    %dma_start3A_90 = tpu.memref_slice %arg4[%add3A_78, %dma_start3A_89] : memref<20000x3xf32, #tpu.memory_space<hbm>> -> memref<80x3xf32, #tpu.memory_space<hbm>>
    tpu.enqueue_dma source(%dma_start3A_90 : memref<80x3xf32, #tpu.memory_space<hbm>>) target(%arg14 : memref<80x3xf32, #tpu.memory_space<vmem>>) target_semaphore(%arg26 : memref<!tpu.dma_semaphore, #tpu.memory_space<semaphore_mem>>)
    %dma_start3A_91 = arith.constant 0 : i32
    %dma_start3A_92 = tpu.memref_slice %arg6[%add3A_78, %dma_start3A_91] : memref<20000x16xf32, #tpu.memory_space<hbm>> -> memref<80x16xf32, #tpu.memory_space<hbm>>
    %dma_start3A_93 = arith.constant 0 : i32
    %dma_start3A_94 = tpu.memref_slice %arg6[%add3A_78, %dma_start3A_93] : memref<20000x16xf32, #tpu.memory_space<hbm>> -> memref<80x16xf32, #tpu.memory_space<hbm>>
    tpu.enqueue_dma source(%dma_start3A_94 : memref<80x16xf32, #tpu.memory_space<hbm>>) target(%arg15 : memref<80x16xf32, #tpu.memory_space<vmem>>) target_semaphore(%arg26 : memref<!tpu.dma_semaphore, #tpu.memory_space<semaphore_mem>>)
    %dma_wait3A_95 = arith.constant 0 : i32
    %dma_wait3A_96 = tpu.memref_slice %arg2[%add3A_26, %dma_wait3A_95] : memref<20000x2xf32, #tpu.memory_space<hbm>> -> memref<80x2xf32, #tpu.memory_space<hbm>>
    %dma_wait3A_97 = arith.constant 0 : i32
    %dma_wait3A_98 = tpu.memref_slice %arg2[%add3A_26, %dma_wait3A_97] : memref<20000x2xf32, #tpu.memory_space<hbm>> -> memref<80x2xf32, #tpu.memory_space<hbm>>
    tpu.wait_dma2 semaphore(%arg26 : memref<!tpu.dma_semaphore, #tpu.memory_space<semaphore_mem>>) src(%dma_wait3A_98 : memref<80x2xf32, #tpu.memory_space<hbm>>) dst(%arg16 : memref<80x2xf32, #tpu.memory_space<vmem>>)
    %dma_wait3A_99 = arith.constant 0 : i32
    %dma_wait3A_100 = tpu.memref_slice %arg3[%add3A_26, %dma_wait3A_99] : memref<20000x4xf32, #tpu.memory_space<hbm>> -> memref<80x4xf32, #tpu.memory_space<hbm>>
    %dma_wait3A_101 = arith.constant 0 : i32
    %dma_wait3A_102 = tpu.memref_slice %arg3[%add3A_26, %dma_wait3A_101] : memref<20000x4xf32, #tpu.memory_space<hbm>> -> memref<80x4xf32, #tpu.memory_space<hbm>>
    tpu.wait_dma2 semaphore(%arg26 : memref<!tpu.dma_semaphore, #tpu.memory_space<semaphore_mem>>) src(%dma_wait3A_102 : memref<80x4xf32, #tpu.memory_space<hbm>>) dst(%arg17 : memref<80x4xf32, #tpu.memory_space<vmem>>)
    %dma_wait3A_103 = arith.constant 0 : i32
    %dma_wait3A_104 = tpu.memref_slice %arg4[%add3A_26, %dma_wait3A_103] : memref<20000x3xf32, #tpu.memory_space<hbm>> -> memref<80x3xf32, #tpu.memory_space<hbm>>
    %dma_wait3A_105 = arith.constant 0 : i32
    %dma_wait3A_106 = tpu.memref_slice %arg4[%add3A_26, %dma_wait3A_105] : memref<20000x3xf32, #tpu.memory_space<hbm>> -> memref<80x3xf32, #tpu.memory_space<hbm>>
    tpu.wait_dma2 semaphore(%arg26 : memref<!tpu.dma_semaphore, #tpu.memory_space<semaphore_mem>>) src(%dma_wait3A_106 : memref<80x3xf32, #tpu.memory_space<hbm>>) dst(%arg18 : memref<80x3xf32, #tpu.memory_space<vmem>>)
    %dma_wait3A_107 = arith.constant 0 : i32
    %dma_wait3A_108 = tpu.memref_slice %arg6[%add3A_26, %dma_wait3A_107] : memref<20000x16xf32, #tpu.memory_space<hbm>> -> memref<80x16xf32, #tpu.memory_space<hbm>>
    %dma_wait3A_109 = arith.constant 0 : i32
    %dma_wait3A_110 = tpu.memref_slice %arg6[%add3A_26, %dma_wait3A_109] : memref<20000x16xf32, #tpu.memory_space<hbm>> -> memref<80x16xf32, #tpu.memory_space<hbm>>
    tpu.wait_dma2 semaphore(%arg26 : memref<!tpu.dma_semaphore, #tpu.memory_space<semaphore_mem>>) src(%dma_wait3A_110 : memref<80x16xf32, #tpu.memory_space<hbm>>) dst(%arg19 : memref<80x16xf32, #tpu.memory_space<vmem>>)
    %dma_wait3A_111 = arith.constant 0 : i32
    %dma_wait3A_112 = tpu.memref_slice %arg8[%add3A_68, %dma_wait3A_111] : memref<20000x4xf32, #tpu.memory_space<hbm>> -> memref<80x4xf32, #tpu.memory_space<hbm>>
    %dma_wait3A_113 = arith.constant 0 : i32
    %dma_wait3A_114 = tpu.memref_slice %arg8[%add3A_68, %dma_wait3A_113] : memref<20000x4xf32, #tpu.memory_space<hbm>> -> memref<80x4xf32, #tpu.memory_space<hbm>>
    tpu.wait_dma2 semaphore(%arg27 : memref<!tpu.dma_semaphore, #tpu.memory_space<semaphore_mem>>) src(%arg20 : memref<80x4xf32, #tpu.memory_space<vmem>>) dst(%dma_wait3A_114 : memref<80x4xf32, #tpu.memory_space<hbm>>)
    %dma_wait3A_115 = arith.constant 0 : i32
    %dma_wait3A_116 = tpu.memref_slice %arg9[%add3A_68, %dma_wait3A_115] : memref<20000x3xf32, #tpu.memory_space<hbm>> -> memref<80x3xf32, #tpu.memory_space<hbm>>
    %dma_wait3A_117 = arith.constant 0 : i32
    %dma_wait3A_118 = tpu.memref_slice %arg9[%add3A_68, %dma_wait3A_117] : memref<20000x3xf32, #tpu.memory_space<hbm>> -> memref<80x3xf32, #tpu.memory_space<hbm>>
    tpu.wait_dma2 semaphore(%arg27 : memref<!tpu.dma_semaphore, #tpu.memory_space<semaphore_mem>>) src(%arg21 : memref<80x3xf32, #tpu.memory_space<vmem>>) dst(%dma_wait3A_118 : memref<80x3xf32, #tpu.memory_space<hbm>>)
    %scan3A_119 = arith.constant 0 : i32
    %scan3A_120 = arith.constant 0 : i32
    %scan3A_121 = arith.constant 5 : i32
    %scan3A_122 = arith.addi %scan3A_120, %scan3A_121 : i32
    %scan3A_123 = arith.constant 1 : i32
    scf.for %scan3A_473 = %scan3A_120 to %scan3A_122 step %scan3A_123  : i32 {
      %mul3A_474 = arith.constant 16 : i32
      %mul3A_475 = arith.muli %scan3A_473, %mul3A_474 : i32
      %add3A_476 = arith.constant 80 : i32
      %add3A_477 = arith.addi %add3A_476, %mul3A_475 : i32
      %mul3A_478 = arith.constant 16 : i32
      %mul3A_479 = arith.muli %scan3A_473, %mul3A_478 : i32
      %add3A_480 = vector.broadcast %mul3A_479 : i32 to vector<16xi32>
      %add3A_481 = arith.addi %add3A_480, %iota3A : vector<16xi32>
      %broadcast_in_dim3A = arith.constant 0 : i32
      %broadcast_in_dim3A_482 = vector.broadcast %broadcast_in_dim3A : i32 to vector<16xi32>
      %gather3A = tpu.vector_load_idx %arg16[%add3A_481, %broadcast_in_dim3A_482] : memref<80x2xf32, #tpu.memory_space<vmem>>[vector<16xi32>, vector<16xi32>], vector<16xf32>,
      %broadcast_in_dim3A_483 = arith.constant 1 : i32
      %broadcast_in_dim3A_484 = vector.broadcast %broadcast_in_dim3A_483 : i32 to vector<16xi32>
      %gather3A_485 = tpu.vector_load_idx %arg16[%add3A_481, %broadcast_in_dim3A_484] : memref<80x2xf32, #tpu.memory_space<vmem>>[vector<16xi32>, vector<16xi32>], vector<16xf32>,
      %broadcast_in_dim3A_486 = arith.constant 0 : i32
      %broadcast_in_dim3A_487 = vector.broadcast %broadcast_in_dim3A_486 : i32 to vector<16xi32>
      %gather3A_488 = tpu.vector_load_idx %arg17[%add3A_481, %broadcast_in_dim3A_487] : memref<80x4xf32, #tpu.memory_space<vmem>>[vector<16xi32>, vector<16xi32>], vector<16xf32>,
      %sub3A = arith.subf %gather3A, %gather3A_488 : vector<16xf32>
      %mul3A_489 = arith.constant 4.000000e+00 : f32
      %mul3A_490 = vector.broadcast %mul3A_489 : f32 to vector<16xf32>
      %mul3A_491 = arith.mulf %sub3A, %mul3A_490 : vector<16xf32>
      %broadcast_in_dim3A_492 = arith.constant 1 : i32
      %broadcast_in_dim3A_493 = vector.broadcast %broadcast_in_dim3A_492 : i32 to vector<16xi32>
      %gather3A_494 = tpu.vector_load_idx %arg17[%add3A_481, %broadcast_in_dim3A_493] : memref<80x4xf32, #tpu.memory_space<vmem>>[vector<16xi32>, vector<16xi32>], vector<16xf32>,
      %sub3A_495 = arith.subf %gather3A_485, %gather3A_494 : vector<16xf32>
      %mul3A_496 = arith.constant 4.000000e+00 : f32
      %mul3A_497 = vector.broadcast %mul3A_496 : f32 to vector<16xf32>
      %mul3A_498 = arith.mulf %sub3A_495, %mul3A_497 : vector<16xf32>
      %broadcast_in_dim3A_499 = arith.constant 2 : i32
      %broadcast_in_dim3A_500 = vector.broadcast %broadcast_in_dim3A_499 : i32 to vector<16xi32>
      %gather3A_501 = tpu.vector_load_idx %arg17[%add3A_481, %broadcast_in_dim3A_500] : memref<80x4xf32, #tpu.memory_space<vmem>>[vector<16xi32>, vector<16xi32>], vector<16xf32>,
      %add3A_502 = arith.addf %gather3A, %gather3A_501 : vector<16xf32>
      %mul3A_503 = arith.constant 4.000000e+00 : f32
      %mul3A_504 = vector.broadcast %mul3A_503 : f32 to vector<16xf32>
      %mul3A_505 = arith.mulf %add3A_502, %mul3A_504 : vector<16xf32>
      %broadcast_in_dim3A_506 = arith.constant 3 : i32
      %broadcast_in_dim3A_507 = vector.broadcast %broadcast_in_dim3A_506 : i32 to vector<16xi32>
      %gather3A_508 = tpu.vector_load_idx %arg17[%add3A_481, %broadcast_in_dim3A_507] : memref<80x4xf32, #tpu.memory_space<vmem>>[vector<16xi32>, vector<16xi32>], vector<16xf32>,
      %add3A_509 = arith.addf %gather3A_485, %gather3A_508 : vector<16xf32>
      %mul3A_510 = arith.constant 4.000000e+00 : f32
      %mul3A_511 = vector.broadcast %mul3A_510 : f32 to vector<16xf32>
      %mul3A_512 = arith.mulf %add3A_509, %mul3A_511 : vector<16xf32>
      %jit3A = arith.constant 0.000000e+00 : f32
      %jit3A_513 = arith.constant 1280 : i32
      %max3A = vector.broadcast %jit3A : f32 to vector<16xf32>
      %max3A_514 = arith.maximumf %max3A, %mul3A_491 : vector<16xf32>
      %convert_element_type3A = arith.sitofp %jit3A_513 : i32 to f32
      %min3A_515 = vector.broadcast %convert_element_type3A : f32 to vector<16xf32>
      %min3A_516 = arith.minimumf %min3A_515, %max3A_514 : vector<16xf32>
      %broadcast_in_dim3A_517 = arith.constant 0 : i32
      %broadcast_in_dim3A_518 = vector.broadcast %broadcast_in_dim3A_517 : i32 to vector<16xi32>
      tpu.vector_store_idx %arg20[%add3A_481, %broadcast_in_dim3A_518], %min3A_516 : memref<80x4xf32, #tpu.memory_space<vmem>>[vector<16xi32>, vector<16xi32>], vector<16xf32>,
      %jit3A_519 = arith.constant 0.000000e+00 : f32
      %jit3A_520 = arith.constant 384 : i32
      %max3A_521 = vector.broadcast %jit3A_519 : f32 to vector<16xf32>
      %max3A_522 = arith.maximumf %max3A_521, %mul3A_498 : vector<16xf32>
      %convert_element_type3A_523 = arith.sitofp %jit3A_520 : i32 to f32
      %min3A_524 = vector.broadcast %convert_element_type3A_523 : f32 to vector<16xf32>
      %min3A_525 = arith.minimumf %min3A_524, %max3A_522 : vector<16xf32>
      %broadcast_in_dim3A_526 = arith.constant 1 : i32
      %broadcast_in_dim3A_527 = vector.broadcast %broadcast_in_dim3A_526 : i32 to vector<16xi32>
      tpu.vector_store_idx %arg20[%add3A_481, %broadcast_in_dim3A_527], %min3A_525 : memref<80x4xf32, #tpu.memory_space<vmem>>[vector<16xi32>, vector<16xi32>], vector<16xf32>,
      %broadcast_in_dim3A_528 = arith.constant 2 : i32
      %broadcast_in_dim3A_529 = vector.broadcast %broadcast_in_dim3A_528 : i32 to vector<16xi32>
      tpu.vector_store_idx %arg20[%add3A_481, %broadcast_in_dim3A_529], %mul3A_505 : memref<80x4xf32, #tpu.memory_space<vmem>>[vector<16xi32>, vector<16xi32>], vector<16xf32>,
      %broadcast_in_dim3A_530 = arith.constant 3 : i32
      %broadcast_in_dim3A_531 = vector.broadcast %broadcast_in_dim3A_530 : i32 to vector<16xi32>
      tpu.vector_store_idx %arg20[%add3A_481, %broadcast_in_dim3A_531], %mul3A_512 : memref<80x4xf32, #tpu.memory_space<vmem>>[vector<16xi32>, vector<16xi32>], vector<16xf32>,
      %get3A = arith.index_cast %add3A_477 : i32 to index
      %get3A_532 = tpu.vector_load %arg23[%get3A] {strides = array<i32>} : memref<640xi32, #tpu.memory_space<vmem>>, vector<16xi32>,
      %eq3A = arith.constant 0 : i32
      %eq3A_533 = vector.broadcast %eq3A : i32 to vector<16xi32>
      %eq3A_534 = arith.cmpi eq, %get3A_532, %eq3A_533 : vector<16xi32>
      %eq3A_535 = arith.constant 1 : i32
      %eq3A_536 = vector.broadcast %eq3A_535 : i32 to vector<16xi32>
      %eq3A_537 = arith.cmpi eq, %get3A_532, %eq3A_536 : vector<16xi32>
      %jit3A_538 = arith.constant 0.919867455 : f32
      %jit3A_539 = arith.constant 1.7865274 : f32
      %broadcast_in_dim3A_540 = vector.broadcast %jit3A_538 : f32 to vector<16xf32>
      %broadcast_in_dim3A_541 = vector.broadcast %jit3A_539 : f32 to vector<16xf32>
      %select_n3A = arith.select %eq3A_537, %broadcast_in_dim3A_540, %broadcast_in_dim3A_541 : vector<16xi1>, vector<16xf32>
      %jit3A_542 = arith.constant 4.83899879 : f32
      %broadcast_in_dim3A_543 = vector.broadcast %jit3A_542 : f32 to vector<16xf32>
      %select_n3A_544 = arith.select %eq3A_534, %broadcast_in_dim3A_543, %select_n3A : vector<16xi1>, vector<16xf32>
      %broadcast_in_dim3A_545 = arith.constant 0 : i32
      %broadcast_in_dim3A_546 = vector.broadcast %broadcast_in_dim3A_545 : i32 to vector<16xi32>
      %gather3A_547 = tpu.vector_load_idx %arg18[%add3A_481, %broadcast_in_dim3A_546] : memref<80x3xf32, #tpu.memory_space<vmem>>[vector<16xi32>, vector<16xi32>], vector<16xf32>,
      %exp3A = math.exp %gather3A_547 : vector<16xf32>
      %mul3A_548 = arith.mulf %exp3A, %select_n3A_544 : vector<16xf32>
      %broadcast_in_dim3A_549 = arith.constant 0 : i32
      %broadcast_in_dim3A_550 = vector.broadcast %broadcast_in_dim3A_549 : i32 to vector<16xi32>
      tpu.vector_store_idx %arg21[%add3A_481, %broadcast_in_dim3A_550], %mul3A_548 : memref<80x3xf32, #tpu.memory_space<vmem>>[vector<16xi32>, vector<16xi32>], vector<16xf32>,
      %jit3A_551 = arith.constant 1.75302339 : f32
      %jit3A_552 = arith.constant 1.76500988 : f32
      %broadcast_in_dim3A_553 = vector.broadcast %jit3A_551 : f32 to vector<16xf32>
      %broadcast_in_dim3A_554 = vector.broadcast %jit3A_552 : f32 to vector<16xf32>
      %select_n3A_555 = arith.select %eq3A_537, %broadcast_in_dim3A_553, %broadcast_in_dim3A_554 : vector<16xi1>, vector<16xf32>
      %jit3A_556 = arith.constant 1.80778956 : f32
      %broadcast_in_dim3A_557 = vector.broadcast %jit3A_556 : f32 to vector<16xf32>
      %select_n3A_558 = arith.select %eq3A_534, %broadcast_in_dim3A_557, %select_n3A_555 : vector<16xi1>, vector<16xf32>
      %broadcast_in_dim3A_559 = arith.constant 1 : i32
      %broadcast_in_dim3A_560 = vector.broadcast %broadcast_in_dim3A_559 : i32 to vector<16xi32>
      %gather3A_561 = tpu.vector_load_idx %arg18[%add3A_481, %broadcast_in_dim3A_560] : memref<80x3xf32, #tpu.memory_space<vmem>>[vector<16xi32>, vector<16xi32>], vector<16xf32>,
      %exp3A_562 = math.exp %gather3A_561 : vector<16xf32>
      %mul3A_563 = arith.mulf %exp3A_562, %select_n3A_558 : vector<16xf32>
      %broadcast_in_dim3A_564 = arith.constant 1 : i32
      %broadcast_in_dim3A_565 = vector.broadcast %broadcast_in_dim3A_564 : i32 to vector<16xi32>
      tpu.vector_store_idx %arg21[%add3A_481, %broadcast_in_dim3A_565], %mul3A_563 : memref<80x3xf32, #tpu.memory_space<vmem>>[vector<16xi32>, vector<16xi32>], vector<16xf32>,
      %jit3A_566 = arith.constant 0.862208068 : f32
      %jit3A_567 = arith.constant 0.833956241 : f32
      %broadcast_in_dim3A_568 = vector.broadcast %jit3A_566 : f32 to vector<16xf32>
      %broadcast_in_dim3A_569 = vector.broadcast %jit3A_567 : f32 to vector<16xf32>
      %select_n3A_570 = arith.select %eq3A_537, %broadcast_in_dim3A_568, %broadcast_in_dim3A_569 : vector<16xi1>, vector<16xf32>
      %jit3A_571 = arith.constant 2.11565804 : f32
      %broadcast_in_dim3A_572 = vector.broadcast %jit3A_571 : f32 to vector<16xf32>
      %select_n3A_573 = arith.select %eq3A_534, %broadcast_in_dim3A_572, %select_n3A_570 : vector<16xi1>, vector<16xf32>
      %broadcast_in_dim3A_574 = arith.constant 2 : i32
      %broadcast_in_dim3A_575 = vector.broadcast %broadcast_in_dim3A_574 : i32 to vector<16xi32>
      %gather3A_576 = tpu.vector_load_idx %arg18[%add3A_481, %broadcast_in_dim3A_575] : memref<80x3xf32, #tpu.memory_space<vmem>>[vector<16xi32>, vector<16xi32>], vector<16xf32>,
      %exp3A_577 = math.exp %gather3A_576 : vector<16xf32>
      %mul3A_578 = arith.mulf %exp3A_577, %select_n3A_573 : vector<16xf32>
      %broadcast_in_dim3A_579 = arith.constant 2 : i32
      %broadcast_in_dim3A_580 = vector.broadcast %broadcast_in_dim3A_579 : i32 to vector<16xi32>
      tpu.vector_store_idx %arg21[%add3A_481, %broadcast_in_dim3A_580], %mul3A_578 : memref<80x3xf32, #tpu.memory_space<vmem>>[vector<16xi32>, vector<16xi32>], vector<16xf32>,
      %get3A_581 = arith.index_cast %add3A_477 : i32 to index
      %get3A_582 = tpu.vector_load %arg22[%get3A_581] {strides = array<i32>} : memref<640xf32, #tpu.memory_space<vmem>>, vector<16xf32>,
      %neg3A = arith.constant 0.000000e+00 : f32
      %neg3A_583 = vector.broadcast %neg3A : f32 to vector<16xf32>
      %neg3A_584 = arith.subf %neg3A_583, %get3A_582 : vector<16xf32>
      %exp3A_585 = math.exp %neg3A_584 : vector<16xf32>
      %jit3A_586 = arith.constant 1.000000e-01 : f32
      %jit3A_587 = arith.constant 1.000000e+02 : f32
      %max3A_588 = vector.broadcast %jit3A_586 : f32 to vector<16xf32>
      %max3A_589 = arith.maximumf %max3A_588, %exp3A_585 : vector<16xf32>
      %min3A_590 = vector.broadcast %jit3A_587 : f32 to vector<16xf32>
      %min3A_591 = arith.minimumf %min3A_590, %max3A_589 : vector<16xf32>
      %swap3A = arith.index_cast %add3A_477 : i32 to index
      %swap3A_592 = tpu.vector_load %arg24[%swap3A] {strides = array<i32>} : memref<640xf32, #tpu.memory_space<vmem>>, vector<16xf32>,
      tpu.vector_store %arg24[%swap3A], %min3A_591 {strides = array<i32>} : memref<640xf32, #tpu.memory_space<vmem>>, vector<16xf32>,
      %broadcast_in_dim3A_593 = arith.constant 1 : i32
      %broadcast_in_dim3A_594 = vector.broadcast %broadcast_in_dim3A_593 : i32 to vector<16xi32>
      %gather3A_595 = tpu.vector_load_idx %arg19[%add3A_481, %broadcast_in_dim3A_594] : memref<80x16xf32, #tpu.memory_space<vmem>>[vector<16xi32>, vector<16xi32>], vector<16xf32>,
      %broadcast_in_dim3A_596 = arith.constant 0 : i32
      %broadcast_in_dim3A_597 = vector.broadcast %broadcast_in_dim3A_596 : i32 to vector<16xi32>
      %gather3A_598 = tpu.vector_load_idx %arg19[%add3A_481, %broadcast_in_dim3A_597] : memref<80x16xf32, #tpu.memory_space<vmem>>[vector<16xi32>, vector<16xi32>], vector<16xf32>,
      %sub3A_599 = arith.subf %gather3A_595, %gather3A_598 : vector<16xf32>
      %broadcast_in_dim3A_600 = arith.constant 0 : i32
      %broadcast_in_dim3A_601 = vector.broadcast %broadcast_in_dim3A_600 : i32 to vector<16xi32>
      %broadcast_in_dim3A_602 = arith.constant 3 : i32
      %broadcast_in_dim3A_603 = vector.broadcast %broadcast_in_dim3A_602 : i32 to vector<16xi32>
      %gather3A_604 = tpu.vector_load_idx %arg19[%add3A_481, %broadcast_in_dim3A_603] : memref<80x16xf32, #tpu.memory_space<vmem>>[vector<16xi32>, vector<16xi32>], vector<16xf32>,
      %broadcast_in_dim3A_605 = arith.constant 2 : i32
      %broadcast_in_dim3A_606 = vector.broadcast %broadcast_in_dim3A_605 : i32 to vector<16xi32>
      %gather3A_607 = tpu.vector_load_idx %arg19[%add3A_481, %broadcast_in_dim3A_606] : memref<80x16xf32, #tpu.memory_space<vmem>>[vector<16xi32>, vector<16xi32>], vector<16xf32>,
      %sub3A_608 = arith.subf %gather3A_604, %gather3A_607 : vector<16xf32>
      %gt3A = arith.cmpf ogt, %sub3A_608, %sub3A_599 : vector<16xf32>
      %select_n3A_609 = arith.select %gt3A, %sub3A_608, %sub3A_599 : vector<16xi1>, vector<16xf32>
      %jit3A_610 = arith.constant 1 : i32
      %broadcast_in_dim3A_611 = vector.broadcast %jit3A_610 : i32 to vector<16xi32>
      %select_n3A_612 = arith.select %gt3A, %broadcast_in_dim3A_611, %broadcast_in_dim3A_601 : vector<16xi1>, vector<16xi32>
      %broadcast_in_dim3A_613 = arith.constant 5 : i32
      %broadcast_in_dim3A_614 = vector.broadcast %broadcast_in_dim3A_613 : i32 to vector<16xi32>
      %gather3A_615 = tpu.vector_load_idx %arg19[%add3A_481, %broadcast_in_dim3A_614] : memref<80x16xf32, #tpu.memory_space<vmem>>[vector<16xi32>, vector<16xi32>], vector<16xf32>,
      %broadcast_in_dim3A_616 = arith.constant 4 : i32
      %broadcast_in_dim3A_617 = vector.broadcast %broadcast_in_dim3A_616 : i32 to vector<16xi32>
      %gather3A_618 = tpu.vector_load_idx %arg19[%add3A_481, %broadcast_in_dim3A_617] : memref<80x16xf32, #tpu.memory_space<vmem>>[vector<16xi32>, vector<16xi32>], vector<16xf32>,
      %sub3A_619 = arith.subf %gather3A_615, %gather3A_618 : vector<16xf32>
      %gt3A_620 = arith.cmpf ogt, %sub3A_619, %select_n3A_609 : vector<16xf32>
      %select_n3A_621 = arith.select %gt3A_620, %sub3A_619, %select_n3A_609 : vector<16xi1>, vector<16xf32>
      %jit3A_622 = arith.constant 2 : i32
      %broadcast_in_dim3A_623 = vector.broadcast %jit3A_622 : i32 to vector<16xi32>
      %select_n3A_624 = arith.select %gt3A_620, %broadcast_in_dim3A_623, %select_n3A_612 : vector<16xi1>, vector<16xi32>
      %broadcast_in_dim3A_625 = arith.constant 7 : i32
      %broadcast_in_dim3A_626 = vector.broadcast %broadcast_in_dim3A_625 : i32 to vector<16xi32>
      %gather3A_627 = tpu.vector_load_idx %arg19[%add3A_481, %broadcast_in_dim3A_626] : memref<80x16xf32, #tpu.memory_space<vmem>>[vector<16xi32>, vector<16xi32>], vector<16xf32>,
      %broadcast_in_dim3A_628 = arith.constant 6 : i32
      %broadcast_in_dim3A_629 = vector.broadcast %broadcast_in_dim3A_628 : i32 to vector<16xi32>
      %gather3A_630 = tpu.vector_load_idx %arg19[%add3A_481, %broadcast_in_dim3A_629] : memref<80x16xf32, #tpu.memory_space<vmem>>[vector<16xi32>, vector<16xi32>], vector<16xf32>,
      %sub3A_631 = arith.subf %gather3A_627, %gather3A_630 : vector<16xf32>
      %gt3A_632 = arith.cmpf ogt, %sub3A_631, %select_n3A_621 : vector<16xf32>
      %select_n3A_633 = arith.select %gt3A_632, %sub3A_631, %select_n3A_621 : vector<16xi1>, vector<16xf32>
      %jit3A_634 = arith.constant 3 : i32
      %broadcast_in_dim3A_635 = vector.broadcast %jit3A_634 : i32 to vector<16xi32>
      %select_n3A_636 = arith.select %gt3A_632, %broadcast_in_dim3A_635, %select_n3A_624 : vector<16xi1>, vector<16xi32>
      %mul3A_637 = arith.constant 2 : i32
      %mul3A_638 = vector.broadcast %mul3A_637 : i32 to vector<16xi32>
      %mul3A_639 = arith.muli %mul3A_638, %select_n3A_636 : vector<16xi32>
      %add3A_640 = arith.constant 8 : i32
      %add3A_641 = vector.broadcast %add3A_640 : i32 to vector<16xi32>
      %add3A_642 = arith.addi %add3A_641, %mul3A_639 : vector<16xi32>
      %gather3A_643 = tpu.vector_load_idx %arg19[%add3A_481, %add3A_642] : memref<80x16xf32, #tpu.memory_space<vmem>>[vector<16xi32>, vector<16xi32>], vector<16xf32>,
      %add3A_644 = arith.constant 1 : i32
      %add3A_645 = vector.broadcast %add3A_644 : i32 to vector<16xi32>
      %add3A_646 = arith.addi %add3A_642, %add3A_645 : vector<16xi32>
      %gather3A_647 = tpu.vector_load_idx %arg19[%add3A_481, %add3A_646] : memref<80x16xf32, #tpu.memory_space<vmem>>[vector<16xi32>, vector<16xi32>], vector<16xf32>,
      %div3A = arith.divf %gather3A_643, %gather3A_647 : vector<16xf32>
      %abs3A = math.absf %div3A : vector<16xf32>
      %gt3A_648 = arith.constant 1.000000e+00 : f32
      %gt3A_649 = vector.broadcast %gt3A_648 : f32 to vector<16xf32>
      %gt3A_650 = arith.cmpf ogt, %abs3A, %gt3A_649 : vector<16xf32>
      %div3A_651 = arith.constant 1.000000e+00 : f32
      %div3A_652 = vector.broadcast %div3A_651 : f32 to vector<16xf32>
      %div3A_653 = arith.divf %div3A_652, %abs3A : vector<16xf32>
      %select_n3A_654 = arith.select %gt3A_650, %div3A_653, %abs3A : vector<16xi1>, vector<16xf32>
      %mul3A_655 = arith.mulf %select_n3A_654, %select_n3A_654 : vector<16xf32>
      %broadcast_in_dim3A_656 = arith.constant 2.083510e-02 : f32
      %broadcast_in_dim3A_657 = vector.broadcast %broadcast_in_dim3A_656 : f32 to vector<16xf32>
      %mul3A_658 = arith.mulf %broadcast_in_dim3A_657, %mul3A_655 : vector<16xf32>
      %add3A_659 = arith.constant -8.513300e-02 : f32
      %add3A_660 = vector.broadcast %add3A_659 : f32 to vector<16xf32>
      %add3A_661 = arith.addf %mul3A_658, %add3A_660 : vector<16xf32>
      %mul3A_662 = arith.mulf %add3A_661, %mul3A_655 : vector<16xf32>
      %add3A_663 = arith.constant 1.801410e-01 : f32
      %add3A_664 = vector.broadcast %add3A_663 : f32 to vector<16xf32>
      %add3A_665 = arith.addf %mul3A_662, %add3A_664 : vector<16xf32>
      %mul3A_666 = arith.mulf %add3A_665, %mul3A_655 : vector<16xf32>
      %add3A_667 = arith.constant -0.330299497 : f32
      %add3A_668 = vector.broadcast %add3A_667 : f32 to vector<16xf32>
      %add3A_669 = arith.addf %mul3A_666, %add3A_668 : vector<16xf32>
      %mul3A_670 = arith.mulf %add3A_669, %mul3A_655 : vector<16xf32>
      %add3A_671 = arith.constant 9.998660e-01 : f32
      %add3A_672 = vector.broadcast %add3A_671 : f32 to vector<16xf32>
      %add3A_673 = arith.addf %mul3A_670, %add3A_672 : vector<16xf32>
      %mul3A_674 = arith.mulf %add3A_673, %select_n3A_654 : vector<16xf32>
      %sub3A_675 = arith.constant 1.57079637 : f32
      %sub3A_676 = vector.broadcast %sub3A_675 : f32 to vector<16xf32>
      %sub3A_677 = arith.subf %sub3A_676, %mul3A_674 : vector<16xf32>
      %select_n3A_678 = arith.select %gt3A_650, %sub3A_677, %mul3A_674 : vector<16xi1>, vector<16xf32>
      %lt3A = arith.constant 0.000000e+00 : f32
      %lt3A_679 = vector.broadcast %lt3A : f32 to vector<16xf32>
      %lt3A_680 = arith.cmpf olt, %div3A, %lt3A_679 : vector<16xf32>
      %neg3A_681 = arith.constant 0.000000e+00 : f32
      %neg3A_682 = vector.broadcast %neg3A_681 : f32 to vector<16xf32>
      %neg3A_683 = arith.subf %neg3A_682, %select_n3A_678 : vector<16xf32>
      %select_n3A_684 = arith.select %lt3A_680, %neg3A_683, %select_n3A_678 : vector<16xi1>, vector<16xf32>
      %eq3A_685 = arith.constant 3 : i32
      %eq3A_686 = vector.broadcast %eq3A_685 : i32 to vector<16xi32>
      %eq3A_687 = arith.cmpi eq, %select_n3A_636, %eq3A_686 : vector<16xi32>
      %convert_element_type3A_688 = arith.sitofp %select_n3A_636 : vector<16xi32> to vector<16xf32>
      %mul3A_689 = arith.constant 1.57079637 : f32
      %mul3A_690 = vector.broadcast %mul3A_689 : f32 to vector<16xf32>
      %mul3A_691 = arith.mulf %convert_element_type3A_688, %mul3A_690 : vector<16xf32>
      %jit3A_692 = arith.constant -1.57079637 : f32
      %broadcast_in_dim3A_693 = vector.broadcast %jit3A_692 : f32 to vector<16xf32>
      %select_n3A_694 = arith.select %eq3A_687, %broadcast_in_dim3A_693, %mul3A_691 : vector<16xi1>, vector<16xf32>
      %add3A_695 = arith.addf %select_n3A_684, %select_n3A_694 : vector<16xf32>
      %gt3A_696 = arith.constant 3.14159274 : f32
      %gt3A_697 = vector.broadcast %gt3A_696 : f32 to vector<16xf32>
      %gt3A_698 = arith.cmpf ogt, %add3A_695, %gt3A_697 : vector<16xf32>
      %sub3A_699 = arith.constant 6.28318548 : f32
      %sub3A_700 = vector.broadcast %sub3A_699 : f32 to vector<16xf32>
      %sub3A_701 = arith.subf %add3A_695, %sub3A_700 : vector<16xf32>
      %select_n3A_702 = arith.select %gt3A_698, %sub3A_701, %add3A_695 : vector<16xi1>, vector<16xf32>
      %lt3A_703 = arith.constant -3.14159274 : f32
      %lt3A_704 = vector.broadcast %lt3A_703 : f32 to vector<16xf32>
      %lt3A_705 = arith.cmpf olt, %select_n3A_702, %lt3A_704 : vector<16xf32>
      %add3A_706 = arith.constant 6.28318548 : f32
      %add3A_707 = vector.broadcast %add3A_706 : f32 to vector<16xf32>
      %add3A_708 = arith.addf %select_n3A_702, %add3A_707 : vector<16xf32>
      %select_n3A_709 = arith.select %lt3A_705, %add3A_708, %select_n3A_702 : vector<16xi1>, vector<16xf32>
      %swap3A_710 = arith.index_cast %add3A_477 : i32 to index
      %swap3A_711 = tpu.vector_load %arg25[%swap3A_710] {strides = array<i32>} : memref<640xf32, #tpu.memory_space<vmem>>, vector<16xf32>,
      tpu.vector_store %arg25[%swap3A_710], %select_n3A_709 {strides = array<i32>} : memref<640xf32, #tpu.memory_space<vmem>>, vector<16xf32>,
    }
    %scan3A_124 = arith.constant 5 : i32
    %add3A_125 = arith.constant 80 : i32
    %add3A_126 = arith.addi %min3A_3, %add3A_125 : i32
    %dma_start3A_127 = arith.constant 0 : i32
    %dma_start3A_128 = tpu.memref_slice %arg8[%add3A_126, %dma_start3A_127] : memref<20000x4xf32, #tpu.memory_space<hbm>> -> memref<80x4xf32, #tpu.memory_space<hbm>>
    %dma_start3A_129 = arith.constant 0 : i32
    %dma_start3A_130 = tpu.memref_slice %arg8[%add3A_126, %dma_start3A_129] : memref<20000x4xf32, #tpu.memory_space<hbm>> -> memref<80x4xf32, #tpu.memory_space<hbm>>
    tpu.enqueue_dma source(%arg20 : memref<80x4xf32, #tpu.memory_space<vmem>>) target(%dma_start3A_130 : memref<80x4xf32, #tpu.memory_space<hbm>>) target_semaphore(%arg27 : memref<!tpu.dma_semaphore, #tpu.memory_space<semaphore_mem>>)
    %dma_start3A_131 = arith.constant 0 : i32
    %dma_start3A_132 = tpu.memref_slice %arg9[%add3A_126, %dma_start3A_131] : memref<20000x3xf32, #tpu.memory_space<hbm>> -> memref<80x3xf32, #tpu.memory_space<hbm>>
    %dma_start3A_133 = arith.constant 0 : i32
    %dma_start3A_134 = tpu.memref_slice %arg9[%add3A_126, %dma_start3A_133] : memref<20000x3xf32, #tpu.memory_space<hbm>> -> memref<80x3xf32, #tpu.memory_space<hbm>>
    tpu.enqueue_dma source(%arg21 : memref<80x3xf32, #tpu.memory_space<vmem>>) target(%dma_start3A_134 : memref<80x3xf32, #tpu.memory_space<hbm>>) target_semaphore(%arg27 : memref<!tpu.dma_semaphore, #tpu.memory_space<semaphore_mem>>)
    %add3A_135 = arith.constant 240 : i32
    %add3A_136 = arith.addi %min3A_3, %add3A_135 : i32
    %dma_start3A_137 = arith.constant 0 : i32
    %dma_start3A_138 = tpu.memref_slice %arg2[%add3A_136, %dma_start3A_137] : memref<20000x2xf32, #tpu.memory_space<hbm>> -> memref<80x2xf32, #tpu.memory_space<hbm>>
    %dma_start3A_139 = arith.constant 0 : i32
    %dma_start3A_140 = tpu.memref_slice %arg2[%add3A_136, %dma_start3A_139] : memref<20000x2xf32, #tpu.memory_space<hbm>> -> memref<80x2xf32, #tpu.memory_space<hbm>>
    tpu.enqueue_dma source(%dma_start3A_140 : memref<80x2xf32, #tpu.memory_space<hbm>>) target(%arg16 : memref<80x2xf32, #tpu.memory_space<vmem>>) target_semaphore(%arg26 : memref<!tpu.dma_semaphore, #tpu.memory_space<semaphore_mem>>)
    %dma_start3A_141 = arith.constant 0 : i32
    %dma_start3A_142 = tpu.memref_slice %arg3[%add3A_136, %dma_start3A_141] : memref<20000x4xf32, #tpu.memory_space<hbm>> -> memref<80x4xf32, #tpu.memory_space<hbm>>
    %dma_start3A_143 = arith.constant 0 : i32
    %dma_start3A_144 = tpu.memref_slice %arg3[%add3A_136, %dma_start3A_143] : memref<20000x4xf32, #tpu.memory_space<hbm>> -> memref<80x4xf32, #tpu.memory_space<hbm>>
    tpu.enqueue_dma source(%dma_start3A_144 : memref<80x4xf32, #tpu.memory_space<hbm>>) target(%arg17 : memref<80x4xf32, #tpu.memory_space<vmem>>) target_semaphore(%arg26 : memref<!tpu.dma_semaphore, #tpu.memory_space<semaphore_mem>>)
    %dma_start3A_145 = arith.constant 0 : i32
    %dma_start3A_146 = tpu.memref_slice %arg4[%add3A_136, %dma_start3A_145] : memref<20000x3xf32, #tpu.memory_space<hbm>> -> memref<80x3xf32, #tpu.memory_space<hbm>>
    %dma_start3A_147 = arith.constant 0 : i32
    %dma_start3A_148 = tpu.memref_slice %arg4[%add3A_136, %dma_start3A_147] : memref<20000x3xf32, #tpu.memory_space<hbm>> -> memref<80x3xf32, #tpu.memory_space<hbm>>
    tpu.enqueue_dma source(%dma_start3A_148 : memref<80x3xf32, #tpu.memory_space<hbm>>) target(%arg18 : memref<80x3xf32, #tpu.memory_space<vmem>>) target_semaphore(%arg26 : memref<!tpu.dma_semaphore, #tpu.memory_space<semaphore_mem>>)
    %dma_start3A_149 = arith.constant 0 : i32
    %dma_start3A_150 = tpu.memref_slice %arg6[%add3A_136, %dma_start3A_149] : memref<20000x16xf32, #tpu.memory_space<hbm>> -> memref<80x16xf32, #tpu.memory_space<hbm>>
    %dma_start3A_151 = arith.constant 0 : i32
    %dma_start3A_152 = tpu.memref_slice %arg6[%add3A_136, %dma_start3A_151] : memref<20000x16xf32, #tpu.memory_space<hbm>> -> memref<80x16xf32, #tpu.memory_space<hbm>>
    tpu.enqueue_dma source(%dma_start3A_152 : memref<80x16xf32, #tpu.memory_space<hbm>>) target(%arg19 : memref<80x16xf32, #tpu.memory_space<vmem>>) target_semaphore(%arg26 : memref<!tpu.dma_semaphore, #tpu.memory_space<semaphore_mem>>)
    %dma_wait3A_153 = arith.constant 0 : i32
    %dma_wait3A_154 = tpu.memref_slice %arg2[%add3A_78, %dma_wait3A_153] : memref<20000x2xf32, #tpu.memory_space<hbm>> -> memref<80x2xf32, #tpu.memory_space<hbm>>
    %dma_wait3A_155 = arith.constant 0 : i32
    %dma_wait3A_156 = tpu.memref_slice %arg2[%add3A_78, %dma_wait3A_155] : memref<20000x2xf32, #tpu.memory_space<hbm>> -> memref<80x2xf32, #tpu.memory_space<hbm>>
    tpu.wait_dma2 semaphore(%arg26 : memref<!tpu.dma_semaphore, #tpu.memory_space<semaphore_mem>>) src(%dma_wait3A_156 : memref<80x2xf32, #tpu.memory_space<hbm>>) dst(%arg12 : memref<80x2xf32, #tpu.memory_space<vmem>>)
    %dma_wait3A_157 = arith.constant 0 : i32
    %dma_wait3A_158 = tpu.memref_slice %arg3[%add3A_78, %dma_wait3A_157] : memref<20000x4xf32, #tpu.memory_space<hbm>> -> memref<80x4xf32, #tpu.memory_space<hbm>>
    %dma_wait3A_159 = arith.constant 0 : i32
    %dma_wait3A_160 = tpu.memref_slice %arg3[%add3A_78, %dma_wait3A_159] : memref<20000x4xf32, #tpu.memory_space<hbm>> -> memref<80x4xf32, #tpu.memory_space<hbm>>
    tpu.wait_dma2 semaphore(%arg26 : memref<!tpu.dma_semaphore, #tpu.memory_space<semaphore_mem>>) src(%dma_wait3A_160 : memref<80x4xf32, #tpu.memory_space<hbm>>) dst(%arg13 : memref<80x4xf32, #tpu.memory_space<vmem>>)
    %dma_wait3A_161 = arith.constant 0 : i32
    %dma_wait3A_162 = tpu.memref_slice %arg4[%add3A_78, %dma_wait3A_161] : memref<20000x3xf32, #tpu.memory_space<hbm>> -> memref<80x3xf32, #tpu.memory_space<hbm>>
    %dma_wait3A_163 = arith.constant 0 : i32
    %dma_wait3A_164 = tpu.memref_slice %arg4[%add3A_78, %dma_wait3A_163] : memref<20000x3xf32, #tpu.memory_space<hbm>> -> memref<80x3xf32, #tpu.memory_space<hbm>>
    tpu.wait_dma2 semaphore(%arg26 : memref<!tpu.dma_semaphore, #tpu.memory_space<semaphore_mem>>) src(%dma_wait3A_164 : memref<80x3xf32, #tpu.memory_space<hbm>>) dst(%arg14 : memref<80x3xf32, #tpu.memory_space<vmem>>)
    %dma_wait3A_165 = arith.constant 0 : i32
    %dma_wait3A_166 = tpu.memref_slice %arg6[%add3A_78, %dma_wait3A_165] : memref<20000x16xf32, #tpu.memory_space<hbm>> -> memref<80x16xf32, #tpu.memory_space<hbm>>
    %dma_wait3A_167 = arith.constant 0 : i32
    %dma_wait3A_168 = tpu.memref_slice %arg6[%add3A_78, %dma_wait3A_167] : memref<20000x16xf32, #tpu.memory_space<hbm>> -> memref<80x16xf32, #tpu.memory_space<hbm>>
    tpu.wait_dma2 semaphore(%arg26 : memref<!tpu.dma_semaphore, #tpu.memory_space<semaphore_mem>>) src(%dma_wait3A_168 : memref<80x16xf32, #tpu.memory_space<hbm>>) dst(%arg15 : memref<80x16xf32, #tpu.memory_space<vmem>>)
    %dma_wait3A_169 = arith.constant 0 : i32
    %dma_wait3A_170 = tpu.memref_slice %arg8[%add3A_126, %dma_wait3A_169] : memref<20000x4xf32, #tpu.memory_space<hbm>> -> memref<80x4xf32, #tpu.memory_space<hbm>>
    %dma_wait3A_171 = arith.constant 0 : i32
    %dma_wait3A_172 = tpu.memref_slice %arg8[%add3A_126, %dma_wait3A_171] : memref<20000x4xf32, #tpu.memory_space<hbm>> -> memref<80x4xf32, #tpu.memory_space<hbm>>
    tpu.wait_dma2 semaphore(%arg27 : memref<!tpu.dma_semaphore, #tpu.memory_space<semaphore_mem>>) src(%arg20 : memref<80x4xf32, #tpu.memory_space<vmem>>) dst(%dma_wait3A_172 : memref<80x4xf32, #tpu.memory_space<hbm>>)
    %dma_wait3A_173 = arith.constant 0 : i32
    %dma_wait3A_174 = tpu.memref_slice %arg9[%add3A_126, %dma_wait3A_173] : memref<20000x3xf32, #tpu.memory_space<hbm>> -> memref<80x3xf32, #tpu.memory_space<hbm>>
    %dma_wait3A_175 = arith.constant 0 : i32
    %dma_wait3A_176 = tpu.memref_slice %arg9[%add3A_126, %dma_wait3A_175] : memref<20000x3xf32, #tpu.memory_space<hbm>> -> memref<80x3xf32, #tpu.memory_space<hbm>>
    tpu.wait_dma2 semaphore(%arg27 : memref<!tpu.dma_semaphore, #tpu.memory_space<semaphore_mem>>) src(%arg21 : memref<80x3xf32, #tpu.memory_space<vmem>>) dst(%dma_wait3A_176 : memref<80x3xf32, #tpu.memory_space<hbm>>)
    %scan3A_177 = arith.constant 0 : i32
    %scan3A_178 = arith.constant 0 : i32
    %scan3A_179 = arith.constant 5 : i32
    %scan3A_180 = arith.addi %scan3A_178, %scan3A_179 : i32
    %scan3A_181 = arith.constant 1 : i32
    scf.for %scan3A_473 = %scan3A_178 to %scan3A_180 step %scan3A_181  : i32 {
      %mul3A_474 = arith.constant 16 : i32
      %mul3A_475 = arith.muli %scan3A_473, %mul3A_474 : i32
      %add3A_476 = arith.constant 160 : i32
      %add3A_477 = arith.addi %add3A_476, %mul3A_475 : i32
      %mul3A_478 = arith.constant 16 : i32
      %mul3A_479 = arith.muli %scan3A_473, %mul3A_478 : i32
      %add3A_480 = vector.broadcast %mul3A_479 : i32 to vector<16xi32>
      %add3A_481 = arith.addi %add3A_480, %iota3A : vector<16xi32>
      %broadcast_in_dim3A = arith.constant 0 : i32
      %broadcast_in_dim3A_482 = vector.broadcast %broadcast_in_dim3A : i32 to vector<16xi32>
      %gather3A = tpu.vector_load_idx %arg12[%add3A_481, %broadcast_in_dim3A_482] : memref<80x2xf32, #tpu.memory_space<vmem>>[vector<16xi32>, vector<16xi32>], vector<16xf32>,
      %broadcast_in_dim3A_483 = arith.constant 1 : i32
      %broadcast_in_dim3A_484 = vector.broadcast %broadcast_in_dim3A_483 : i32 to vector<16xi32>
      %gather3A_485 = tpu.vector_load_idx %arg12[%add3A_481, %broadcast_in_dim3A_484] : memref<80x2xf32, #tpu.memory_space<vmem>>[vector<16xi32>, vector<16xi32>], vector<16xf32>,
      %broadcast_in_dim3A_486 = arith.constant 0 : i32
      %broadcast_in_dim3A_487 = vector.broadcast %broadcast_in_dim3A_486 : i32 to vector<16xi32>
      %gather3A_488 = tpu.vector_load_idx %arg13[%add3A_481, %broadcast_in_dim3A_487] : memref<80x4xf32, #tpu.memory_space<vmem>>[vector<16xi32>, vector<16xi32>], vector<16xf32>,
      %sub3A = arith.subf %gather3A, %gather3A_488 : vector<16xf32>
      %mul3A_489 = arith.constant 4.000000e+00 : f32
      %mul3A_490 = vector.broadcast %mul3A_489 : f32 to vector<16xf32>
      %mul3A_491 = arith.mulf %sub3A, %mul3A_490 : vector<16xf32>
      %broadcast_in_dim3A_492 = arith.constant 1 : i32
      %broadcast_in_dim3A_493 = vector.broadcast %broadcast_in_dim3A_492 : i32 to vector<16xi32>
      %gather3A_494 = tpu.vector_load_idx %arg13[%add3A_481, %broadcast_in_dim3A_493] : memref<80x4xf32, #tpu.memory_space<vmem>>[vector<16xi32>, vector<16xi32>], vector<16xf32>,
      %sub3A_495 = arith.subf %gather3A_485, %gather3A_494 : vector<16xf32>
      %mul3A_496 = arith.constant 4.000000e+00 : f32
      %mul3A_497 = vector.broadcast %mul3A_496 : f32 to vector<16xf32>
      %mul3A_498 = arith.mulf %sub3A_495, %mul3A_497 : vector<16xf32>
      %broadcast_in_dim3A_499 = arith.constant 2 : i32
      %broadcast_in_dim3A_500 = vector.broadcast %broadcast_in_dim3A_499 : i32 to vector<16xi32>
      %gather3A_501 = tpu.vector_load_idx %arg13[%add3A_481, %broadcast_in_dim3A_500] : memref<80x4xf32, #tpu.memory_space<vmem>>[vector<16xi32>, vector<16xi32>], vector<16xf32>,
      %add3A_502 = arith.addf %gather3A, %gather3A_501 : vector<16xf32>
      %mul3A_503 = arith.constant 4.000000e+00 : f32
      %mul3A_504 = vector.broadcast %mul3A_503 : f32 to vector<16xf32>
      %mul3A_505 = arith.mulf %add3A_502, %mul3A_504 : vector<16xf32>
      %broadcast_in_dim3A_506 = arith.constant 3 : i32
      %broadcast_in_dim3A_507 = vector.broadcast %broadcast_in_dim3A_506 : i32 to vector<16xi32>
      %gather3A_508 = tpu.vector_load_idx %arg13[%add3A_481, %broadcast_in_dim3A_507] : memref<80x4xf32, #tpu.memory_space<vmem>>[vector<16xi32>, vector<16xi32>], vector<16xf32>,
      %add3A_509 = arith.addf %gather3A_485, %gather3A_508 : vector<16xf32>
      %mul3A_510 = arith.constant 4.000000e+00 : f32
      %mul3A_511 = vector.broadcast %mul3A_510 : f32 to vector<16xf32>
      %mul3A_512 = arith.mulf %add3A_509, %mul3A_511 : vector<16xf32>
      %jit3A = arith.constant 0.000000e+00 : f32
      %jit3A_513 = arith.constant 1280 : i32
      %max3A = vector.broadcast %jit3A : f32 to vector<16xf32>
      %max3A_514 = arith.maximumf %max3A, %mul3A_491 : vector<16xf32>
      %convert_element_type3A = arith.sitofp %jit3A_513 : i32 to f32
      %min3A_515 = vector.broadcast %convert_element_type3A : f32 to vector<16xf32>
      %min3A_516 = arith.minimumf %min3A_515, %max3A_514 : vector<16xf32>
      %broadcast_in_dim3A_517 = arith.constant 0 : i32
      %broadcast_in_dim3A_518 = vector.broadcast %broadcast_in_dim3A_517 : i32 to vector<16xi32>
      tpu.vector_store_idx %arg20[%add3A_481, %broadcast_in_dim3A_518], %min3A_516 : memref<80x4xf32, #tpu.memory_space<vmem>>[vector<16xi32>, vector<16xi32>], vector<16xf32>,
      %jit3A_519 = arith.constant 0.000000e+00 : f32
      %jit3A_520 = arith.constant 384 : i32
      %max3A_521 = vector.broadcast %jit3A_519 : f32 to vector<16xf32>
      %max3A_522 = arith.maximumf %max3A_521, %mul3A_498 : vector<16xf32>
      %convert_element_type3A_523 = arith.sitofp %jit3A_520 : i32 to f32
      %min3A_524 = vector.broadcast %convert_element_type3A_523 : f32 to vector<16xf32>
      %min3A_525 = arith.minimumf %min3A_524, %max3A_522 : vector<16xf32>
      %broadcast_in_dim3A_526 = arith.constant 1 : i32
      %broadcast_in_dim3A_527 = vector.broadcast %broadcast_in_dim3A_526 : i32 to vector<16xi32>
      tpu.vector_store_idx %arg20[%add3A_481, %broadcast_in_dim3A_527], %min3A_525 : memref<80x4xf32, #tpu.memory_space<vmem>>[vector<16xi32>, vector<16xi32>], vector<16xf32>,
      %broadcast_in_dim3A_528 = arith.constant 2 : i32
      %broadcast_in_dim3A_529 = vector.broadcast %broadcast_in_dim3A_528 : i32 to vector<16xi32>
      tpu.vector_store_idx %arg20[%add3A_481, %broadcast_in_dim3A_529], %mul3A_505 : memref<80x4xf32, #tpu.memory_space<vmem>>[vector<16xi32>, vector<16xi32>], vector<16xf32>,
      %broadcast_in_dim3A_530 = arith.constant 3 : i32
      %broadcast_in_dim3A_531 = vector.broadcast %broadcast_in_dim3A_530 : i32 to vector<16xi32>
      tpu.vector_store_idx %arg20[%add3A_481, %broadcast_in_dim3A_531], %mul3A_512 : memref<80x4xf32, #tpu.memory_space<vmem>>[vector<16xi32>, vector<16xi32>], vector<16xf32>,
      %get3A = arith.index_cast %add3A_477 : i32 to index
      %get3A_532 = tpu.vector_load %arg23[%get3A] {strides = array<i32>} : memref<640xi32, #tpu.memory_space<vmem>>, vector<16xi32>,
      %eq3A = arith.constant 0 : i32
      %eq3A_533 = vector.broadcast %eq3A : i32 to vector<16xi32>
      %eq3A_534 = arith.cmpi eq, %get3A_532, %eq3A_533 : vector<16xi32>
      %eq3A_535 = arith.constant 1 : i32
      %eq3A_536 = vector.broadcast %eq3A_535 : i32 to vector<16xi32>
      %eq3A_537 = arith.cmpi eq, %get3A_532, %eq3A_536 : vector<16xi32>
      %jit3A_538 = arith.constant 0.919867455 : f32
      %jit3A_539 = arith.constant 1.7865274 : f32
      %broadcast_in_dim3A_540 = vector.broadcast %jit3A_538 : f32 to vector<16xf32>
      %broadcast_in_dim3A_541 = vector.broadcast %jit3A_539 : f32 to vector<16xf32>
      %select_n3A = arith.select %eq3A_537, %broadcast_in_dim3A_540, %broadcast_in_dim3A_541 : vector<16xi1>, vector<16xf32>
      %jit3A_542 = arith.constant 4.83899879 : f32
      %broadcast_in_dim3A_543 = vector.broadcast %jit3A_542 : f32 to vector<16xf32>
      %select_n3A_544 = arith.select %eq3A_534, %broadcast_in_dim3A_543, %select_n3A : vector<16xi1>, vector<16xf32>
      %broadcast_in_dim3A_545 = arith.constant 0 : i32
      %broadcast_in_dim3A_546 = vector.broadcast %broadcast_in_dim3A_545 : i32 to vector<16xi32>
      %gather3A_547 = tpu.vector_load_idx %arg14[%add3A_481, %broadcast_in_dim3A_546] : memref<80x3xf32, #tpu.memory_space<vmem>>[vector<16xi32>, vector<16xi32>], vector<16xf32>,
      %exp3A = math.exp %gather3A_547 : vector<16xf32>
      %mul3A_548 = arith.mulf %exp3A, %select_n3A_544 : vector<16xf32>
      %broadcast_in_dim3A_549 = arith.constant 0 : i32
      %broadcast_in_dim3A_550 = vector.broadcast %broadcast_in_dim3A_549 : i32 to vector<16xi32>
      tpu.vector_store_idx %arg21[%add3A_481, %broadcast_in_dim3A_550], %mul3A_548 : memref<80x3xf32, #tpu.memory_space<vmem>>[vector<16xi32>, vector<16xi32>], vector<16xf32>,
      %jit3A_551 = arith.constant 1.75302339 : f32
      %jit3A_552 = arith.constant 1.76500988 : f32
      %broadcast_in_dim3A_553 = vector.broadcast %jit3A_551 : f32 to vector<16xf32>
      %broadcast_in_dim3A_554 = vector.broadcast %jit3A_552 : f32 to vector<16xf32>
      %select_n3A_555 = arith.select %eq3A_537, %broadcast_in_dim3A_553, %broadcast_in_dim3A_554 : vector<16xi1>, vector<16xf32>
      %jit3A_556 = arith.constant 1.80778956 : f32
      %broadcast_in_dim3A_557 = vector.broadcast %jit3A_556 : f32 to vector<16xf32>
      %select_n3A_558 = arith.select %eq3A_534, %broadcast_in_dim3A_557, %select_n3A_555 : vector<16xi1>, vector<16xf32>
      %broadcast_in_dim3A_559 = arith.constant 1 : i32
      %broadcast_in_dim3A_560 = vector.broadcast %broadcast_in_dim3A_559 : i32 to vector<16xi32>
      %gather3A_561 = tpu.vector_load_idx %arg14[%add3A_481, %broadcast_in_dim3A_560] : memref<80x3xf32, #tpu.memory_space<vmem>>[vector<16xi32>, vector<16xi32>], vector<16xf32>,
      %exp3A_562 = math.exp %gather3A_561 : vector<16xf32>
      %mul3A_563 = arith.mulf %exp3A_562, %select_n3A_558 : vector<16xf32>
      %broadcast_in_dim3A_564 = arith.constant 1 : i32
      %broadcast_in_dim3A_565 = vector.broadcast %broadcast_in_dim3A_564 : i32 to vector<16xi32>
      tpu.vector_store_idx %arg21[%add3A_481, %broadcast_in_dim3A_565], %mul3A_563 : memref<80x3xf32, #tpu.memory_space<vmem>>[vector<16xi32>, vector<16xi32>], vector<16xf32>,
      %jit3A_566 = arith.constant 0.862208068 : f32
      %jit3A_567 = arith.constant 0.833956241 : f32
      %broadcast_in_dim3A_568 = vector.broadcast %jit3A_566 : f32 to vector<16xf32>
      %broadcast_in_dim3A_569 = vector.broadcast %jit3A_567 : f32 to vector<16xf32>
      %select_n3A_570 = arith.select %eq3A_537, %broadcast_in_dim3A_568, %broadcast_in_dim3A_569 : vector<16xi1>, vector<16xf32>
      %jit3A_571 = arith.constant 2.11565804 : f32
      %broadcast_in_dim3A_572 = vector.broadcast %jit3A_571 : f32 to vector<16xf32>
      %select_n3A_573 = arith.select %eq3A_534, %broadcast_in_dim3A_572, %select_n3A_570 : vector<16xi1>, vector<16xf32>
      %broadcast_in_dim3A_574 = arith.constant 2 : i32
      %broadcast_in_dim3A_575 = vector.broadcast %broadcast_in_dim3A_574 : i32 to vector<16xi32>
      %gather3A_576 = tpu.vector_load_idx %arg14[%add3A_481, %broadcast_in_dim3A_575] : memref<80x3xf32, #tpu.memory_space<vmem>>[vector<16xi32>, vector<16xi32>], vector<16xf32>,
      %exp3A_577 = math.exp %gather3A_576 : vector<16xf32>
      %mul3A_578 = arith.mulf %exp3A_577, %select_n3A_573 : vector<16xf32>
      %broadcast_in_dim3A_579 = arith.constant 2 : i32
      %broadcast_in_dim3A_580 = vector.broadcast %broadcast_in_dim3A_579 : i32 to vector<16xi32>
      tpu.vector_store_idx %arg21[%add3A_481, %broadcast_in_dim3A_580], %mul3A_578 : memref<80x3xf32, #tpu.memory_space<vmem>>[vector<16xi32>, vector<16xi32>], vector<16xf32>,
      %get3A_581 = arith.index_cast %add3A_477 : i32 to index
      %get3A_582 = tpu.vector_load %arg22[%get3A_581] {strides = array<i32>} : memref<640xf32, #tpu.memory_space<vmem>>, vector<16xf32>,
      %neg3A = arith.constant 0.000000e+00 : f32
      %neg3A_583 = vector.broadcast %neg3A : f32 to vector<16xf32>
      %neg3A_584 = arith.subf %neg3A_583, %get3A_582 : vector<16xf32>
      %exp3A_585 = math.exp %neg3A_584 : vector<16xf32>
      %jit3A_586 = arith.constant 1.000000e-01 : f32
      %jit3A_587 = arith.constant 1.000000e+02 : f32
      %max3A_588 = vector.broadcast %jit3A_586 : f32 to vector<16xf32>
      %max3A_589 = arith.maximumf %max3A_588, %exp3A_585 : vector<16xf32>
      %min3A_590 = vector.broadcast %jit3A_587 : f32 to vector<16xf32>
      %min3A_591 = arith.minimumf %min3A_590, %max3A_589 : vector<16xf32>
      %swap3A = arith.index_cast %add3A_477 : i32 to index
      %swap3A_592 = tpu.vector_load %arg24[%swap3A] {strides = array<i32>} : memref<640xf32, #tpu.memory_space<vmem>>, vector<16xf32>,
      tpu.vector_store %arg24[%swap3A], %min3A_591 {strides = array<i32>} : memref<640xf32, #tpu.memory_space<vmem>>, vector<16xf32>,
      %broadcast_in_dim3A_593 = arith.constant 1 : i32
      %broadcast_in_dim3A_594 = vector.broadcast %broadcast_in_dim3A_593 : i32 to vector<16xi32>
      %gather3A_595 = tpu.vector_load_idx %arg15[%add3A_481, %broadcast_in_dim3A_594] : memref<80x16xf32, #tpu.memory_space<vmem>>[vector<16xi32>, vector<16xi32>], vector<16xf32>,
      %broadcast_in_dim3A_596 = arith.constant 0 : i32
      %broadcast_in_dim3A_597 = vector.broadcast %broadcast_in_dim3A_596 : i32 to vector<16xi32>
      %gather3A_598 = tpu.vector_load_idx %arg15[%add3A_481, %broadcast_in_dim3A_597] : memref<80x16xf32, #tpu.memory_space<vmem>>[vector<16xi32>, vector<16xi32>], vector<16xf32>,
      %sub3A_599 = arith.subf %gather3A_595, %gather3A_598 : vector<16xf32>
      %broadcast_in_dim3A_600 = arith.constant 0 : i32
      %broadcast_in_dim3A_601 = vector.broadcast %broadcast_in_dim3A_600 : i32 to vector<16xi32>
      %broadcast_in_dim3A_602 = arith.constant 3 : i32
      %broadcast_in_dim3A_603 = vector.broadcast %broadcast_in_dim3A_602 : i32 to vector<16xi32>
      %gather3A_604 = tpu.vector_load_idx %arg15[%add3A_481, %broadcast_in_dim3A_603] : memref<80x16xf32, #tpu.memory_space<vmem>>[vector<16xi32>, vector<16xi32>], vector<16xf32>,
      %broadcast_in_dim3A_605 = arith.constant 2 : i32
      %broadcast_in_dim3A_606 = vector.broadcast %broadcast_in_dim3A_605 : i32 to vector<16xi32>
      %gather3A_607 = tpu.vector_load_idx %arg15[%add3A_481, %broadcast_in_dim3A_606] : memref<80x16xf32, #tpu.memory_space<vmem>>[vector<16xi32>, vector<16xi32>], vector<16xf32>,
      %sub3A_608 = arith.subf %gather3A_604, %gather3A_607 : vector<16xf32>
      %gt3A = arith.cmpf ogt, %sub3A_608, %sub3A_599 : vector<16xf32>
      %select_n3A_609 = arith.select %gt3A, %sub3A_608, %sub3A_599 : vector<16xi1>, vector<16xf32>
      %jit3A_610 = arith.constant 1 : i32
      %broadcast_in_dim3A_611 = vector.broadcast %jit3A_610 : i32 to vector<16xi32>
      %select_n3A_612 = arith.select %gt3A, %broadcast_in_dim3A_611, %broadcast_in_dim3A_601 : vector<16xi1>, vector<16xi32>
      %broadcast_in_dim3A_613 = arith.constant 5 : i32
      %broadcast_in_dim3A_614 = vector.broadcast %broadcast_in_dim3A_613 : i32 to vector<16xi32>
      %gather3A_615 = tpu.vector_load_idx %arg15[%add3A_481, %broadcast_in_dim3A_614] : memref<80x16xf32, #tpu.memory_space<vmem>>[vector<16xi32>, vector<16xi32>], vector<16xf32>,
      %broadcast_in_dim3A_616 = arith.constant 4 : i32
      %broadcast_in_dim3A_617 = vector.broadcast %broadcast_in_dim3A_616 : i32 to vector<16xi32>
      %gather3A_618 = tpu.vector_load_idx %arg15[%add3A_481, %broadcast_in_dim3A_617] : memref<80x16xf32, #tpu.memory_space<vmem>>[vector<16xi32>, vector<16xi32>], vector<16xf32>,
      %sub3A_619 = arith.subf %gather3A_615, %gather3A_618 : vector<16xf32>
      %gt3A_620 = arith.cmpf ogt, %sub3A_619, %select_n3A_609 : vector<16xf32>
      %select_n3A_621 = arith.select %gt3A_620, %sub3A_619, %select_n3A_609 : vector<16xi1>, vector<16xf32>
      %jit3A_622 = arith.constant 2 : i32
      %broadcast_in_dim3A_623 = vector.broadcast %jit3A_622 : i32 to vector<16xi32>
      %select_n3A_624 = arith.select %gt3A_620, %broadcast_in_dim3A_623, %select_n3A_612 : vector<16xi1>, vector<16xi32>
      %broadcast_in_dim3A_625 = arith.constant 7 : i32
      %broadcast_in_dim3A_626 = vector.broadcast %broadcast_in_dim3A_625 : i32 to vector<16xi32>
      %gather3A_627 = tpu.vector_load_idx %arg15[%add3A_481, %broadcast_in_dim3A_626] : memref<80x16xf32, #tpu.memory_space<vmem>>[vector<16xi32>, vector<16xi32>], vector<16xf32>,
      %broadcast_in_dim3A_628 = arith.constant 6 : i32
      %broadcast_in_dim3A_629 = vector.broadcast %broadcast_in_dim3A_628 : i32 to vector<16xi32>
      %gather3A_630 = tpu.vector_load_idx %arg15[%add3A_481, %broadcast_in_dim3A_629] : memref<80x16xf32, #tpu.memory_space<vmem>>[vector<16xi32>, vector<16xi32>], vector<16xf32>,
      %sub3A_631 = arith.subf %gather3A_627, %gather3A_630 : vector<16xf32>
      %gt3A_632 = arith.cmpf ogt, %sub3A_631, %select_n3A_621 : vector<16xf32>
      %select_n3A_633 = arith.select %gt3A_632, %sub3A_631, %select_n3A_621 : vector<16xi1>, vector<16xf32>
      %jit3A_634 = arith.constant 3 : i32
      %broadcast_in_dim3A_635 = vector.broadcast %jit3A_634 : i32 to vector<16xi32>
      %select_n3A_636 = arith.select %gt3A_632, %broadcast_in_dim3A_635, %select_n3A_624 : vector<16xi1>, vector<16xi32>
      %mul3A_637 = arith.constant 2 : i32
      %mul3A_638 = vector.broadcast %mul3A_637 : i32 to vector<16xi32>
      %mul3A_639 = arith.muli %mul3A_638, %select_n3A_636 : vector<16xi32>
      %add3A_640 = arith.constant 8 : i32
      %add3A_641 = vector.broadcast %add3A_640 : i32 to vector<16xi32>
      %add3A_642 = arith.addi %add3A_641, %mul3A_639 : vector<16xi32>
      %gather3A_643 = tpu.vector_load_idx %arg15[%add3A_481, %add3A_642] : memref<80x16xf32, #tpu.memory_space<vmem>>[vector<16xi32>, vector<16xi32>], vector<16xf32>,
      %add3A_644 = arith.constant 1 : i32
      %add3A_645 = vector.broadcast %add3A_644 : i32 to vector<16xi32>
      %add3A_646 = arith.addi %add3A_642, %add3A_645 : vector<16xi32>
      %gather3A_647 = tpu.vector_load_idx %arg15[%add3A_481, %add3A_646] : memref<80x16xf32, #tpu.memory_space<vmem>>[vector<16xi32>, vector<16xi32>], vector<16xf32>,
      %div3A = arith.divf %gather3A_643, %gather3A_647 : vector<16xf32>
      %abs3A = math.absf %div3A : vector<16xf32>
      %gt3A_648 = arith.constant 1.000000e+00 : f32
      %gt3A_649 = vector.broadcast %gt3A_648 : f32 to vector<16xf32>
      %gt3A_650 = arith.cmpf ogt, %abs3A, %gt3A_649 : vector<16xf32>
      %div3A_651 = arith.constant 1.000000e+00 : f32
      %div3A_652 = vector.broadcast %div3A_651 : f32 to vector<16xf32>
      %div3A_653 = arith.divf %div3A_652, %abs3A : vector<16xf32>
      %select_n3A_654 = arith.select %gt3A_650, %div3A_653, %abs3A : vector<16xi1>, vector<16xf32>
      %mul3A_655 = arith.mulf %select_n3A_654, %select_n3A_654 : vector<16xf32>
      %broadcast_in_dim3A_656 = arith.constant 2.083510e-02 : f32
      %broadcast_in_dim3A_657 = vector.broadcast %broadcast_in_dim3A_656 : f32 to vector<16xf32>
      %mul3A_658 = arith.mulf %broadcast_in_dim3A_657, %mul3A_655 : vector<16xf32>
      %add3A_659 = arith.constant -8.513300e-02 : f32
      %add3A_660 = vector.broadcast %add3A_659 : f32 to vector<16xf32>
      %add3A_661 = arith.addf %mul3A_658, %add3A_660 : vector<16xf32>
      %mul3A_662 = arith.mulf %add3A_661, %mul3A_655 : vector<16xf32>
      %add3A_663 = arith.constant 1.801410e-01 : f32
      %add3A_664 = vector.broadcast %add3A_663 : f32 to vector<16xf32>
      %add3A_665 = arith.addf %mul3A_662, %add3A_664 : vector<16xf32>
      %mul3A_666 = arith.mulf %add3A_665, %mul3A_655 : vector<16xf32>
      %add3A_667 = arith.constant -0.330299497 : f32
      %add3A_668 = vector.broadcast %add3A_667 : f32 to vector<16xf32>
      %add3A_669 = arith.addf %mul3A_666, %add3A_668 : vector<16xf32>
      %mul3A_670 = arith.mulf %add3A_669, %mul3A_655 : vector<16xf32>
      %add3A_671 = arith.constant 9.998660e-01 : f32
      %add3A_672 = vector.broadcast %add3A_671 : f32 to vector<16xf32>
      %add3A_673 = arith.addf %mul3A_670, %add3A_672 : vector<16xf32>
      %mul3A_674 = arith.mulf %add3A_673, %select_n3A_654 : vector<16xf32>
      %sub3A_675 = arith.constant 1.57079637 : f32
      %sub3A_676 = vector.broadcast %sub3A_675 : f32 to vector<16xf32>
      %sub3A_677 = arith.subf %sub3A_676, %mul3A_674 : vector<16xf32>
      %select_n3A_678 = arith.select %gt3A_650, %sub3A_677, %mul3A_674 : vector<16xi1>, vector<16xf32>
      %lt3A = arith.constant 0.000000e+00 : f32
      %lt3A_679 = vector.broadcast %lt3A : f32 to vector<16xf32>
      %lt3A_680 = arith.cmpf olt, %div3A, %lt3A_679 : vector<16xf32>
      %neg3A_681 = arith.constant 0.000000e+00 : f32
      %neg3A_682 = vector.broadcast %neg3A_681 : f32 to vector<16xf32>
      %neg3A_683 = arith.subf %neg3A_682, %select_n3A_678 : vector<16xf32>
      %select_n3A_684 = arith.select %lt3A_680, %neg3A_683, %select_n3A_678 : vector<16xi1>, vector<16xf32>
      %eq3A_685 = arith.constant 3 : i32
      %eq3A_686 = vector.broadcast %eq3A_685 : i32 to vector<16xi32>
      %eq3A_687 = arith.cmpi eq, %select_n3A_636, %eq3A_686 : vector<16xi32>
      %convert_element_type3A_688 = arith.sitofp %select_n3A_636 : vector<16xi32> to vector<16xf32>
      %mul3A_689 = arith.constant 1.57079637 : f32
      %mul3A_690 = vector.broadcast %mul3A_689 : f32 to vector<16xf32>
      %mul3A_691 = arith.mulf %convert_element_type3A_688, %mul3A_690 : vector<16xf32>
      %jit3A_692 = arith.constant -1.57079637 : f32
      %broadcast_in_dim3A_693 = vector.broadcast %jit3A_692 : f32 to vector<16xf32>
      %select_n3A_694 = arith.select %eq3A_687, %broadcast_in_dim3A_693, %mul3A_691 : vector<16xi1>, vector<16xf32>
      %add3A_695 = arith.addf %select_n3A_684, %select_n3A_694 : vector<16xf32>
      %gt3A_696 = arith.constant 3.14159274 : f32
      %gt3A_697 = vector.broadcast %gt3A_696 : f32 to vector<16xf32>
      %gt3A_698 = arith.cmpf ogt, %add3A_695, %gt3A_697 : vector<16xf32>
      %sub3A_699 = arith.constant 6.28318548 : f32
      %sub3A_700 = vector.broadcast %sub3A_699 : f32 to vector<16xf32>
      %sub3A_701 = arith.subf %add3A_695, %sub3A_700 : vector<16xf32>
      %select_n3A_702 = arith.select %gt3A_698, %sub3A_701, %add3A_695 : vector<16xi1>, vector<16xf32>
      %lt3A_703 = arith.constant -3.14159274 : f32
      %lt3A_704 = vector.broadcast %lt3A_703 : f32 to vector<16xf32>
      %lt3A_705 = arith.cmpf olt, %select_n3A_702, %lt3A_704 : vector<16xf32>
      %add3A_706 = arith.constant 6.28318548 : f32
      %add3A_707 = vector.broadcast %add3A_706 : f32 to vector<16xf32>
      %add3A_708 = arith.addf %select_n3A_702, %add3A_707 : vector<16xf32>
      %select_n3A_709 = arith.select %lt3A_705, %add3A_708, %select_n3A_702 : vector<16xi1>, vector<16xf32>
      %swap3A_710 = arith.index_cast %add3A_477 : i32 to index
      %swap3A_711 = tpu.vector_load %arg25[%swap3A_710] {strides = array<i32>} : memref<640xf32, #tpu.memory_space<vmem>>, vector<16xf32>,
      tpu.vector_store %arg25[%swap3A_710], %select_n3A_709 {strides = array<i32>} : memref<640xf32, #tpu.memory_space<vmem>>, vector<16xf32>,
    }
    %scan3A_182 = arith.constant 5 : i32
    %add3A_183 = arith.constant 160 : i32
    %add3A_184 = arith.addi %min3A_3, %add3A_183 : i32
    %dma_start3A_185 = arith.constant 0 : i32
    %dma_start3A_186 = tpu.memref_slice %arg8[%add3A_184, %dma_start3A_185] : memref<20000x4xf32, #tpu.memory_space<hbm>> -> memref<80x4xf32, #tpu.memory_space<hbm>>
    %dma_start3A_187 = arith.constant 0 : i32
    %dma_start3A_188 = tpu.memref_slice %arg8[%add3A_184, %dma_start3A_187] : memref<20000x4xf32, #tpu.memory_space<hbm>> -> memref<80x4xf32, #tpu.memory_space<hbm>>
    tpu.enqueue_dma source(%arg20 : memref<80x4xf32, #tpu.memory_space<vmem>>) target(%dma_start3A_188 : memref<80x4xf32, #tpu.memory_space<hbm>>) target_semaphore(%arg27 : memref<!tpu.dma_semaphore, #tpu.memory_space<semaphore_mem>>)
    %dma_start3A_189 = arith.constant 0 : i32
    %dma_start3A_190 = tpu.memref_slice %arg9[%add3A_184, %dma_start3A_189] : memref<20000x3xf32, #tpu.memory_space<hbm>> -> memref<80x3xf32, #tpu.memory_space<hbm>>
    %dma_start3A_191 = arith.constant 0 : i32
    %dma_start3A_192 = tpu.memref_slice %arg9[%add3A_184, %dma_start3A_191] : memref<20000x3xf32, #tpu.memory_space<hbm>> -> memref<80x3xf32, #tpu.memory_space<hbm>>
    tpu.enqueue_dma source(%arg21 : memref<80x3xf32, #tpu.memory_space<vmem>>) target(%dma_start3A_192 : memref<80x3xf32, #tpu.memory_space<hbm>>) target_semaphore(%arg27 : memref<!tpu.dma_semaphore, #tpu.memory_space<semaphore_mem>>)
    %add3A_193 = arith.constant 320 : i32
    %add3A_194 = arith.addi %min3A_3, %add3A_193 : i32
    %dma_start3A_195 = arith.constant 0 : i32
    %dma_start3A_196 = tpu.memref_slice %arg2[%add3A_194, %dma_start3A_195] : memref<20000x2xf32, #tpu.memory_space<hbm>> -> memref<80x2xf32, #tpu.memory_space<hbm>>
    %dma_start3A_197 = arith.constant 0 : i32
    %dma_start3A_198 = tpu.memref_slice %arg2[%add3A_194, %dma_start3A_197] : memref<20000x2xf32, #tpu.memory_space<hbm>> -> memref<80x2xf32, #tpu.memory_space<hbm>>
    tpu.enqueue_dma source(%dma_start3A_198 : memref<80x2xf32, #tpu.memory_space<hbm>>) target(%arg12 : memref<80x2xf32, #tpu.memory_space<vmem>>) target_semaphore(%arg26 : memref<!tpu.dma_semaphore, #tpu.memory_space<semaphore_mem>>)
    %dma_start3A_199 = arith.constant 0 : i32
    %dma_start3A_200 = tpu.memref_slice %arg3[%add3A_194, %dma_start3A_199] : memref<20000x4xf32, #tpu.memory_space<hbm>> -> memref<80x4xf32, #tpu.memory_space<hbm>>
    %dma_start3A_201 = arith.constant 0 : i32
    %dma_start3A_202 = tpu.memref_slice %arg3[%add3A_194, %dma_start3A_201] : memref<20000x4xf32, #tpu.memory_space<hbm>> -> memref<80x4xf32, #tpu.memory_space<hbm>>
    tpu.enqueue_dma source(%dma_start3A_202 : memref<80x4xf32, #tpu.memory_space<hbm>>) target(%arg13 : memref<80x4xf32, #tpu.memory_space<vmem>>) target_semaphore(%arg26 : memref<!tpu.dma_semaphore, #tpu.memory_space<semaphore_mem>>)
    %dma_start3A_203 = arith.constant 0 : i32
    %dma_start3A_204 = tpu.memref_slice %arg4[%add3A_194, %dma_start3A_203] : memref<20000x3xf32, #tpu.memory_space<hbm>> -> memref<80x3xf32, #tpu.memory_space<hbm>>
    %dma_start3A_205 = arith.constant 0 : i32
    %dma_start3A_206 = tpu.memref_slice %arg4[%add3A_194, %dma_start3A_205] : memref<20000x3xf32, #tpu.memory_space<hbm>> -> memref<80x3xf32, #tpu.memory_space<hbm>>
    tpu.enqueue_dma source(%dma_start3A_206 : memref<80x3xf32, #tpu.memory_space<hbm>>) target(%arg14 : memref<80x3xf32, #tpu.memory_space<vmem>>) target_semaphore(%arg26 : memref<!tpu.dma_semaphore, #tpu.memory_space<semaphore_mem>>)
    %dma_start3A_207 = arith.constant 0 : i32
    %dma_start3A_208 = tpu.memref_slice %arg6[%add3A_194, %dma_start3A_207] : memref<20000x16xf32, #tpu.memory_space<hbm>> -> memref<80x16xf32, #tpu.memory_space<hbm>>
    %dma_start3A_209 = arith.constant 0 : i32
    %dma_start3A_210 = tpu.memref_slice %arg6[%add3A_194, %dma_start3A_209] : memref<20000x16xf32, #tpu.memory_space<hbm>> -> memref<80x16xf32, #tpu.memory_space<hbm>>
    tpu.enqueue_dma source(%dma_start3A_210 : memref<80x16xf32, #tpu.memory_space<hbm>>) target(%arg15 : memref<80x16xf32, #tpu.memory_space<vmem>>) target_semaphore(%arg26 : memref<!tpu.dma_semaphore, #tpu.memory_space<semaphore_mem>>)
    %dma_wait3A_211 = arith.constant 0 : i32
    %dma_wait3A_212 = tpu.memref_slice %arg2[%add3A_136, %dma_wait3A_211] : memref<20000x2xf32, #tpu.memory_space<hbm>> -> memref<80x2xf32, #tpu.memory_space<hbm>>
    %dma_wait3A_213 = arith.constant 0 : i32
    %dma_wait3A_214 = tpu.memref_slice %arg2[%add3A_136, %dma_wait3A_213] : memref<20000x2xf32, #tpu.memory_space<hbm>> -> memref<80x2xf32, #tpu.memory_space<hbm>>
    tpu.wait_dma2 semaphore(%arg26 : memref<!tpu.dma_semaphore, #tpu.memory_space<semaphore_mem>>) src(%dma_wait3A_214 : memref<80x2xf32, #tpu.memory_space<hbm>>) dst(%arg16 : memref<80x2xf32, #tpu.memory_space<vmem>>)
    %dma_wait3A_215 = arith.constant 0 : i32
    %dma_wait3A_216 = tpu.memref_slice %arg3[%add3A_136, %dma_wait3A_215] : memref<20000x4xf32, #tpu.memory_space<hbm>> -> memref<80x4xf32, #tpu.memory_space<hbm>>
    %dma_wait3A_217 = arith.constant 0 : i32
    %dma_wait3A_218 = tpu.memref_slice %arg3[%add3A_136, %dma_wait3A_217] : memref<20000x4xf32, #tpu.memory_space<hbm>> -> memref<80x4xf32, #tpu.memory_space<hbm>>
    tpu.wait_dma2 semaphore(%arg26 : memref<!tpu.dma_semaphore, #tpu.memory_space<semaphore_mem>>) src(%dma_wait3A_218 : memref<80x4xf32, #tpu.memory_space<hbm>>) dst(%arg17 : memref<80x4xf32, #tpu.memory_space<vmem>>)
    %dma_wait3A_219 = arith.constant 0 : i32
    %dma_wait3A_220 = tpu.memref_slice %arg4[%add3A_136, %dma_wait3A_219] : memref<20000x3xf32, #tpu.memory_space<hbm>> -> memref<80x3xf32, #tpu.memory_space<hbm>>
    %dma_wait3A_221 = arith.constant 0 : i32
    %dma_wait3A_222 = tpu.memref_slice %arg4[%add3A_136, %dma_wait3A_221] : memref<20000x3xf32, #tpu.memory_space<hbm>> -> memref<80x3xf32, #tpu.memory_space<hbm>>
    tpu.wait_dma2 semaphore(%arg26 : memref<!tpu.dma_semaphore, #tpu.memory_space<semaphore_mem>>) src(%dma_wait3A_222 : memref<80x3xf32, #tpu.memory_space<hbm>>) dst(%arg18 : memref<80x3xf32, #tpu.memory_space<vmem>>)
    %dma_wait3A_223 = arith.constant 0 : i32
    %dma_wait3A_224 = tpu.memref_slice %arg6[%add3A_136, %dma_wait3A_223] : memref<20000x16xf32, #tpu.memory_space<hbm>> -> memref<80x16xf32, #tpu.memory_space<hbm>>
    %dma_wait3A_225 = arith.constant 0 : i32
    %dma_wait3A_226 = tpu.memref_slice %arg6[%add3A_136, %dma_wait3A_225] : memref<20000x16xf32, #tpu.memory_space<hbm>> -> memref<80x16xf32, #tpu.memory_space<hbm>>
    tpu.wait_dma2 semaphore(%arg26 : memref<!tpu.dma_semaphore, #tpu.memory_space<semaphore_mem>>) src(%dma_wait3A_226 : memref<80x16xf32, #tpu.memory_space<hbm>>) dst(%arg19 : memref<80x16xf32, #tpu.memory_space<vmem>>)
    %dma_wait3A_227 = arith.constant 0 : i32
    %dma_wait3A_228 = tpu.memref_slice %arg8[%add3A_184, %dma_wait3A_227] : memref<20000x4xf32, #tpu.memory_space<hbm>> -> memref<80x4xf32, #tpu.memory_space<hbm>>
    %dma_wait3A_229 = arith.constant 0 : i32
    %dma_wait3A_230 = tpu.memref_slice %arg8[%add3A_184, %dma_wait3A_229] : memref<20000x4xf32, #tpu.memory_space<hbm>> -> memref<80x4xf32, #tpu.memory_space<hbm>>
    tpu.wait_dma2 semaphore(%arg27 : memref<!tpu.dma_semaphore, #tpu.memory_space<semaphore_mem>>) src(%arg20 : memref<80x4xf32, #tpu.memory_space<vmem>>) dst(%dma_wait3A_230 : memref<80x4xf32, #tpu.memory_space<hbm>>)
    %dma_wait3A_231 = arith.constant 0 : i32
    %dma_wait3A_232 = tpu.memref_slice %arg9[%add3A_184, %dma_wait3A_231] : memref<20000x3xf32, #tpu.memory_space<hbm>> -> memref<80x3xf32, #tpu.memory_space<hbm>>
    %dma_wait3A_233 = arith.constant 0 : i32
    %dma_wait3A_234 = tpu.memref_slice %arg9[%add3A_184, %dma_wait3A_233] : memref<20000x3xf32, #tpu.memory_space<hbm>> -> memref<80x3xf32, #tpu.memory_space<hbm>>
    tpu.wait_dma2 semaphore(%arg27 : memref<!tpu.dma_semaphore, #tpu.memory_space<semaphore_mem>>) src(%arg21 : memref<80x3xf32, #tpu.memory_space<vmem>>) dst(%dma_wait3A_234 : memref<80x3xf32, #tpu.memory_space<hbm>>)
    %scan3A_235 = arith.constant 0 : i32
    %scan3A_236 = arith.constant 0 : i32
    %scan3A_237 = arith.constant 5 : i32
    %scan3A_238 = arith.addi %scan3A_236, %scan3A_237 : i32
    %scan3A_239 = arith.constant 1 : i32
    scf.for %scan3A_473 = %scan3A_236 to %scan3A_238 step %scan3A_239  : i32 {
      %mul3A_474 = arith.constant 16 : i32
      %mul3A_475 = arith.muli %scan3A_473, %mul3A_474 : i32
      %add3A_476 = arith.constant 240 : i32
      %add3A_477 = arith.addi %add3A_476, %mul3A_475 : i32
      %mul3A_478 = arith.constant 16 : i32
      %mul3A_479 = arith.muli %scan3A_473, %mul3A_478 : i32
      %add3A_480 = vector.broadcast %mul3A_479 : i32 to vector<16xi32>
      %add3A_481 = arith.addi %add3A_480, %iota3A : vector<16xi32>
      %broadcast_in_dim3A = arith.constant 0 : i32
      %broadcast_in_dim3A_482 = vector.broadcast %broadcast_in_dim3A : i32 to vector<16xi32>
      %gather3A = tpu.vector_load_idx %arg16[%add3A_481, %broadcast_in_dim3A_482] : memref<80x2xf32, #tpu.memory_space<vmem>>[vector<16xi32>, vector<16xi32>], vector<16xf32>,
      %broadcast_in_dim3A_483 = arith.constant 1 : i32
      %broadcast_in_dim3A_484 = vector.broadcast %broadcast_in_dim3A_483 : i32 to vector<16xi32>
      %gather3A_485 = tpu.vector_load_idx %arg16[%add3A_481, %broadcast_in_dim3A_484] : memref<80x2xf32, #tpu.memory_space<vmem>>[vector<16xi32>, vector<16xi32>], vector<16xf32>,
      %broadcast_in_dim3A_486 = arith.constant 0 : i32
      %broadcast_in_dim3A_487 = vector.broadcast %broadcast_in_dim3A_486 : i32 to vector<16xi32>
      %gather3A_488 = tpu.vector_load_idx %arg17[%add3A_481, %broadcast_in_dim3A_487] : memref<80x4xf32, #tpu.memory_space<vmem>>[vector<16xi32>, vector<16xi32>], vector<16xf32>,
      %sub3A = arith.subf %gather3A, %gather3A_488 : vector<16xf32>
      %mul3A_489 = arith.constant 4.000000e+00 : f32
      %mul3A_490 = vector.broadcast %mul3A_489 : f32 to vector<16xf32>
      %mul3A_491 = arith.mulf %sub3A, %mul3A_490 : vector<16xf32>
      %broadcast_in_dim3A_492 = arith.constant 1 : i32
      %broadcast_in_dim3A_493 = vector.broadcast %broadcast_in_dim3A_492 : i32 to vector<16xi32>
      %gather3A_494 = tpu.vector_load_idx %arg17[%add3A_481, %broadcast_in_dim3A_493] : memref<80x4xf32, #tpu.memory_space<vmem>>[vector<16xi32>, vector<16xi32>], vector<16xf32>,
      %sub3A_495 = arith.subf %gather3A_485, %gather3A_494 : vector<16xf32>
      %mul3A_496 = arith.constant 4.000000e+00 : f32
      %mul3A_497 = vector.broadcast %mul3A_496 : f32 to vector<16xf32>
      %mul3A_498 = arith.mulf %sub3A_495, %mul3A_497 : vector<16xf32>
      %broadcast_in_dim3A_499 = arith.constant 2 : i32
      %broadcast_in_dim3A_500 = vector.broadcast %broadcast_in_dim3A_499 : i32 to vector<16xi32>
      %gather3A_501 = tpu.vector_load_idx %arg17[%add3A_481, %broadcast_in_dim3A_500] : memref<80x4xf32, #tpu.memory_space<vmem>>[vector<16xi32>, vector<16xi32>], vector<16xf32>,
      %add3A_502 = arith.addf %gather3A, %gather3A_501 : vector<16xf32>
      %mul3A_503 = arith.constant 4.000000e+00 : f32
      %mul3A_504 = vector.broadcast %mul3A_503 : f32 to vector<16xf32>
      %mul3A_505 = arith.mulf %add3A_502, %mul3A_504 : vector<16xf32>
      %broadcast_in_dim3A_506 = arith.constant 3 : i32
      %broadcast_in_dim3A_507 = vector.broadcast %broadcast_in_dim3A_506 : i32 to vector<16xi32>
      %gather3A_508 = tpu.vector_load_idx %arg17[%add3A_481, %broadcast_in_dim3A_507] : memref<80x4xf32, #tpu.memory_space<vmem>>[vector<16xi32>, vector<16xi32>], vector<16xf32>,
      %add3A_509 = arith.addf %gather3A_485, %gather3A_508 : vector<16xf32>
      %mul3A_510 = arith.constant 4.000000e+00 : f32
      %mul3A_511 = vector.broadcast %mul3A_510 : f32 to vector<16xf32>
      %mul3A_512 = arith.mulf %add3A_509, %mul3A_511 : vector<16xf32>
      %jit3A = arith.constant 0.000000e+00 : f32
      %jit3A_513 = arith.constant 1280 : i32
      %max3A = vector.broadcast %jit3A : f32 to vector<16xf32>
      %max3A_514 = arith.maximumf %max3A, %mul3A_491 : vector<16xf32>
      %convert_element_type3A = arith.sitofp %jit3A_513 : i32 to f32
      %min3A_515 = vector.broadcast %convert_element_type3A : f32 to vector<16xf32>
      %min3A_516 = arith.minimumf %min3A_515, %max3A_514 : vector<16xf32>
      %broadcast_in_dim3A_517 = arith.constant 0 : i32
      %broadcast_in_dim3A_518 = vector.broadcast %broadcast_in_dim3A_517 : i32 to vector<16xi32>
      tpu.vector_store_idx %arg20[%add3A_481, %broadcast_in_dim3A_518], %min3A_516 : memref<80x4xf32, #tpu.memory_space<vmem>>[vector<16xi32>, vector<16xi32>], vector<16xf32>,
      %jit3A_519 = arith.constant 0.000000e+00 : f32
      %jit3A_520 = arith.constant 384 : i32
      %max3A_521 = vector.broadcast %jit3A_519 : f32 to vector<16xf32>
      %max3A_522 = arith.maximumf %max3A_521, %mul3A_498 : vector<16xf32>
      %convert_element_type3A_523 = arith.sitofp %jit3A_520 : i32 to f32
      %min3A_524 = vector.broadcast %convert_element_type3A_523 : f32 to vector<16xf32>
      %min3A_525 = arith.minimumf %min3A_524, %max3A_522 : vector<16xf32>
      %broadcast_in_dim3A_526 = arith.constant 1 : i32
      %broadcast_in_dim3A_527 = vector.broadcast %broadcast_in_dim3A_526 : i32 to vector<16xi32>
      tpu.vector_store_idx %arg20[%add3A_481, %broadcast_in_dim3A_527], %min3A_525 : memref<80x4xf32, #tpu.memory_space<vmem>>[vector<16xi32>, vector<16xi32>], vector<16xf32>,
      %broadcast_in_dim3A_528 = arith.constant 2 : i32
      %broadcast_in_dim3A_529 = vector.broadcast %broadcast_in_dim3A_528 : i32 to vector<16xi32>
      tpu.vector_store_idx %arg20[%add3A_481, %broadcast_in_dim3A_529], %mul3A_505 : memref<80x4xf32, #tpu.memory_space<vmem>>[vector<16xi32>, vector<16xi32>], vector<16xf32>,
      %broadcast_in_dim3A_530 = arith.constant 3 : i32
      %broadcast_in_dim3A_531 = vector.broadcast %broadcast_in_dim3A_530 : i32 to vector<16xi32>
      tpu.vector_store_idx %arg20[%add3A_481, %broadcast_in_dim3A_531], %mul3A_512 : memref<80x4xf32, #tpu.memory_space<vmem>>[vector<16xi32>, vector<16xi32>], vector<16xf32>,
      %get3A = arith.index_cast %add3A_477 : i32 to index
      %get3A_532 = tpu.vector_load %arg23[%get3A] {strides = array<i32>} : memref<640xi32, #tpu.memory_space<vmem>>, vector<16xi32>,
      %eq3A = arith.constant 0 : i32
      %eq3A_533 = vector.broadcast %eq3A : i32 to vector<16xi32>
      %eq3A_534 = arith.cmpi eq, %get3A_532, %eq3A_533 : vector<16xi32>
      %eq3A_535 = arith.constant 1 : i32
      %eq3A_536 = vector.broadcast %eq3A_535 : i32 to vector<16xi32>
      %eq3A_537 = arith.cmpi eq, %get3A_532, %eq3A_536 : vector<16xi32>
      %jit3A_538 = arith.constant 0.919867455 : f32
      %jit3A_539 = arith.constant 1.7865274 : f32
      %broadcast_in_dim3A_540 = vector.broadcast %jit3A_538 : f32 to vector<16xf32>
      %broadcast_in_dim3A_541 = vector.broadcast %jit3A_539 : f32 to vector<16xf32>
      %select_n3A = arith.select %eq3A_537, %broadcast_in_dim3A_540, %broadcast_in_dim3A_541 : vector<16xi1>, vector<16xf32>
      %jit3A_542 = arith.constant 4.83899879 : f32
      %broadcast_in_dim3A_543 = vector.broadcast %jit3A_542 : f32 to vector<16xf32>
      %select_n3A_544 = arith.select %eq3A_534, %broadcast_in_dim3A_543, %select_n3A : vector<16xi1>, vector<16xf32>
      %broadcast_in_dim3A_545 = arith.constant 0 : i32
      %broadcast_in_dim3A_546 = vector.broadcast %broadcast_in_dim3A_545 : i32 to vector<16xi32>
      %gather3A_547 = tpu.vector_load_idx %arg18[%add3A_481, %broadcast_in_dim3A_546] : memref<80x3xf32, #tpu.memory_space<vmem>>[vector<16xi32>, vector<16xi32>], vector<16xf32>,
      %exp3A = math.exp %gather3A_547 : vector<16xf32>
      %mul3A_548 = arith.mulf %exp3A, %select_n3A_544 : vector<16xf32>
      %broadcast_in_dim3A_549 = arith.constant 0 : i32
      %broadcast_in_dim3A_550 = vector.broadcast %broadcast_in_dim3A_549 : i32 to vector<16xi32>
      tpu.vector_store_idx %arg21[%add3A_481, %broadcast_in_dim3A_550], %mul3A_548 : memref<80x3xf32, #tpu.memory_space<vmem>>[vector<16xi32>, vector<16xi32>], vector<16xf32>,
      %jit3A_551 = arith.constant 1.75302339 : f32
      %jit3A_552 = arith.constant 1.76500988 : f32
      %broadcast_in_dim3A_553 = vector.broadcast %jit3A_551 : f32 to vector<16xf32>
      %broadcast_in_dim3A_554 = vector.broadcast %jit3A_552 : f32 to vector<16xf32>
      %select_n3A_555 = arith.select %eq3A_537, %broadcast_in_dim3A_553, %broadcast_in_dim3A_554 : vector<16xi1>, vector<16xf32>
      %jit3A_556 = arith.constant 1.80778956 : f32
      %broadcast_in_dim3A_557 = vector.broadcast %jit3A_556 : f32 to vector<16xf32>
      %select_n3A_558 = arith.select %eq3A_534, %broadcast_in_dim3A_557, %select_n3A_555 : vector<16xi1>, vector<16xf32>
      %broadcast_in_dim3A_559 = arith.constant 1 : i32
      %broadcast_in_dim3A_560 = vector.broadcast %broadcast_in_dim3A_559 : i32 to vector<16xi32>
      %gather3A_561 = tpu.vector_load_idx %arg18[%add3A_481, %broadcast_in_dim3A_560] : memref<80x3xf32, #tpu.memory_space<vmem>>[vector<16xi32>, vector<16xi32>], vector<16xf32>,
      %exp3A_562 = math.exp %gather3A_561 : vector<16xf32>
      %mul3A_563 = arith.mulf %exp3A_562, %select_n3A_558 : vector<16xf32>
      %broadcast_in_dim3A_564 = arith.constant 1 : i32
      %broadcast_in_dim3A_565 = vector.broadcast %broadcast_in_dim3A_564 : i32 to vector<16xi32>
      tpu.vector_store_idx %arg21[%add3A_481, %broadcast_in_dim3A_565], %mul3A_563 : memref<80x3xf32, #tpu.memory_space<vmem>>[vector<16xi32>, vector<16xi32>], vector<16xf32>,
      %jit3A_566 = arith.constant 0.862208068 : f32
      %jit3A_567 = arith.constant 0.833956241 : f32
      %broadcast_in_dim3A_568 = vector.broadcast %jit3A_566 : f32 to vector<16xf32>
      %broadcast_in_dim3A_569 = vector.broadcast %jit3A_567 : f32 to vector<16xf32>
      %select_n3A_570 = arith.select %eq3A_537, %broadcast_in_dim3A_568, %broadcast_in_dim3A_569 : vector<16xi1>, vector<16xf32>
      %jit3A_571 = arith.constant 2.11565804 : f32
      %broadcast_in_dim3A_572 = vector.broadcast %jit3A_571 : f32 to vector<16xf32>
      %select_n3A_573 = arith.select %eq3A_534, %broadcast_in_dim3A_572, %select_n3A_570 : vector<16xi1>, vector<16xf32>
      %broadcast_in_dim3A_574 = arith.constant 2 : i32
      %broadcast_in_dim3A_575 = vector.broadcast %broadcast_in_dim3A_574 : i32 to vector<16xi32>
      %gather3A_576 = tpu.vector_load_idx %arg18[%add3A_481, %broadcast_in_dim3A_575] : memref<80x3xf32, #tpu.memory_space<vmem>>[vector<16xi32>, vector<16xi32>], vector<16xf32>,
      %exp3A_577 = math.exp %gather3A_576 : vector<16xf32>
      %mul3A_578 = arith.mulf %exp3A_577, %select_n3A_573 : vector<16xf32>
      %broadcast_in_dim3A_579 = arith.constant 2 : i32
      %broadcast_in_dim3A_580 = vector.broadcast %broadcast_in_dim3A_579 : i32 to vector<16xi32>
      tpu.vector_store_idx %arg21[%add3A_481, %broadcast_in_dim3A_580], %mul3A_578 : memref<80x3xf32, #tpu.memory_space<vmem>>[vector<16xi32>, vector<16xi32>], vector<16xf32>,
      %get3A_581 = arith.index_cast %add3A_477 : i32 to index
      %get3A_582 = tpu.vector_load %arg22[%get3A_581] {strides = array<i32>} : memref<640xf32, #tpu.memory_space<vmem>>, vector<16xf32>,
      %neg3A = arith.constant 0.000000e+00 : f32
      %neg3A_583 = vector.broadcast %neg3A : f32 to vector<16xf32>
      %neg3A_584 = arith.subf %neg3A_583, %get3A_582 : vector<16xf32>
      %exp3A_585 = math.exp %neg3A_584 : vector<16xf32>
      %jit3A_586 = arith.constant 1.000000e-01 : f32
      %jit3A_587 = arith.constant 1.000000e+02 : f32
      %max3A_588 = vector.broadcast %jit3A_586 : f32 to vector<16xf32>
      %max3A_589 = arith.maximumf %max3A_588, %exp3A_585 : vector<16xf32>
      %min3A_590 = vector.broadcast %jit3A_587 : f32 to vector<16xf32>
      %min3A_591 = arith.minimumf %min3A_590, %max3A_589 : vector<16xf32>
      %swap3A = arith.index_cast %add3A_477 : i32 to index
      %swap3A_592 = tpu.vector_load %arg24[%swap3A] {strides = array<i32>} : memref<640xf32, #tpu.memory_space<vmem>>, vector<16xf32>,
      tpu.vector_store %arg24[%swap3A], %min3A_591 {strides = array<i32>} : memref<640xf32, #tpu.memory_space<vmem>>, vector<16xf32>,
      %broadcast_in_dim3A_593 = arith.constant 1 : i32
      %broadcast_in_dim3A_594 = vector.broadcast %broadcast_in_dim3A_593 : i32 to vector<16xi32>
      %gather3A_595 = tpu.vector_load_idx %arg19[%add3A_481, %broadcast_in_dim3A_594] : memref<80x16xf32, #tpu.memory_space<vmem>>[vector<16xi32>, vector<16xi32>], vector<16xf32>,
      %broadcast_in_dim3A_596 = arith.constant 0 : i32
      %broadcast_in_dim3A_597 = vector.broadcast %broadcast_in_dim3A_596 : i32 to vector<16xi32>
      %gather3A_598 = tpu.vector_load_idx %arg19[%add3A_481, %broadcast_in_dim3A_597] : memref<80x16xf32, #tpu.memory_space<vmem>>[vector<16xi32>, vector<16xi32>], vector<16xf32>,
      %sub3A_599 = arith.subf %gather3A_595, %gather3A_598 : vector<16xf32>
      %broadcast_in_dim3A_600 = arith.constant 0 : i32
      %broadcast_in_dim3A_601 = vector.broadcast %broadcast_in_dim3A_600 : i32 to vector<16xi32>
      %broadcast_in_dim3A_602 = arith.constant 3 : i32
      %broadcast_in_dim3A_603 = vector.broadcast %broadcast_in_dim3A_602 : i32 to vector<16xi32>
      %gather3A_604 = tpu.vector_load_idx %arg19[%add3A_481, %broadcast_in_dim3A_603] : memref<80x16xf32, #tpu.memory_space<vmem>>[vector<16xi32>, vector<16xi32>], vector<16xf32>,
      %broadcast_in_dim3A_605 = arith.constant 2 : i32
      %broadcast_in_dim3A_606 = vector.broadcast %broadcast_in_dim3A_605 : i32 to vector<16xi32>
      %gather3A_607 = tpu.vector_load_idx %arg19[%add3A_481, %broadcast_in_dim3A_606] : memref<80x16xf32, #tpu.memory_space<vmem>>[vector<16xi32>, vector<16xi32>], vector<16xf32>,
      %sub3A_608 = arith.subf %gather3A_604, %gather3A_607 : vector<16xf32>
      %gt3A = arith.cmpf ogt, %sub3A_608, %sub3A_599 : vector<16xf32>
      %select_n3A_609 = arith.select %gt3A, %sub3A_608, %sub3A_599 : vector<16xi1>, vector<16xf32>
      %jit3A_610 = arith.constant 1 : i32
      %broadcast_in_dim3A_611 = vector.broadcast %jit3A_610 : i32 to vector<16xi32>
      %select_n3A_612 = arith.select %gt3A, %broadcast_in_dim3A_611, %broadcast_in_dim3A_601 : vector<16xi1>, vector<16xi32>
      %broadcast_in_dim3A_613 = arith.constant 5 : i32
      %broadcast_in_dim3A_614 = vector.broadcast %broadcast_in_dim3A_613 : i32 to vector<16xi32>
      %gather3A_615 = tpu.vector_load_idx %arg19[%add3A_481, %broadcast_in_dim3A_614] : memref<80x16xf32, #tpu.memory_space<vmem>>[vector<16xi32>, vector<16xi32>], vector<16xf32>,
      %broadcast_in_dim3A_616 = arith.constant 4 : i32
      %broadcast_in_dim3A_617 = vector.broadcast %broadcast_in_dim3A_616 : i32 to vector<16xi32>
      %gather3A_618 = tpu.vector_load_idx %arg19[%add3A_481, %broadcast_in_dim3A_617] : memref<80x16xf32, #tpu.memory_space<vmem>>[vector<16xi32>, vector<16xi32>], vector<16xf32>,
      %sub3A_619 = arith.subf %gather3A_615, %gather3A_618 : vector<16xf32>
      %gt3A_620 = arith.cmpf ogt, %sub3A_619, %select_n3A_609 : vector<16xf32>
      %select_n3A_621 = arith.select %gt3A_620, %sub3A_619, %select_n3A_609 : vector<16xi1>, vector<16xf32>
      %jit3A_622 = arith.constant 2 : i32
      %broadcast_in_dim3A_623 = vector.broadcast %jit3A_622 : i32 to vector<16xi32>
      %select_n3A_624 = arith.select %gt3A_620, %broadcast_in_dim3A_623, %select_n3A_612 : vector<16xi1>, vector<16xi32>
      %broadcast_in_dim3A_625 = arith.constant 7 : i32
      %broadcast_in_dim3A_626 = vector.broadcast %broadcast_in_dim3A_625 : i32 to vector<16xi32>
      %gather3A_627 = tpu.vector_load_idx %arg19[%add3A_481, %broadcast_in_dim3A_626] : memref<80x16xf32, #tpu.memory_space<vmem>>[vector<16xi32>, vector<16xi32>], vector<16xf32>,
      %broadcast_in_dim3A_628 = arith.constant 6 : i32
      %broadcast_in_dim3A_629 = vector.broadcast %broadcast_in_dim3A_628 : i32 to vector<16xi32>
      %gather3A_630 = tpu.vector_load_idx %arg19[%add3A_481, %broadcast_in_dim3A_629] : memref<80x16xf32, #tpu.memory_space<vmem>>[vector<16xi32>, vector<16xi32>], vector<16xf32>,
      %sub3A_631 = arith.subf %gather3A_627, %gather3A_630 : vector<16xf32>
      %gt3A_632 = arith.cmpf ogt, %sub3A_631, %select_n3A_621 : vector<16xf32>
      %select_n3A_633 = arith.select %gt3A_632, %sub3A_631, %select_n3A_621 : vector<16xi1>, vector<16xf32>
      %jit3A_634 = arith.constant 3 : i32
      %broadcast_in_dim3A_635 = vector.broadcast %jit3A_634 : i32 to vector<16xi32>
      %select_n3A_636 = arith.select %gt3A_632, %broadcast_in_dim3A_635, %select_n3A_624 : vector<16xi1>, vector<16xi32>
      %mul3A_637 = arith.constant 2 : i32
      %mul3A_638 = vector.broadcast %mul3A_637 : i32 to vector<16xi32>
      %mul3A_639 = arith.muli %mul3A_638, %select_n3A_636 : vector<16xi32>
      %add3A_640 = arith.constant 8 : i32
      %add3A_641 = vector.broadcast %add3A_640 : i32 to vector<16xi32>
      %add3A_642 = arith.addi %add3A_641, %mul3A_639 : vector<16xi32>
      %gather3A_643 = tpu.vector_load_idx %arg19[%add3A_481, %add3A_642] : memref<80x16xf32, #tpu.memory_space<vmem>>[vector<16xi32>, vector<16xi32>], vector<16xf32>,
      %add3A_644 = arith.constant 1 : i32
      %add3A_645 = vector.broadcast %add3A_644 : i32 to vector<16xi32>
      %add3A_646 = arith.addi %add3A_642, %add3A_645 : vector<16xi32>
      %gather3A_647 = tpu.vector_load_idx %arg19[%add3A_481, %add3A_646] : memref<80x16xf32, #tpu.memory_space<vmem>>[vector<16xi32>, vector<16xi32>], vector<16xf32>,
      %div3A = arith.divf %gather3A_643, %gather3A_647 : vector<16xf32>
      %abs3A = math.absf %div3A : vector<16xf32>
      %gt3A_648 = arith.constant 1.000000e+00 : f32
      %gt3A_649 = vector.broadcast %gt3A_648 : f32 to vector<16xf32>
      %gt3A_650 = arith.cmpf ogt, %abs3A, %gt3A_649 : vector<16xf32>
      %div3A_651 = arith.constant 1.000000e+00 : f32
      %div3A_652 = vector.broadcast %div3A_651 : f32 to vector<16xf32>
      %div3A_653 = arith.divf %div3A_652, %abs3A : vector<16xf32>
      %select_n3A_654 = arith.select %gt3A_650, %div3A_653, %abs3A : vector<16xi1>, vector<16xf32>
      %mul3A_655 = arith.mulf %select_n3A_654, %select_n3A_654 : vector<16xf32>
      %broadcast_in_dim3A_656 = arith.constant 2.083510e-02 : f32
      %broadcast_in_dim3A_657 = vector.broadcast %broadcast_in_dim3A_656 : f32 to vector<16xf32>
      %mul3A_658 = arith.mulf %broadcast_in_dim3A_657, %mul3A_655 : vector<16xf32>
      %add3A_659 = arith.constant -8.513300e-02 : f32
      %add3A_660 = vector.broadcast %add3A_659 : f32 to vector<16xf32>
      %add3A_661 = arith.addf %mul3A_658, %add3A_660 : vector<16xf32>
      %mul3A_662 = arith.mulf %add3A_661, %mul3A_655 : vector<16xf32>
      %add3A_663 = arith.constant 1.801410e-01 : f32
      %add3A_664 = vector.broadcast %add3A_663 : f32 to vector<16xf32>
      %add3A_665 = arith.addf %mul3A_662, %add3A_664 : vector<16xf32>
      %mul3A_666 = arith.mulf %add3A_665, %mul3A_655 : vector<16xf32>
      %add3A_667 = arith.constant -0.330299497 : f32
      %add3A_668 = vector.broadcast %add3A_667 : f32 to vector<16xf32>
      %add3A_669 = arith.addf %mul3A_666, %add3A_668 : vector<16xf32>
      %mul3A_670 = arith.mulf %add3A_669, %mul3A_655 : vector<16xf32>
      %add3A_671 = arith.constant 9.998660e-01 : f32
      %add3A_672 = vector.broadcast %add3A_671 : f32 to vector<16xf32>
      %add3A_673 = arith.addf %mul3A_670, %add3A_672 : vector<16xf32>
      %mul3A_674 = arith.mulf %add3A_673, %select_n3A_654 : vector<16xf32>
      %sub3A_675 = arith.constant 1.57079637 : f32
      %sub3A_676 = vector.broadcast %sub3A_675 : f32 to vector<16xf32>
      %sub3A_677 = arith.subf %sub3A_676, %mul3A_674 : vector<16xf32>
      %select_n3A_678 = arith.select %gt3A_650, %sub3A_677, %mul3A_674 : vector<16xi1>, vector<16xf32>
      %lt3A = arith.constant 0.000000e+00 : f32
      %lt3A_679 = vector.broadcast %lt3A : f32 to vector<16xf32>
      %lt3A_680 = arith.cmpf olt, %div3A, %lt3A_679 : vector<16xf32>
      %neg3A_681 = arith.constant 0.000000e+00 : f32
      %neg3A_682 = vector.broadcast %neg3A_681 : f32 to vector<16xf32>
      %neg3A_683 = arith.subf %neg3A_682, %select_n3A_678 : vector<16xf32>
      %select_n3A_684 = arith.select %lt3A_680, %neg3A_683, %select_n3A_678 : vector<16xi1>, vector<16xf32>
      %eq3A_685 = arith.constant 3 : i32
      %eq3A_686 = vector.broadcast %eq3A_685 : i32 to vector<16xi32>
      %eq3A_687 = arith.cmpi eq, %select_n3A_636, %eq3A_686 : vector<16xi32>
      %convert_element_type3A_688 = arith.sitofp %select_n3A_636 : vector<16xi32> to vector<16xf32>
      %mul3A_689 = arith.constant 1.57079637 : f32
      %mul3A_690 = vector.broadcast %mul3A_689 : f32 to vector<16xf32>
      %mul3A_691 = arith.mulf %convert_element_type3A_688, %mul3A_690 : vector<16xf32>
      %jit3A_692 = arith.constant -1.57079637 : f32
      %broadcast_in_dim3A_693 = vector.broadcast %jit3A_692 : f32 to vector<16xf32>
      %select_n3A_694 = arith.select %eq3A_687, %broadcast_in_dim3A_693, %mul3A_691 : vector<16xi1>, vector<16xf32>
      %add3A_695 = arith.addf %select_n3A_684, %select_n3A_694 : vector<16xf32>
      %gt3A_696 = arith.constant 3.14159274 : f32
      %gt3A_697 = vector.broadcast %gt3A_696 : f32 to vector<16xf32>
      %gt3A_698 = arith.cmpf ogt, %add3A_695, %gt3A_697 : vector<16xf32>
      %sub3A_699 = arith.constant 6.28318548 : f32
      %sub3A_700 = vector.broadcast %sub3A_699 : f32 to vector<16xf32>
      %sub3A_701 = arith.subf %add3A_695, %sub3A_700 : vector<16xf32>
      %select_n3A_702 = arith.select %gt3A_698, %sub3A_701, %add3A_695 : vector<16xi1>, vector<16xf32>
      %lt3A_703 = arith.constant -3.14159274 : f32
      %lt3A_704 = vector.broadcast %lt3A_703 : f32 to vector<16xf32>
      %lt3A_705 = arith.cmpf olt, %select_n3A_702, %lt3A_704 : vector<16xf32>
      %add3A_706 = arith.constant 6.28318548 : f32
      %add3A_707 = vector.broadcast %add3A_706 : f32 to vector<16xf32>
      %add3A_708 = arith.addf %select_n3A_702, %add3A_707 : vector<16xf32>
      %select_n3A_709 = arith.select %lt3A_705, %add3A_708, %select_n3A_702 : vector<16xi1>, vector<16xf32>
      %swap3A_710 = arith.index_cast %add3A_477 : i32 to index
      %swap3A_711 = tpu.vector_load %arg25[%swap3A_710] {strides = array<i32>} : memref<640xf32, #tpu.memory_space<vmem>>, vector<16xf32>,
      tpu.vector_store %arg25[%swap3A_710], %select_n3A_709 {strides = array<i32>} : memref<640xf32, #tpu.memory_space<vmem>>, vector<16xf32>,
    }
    %scan3A_240 = arith.constant 5 : i32
    %add3A_241 = arith.constant 240 : i32
    %add3A_242 = arith.addi %min3A_3, %add3A_241 : i32
    %dma_start3A_243 = arith.constant 0 : i32
    %dma_start3A_244 = tpu.memref_slice %arg8[%add3A_242, %dma_start3A_243] : memref<20000x4xf32, #tpu.memory_space<hbm>> -> memref<80x4xf32, #tpu.memory_space<hbm>>
    %dma_start3A_245 = arith.constant 0 : i32
    %dma_start3A_246 = tpu.memref_slice %arg8[%add3A_242, %dma_start3A_245] : memref<20000x4xf32, #tpu.memory_space<hbm>> -> memref<80x4xf32, #tpu.memory_space<hbm>>
    tpu.enqueue_dma source(%arg20 : memref<80x4xf32, #tpu.memory_space<vmem>>) target(%dma_start3A_246 : memref<80x4xf32, #tpu.memory_space<hbm>>) target_semaphore(%arg27 : memref<!tpu.dma_semaphore, #tpu.memory_space<semaphore_mem>>)
    %dma_start3A_247 = arith.constant 0 : i32
    %dma_start3A_248 = tpu.memref_slice %arg9[%add3A_242, %dma_start3A_247] : memref<20000x3xf32, #tpu.memory_space<hbm>> -> memref<80x3xf32, #tpu.memory_space<hbm>>
    %dma_start3A_249 = arith.constant 0 : i32
    %dma_start3A_250 = tpu.memref_slice %arg9[%add3A_242, %dma_start3A_249] : memref<20000x3xf32, #tpu.memory_space<hbm>> -> memref<80x3xf32, #tpu.memory_space<hbm>>
    tpu.enqueue_dma source(%arg21 : memref<80x3xf32, #tpu.memory_space<vmem>>) target(%dma_start3A_250 : memref<80x3xf32, #tpu.memory_space<hbm>>) target_semaphore(%arg27 : memref<!tpu.dma_semaphore, #tpu.memory_space<semaphore_mem>>)
    %add3A_251 = arith.constant 400 : i32
    %add3A_252 = arith.addi %min3A_3, %add3A_251 : i32
    %dma_start3A_253 = arith.constant 0 : i32
    %dma_start3A_254 = tpu.memref_slice %arg2[%add3A_252, %dma_start3A_253] : memref<20000x2xf32, #tpu.memory_space<hbm>> -> memref<80x2xf32, #tpu.memory_space<hbm>>
    %dma_start3A_255 = arith.constant 0 : i32
    %dma_start3A_256 = tpu.memref_slice %arg2[%add3A_252, %dma_start3A_255] : memref<20000x2xf32, #tpu.memory_space<hbm>> -> memref<80x2xf32, #tpu.memory_space<hbm>>
    tpu.enqueue_dma source(%dma_start3A_256 : memref<80x2xf32, #tpu.memory_space<hbm>>) target(%arg16 : memref<80x2xf32, #tpu.memory_space<vmem>>) target_semaphore(%arg26 : memref<!tpu.dma_semaphore, #tpu.memory_space<semaphore_mem>>)
    %dma_start3A_257 = arith.constant 0 : i32
    %dma_start3A_258 = tpu.memref_slice %arg3[%add3A_252, %dma_start3A_257] : memref<20000x4xf32, #tpu.memory_space<hbm>> -> memref<80x4xf32, #tpu.memory_space<hbm>>
    %dma_start3A_259 = arith.constant 0 : i32
    %dma_start3A_260 = tpu.memref_slice %arg3[%add3A_252, %dma_start3A_259] : memref<20000x4xf32, #tpu.memory_space<hbm>> -> memref<80x4xf32, #tpu.memory_space<hbm>>
    tpu.enqueue_dma source(%dma_start3A_260 : memref<80x4xf32, #tpu.memory_space<hbm>>) target(%arg17 : memref<80x4xf32, #tpu.memory_space<vmem>>) target_semaphore(%arg26 : memref<!tpu.dma_semaphore, #tpu.memory_space<semaphore_mem>>)
    %dma_start3A_261 = arith.constant 0 : i32
    %dma_start3A_262 = tpu.memref_slice %arg4[%add3A_252, %dma_start3A_261] : memref<20000x3xf32, #tpu.memory_space<hbm>> -> memref<80x3xf32, #tpu.memory_space<hbm>>
    %dma_start3A_263 = arith.constant 0 : i32
    %dma_start3A_264 = tpu.memref_slice %arg4[%add3A_252, %dma_start3A_263] : memref<20000x3xf32, #tpu.memory_space<hbm>> -> memref<80x3xf32, #tpu.memory_space<hbm>>
    tpu.enqueue_dma source(%dma_start3A_264 : memref<80x3xf32, #tpu.memory_space<hbm>>) target(%arg18 : memref<80x3xf32, #tpu.memory_space<vmem>>) target_semaphore(%arg26 : memref<!tpu.dma_semaphore, #tpu.memory_space<semaphore_mem>>)
    %dma_start3A_265 = arith.constant 0 : i32
    %dma_start3A_266 = tpu.memref_slice %arg6[%add3A_252, %dma_start3A_265] : memref<20000x16xf32, #tpu.memory_space<hbm>> -> memref<80x16xf32, #tpu.memory_space<hbm>>
    %dma_start3A_267 = arith.constant 0 : i32
    %dma_start3A_268 = tpu.memref_slice %arg6[%add3A_252, %dma_start3A_267] : memref<20000x16xf32, #tpu.memory_space<hbm>> -> memref<80x16xf32, #tpu.memory_space<hbm>>
    tpu.enqueue_dma source(%dma_start3A_268 : memref<80x16xf32, #tpu.memory_space<hbm>>) target(%arg19 : memref<80x16xf32, #tpu.memory_space<vmem>>) target_semaphore(%arg26 : memref<!tpu.dma_semaphore, #tpu.memory_space<semaphore_mem>>)
    %dma_wait3A_269 = arith.constant 0 : i32
    %dma_wait3A_270 = tpu.memref_slice %arg2[%add3A_194, %dma_wait3A_269] : memref<20000x2xf32, #tpu.memory_space<hbm>> -> memref<80x2xf32, #tpu.memory_space<hbm>>
    %dma_wait3A_271 = arith.constant 0 : i32
    %dma_wait3A_272 = tpu.memref_slice %arg2[%add3A_194, %dma_wait3A_271] : memref<20000x2xf32, #tpu.memory_space<hbm>> -> memref<80x2xf32, #tpu.memory_space<hbm>>
    tpu.wait_dma2 semaphore(%arg26 : memref<!tpu.dma_semaphore, #tpu.memory_space<semaphore_mem>>) src(%dma_wait3A_272 : memref<80x2xf32, #tpu.memory_space<hbm>>) dst(%arg12 : memref<80x2xf32, #tpu.memory_space<vmem>>)
    %dma_wait3A_273 = arith.constant 0 : i32
    %dma_wait3A_274 = tpu.memref_slice %arg3[%add3A_194, %dma_wait3A_273] : memref<20000x4xf32, #tpu.memory_space<hbm>> -> memref<80x4xf32, #tpu.memory_space<hbm>>
    %dma_wait3A_275 = arith.constant 0 : i32
    %dma_wait3A_276 = tpu.memref_slice %arg3[%add3A_194, %dma_wait3A_275] : memref<20000x4xf32, #tpu.memory_space<hbm>> -> memref<80x4xf32, #tpu.memory_space<hbm>>
    tpu.wait_dma2 semaphore(%arg26 : memref<!tpu.dma_semaphore, #tpu.memory_space<semaphore_mem>>) src(%dma_wait3A_276 : memref<80x4xf32, #tpu.memory_space<hbm>>) dst(%arg13 : memref<80x4xf32, #tpu.memory_space<vmem>>)
    %dma_wait3A_277 = arith.constant 0 : i32
    %dma_wait3A_278 = tpu.memref_slice %arg4[%add3A_194, %dma_wait3A_277] : memref<20000x3xf32, #tpu.memory_space<hbm>> -> memref<80x3xf32, #tpu.memory_space<hbm>>
    %dma_wait3A_279 = arith.constant 0 : i32
    %dma_wait3A_280 = tpu.memref_slice %arg4[%add3A_194, %dma_wait3A_279] : memref<20000x3xf32, #tpu.memory_space<hbm>> -> memref<80x3xf32, #tpu.memory_space<hbm>>
    tpu.wait_dma2 semaphore(%arg26 : memref<!tpu.dma_semaphore, #tpu.memory_space<semaphore_mem>>) src(%dma_wait3A_280 : memref<80x3xf32, #tpu.memory_space<hbm>>) dst(%arg14 : memref<80x3xf32, #tpu.memory_space<vmem>>)
    %dma_wait3A_281 = arith.constant 0 : i32
    %dma_wait3A_282 = tpu.memref_slice %arg6[%add3A_194, %dma_wait3A_281] : memref<20000x16xf32, #tpu.memory_space<hbm>> -> memref<80x16xf32, #tpu.memory_space<hbm>>
    %dma_wait3A_283 = arith.constant 0 : i32
    %dma_wait3A_284 = tpu.memref_slice %arg6[%add3A_194, %dma_wait3A_283] : memref<20000x16xf32, #tpu.memory_space<hbm>> -> memref<80x16xf32, #tpu.memory_space<hbm>>
    tpu.wait_dma2 semaphore(%arg26 : memref<!tpu.dma_semaphore, #tpu.memory_space<semaphore_mem>>) src(%dma_wait3A_284 : memref<80x16xf32, #tpu.memory_space<hbm>>) dst(%arg15 : memref<80x16xf32, #tpu.memory_space<vmem>>)
    %dma_wait3A_285 = arith.constant 0 : i32
    %dma_wait3A_286 = tpu.memref_slice %arg8[%add3A_242, %dma_wait3A_285] : memref<20000x4xf32, #tpu.memory_space<hbm>> -> memref<80x4xf32, #tpu.memory_space<hbm>>
    %dma_wait3A_287 = arith.constant 0 : i32
    %dma_wait3A_288 = tpu.memref_slice %arg8[%add3A_242, %dma_wait3A_287] : memref<20000x4xf32, #tpu.memory_space<hbm>> -> memref<80x4xf32, #tpu.memory_space<hbm>>
    tpu.wait_dma2 semaphore(%arg27 : memref<!tpu.dma_semaphore, #tpu.memory_space<semaphore_mem>>) src(%arg20 : memref<80x4xf32, #tpu.memory_space<vmem>>) dst(%dma_wait3A_288 : memref<80x4xf32, #tpu.memory_space<hbm>>)
    %dma_wait3A_289 = arith.constant 0 : i32
    %dma_wait3A_290 = tpu.memref_slice %arg9[%add3A_242, %dma_wait3A_289] : memref<20000x3xf32, #tpu.memory_space<hbm>> -> memref<80x3xf32, #tpu.memory_space<hbm>>
    %dma_wait3A_291 = arith.constant 0 : i32
    %dma_wait3A_292 = tpu.memref_slice %arg9[%add3A_242, %dma_wait3A_291] : memref<20000x3xf32, #tpu.memory_space<hbm>> -> memref<80x3xf32, #tpu.memory_space<hbm>>
    tpu.wait_dma2 semaphore(%arg27 : memref<!tpu.dma_semaphore, #tpu.memory_space<semaphore_mem>>) src(%arg21 : memref<80x3xf32, #tpu.memory_space<vmem>>) dst(%dma_wait3A_292 : memref<80x3xf32, #tpu.memory_space<hbm>>)
    %scan3A_293 = arith.constant 0 : i32
    %scan3A_294 = arith.constant 0 : i32
    %scan3A_295 = arith.constant 5 : i32
    %scan3A_296 = arith.addi %scan3A_294, %scan3A_295 : i32
    %scan3A_297 = arith.constant 1 : i32
    scf.for %scan3A_473 = %scan3A_294 to %scan3A_296 step %scan3A_297  : i32 {
      %mul3A_474 = arith.constant 16 : i32
      %mul3A_475 = arith.muli %scan3A_473, %mul3A_474 : i32
      %add3A_476 = arith.constant 320 : i32
      %add3A_477 = arith.addi %add3A_476, %mul3A_475 : i32
      %mul3A_478 = arith.constant 16 : i32
      %mul3A_479 = arith.muli %scan3A_473, %mul3A_478 : i32
      %add3A_480 = vector.broadcast %mul3A_479 : i32 to vector<16xi32>
      %add3A_481 = arith.addi %add3A_480, %iota3A : vector<16xi32>
      %broadcast_in_dim3A = arith.constant 0 : i32
      %broadcast_in_dim3A_482 = vector.broadcast %broadcast_in_dim3A : i32 to vector<16xi32>
      %gather3A = tpu.vector_load_idx %arg12[%add3A_481, %broadcast_in_dim3A_482] : memref<80x2xf32, #tpu.memory_space<vmem>>[vector<16xi32>, vector<16xi32>], vector<16xf32>,
      %broadcast_in_dim3A_483 = arith.constant 1 : i32
      %broadcast_in_dim3A_484 = vector.broadcast %broadcast_in_dim3A_483 : i32 to vector<16xi32>
      %gather3A_485 = tpu.vector_load_idx %arg12[%add3A_481, %broadcast_in_dim3A_484] : memref<80x2xf32, #tpu.memory_space<vmem>>[vector<16xi32>, vector<16xi32>], vector<16xf32>,
      %broadcast_in_dim3A_486 = arith.constant 0 : i32
      %broadcast_in_dim3A_487 = vector.broadcast %broadcast_in_dim3A_486 : i32 to vector<16xi32>
      %gather3A_488 = tpu.vector_load_idx %arg13[%add3A_481, %broadcast_in_dim3A_487] : memref<80x4xf32, #tpu.memory_space<vmem>>[vector<16xi32>, vector<16xi32>], vector<16xf32>,
      %sub3A = arith.subf %gather3A, %gather3A_488 : vector<16xf32>
      %mul3A_489 = arith.constant 4.000000e+00 : f32
      %mul3A_490 = vector.broadcast %mul3A_489 : f32 to vector<16xf32>
      %mul3A_491 = arith.mulf %sub3A, %mul3A_490 : vector<16xf32>
      %broadcast_in_dim3A_492 = arith.constant 1 : i32
      %broadcast_in_dim3A_493 = vector.broadcast %broadcast_in_dim3A_492 : i32 to vector<16xi32>
      %gather3A_494 = tpu.vector_load_idx %arg13[%add3A_481, %broadcast_in_dim3A_493] : memref<80x4xf32, #tpu.memory_space<vmem>>[vector<16xi32>, vector<16xi32>], vector<16xf32>,
      %sub3A_495 = arith.subf %gather3A_485, %gather3A_494 : vector<16xf32>
      %mul3A_496 = arith.constant 4.000000e+00 : f32
      %mul3A_497 = vector.broadcast %mul3A_496 : f32 to vector<16xf32>
      %mul3A_498 = arith.mulf %sub3A_495, %mul3A_497 : vector<16xf32>
      %broadcast_in_dim3A_499 = arith.constant 2 : i32
      %broadcast_in_dim3A_500 = vector.broadcast %broadcast_in_dim3A_499 : i32 to vector<16xi32>
      %gather3A_501 = tpu.vector_load_idx %arg13[%add3A_481, %broadcast_in_dim3A_500] : memref<80x4xf32, #tpu.memory_space<vmem>>[vector<16xi32>, vector<16xi32>], vector<16xf32>,
      %add3A_502 = arith.addf %gather3A, %gather3A_501 : vector<16xf32>
      %mul3A_503 = arith.constant 4.000000e+00 : f32
      %mul3A_504 = vector.broadcast %mul3A_503 : f32 to vector<16xf32>
      %mul3A_505 = arith.mulf %add3A_502, %mul3A_504 : vector<16xf32>
      %broadcast_in_dim3A_506 = arith.constant 3 : i32
      %broadcast_in_dim3A_507 = vector.broadcast %broadcast_in_dim3A_506 : i32 to vector<16xi32>
      %gather3A_508 = tpu.vector_load_idx %arg13[%add3A_481, %broadcast_in_dim3A_507] : memref<80x4xf32, #tpu.memory_space<vmem>>[vector<16xi32>, vector<16xi32>], vector<16xf32>,
      %add3A_509 = arith.addf %gather3A_485, %gather3A_508 : vector<16xf32>
      %mul3A_510 = arith.constant 4.000000e+00 : f32
      %mul3A_511 = vector.broadcast %mul3A_510 : f32 to vector<16xf32>
      %mul3A_512 = arith.mulf %add3A_509, %mul3A_511 : vector<16xf32>
      %jit3A = arith.constant 0.000000e+00 : f32
      %jit3A_513 = arith.constant 1280 : i32
      %max3A = vector.broadcast %jit3A : f32 to vector<16xf32>
      %max3A_514 = arith.maximumf %max3A, %mul3A_491 : vector<16xf32>
      %convert_element_type3A = arith.sitofp %jit3A_513 : i32 to f32
      %min3A_515 = vector.broadcast %convert_element_type3A : f32 to vector<16xf32>
      %min3A_516 = arith.minimumf %min3A_515, %max3A_514 : vector<16xf32>
      %broadcast_in_dim3A_517 = arith.constant 0 : i32
      %broadcast_in_dim3A_518 = vector.broadcast %broadcast_in_dim3A_517 : i32 to vector<16xi32>
      tpu.vector_store_idx %arg20[%add3A_481, %broadcast_in_dim3A_518], %min3A_516 : memref<80x4xf32, #tpu.memory_space<vmem>>[vector<16xi32>, vector<16xi32>], vector<16xf32>,
      %jit3A_519 = arith.constant 0.000000e+00 : f32
      %jit3A_520 = arith.constant 384 : i32
      %max3A_521 = vector.broadcast %jit3A_519 : f32 to vector<16xf32>
      %max3A_522 = arith.maximumf %max3A_521, %mul3A_498 : vector<16xf32>
      %convert_element_type3A_523 = arith.sitofp %jit3A_520 : i32 to f32
      %min3A_524 = vector.broadcast %convert_element_type3A_523 : f32 to vector<16xf32>
      %min3A_525 = arith.minimumf %min3A_524, %max3A_522 : vector<16xf32>
      %broadcast_in_dim3A_526 = arith.constant 1 : i32
      %broadcast_in_dim3A_527 = vector.broadcast %broadcast_in_dim3A_526 : i32 to vector<16xi32>
      tpu.vector_store_idx %arg20[%add3A_481, %broadcast_in_dim3A_527], %min3A_525 : memref<80x4xf32, #tpu.memory_space<vmem>>[vector<16xi32>, vector<16xi32>], vector<16xf32>,
      %broadcast_in_dim3A_528 = arith.constant 2 : i32
      %broadcast_in_dim3A_529 = vector.broadcast %broadcast_in_dim3A_528 : i32 to vector<16xi32>
      tpu.vector_store_idx %arg20[%add3A_481, %broadcast_in_dim3A_529], %mul3A_505 : memref<80x4xf32, #tpu.memory_space<vmem>>[vector<16xi32>, vector<16xi32>], vector<16xf32>,
      %broadcast_in_dim3A_530 = arith.constant 3 : i32
      %broadcast_in_dim3A_531 = vector.broadcast %broadcast_in_dim3A_530 : i32 to vector<16xi32>
      tpu.vector_store_idx %arg20[%add3A_481, %broadcast_in_dim3A_531], %mul3A_512 : memref<80x4xf32, #tpu.memory_space<vmem>>[vector<16xi32>, vector<16xi32>], vector<16xf32>,
      %get3A = arith.index_cast %add3A_477 : i32 to index
      %get3A_532 = tpu.vector_load %arg23[%get3A] {strides = array<i32>} : memref<640xi32, #tpu.memory_space<vmem>>, vector<16xi32>,
      %eq3A = arith.constant 0 : i32
      %eq3A_533 = vector.broadcast %eq3A : i32 to vector<16xi32>
      %eq3A_534 = arith.cmpi eq, %get3A_532, %eq3A_533 : vector<16xi32>
      %eq3A_535 = arith.constant 1 : i32
      %eq3A_536 = vector.broadcast %eq3A_535 : i32 to vector<16xi32>
      %eq3A_537 = arith.cmpi eq, %get3A_532, %eq3A_536 : vector<16xi32>
      %jit3A_538 = arith.constant 0.919867455 : f32
      %jit3A_539 = arith.constant 1.7865274 : f32
      %broadcast_in_dim3A_540 = vector.broadcast %jit3A_538 : f32 to vector<16xf32>
      %broadcast_in_dim3A_541 = vector.broadcast %jit3A_539 : f32 to vector<16xf32>
      %select_n3A = arith.select %eq3A_537, %broadcast_in_dim3A_540, %broadcast_in_dim3A_541 : vector<16xi1>, vector<16xf32>
      %jit3A_542 = arith.constant 4.83899879 : f32
      %broadcast_in_dim3A_543 = vector.broadcast %jit3A_542 : f32 to vector<16xf32>
      %select_n3A_544 = arith.select %eq3A_534, %broadcast_in_dim3A_543, %select_n3A : vector<16xi1>, vector<16xf32>
      %broadcast_in_dim3A_545 = arith.constant 0 : i32
      %broadcast_in_dim3A_546 = vector.broadcast %broadcast_in_dim3A_545 : i32 to vector<16xi32>
      %gather3A_547 = tpu.vector_load_idx %arg14[%add3A_481, %broadcast_in_dim3A_546] : memref<80x3xf32, #tpu.memory_space<vmem>>[vector<16xi32>, vector<16xi32>], vector<16xf32>,
      %exp3A = math.exp %gather3A_547 : vector<16xf32>
      %mul3A_548 = arith.mulf %exp3A, %select_n3A_544 : vector<16xf32>
      %broadcast_in_dim3A_549 = arith.constant 0 : i32
      %broadcast_in_dim3A_550 = vector.broadcast %broadcast_in_dim3A_549 : i32 to vector<16xi32>
      tpu.vector_store_idx %arg21[%add3A_481, %broadcast_in_dim3A_550], %mul3A_548 : memref<80x3xf32, #tpu.memory_space<vmem>>[vector<16xi32>, vector<16xi32>], vector<16xf32>,
      %jit3A_551 = arith.constant 1.75302339 : f32
      %jit3A_552 = arith.constant 1.76500988 : f32
      %broadcast_in_dim3A_553 = vector.broadcast %jit3A_551 : f32 to vector<16xf32>
      %broadcast_in_dim3A_554 = vector.broadcast %jit3A_552 : f32 to vector<16xf32>
      %select_n3A_555 = arith.select %eq3A_537, %broadcast_in_dim3A_553, %broadcast_in_dim3A_554 : vector<16xi1>, vector<16xf32>
      %jit3A_556 = arith.constant 1.80778956 : f32
      %broadcast_in_dim3A_557 = vector.broadcast %jit3A_556 : f32 to vector<16xf32>
      %select_n3A_558 = arith.select %eq3A_534, %broadcast_in_dim3A_557, %select_n3A_555 : vector<16xi1>, vector<16xf32>
      %broadcast_in_dim3A_559 = arith.constant 1 : i32
      %broadcast_in_dim3A_560 = vector.broadcast %broadcast_in_dim3A_559 : i32 to vector<16xi32>
      %gather3A_561 = tpu.vector_load_idx %arg14[%add3A_481, %broadcast_in_dim3A_560] : memref<80x3xf32, #tpu.memory_space<vmem>>[vector<16xi32>, vector<16xi32>], vector<16xf32>,
      %exp3A_562 = math.exp %gather3A_561 : vector<16xf32>
      %mul3A_563 = arith.mulf %exp3A_562, %select_n3A_558 : vector<16xf32>
      %broadcast_in_dim3A_564 = arith.constant 1 : i32
      %broadcast_in_dim3A_565 = vector.broadcast %broadcast_in_dim3A_564 : i32 to vector<16xi32>
      tpu.vector_store_idx %arg21[%add3A_481, %broadcast_in_dim3A_565], %mul3A_563 : memref<80x3xf32, #tpu.memory_space<vmem>>[vector<16xi32>, vector<16xi32>], vector<16xf32>,
      %jit3A_566 = arith.constant 0.862208068 : f32
      %jit3A_567 = arith.constant 0.833956241 : f32
      %broadcast_in_dim3A_568 = vector.broadcast %jit3A_566 : f32 to vector<16xf32>
      %broadcast_in_dim3A_569 = vector.broadcast %jit3A_567 : f32 to vector<16xf32>
      %select_n3A_570 = arith.select %eq3A_537, %broadcast_in_dim3A_568, %broadcast_in_dim3A_569 : vector<16xi1>, vector<16xf32>
      %jit3A_571 = arith.constant 2.11565804 : f32
      %broadcast_in_dim3A_572 = vector.broadcast %jit3A_571 : f32 to vector<16xf32>
      %select_n3A_573 = arith.select %eq3A_534, %broadcast_in_dim3A_572, %select_n3A_570 : vector<16xi1>, vector<16xf32>
      %broadcast_in_dim3A_574 = arith.constant 2 : i32
      %broadcast_in_dim3A_575 = vector.broadcast %broadcast_in_dim3A_574 : i32 to vector<16xi32>
      %gather3A_576 = tpu.vector_load_idx %arg14[%add3A_481, %broadcast_in_dim3A_575] : memref<80x3xf32, #tpu.memory_space<vmem>>[vector<16xi32>, vector<16xi32>], vector<16xf32>,
      %exp3A_577 = math.exp %gather3A_576 : vector<16xf32>
      %mul3A_578 = arith.mulf %exp3A_577, %select_n3A_573 : vector<16xf32>
      %broadcast_in_dim3A_579 = arith.constant 2 : i32
      %broadcast_in_dim3A_580 = vector.broadcast %broadcast_in_dim3A_579 : i32 to vector<16xi32>
      tpu.vector_store_idx %arg21[%add3A_481, %broadcast_in_dim3A_580], %mul3A_578 : memref<80x3xf32, #tpu.memory_space<vmem>>[vector<16xi32>, vector<16xi32>], vector<16xf32>,
      %get3A_581 = arith.index_cast %add3A_477 : i32 to index
      %get3A_582 = tpu.vector_load %arg22[%get3A_581] {strides = array<i32>} : memref<640xf32, #tpu.memory_space<vmem>>, vector<16xf32>,
      %neg3A = arith.constant 0.000000e+00 : f32
      %neg3A_583 = vector.broadcast %neg3A : f32 to vector<16xf32>
      %neg3A_584 = arith.subf %neg3A_583, %get3A_582 : vector<16xf32>
      %exp3A_585 = math.exp %neg3A_584 : vector<16xf32>
      %jit3A_586 = arith.constant 1.000000e-01 : f32
      %jit3A_587 = arith.constant 1.000000e+02 : f32
      %max3A_588 = vector.broadcast %jit3A_586 : f32 to vector<16xf32>
      %max3A_589 = arith.maximumf %max3A_588, %exp3A_585 : vector<16xf32>
      %min3A_590 = vector.broadcast %jit3A_587 : f32 to vector<16xf32>
      %min3A_591 = arith.minimumf %min3A_590, %max3A_589 : vector<16xf32>
      %swap3A = arith.index_cast %add3A_477 : i32 to index
      %swap3A_592 = tpu.vector_load %arg24[%swap3A] {strides = array<i32>} : memref<640xf32, #tpu.memory_space<vmem>>, vector<16xf32>,
      tpu.vector_store %arg24[%swap3A], %min3A_591 {strides = array<i32>} : memref<640xf32, #tpu.memory_space<vmem>>, vector<16xf32>,
      %broadcast_in_dim3A_593 = arith.constant 1 : i32
      %broadcast_in_dim3A_594 = vector.broadcast %broadcast_in_dim3A_593 : i32 to vector<16xi32>
      %gather3A_595 = tpu.vector_load_idx %arg15[%add3A_481, %broadcast_in_dim3A_594] : memref<80x16xf32, #tpu.memory_space<vmem>>[vector<16xi32>, vector<16xi32>], vector<16xf32>,
      %broadcast_in_dim3A_596 = arith.constant 0 : i32
      %broadcast_in_dim3A_597 = vector.broadcast %broadcast_in_dim3A_596 : i32 to vector<16xi32>
      %gather3A_598 = tpu.vector_load_idx %arg15[%add3A_481, %broadcast_in_dim3A_597] : memref<80x16xf32, #tpu.memory_space<vmem>>[vector<16xi32>, vector<16xi32>], vector<16xf32>,
      %sub3A_599 = arith.subf %gather3A_595, %gather3A_598 : vector<16xf32>
      %broadcast_in_dim3A_600 = arith.constant 0 : i32
      %broadcast_in_dim3A_601 = vector.broadcast %broadcast_in_dim3A_600 : i32 to vector<16xi32>
      %broadcast_in_dim3A_602 = arith.constant 3 : i32
      %broadcast_in_dim3A_603 = vector.broadcast %broadcast_in_dim3A_602 : i32 to vector<16xi32>
      %gather3A_604 = tpu.vector_load_idx %arg15[%add3A_481, %broadcast_in_dim3A_603] : memref<80x16xf32, #tpu.memory_space<vmem>>[vector<16xi32>, vector<16xi32>], vector<16xf32>,
      %broadcast_in_dim3A_605 = arith.constant 2 : i32
      %broadcast_in_dim3A_606 = vector.broadcast %broadcast_in_dim3A_605 : i32 to vector<16xi32>
      %gather3A_607 = tpu.vector_load_idx %arg15[%add3A_481, %broadcast_in_dim3A_606] : memref<80x16xf32, #tpu.memory_space<vmem>>[vector<16xi32>, vector<16xi32>], vector<16xf32>,
      %sub3A_608 = arith.subf %gather3A_604, %gather3A_607 : vector<16xf32>
      %gt3A = arith.cmpf ogt, %sub3A_608, %sub3A_599 : vector<16xf32>
      %select_n3A_609 = arith.select %gt3A, %sub3A_608, %sub3A_599 : vector<16xi1>, vector<16xf32>
      %jit3A_610 = arith.constant 1 : i32
      %broadcast_in_dim3A_611 = vector.broadcast %jit3A_610 : i32 to vector<16xi32>
      %select_n3A_612 = arith.select %gt3A, %broadcast_in_dim3A_611, %broadcast_in_dim3A_601 : vector<16xi1>, vector<16xi32>
      %broadcast_in_dim3A_613 = arith.constant 5 : i32
      %broadcast_in_dim3A_614 = vector.broadcast %broadcast_in_dim3A_613 : i32 to vector<16xi32>
      %gather3A_615 = tpu.vector_load_idx %arg15[%add3A_481, %broadcast_in_dim3A_614] : memref<80x16xf32, #tpu.memory_space<vmem>>[vector<16xi32>, vector<16xi32>], vector<16xf32>,
      %broadcast_in_dim3A_616 = arith.constant 4 : i32
      %broadcast_in_dim3A_617 = vector.broadcast %broadcast_in_dim3A_616 : i32 to vector<16xi32>
      %gather3A_618 = tpu.vector_load_idx %arg15[%add3A_481, %broadcast_in_dim3A_617] : memref<80x16xf32, #tpu.memory_space<vmem>>[vector<16xi32>, vector<16xi32>], vector<16xf32>,
      %sub3A_619 = arith.subf %gather3A_615, %gather3A_618 : vector<16xf32>
      %gt3A_620 = arith.cmpf ogt, %sub3A_619, %select_n3A_609 : vector<16xf32>
      %select_n3A_621 = arith.select %gt3A_620, %sub3A_619, %select_n3A_609 : vector<16xi1>, vector<16xf32>
      %jit3A_622 = arith.constant 2 : i32
      %broadcast_in_dim3A_623 = vector.broadcast %jit3A_622 : i32 to vector<16xi32>
      %select_n3A_624 = arith.select %gt3A_620, %broadcast_in_dim3A_623, %select_n3A_612 : vector<16xi1>, vector<16xi32>
      %broadcast_in_dim3A_625 = arith.constant 7 : i32
      %broadcast_in_dim3A_626 = vector.broadcast %broadcast_in_dim3A_625 : i32 to vector<16xi32>
      %gather3A_627 = tpu.vector_load_idx %arg15[%add3A_481, %broadcast_in_dim3A_626] : memref<80x16xf32, #tpu.memory_space<vmem>>[vector<16xi32>, vector<16xi32>], vector<16xf32>,
      %broadcast_in_dim3A_628 = arith.constant 6 : i32
      %broadcast_in_dim3A_629 = vector.broadcast %broadcast_in_dim3A_628 : i32 to vector<16xi32>
      %gather3A_630 = tpu.vector_load_idx %arg15[%add3A_481, %broadcast_in_dim3A_629] : memref<80x16xf32, #tpu.memory_space<vmem>>[vector<16xi32>, vector<16xi32>], vector<16xf32>,
      %sub3A_631 = arith.subf %gather3A_627, %gather3A_630 : vector<16xf32>
      %gt3A_632 = arith.cmpf ogt, %sub3A_631, %select_n3A_621 : vector<16xf32>
      %select_n3A_633 = arith.select %gt3A_632, %sub3A_631, %select_n3A_621 : vector<16xi1>, vector<16xf32>
      %jit3A_634 = arith.constant 3 : i32
      %broadcast_in_dim3A_635 = vector.broadcast %jit3A_634 : i32 to vector<16xi32>
      %select_n3A_636 = arith.select %gt3A_632, %broadcast_in_dim3A_635, %select_n3A_624 : vector<16xi1>, vector<16xi32>
      %mul3A_637 = arith.constant 2 : i32
      %mul3A_638 = vector.broadcast %mul3A_637 : i32 to vector<16xi32>
      %mul3A_639 = arith.muli %mul3A_638, %select_n3A_636 : vector<16xi32>
      %add3A_640 = arith.constant 8 : i32
      %add3A_641 = vector.broadcast %add3A_640 : i32 to vector<16xi32>
      %add3A_642 = arith.addi %add3A_641, %mul3A_639 : vector<16xi32>
      %gather3A_643 = tpu.vector_load_idx %arg15[%add3A_481, %add3A_642] : memref<80x16xf32, #tpu.memory_space<vmem>>[vector<16xi32>, vector<16xi32>], vector<16xf32>,
      %add3A_644 = arith.constant 1 : i32
      %add3A_645 = vector.broadcast %add3A_644 : i32 to vector<16xi32>
      %add3A_646 = arith.addi %add3A_642, %add3A_645 : vector<16xi32>
      %gather3A_647 = tpu.vector_load_idx %arg15[%add3A_481, %add3A_646] : memref<80x16xf32, #tpu.memory_space<vmem>>[vector<16xi32>, vector<16xi32>], vector<16xf32>,
      %div3A = arith.divf %gather3A_643, %gather3A_647 : vector<16xf32>
      %abs3A = math.absf %div3A : vector<16xf32>
      %gt3A_648 = arith.constant 1.000000e+00 : f32
      %gt3A_649 = vector.broadcast %gt3A_648 : f32 to vector<16xf32>
      %gt3A_650 = arith.cmpf ogt, %abs3A, %gt3A_649 : vector<16xf32>
      %div3A_651 = arith.constant 1.000000e+00 : f32
      %div3A_652 = vector.broadcast %div3A_651 : f32 to vector<16xf32>
      %div3A_653 = arith.divf %div3A_652, %abs3A : vector<16xf32>
      %select_n3A_654 = arith.select %gt3A_650, %div3A_653, %abs3A : vector<16xi1>, vector<16xf32>
      %mul3A_655 = arith.mulf %select_n3A_654, %select_n3A_654 : vector<16xf32>
      %broadcast_in_dim3A_656 = arith.constant 2.083510e-02 : f32
      %broadcast_in_dim3A_657 = vector.broadcast %broadcast_in_dim3A_656 : f32 to vector<16xf32>
      %mul3A_658 = arith.mulf %broadcast_in_dim3A_657, %mul3A_655 : vector<16xf32>
      %add3A_659 = arith.constant -8.513300e-02 : f32
      %add3A_660 = vector.broadcast %add3A_659 : f32 to vector<16xf32>
      %add3A_661 = arith.addf %mul3A_658, %add3A_660 : vector<16xf32>
      %mul3A_662 = arith.mulf %add3A_661, %mul3A_655 : vector<16xf32>
      %add3A_663 = arith.constant 1.801410e-01 : f32
      %add3A_664 = vector.broadcast %add3A_663 : f32 to vector<16xf32>
      %add3A_665 = arith.addf %mul3A_662, %add3A_664 : vector<16xf32>
      %mul3A_666 = arith.mulf %add3A_665, %mul3A_655 : vector<16xf32>
      %add3A_667 = arith.constant -0.330299497 : f32
      %add3A_668 = vector.broadcast %add3A_667 : f32 to vector<16xf32>
      %add3A_669 = arith.addf %mul3A_666, %add3A_668 : vector<16xf32>
      %mul3A_670 = arith.mulf %add3A_669, %mul3A_655 : vector<16xf32>
      %add3A_671 = arith.constant 9.998660e-01 : f32
      %add3A_672 = vector.broadcast %add3A_671 : f32 to vector<16xf32>
      %add3A_673 = arith.addf %mul3A_670, %add3A_672 : vector<16xf32>
      %mul3A_674 = arith.mulf %add3A_673, %select_n3A_654 : vector<16xf32>
      %sub3A_675 = arith.constant 1.57079637 : f32
      %sub3A_676 = vector.broadcast %sub3A_675 : f32 to vector<16xf32>
      %sub3A_677 = arith.subf %sub3A_676, %mul3A_674 : vector<16xf32>
      %select_n3A_678 = arith.select %gt3A_650, %sub3A_677, %mul3A_674 : vector<16xi1>, vector<16xf32>
      %lt3A = arith.constant 0.000000e+00 : f32
      %lt3A_679 = vector.broadcast %lt3A : f32 to vector<16xf32>
      %lt3A_680 = arith.cmpf olt, %div3A, %lt3A_679 : vector<16xf32>
      %neg3A_681 = arith.constant 0.000000e+00 : f32
      %neg3A_682 = vector.broadcast %neg3A_681 : f32 to vector<16xf32>
      %neg3A_683 = arith.subf %neg3A_682, %select_n3A_678 : vector<16xf32>
      %select_n3A_684 = arith.select %lt3A_680, %neg3A_683, %select_n3A_678 : vector<16xi1>, vector<16xf32>
      %eq3A_685 = arith.constant 3 : i32
      %eq3A_686 = vector.broadcast %eq3A_685 : i32 to vector<16xi32>
      %eq3A_687 = arith.cmpi eq, %select_n3A_636, %eq3A_686 : vector<16xi32>
      %convert_element_type3A_688 = arith.sitofp %select_n3A_636 : vector<16xi32> to vector<16xf32>
      %mul3A_689 = arith.constant 1.57079637 : f32
      %mul3A_690 = vector.broadcast %mul3A_689 : f32 to vector<16xf32>
      %mul3A_691 = arith.mulf %convert_element_type3A_688, %mul3A_690 : vector<16xf32>
      %jit3A_692 = arith.constant -1.57079637 : f32
      %broadcast_in_dim3A_693 = vector.broadcast %jit3A_692 : f32 to vector<16xf32>
      %select_n3A_694 = arith.select %eq3A_687, %broadcast_in_dim3A_693, %mul3A_691 : vector<16xi1>, vector<16xf32>
      %add3A_695 = arith.addf %select_n3A_684, %select_n3A_694 : vector<16xf32>
      %gt3A_696 = arith.constant 3.14159274 : f32
      %gt3A_697 = vector.broadcast %gt3A_696 : f32 to vector<16xf32>
      %gt3A_698 = arith.cmpf ogt, %add3A_695, %gt3A_697 : vector<16xf32>
      %sub3A_699 = arith.constant 6.28318548 : f32
      %sub3A_700 = vector.broadcast %sub3A_699 : f32 to vector<16xf32>
      %sub3A_701 = arith.subf %add3A_695, %sub3A_700 : vector<16xf32>
      %select_n3A_702 = arith.select %gt3A_698, %sub3A_701, %add3A_695 : vector<16xi1>, vector<16xf32>
      %lt3A_703 = arith.constant -3.14159274 : f32
      %lt3A_704 = vector.broadcast %lt3A_703 : f32 to vector<16xf32>
      %lt3A_705 = arith.cmpf olt, %select_n3A_702, %lt3A_704 : vector<16xf32>
      %add3A_706 = arith.constant 6.28318548 : f32
      %add3A_707 = vector.broadcast %add3A_706 : f32 to vector<16xf32>
      %add3A_708 = arith.addf %select_n3A_702, %add3A_707 : vector<16xf32>
      %select_n3A_709 = arith.select %lt3A_705, %add3A_708, %select_n3A_702 : vector<16xi1>, vector<16xf32>
      %swap3A_710 = arith.index_cast %add3A_477 : i32 to index
      %swap3A_711 = tpu.vector_load %arg25[%swap3A_710] {strides = array<i32>} : memref<640xf32, #tpu.memory_space<vmem>>, vector<16xf32>,
      tpu.vector_store %arg25[%swap3A_710], %select_n3A_709 {strides = array<i32>} : memref<640xf32, #tpu.memory_space<vmem>>, vector<16xf32>,
    }
    %scan3A_298 = arith.constant 5 : i32
    %add3A_299 = arith.constant 320 : i32
    %add3A_300 = arith.addi %min3A_3, %add3A_299 : i32
    %dma_start3A_301 = arith.constant 0 : i32
    %dma_start3A_302 = tpu.memref_slice %arg8[%add3A_300, %dma_start3A_301] : memref<20000x4xf32, #tpu.memory_space<hbm>> -> memref<80x4xf32, #tpu.memory_space<hbm>>
    %dma_start3A_303 = arith.constant 0 : i32
    %dma_start3A_304 = tpu.memref_slice %arg8[%add3A_300, %dma_start3A_303] : memref<20000x4xf32, #tpu.memory_space<hbm>> -> memref<80x4xf32, #tpu.memory_space<hbm>>
    tpu.enqueue_dma source(%arg20 : memref<80x4xf32, #tpu.memory_space<vmem>>) target(%dma_start3A_304 : memref<80x4xf32, #tpu.memory_space<hbm>>) target_semaphore(%arg27 : memref<!tpu.dma_semaphore, #tpu.memory_space<semaphore_mem>>)
    %dma_start3A_305 = arith.constant 0 : i32
    %dma_start3A_306 = tpu.memref_slice %arg9[%add3A_300, %dma_start3A_305] : memref<20000x3xf32, #tpu.memory_space<hbm>> -> memref<80x3xf32, #tpu.memory_space<hbm>>
    %dma_start3A_307 = arith.constant 0 : i32
    %dma_start3A_308 = tpu.memref_slice %arg9[%add3A_300, %dma_start3A_307] : memref<20000x3xf32, #tpu.memory_space<hbm>> -> memref<80x3xf32, #tpu.memory_space<hbm>>
    tpu.enqueue_dma source(%arg21 : memref<80x3xf32, #tpu.memory_space<vmem>>) target(%dma_start3A_308 : memref<80x3xf32, #tpu.memory_space<hbm>>) target_semaphore(%arg27 : memref<!tpu.dma_semaphore, #tpu.memory_space<semaphore_mem>>)
    %add3A_309 = arith.constant 480 : i32
    %add3A_310 = arith.addi %min3A_3, %add3A_309 : i32
    %dma_start3A_311 = arith.constant 0 : i32
    %dma_start3A_312 = tpu.memref_slice %arg2[%add3A_310, %dma_start3A_311] : memref<20000x2xf32, #tpu.memory_space<hbm>> -> memref<80x2xf32, #tpu.memory_space<hbm>>
    %dma_start3A_313 = arith.constant 0 : i32
    %dma_start3A_314 = tpu.memref_slice %arg2[%add3A_310, %dma_start3A_313] : memref<20000x2xf32, #tpu.memory_space<hbm>> -> memref<80x2xf32, #tpu.memory_space<hbm>>
    tpu.enqueue_dma source(%dma_start3A_314 : memref<80x2xf32, #tpu.memory_space<hbm>>) target(%arg12 : memref<80x2xf32, #tpu.memory_space<vmem>>) target_semaphore(%arg26 : memref<!tpu.dma_semaphore, #tpu.memory_space<semaphore_mem>>)
    %dma_start3A_315 = arith.constant 0 : i32
    %dma_start3A_316 = tpu.memref_slice %arg3[%add3A_310, %dma_start3A_315] : memref<20000x4xf32, #tpu.memory_space<hbm>> -> memref<80x4xf32, #tpu.memory_space<hbm>>
    %dma_start3A_317 = arith.constant 0 : i32
    %dma_start3A_318 = tpu.memref_slice %arg3[%add3A_310, %dma_start3A_317] : memref<20000x4xf32, #tpu.memory_space<hbm>> -> memref<80x4xf32, #tpu.memory_space<hbm>>
    tpu.enqueue_dma source(%dma_start3A_318 : memref<80x4xf32, #tpu.memory_space<hbm>>) target(%arg13 : memref<80x4xf32, #tpu.memory_space<vmem>>) target_semaphore(%arg26 : memref<!tpu.dma_semaphore, #tpu.memory_space<semaphore_mem>>)
    %dma_start3A_319 = arith.constant 0 : i32
    %dma_start3A_320 = tpu.memref_slice %arg4[%add3A_310, %dma_start3A_319] : memref<20000x3xf32, #tpu.memory_space<hbm>> -> memref<80x3xf32, #tpu.memory_space<hbm>>
    %dma_start3A_321 = arith.constant 0 : i32
    %dma_start3A_322 = tpu.memref_slice %arg4[%add3A_310, %dma_start3A_321] : memref<20000x3xf32, #tpu.memory_space<hbm>> -> memref<80x3xf32, #tpu.memory_space<hbm>>
    tpu.enqueue_dma source(%dma_start3A_322 : memref<80x3xf32, #tpu.memory_space<hbm>>) target(%arg14 : memref<80x3xf32, #tpu.memory_space<vmem>>) target_semaphore(%arg26 : memref<!tpu.dma_semaphore, #tpu.memory_space<semaphore_mem>>)
    %dma_start3A_323 = arith.constant 0 : i32
    %dma_start3A_324 = tpu.memref_slice %arg6[%add3A_310, %dma_start3A_323] : memref<20000x16xf32, #tpu.memory_space<hbm>> -> memref<80x16xf32, #tpu.memory_space<hbm>>
    %dma_start3A_325 = arith.constant 0 : i32
    %dma_start3A_326 = tpu.memref_slice %arg6[%add3A_310, %dma_start3A_325] : memref<20000x16xf32, #tpu.memory_space<hbm>> -> memref<80x16xf32, #tpu.memory_space<hbm>>
    tpu.enqueue_dma source(%dma_start3A_326 : memref<80x16xf32, #tpu.memory_space<hbm>>) target(%arg15 : memref<80x16xf32, #tpu.memory_space<vmem>>) target_semaphore(%arg26 : memref<!tpu.dma_semaphore, #tpu.memory_space<semaphore_mem>>)
    %dma_wait3A_327 = arith.constant 0 : i32
    %dma_wait3A_328 = tpu.memref_slice %arg2[%add3A_252, %dma_wait3A_327] : memref<20000x2xf32, #tpu.memory_space<hbm>> -> memref<80x2xf32, #tpu.memory_space<hbm>>
    %dma_wait3A_329 = arith.constant 0 : i32
    %dma_wait3A_330 = tpu.memref_slice %arg2[%add3A_252, %dma_wait3A_329] : memref<20000x2xf32, #tpu.memory_space<hbm>> -> memref<80x2xf32, #tpu.memory_space<hbm>>
    tpu.wait_dma2 semaphore(%arg26 : memref<!tpu.dma_semaphore, #tpu.memory_space<semaphore_mem>>) src(%dma_wait3A_330 : memref<80x2xf32, #tpu.memory_space<hbm>>) dst(%arg16 : memref<80x2xf32, #tpu.memory_space<vmem>>)
    %dma_wait3A_331 = arith.constant 0 : i32
    %dma_wait3A_332 = tpu.memref_slice %arg3[%add3A_252, %dma_wait3A_331] : memref<20000x4xf32, #tpu.memory_space<hbm>> -> memref<80x4xf32, #tpu.memory_space<hbm>>
    %dma_wait3A_333 = arith.constant 0 : i32
    %dma_wait3A_334 = tpu.memref_slice %arg3[%add3A_252, %dma_wait3A_333] : memref<20000x4xf32, #tpu.memory_space<hbm>> -> memref<80x4xf32, #tpu.memory_space<hbm>>
    tpu.wait_dma2 semaphore(%arg26 : memref<!tpu.dma_semaphore, #tpu.memory_space<semaphore_mem>>) src(%dma_wait3A_334 : memref<80x4xf32, #tpu.memory_space<hbm>>) dst(%arg17 : memref<80x4xf32, #tpu.memory_space<vmem>>)
    %dma_wait3A_335 = arith.constant 0 : i32
    %dma_wait3A_336 = tpu.memref_slice %arg4[%add3A_252, %dma_wait3A_335] : memref<20000x3xf32, #tpu.memory_space<hbm>> -> memref<80x3xf32, #tpu.memory_space<hbm>>
    %dma_wait3A_337 = arith.constant 0 : i32
    %dma_wait3A_338 = tpu.memref_slice %arg4[%add3A_252, %dma_wait3A_337] : memref<20000x3xf32, #tpu.memory_space<hbm>> -> memref<80x3xf32, #tpu.memory_space<hbm>>
    tpu.wait_dma2 semaphore(%arg26 : memref<!tpu.dma_semaphore, #tpu.memory_space<semaphore_mem>>) src(%dma_wait3A_338 : memref<80x3xf32, #tpu.memory_space<hbm>>) dst(%arg18 : memref<80x3xf32, #tpu.memory_space<vmem>>)
    %dma_wait3A_339 = arith.constant 0 : i32
    %dma_wait3A_340 = tpu.memref_slice %arg6[%add3A_252, %dma_wait3A_339] : memref<20000x16xf32, #tpu.memory_space<hbm>> -> memref<80x16xf32, #tpu.memory_space<hbm>>
    %dma_wait3A_341 = arith.constant 0 : i32
    %dma_wait3A_342 = tpu.memref_slice %arg6[%add3A_252, %dma_wait3A_341] : memref<20000x16xf32, #tpu.memory_space<hbm>> -> memref<80x16xf32, #tpu.memory_space<hbm>>
    tpu.wait_dma2 semaphore(%arg26 : memref<!tpu.dma_semaphore, #tpu.memory_space<semaphore_mem>>) src(%dma_wait3A_342 : memref<80x16xf32, #tpu.memory_space<hbm>>) dst(%arg19 : memref<80x16xf32, #tpu.memory_space<vmem>>)
    %dma_wait3A_343 = arith.constant 0 : i32
    %dma_wait3A_344 = tpu.memref_slice %arg8[%add3A_300, %dma_wait3A_343] : memref<20000x4xf32, #tpu.memory_space<hbm>> -> memref<80x4xf32, #tpu.memory_space<hbm>>
    %dma_wait3A_345 = arith.constant 0 : i32
    %dma_wait3A_346 = tpu.memref_slice %arg8[%add3A_300, %dma_wait3A_345] : memref<20000x4xf32, #tpu.memory_space<hbm>> -> memref<80x4xf32, #tpu.memory_space<hbm>>
    tpu.wait_dma2 semaphore(%arg27 : memref<!tpu.dma_semaphore, #tpu.memory_space<semaphore_mem>>) src(%arg20 : memref<80x4xf32, #tpu.memory_space<vmem>>) dst(%dma_wait3A_346 : memref<80x4xf32, #tpu.memory_space<hbm>>)
    %dma_wait3A_347 = arith.constant 0 : i32
    %dma_wait3A_348 = tpu.memref_slice %arg9[%add3A_300, %dma_wait3A_347] : memref<20000x3xf32, #tpu.memory_space<hbm>> -> memref<80x3xf32, #tpu.memory_space<hbm>>
    %dma_wait3A_349 = arith.constant 0 : i32
    %dma_wait3A_350 = tpu.memref_slice %arg9[%add3A_300, %dma_wait3A_349] : memref<20000x3xf32, #tpu.memory_space<hbm>> -> memref<80x3xf32, #tpu.memory_space<hbm>>
    tpu.wait_dma2 semaphore(%arg27 : memref<!tpu.dma_semaphore, #tpu.memory_space<semaphore_mem>>) src(%arg21 : memref<80x3xf32, #tpu.memory_space<vmem>>) dst(%dma_wait3A_350 : memref<80x3xf32, #tpu.memory_space<hbm>>)
    %scan3A_351 = arith.constant 0 : i32
    %scan3A_352 = arith.constant 0 : i32
    %scan3A_353 = arith.constant 5 : i32
    %scan3A_354 = arith.addi %scan3A_352, %scan3A_353 : i32
    %scan3A_355 = arith.constant 1 : i32
    scf.for %scan3A_473 = %scan3A_352 to %scan3A_354 step %scan3A_355  : i32 {
      %mul3A_474 = arith.constant 16 : i32
      %mul3A_475 = arith.muli %scan3A_473, %mul3A_474 : i32
      %add3A_476 = arith.constant 400 : i32
      %add3A_477 = arith.addi %add3A_476, %mul3A_475 : i32
      %mul3A_478 = arith.constant 16 : i32
      %mul3A_479 = arith.muli %scan3A_473, %mul3A_478 : i32
      %add3A_480 = vector.broadcast %mul3A_479 : i32 to vector<16xi32>
      %add3A_481 = arith.addi %add3A_480, %iota3A : vector<16xi32>
      %broadcast_in_dim3A = arith.constant 0 : i32
      %broadcast_in_dim3A_482 = vector.broadcast %broadcast_in_dim3A : i32 to vector<16xi32>
      %gather3A = tpu.vector_load_idx %arg16[%add3A_481, %broadcast_in_dim3A_482] : memref<80x2xf32, #tpu.memory_space<vmem>>[vector<16xi32>, vector<16xi32>], vector<16xf32>,
      %broadcast_in_dim3A_483 = arith.constant 1 : i32
      %broadcast_in_dim3A_484 = vector.broadcast %broadcast_in_dim3A_483 : i32 to vector<16xi32>
      %gather3A_485 = tpu.vector_load_idx %arg16[%add3A_481, %broadcast_in_dim3A_484] : memref<80x2xf32, #tpu.memory_space<vmem>>[vector<16xi32>, vector<16xi32>], vector<16xf32>,
      %broadcast_in_dim3A_486 = arith.constant 0 : i32
      %broadcast_in_dim3A_487 = vector.broadcast %broadcast_in_dim3A_486 : i32 to vector<16xi32>
      %gather3A_488 = tpu.vector_load_idx %arg17[%add3A_481, %broadcast_in_dim3A_487] : memref<80x4xf32, #tpu.memory_space<vmem>>[vector<16xi32>, vector<16xi32>], vector<16xf32>,
      %sub3A = arith.subf %gather3A, %gather3A_488 : vector<16xf32>
      %mul3A_489 = arith.constant 4.000000e+00 : f32
      %mul3A_490 = vector.broadcast %mul3A_489 : f32 to vector<16xf32>
      %mul3A_491 = arith.mulf %sub3A, %mul3A_490 : vector<16xf32>
      %broadcast_in_dim3A_492 = arith.constant 1 : i32
      %broadcast_in_dim3A_493 = vector.broadcast %broadcast_in_dim3A_492 : i32 to vector<16xi32>
      %gather3A_494 = tpu.vector_load_idx %arg17[%add3A_481, %broadcast_in_dim3A_493] : memref<80x4xf32, #tpu.memory_space<vmem>>[vector<16xi32>, vector<16xi32>], vector<16xf32>,
      %sub3A_495 = arith.subf %gather3A_485, %gather3A_494 : vector<16xf32>
      %mul3A_496 = arith.constant 4.000000e+00 : f32
      %mul3A_497 = vector.broadcast %mul3A_496 : f32 to vector<16xf32>
      %mul3A_498 = arith.mulf %sub3A_495, %mul3A_497 : vector<16xf32>
      %broadcast_in_dim3A_499 = arith.constant 2 : i32
      %broadcast_in_dim3A_500 = vector.broadcast %broadcast_in_dim3A_499 : i32 to vector<16xi32>
      %gather3A_501 = tpu.vector_load_idx %arg17[%add3A_481, %broadcast_in_dim3A_500] : memref<80x4xf32, #tpu.memory_space<vmem>>[vector<16xi32>, vector<16xi32>], vector<16xf32>,
      %add3A_502 = arith.addf %gather3A, %gather3A_501 : vector<16xf32>
      %mul3A_503 = arith.constant 4.000000e+00 : f32
      %mul3A_504 = vector.broadcast %mul3A_503 : f32 to vector<16xf32>
      %mul3A_505 = arith.mulf %add3A_502, %mul3A_504 : vector<16xf32>
      %broadcast_in_dim3A_506 = arith.constant 3 : i32
      %broadcast_in_dim3A_507 = vector.broadcast %broadcast_in_dim3A_506 : i32 to vector<16xi32>
      %gather3A_508 = tpu.vector_load_idx %arg17[%add3A_481, %broadcast_in_dim3A_507] : memref<80x4xf32, #tpu.memory_space<vmem>>[vector<16xi32>, vector<16xi32>], vector<16xf32>,
      %add3A_509 = arith.addf %gather3A_485, %gather3A_508 : vector<16xf32>
      %mul3A_510 = arith.constant 4.000000e+00 : f32
      %mul3A_511 = vector.broadcast %mul3A_510 : f32 to vector<16xf32>
      %mul3A_512 = arith.mulf %add3A_509, %mul3A_511 : vector<16xf32>
      %jit3A = arith.constant 0.000000e+00 : f32
      %jit3A_513 = arith.constant 1280 : i32
      %max3A = vector.broadcast %jit3A : f32 to vector<16xf32>
      %max3A_514 = arith.maximumf %max3A, %mul3A_491 : vector<16xf32>
      %convert_element_type3A = arith.sitofp %jit3A_513 : i32 to f32
      %min3A_515 = vector.broadcast %convert_element_type3A : f32 to vector<16xf32>
      %min3A_516 = arith.minimumf %min3A_515, %max3A_514 : vector<16xf32>
      %broadcast_in_dim3A_517 = arith.constant 0 : i32
      %broadcast_in_dim3A_518 = vector.broadcast %broadcast_in_dim3A_517 : i32 to vector<16xi32>
      tpu.vector_store_idx %arg20[%add3A_481, %broadcast_in_dim3A_518], %min3A_516 : memref<80x4xf32, #tpu.memory_space<vmem>>[vector<16xi32>, vector<16xi32>], vector<16xf32>,
      %jit3A_519 = arith.constant 0.000000e+00 : f32
      %jit3A_520 = arith.constant 384 : i32
      %max3A_521 = vector.broadcast %jit3A_519 : f32 to vector<16xf32>
      %max3A_522 = arith.maximumf %max3A_521, %mul3A_498 : vector<16xf32>
      %convert_element_type3A_523 = arith.sitofp %jit3A_520 : i32 to f32
      %min3A_524 = vector.broadcast %convert_element_type3A_523 : f32 to vector<16xf32>
      %min3A_525 = arith.minimumf %min3A_524, %max3A_522 : vector<16xf32>
      %broadcast_in_dim3A_526 = arith.constant 1 : i32
      %broadcast_in_dim3A_527 = vector.broadcast %broadcast_in_dim3A_526 : i32 to vector<16xi32>
      tpu.vector_store_idx %arg20[%add3A_481, %broadcast_in_dim3A_527], %min3A_525 : memref<80x4xf32, #tpu.memory_space<vmem>>[vector<16xi32>, vector<16xi32>], vector<16xf32>,
      %broadcast_in_dim3A_528 = arith.constant 2 : i32
      %broadcast_in_dim3A_529 = vector.broadcast %broadcast_in_dim3A_528 : i32 to vector<16xi32>
      tpu.vector_store_idx %arg20[%add3A_481, %broadcast_in_dim3A_529], %mul3A_505 : memref<80x4xf32, #tpu.memory_space<vmem>>[vector<16xi32>, vector<16xi32>], vector<16xf32>,
      %broadcast_in_dim3A_530 = arith.constant 3 : i32
      %broadcast_in_dim3A_531 = vector.broadcast %broadcast_in_dim3A_530 : i32 to vector<16xi32>
      tpu.vector_store_idx %arg20[%add3A_481, %broadcast_in_dim3A_531], %mul3A_512 : memref<80x4xf32, #tpu.memory_space<vmem>>[vector<16xi32>, vector<16xi32>], vector<16xf32>,
      %get3A = arith.index_cast %add3A_477 : i32 to index
      %get3A_532 = tpu.vector_load %arg23[%get3A] {strides = array<i32>} : memref<640xi32, #tpu.memory_space<vmem>>, vector<16xi32>,
      %eq3A = arith.constant 0 : i32
      %eq3A_533 = vector.broadcast %eq3A : i32 to vector<16xi32>
      %eq3A_534 = arith.cmpi eq, %get3A_532, %eq3A_533 : vector<16xi32>
      %eq3A_535 = arith.constant 1 : i32
      %eq3A_536 = vector.broadcast %eq3A_535 : i32 to vector<16xi32>
      %eq3A_537 = arith.cmpi eq, %get3A_532, %eq3A_536 : vector<16xi32>
      %jit3A_538 = arith.constant 0.919867455 : f32
      %jit3A_539 = arith.constant 1.7865274 : f32
      %broadcast_in_dim3A_540 = vector.broadcast %jit3A_538 : f32 to vector<16xf32>
      %broadcast_in_dim3A_541 = vector.broadcast %jit3A_539 : f32 to vector<16xf32>
      %select_n3A = arith.select %eq3A_537, %broadcast_in_dim3A_540, %broadcast_in_dim3A_541 : vector<16xi1>, vector<16xf32>
      %jit3A_542 = arith.constant 4.83899879 : f32
      %broadcast_in_dim3A_543 = vector.broadcast %jit3A_542 : f32 to vector<16xf32>
      %select_n3A_544 = arith.select %eq3A_534, %broadcast_in_dim3A_543, %select_n3A : vector<16xi1>, vector<16xf32>
      %broadcast_in_dim3A_545 = arith.constant 0 : i32
      %broadcast_in_dim3A_546 = vector.broadcast %broadcast_in_dim3A_545 : i32 to vector<16xi32>
      %gather3A_547 = tpu.vector_load_idx %arg18[%add3A_481, %broadcast_in_dim3A_546] : memref<80x3xf32, #tpu.memory_space<vmem>>[vector<16xi32>, vector<16xi32>], vector<16xf32>,
      %exp3A = math.exp %gather3A_547 : vector<16xf32>
      %mul3A_548 = arith.mulf %exp3A, %select_n3A_544 : vector<16xf32>
      %broadcast_in_dim3A_549 = arith.constant 0 : i32
      %broadcast_in_dim3A_550 = vector.broadcast %broadcast_in_dim3A_549 : i32 to vector<16xi32>
      tpu.vector_store_idx %arg21[%add3A_481, %broadcast_in_dim3A_550], %mul3A_548 : memref<80x3xf32, #tpu.memory_space<vmem>>[vector<16xi32>, vector<16xi32>], vector<16xf32>,
      %jit3A_551 = arith.constant 1.75302339 : f32
      %jit3A_552 = arith.constant 1.76500988 : f32
      %broadcast_in_dim3A_553 = vector.broadcast %jit3A_551 : f32 to vector<16xf32>
      %broadcast_in_dim3A_554 = vector.broadcast %jit3A_552 : f32 to vector<16xf32>
      %select_n3A_555 = arith.select %eq3A_537, %broadcast_in_dim3A_553, %broadcast_in_dim3A_554 : vector<16xi1>, vector<16xf32>
      %jit3A_556 = arith.constant 1.80778956 : f32
      %broadcast_in_dim3A_557 = vector.broadcast %jit3A_556 : f32 to vector<16xf32>
      %select_n3A_558 = arith.select %eq3A_534, %broadcast_in_dim3A_557, %select_n3A_555 : vector<16xi1>, vector<16xf32>
      %broadcast_in_dim3A_559 = arith.constant 1 : i32
      %broadcast_in_dim3A_560 = vector.broadcast %broadcast_in_dim3A_559 : i32 to vector<16xi32>
      %gather3A_561 = tpu.vector_load_idx %arg18[%add3A_481, %broadcast_in_dim3A_560] : memref<80x3xf32, #tpu.memory_space<vmem>>[vector<16xi32>, vector<16xi32>], vector<16xf32>,
      %exp3A_562 = math.exp %gather3A_561 : vector<16xf32>
      %mul3A_563 = arith.mulf %exp3A_562, %select_n3A_558 : vector<16xf32>
      %broadcast_in_dim3A_564 = arith.constant 1 : i32
      %broadcast_in_dim3A_565 = vector.broadcast %broadcast_in_dim3A_564 : i32 to vector<16xi32>
      tpu.vector_store_idx %arg21[%add3A_481, %broadcast_in_dim3A_565], %mul3A_563 : memref<80x3xf32, #tpu.memory_space<vmem>>[vector<16xi32>, vector<16xi32>], vector<16xf32>,
      %jit3A_566 = arith.constant 0.862208068 : f32
      %jit3A_567 = arith.constant 0.833956241 : f32
      %broadcast_in_dim3A_568 = vector.broadcast %jit3A_566 : f32 to vector<16xf32>
      %broadcast_in_dim3A_569 = vector.broadcast %jit3A_567 : f32 to vector<16xf32>
      %select_n3A_570 = arith.select %eq3A_537, %broadcast_in_dim3A_568, %broadcast_in_dim3A_569 : vector<16xi1>, vector<16xf32>
      %jit3A_571 = arith.constant 2.11565804 : f32
      %broadcast_in_dim3A_572 = vector.broadcast %jit3A_571 : f32 to vector<16xf32>
      %select_n3A_573 = arith.select %eq3A_534, %broadcast_in_dim3A_572, %select_n3A_570 : vector<16xi1>, vector<16xf32>
      %broadcast_in_dim3A_574 = arith.constant 2 : i32
      %broadcast_in_dim3A_575 = vector.broadcast %broadcast_in_dim3A_574 : i32 to vector<16xi32>
      %gather3A_576 = tpu.vector_load_idx %arg18[%add3A_481, %broadcast_in_dim3A_575] : memref<80x3xf32, #tpu.memory_space<vmem>>[vector<16xi32>, vector<16xi32>], vector<16xf32>,
      %exp3A_577 = math.exp %gather3A_576 : vector<16xf32>
      %mul3A_578 = arith.mulf %exp3A_577, %select_n3A_573 : vector<16xf32>
      %broadcast_in_dim3A_579 = arith.constant 2 : i32
      %broadcast_in_dim3A_580 = vector.broadcast %broadcast_in_dim3A_579 : i32 to vector<16xi32>
      tpu.vector_store_idx %arg21[%add3A_481, %broadcast_in_dim3A_580], %mul3A_578 : memref<80x3xf32, #tpu.memory_space<vmem>>[vector<16xi32>, vector<16xi32>], vector<16xf32>,
      %get3A_581 = arith.index_cast %add3A_477 : i32 to index
      %get3A_582 = tpu.vector_load %arg22[%get3A_581] {strides = array<i32>} : memref<640xf32, #tpu.memory_space<vmem>>, vector<16xf32>,
      %neg3A = arith.constant 0.000000e+00 : f32
      %neg3A_583 = vector.broadcast %neg3A : f32 to vector<16xf32>
      %neg3A_584 = arith.subf %neg3A_583, %get3A_582 : vector<16xf32>
      %exp3A_585 = math.exp %neg3A_584 : vector<16xf32>
      %jit3A_586 = arith.constant 1.000000e-01 : f32
      %jit3A_587 = arith.constant 1.000000e+02 : f32
      %max3A_588 = vector.broadcast %jit3A_586 : f32 to vector<16xf32>
      %max3A_589 = arith.maximumf %max3A_588, %exp3A_585 : vector<16xf32>
      %min3A_590 = vector.broadcast %jit3A_587 : f32 to vector<16xf32>
      %min3A_591 = arith.minimumf %min3A_590, %max3A_589 : vector<16xf32>
      %swap3A = arith.index_cast %add3A_477 : i32 to index
      %swap3A_592 = tpu.vector_load %arg24[%swap3A] {strides = array<i32>} : memref<640xf32, #tpu.memory_space<vmem>>, vector<16xf32>,
      tpu.vector_store %arg24[%swap3A], %min3A_591 {strides = array<i32>} : memref<640xf32, #tpu.memory_space<vmem>>, vector<16xf32>,
      %broadcast_in_dim3A_593 = arith.constant 1 : i32
      %broadcast_in_dim3A_594 = vector.broadcast %broadcast_in_dim3A_593 : i32 to vector<16xi32>
      %gather3A_595 = tpu.vector_load_idx %arg19[%add3A_481, %broadcast_in_dim3A_594] : memref<80x16xf32, #tpu.memory_space<vmem>>[vector<16xi32>, vector<16xi32>], vector<16xf32>,
      %broadcast_in_dim3A_596 = arith.constant 0 : i32
      %broadcast_in_dim3A_597 = vector.broadcast %broadcast_in_dim3A_596 : i32 to vector<16xi32>
      %gather3A_598 = tpu.vector_load_idx %arg19[%add3A_481, %broadcast_in_dim3A_597] : memref<80x16xf32, #tpu.memory_space<vmem>>[vector<16xi32>, vector<16xi32>], vector<16xf32>,
      %sub3A_599 = arith.subf %gather3A_595, %gather3A_598 : vector<16xf32>
      %broadcast_in_dim3A_600 = arith.constant 0 : i32
      %broadcast_in_dim3A_601 = vector.broadcast %broadcast_in_dim3A_600 : i32 to vector<16xi32>
      %broadcast_in_dim3A_602 = arith.constant 3 : i32
      %broadcast_in_dim3A_603 = vector.broadcast %broadcast_in_dim3A_602 : i32 to vector<16xi32>
      %gather3A_604 = tpu.vector_load_idx %arg19[%add3A_481, %broadcast_in_dim3A_603] : memref<80x16xf32, #tpu.memory_space<vmem>>[vector<16xi32>, vector<16xi32>], vector<16xf32>,
      %broadcast_in_dim3A_605 = arith.constant 2 : i32
      %broadcast_in_dim3A_606 = vector.broadcast %broadcast_in_dim3A_605 : i32 to vector<16xi32>
      %gather3A_607 = tpu.vector_load_idx %arg19[%add3A_481, %broadcast_in_dim3A_606] : memref<80x16xf32, #tpu.memory_space<vmem>>[vector<16xi32>, vector<16xi32>], vector<16xf32>,
      %sub3A_608 = arith.subf %gather3A_604, %gather3A_607 : vector<16xf32>
      %gt3A = arith.cmpf ogt, %sub3A_608, %sub3A_599 : vector<16xf32>
      %select_n3A_609 = arith.select %gt3A, %sub3A_608, %sub3A_599 : vector<16xi1>, vector<16xf32>
      %jit3A_610 = arith.constant 1 : i32
      %broadcast_in_dim3A_611 = vector.broadcast %jit3A_610 : i32 to vector<16xi32>
      %select_n3A_612 = arith.select %gt3A, %broadcast_in_dim3A_611, %broadcast_in_dim3A_601 : vector<16xi1>, vector<16xi32>
      %broadcast_in_dim3A_613 = arith.constant 5 : i32
      %broadcast_in_dim3A_614 = vector.broadcast %broadcast_in_dim3A_613 : i32 to vector<16xi32>
      %gather3A_615 = tpu.vector_load_idx %arg19[%add3A_481, %broadcast_in_dim3A_614] : memref<80x16xf32, #tpu.memory_space<vmem>>[vector<16xi32>, vector<16xi32>], vector<16xf32>,
      %broadcast_in_dim3A_616 = arith.constant 4 : i32
      %broadcast_in_dim3A_617 = vector.broadcast %broadcast_in_dim3A_616 : i32 to vector<16xi32>
      %gather3A_618 = tpu.vector_load_idx %arg19[%add3A_481, %broadcast_in_dim3A_617] : memref<80x16xf32, #tpu.memory_space<vmem>>[vector<16xi32>, vector<16xi32>], vector<16xf32>,
      %sub3A_619 = arith.subf %gather3A_615, %gather3A_618 : vector<16xf32>
      %gt3A_620 = arith.cmpf ogt, %sub3A_619, %select_n3A_609 : vector<16xf32>
      %select_n3A_621 = arith.select %gt3A_620, %sub3A_619, %select_n3A_609 : vector<16xi1>, vector<16xf32>
      %jit3A_622 = arith.constant 2 : i32
      %broadcast_in_dim3A_623 = vector.broadcast %jit3A_622 : i32 to vector<16xi32>
      %select_n3A_624 = arith.select %gt3A_620, %broadcast_in_dim3A_623, %select_n3A_612 : vector<16xi1>, vector<16xi32>
      %broadcast_in_dim3A_625 = arith.constant 7 : i32
      %broadcast_in_dim3A_626 = vector.broadcast %broadcast_in_dim3A_625 : i32 to vector<16xi32>
      %gather3A_627 = tpu.vector_load_idx %arg19[%add3A_481, %broadcast_in_dim3A_626] : memref<80x16xf32, #tpu.memory_space<vmem>>[vector<16xi32>, vector<16xi32>], vector<16xf32>,
      %broadcast_in_dim3A_628 = arith.constant 6 : i32
      %broadcast_in_dim3A_629 = vector.broadcast %broadcast_in_dim3A_628 : i32 to vector<16xi32>
      %gather3A_630 = tpu.vector_load_idx %arg19[%add3A_481, %broadcast_in_dim3A_629] : memref<80x16xf32, #tpu.memory_space<vmem>>[vector<16xi32>, vector<16xi32>], vector<16xf32>,
      %sub3A_631 = arith.subf %gather3A_627, %gather3A_630 : vector<16xf32>
      %gt3A_632 = arith.cmpf ogt, %sub3A_631, %select_n3A_621 : vector<16xf32>
      %select_n3A_633 = arith.select %gt3A_632, %sub3A_631, %select_n3A_621 : vector<16xi1>, vector<16xf32>
      %jit3A_634 = arith.constant 3 : i32
      %broadcast_in_dim3A_635 = vector.broadcast %jit3A_634 : i32 to vector<16xi32>
      %select_n3A_636 = arith.select %gt3A_632, %broadcast_in_dim3A_635, %select_n3A_624 : vector<16xi1>, vector<16xi32>
      %mul3A_637 = arith.constant 2 : i32
      %mul3A_638 = vector.broadcast %mul3A_637 : i32 to vector<16xi32>
      %mul3A_639 = arith.muli %mul3A_638, %select_n3A_636 : vector<16xi32>
      %add3A_640 = arith.constant 8 : i32
      %add3A_641 = vector.broadcast %add3A_640 : i32 to vector<16xi32>
      %add3A_642 = arith.addi %add3A_641, %mul3A_639 : vector<16xi32>
      %gather3A_643 = tpu.vector_load_idx %arg19[%add3A_481, %add3A_642] : memref<80x16xf32, #tpu.memory_space<vmem>>[vector<16xi32>, vector<16xi32>], vector<16xf32>,
      %add3A_644 = arith.constant 1 : i32
      %add3A_645 = vector.broadcast %add3A_644 : i32 to vector<16xi32>
      %add3A_646 = arith.addi %add3A_642, %add3A_645 : vector<16xi32>
      %gather3A_647 = tpu.vector_load_idx %arg19[%add3A_481, %add3A_646] : memref<80x16xf32, #tpu.memory_space<vmem>>[vector<16xi32>, vector<16xi32>], vector<16xf32>,
      %div3A = arith.divf %gather3A_643, %gather3A_647 : vector<16xf32>
      %abs3A = math.absf %div3A : vector<16xf32>
      %gt3A_648 = arith.constant 1.000000e+00 : f32
      %gt3A_649 = vector.broadcast %gt3A_648 : f32 to vector<16xf32>
      %gt3A_650 = arith.cmpf ogt, %abs3A, %gt3A_649 : vector<16xf32>
      %div3A_651 = arith.constant 1.000000e+00 : f32
      %div3A_652 = vector.broadcast %div3A_651 : f32 to vector<16xf32>
      %div3A_653 = arith.divf %div3A_652, %abs3A : vector<16xf32>
      %select_n3A_654 = arith.select %gt3A_650, %div3A_653, %abs3A : vector<16xi1>, vector<16xf32>
      %mul3A_655 = arith.mulf %select_n3A_654, %select_n3A_654 : vector<16xf32>
      %broadcast_in_dim3A_656 = arith.constant 2.083510e-02 : f32
      %broadcast_in_dim3A_657 = vector.broadcast %broadcast_in_dim3A_656 : f32 to vector<16xf32>
      %mul3A_658 = arith.mulf %broadcast_in_dim3A_657, %mul3A_655 : vector<16xf32>
      %add3A_659 = arith.constant -8.513300e-02 : f32
      %add3A_660 = vector.broadcast %add3A_659 : f32 to vector<16xf32>
      %add3A_661 = arith.addf %mul3A_658, %add3A_660 : vector<16xf32>
      %mul3A_662 = arith.mulf %add3A_661, %mul3A_655 : vector<16xf32>
      %add3A_663 = arith.constant 1.801410e-01 : f32
      %add3A_664 = vector.broadcast %add3A_663 : f32 to vector<16xf32>
      %add3A_665 = arith.addf %mul3A_662, %add3A_664 : vector<16xf32>
      %mul3A_666 = arith.mulf %add3A_665, %mul3A_655 : vector<16xf32>
      %add3A_667 = arith.constant -0.330299497 : f32
      %add3A_668 = vector.broadcast %add3A_667 : f32 to vector<16xf32>
      %add3A_669 = arith.addf %mul3A_666, %add3A_668 : vector<16xf32>
      %mul3A_670 = arith.mulf %add3A_669, %mul3A_655 : vector<16xf32>
      %add3A_671 = arith.constant 9.998660e-01 : f32
      %add3A_672 = vector.broadcast %add3A_671 : f32 to vector<16xf32>
      %add3A_673 = arith.addf %mul3A_670, %add3A_672 : vector<16xf32>
      %mul3A_674 = arith.mulf %add3A_673, %select_n3A_654 : vector<16xf32>
      %sub3A_675 = arith.constant 1.57079637 : f32
      %sub3A_676 = vector.broadcast %sub3A_675 : f32 to vector<16xf32>
      %sub3A_677 = arith.subf %sub3A_676, %mul3A_674 : vector<16xf32>
      %select_n3A_678 = arith.select %gt3A_650, %sub3A_677, %mul3A_674 : vector<16xi1>, vector<16xf32>
      %lt3A = arith.constant 0.000000e+00 : f32
      %lt3A_679 = vector.broadcast %lt3A : f32 to vector<16xf32>
      %lt3A_680 = arith.cmpf olt, %div3A, %lt3A_679 : vector<16xf32>
      %neg3A_681 = arith.constant 0.000000e+00 : f32
      %neg3A_682 = vector.broadcast %neg3A_681 : f32 to vector<16xf32>
      %neg3A_683 = arith.subf %neg3A_682, %select_n3A_678 : vector<16xf32>
      %select_n3A_684 = arith.select %lt3A_680, %neg3A_683, %select_n3A_678 : vector<16xi1>, vector<16xf32>
      %eq3A_685 = arith.constant 3 : i32
      %eq3A_686 = vector.broadcast %eq3A_685 : i32 to vector<16xi32>
      %eq3A_687 = arith.cmpi eq, %select_n3A_636, %eq3A_686 : vector<16xi32>
      %convert_element_type3A_688 = arith.sitofp %select_n3A_636 : vector<16xi32> to vector<16xf32>
      %mul3A_689 = arith.constant 1.57079637 : f32
      %mul3A_690 = vector.broadcast %mul3A_689 : f32 to vector<16xf32>
      %mul3A_691 = arith.mulf %convert_element_type3A_688, %mul3A_690 : vector<16xf32>
      %jit3A_692 = arith.constant -1.57079637 : f32
      %broadcast_in_dim3A_693 = vector.broadcast %jit3A_692 : f32 to vector<16xf32>
      %select_n3A_694 = arith.select %eq3A_687, %broadcast_in_dim3A_693, %mul3A_691 : vector<16xi1>, vector<16xf32>
      %add3A_695 = arith.addf %select_n3A_684, %select_n3A_694 : vector<16xf32>
      %gt3A_696 = arith.constant 3.14159274 : f32
      %gt3A_697 = vector.broadcast %gt3A_696 : f32 to vector<16xf32>
      %gt3A_698 = arith.cmpf ogt, %add3A_695, %gt3A_697 : vector<16xf32>
      %sub3A_699 = arith.constant 6.28318548 : f32
      %sub3A_700 = vector.broadcast %sub3A_699 : f32 to vector<16xf32>
      %sub3A_701 = arith.subf %add3A_695, %sub3A_700 : vector<16xf32>
      %select_n3A_702 = arith.select %gt3A_698, %sub3A_701, %add3A_695 : vector<16xi1>, vector<16xf32>
      %lt3A_703 = arith.constant -3.14159274 : f32
      %lt3A_704 = vector.broadcast %lt3A_703 : f32 to vector<16xf32>
      %lt3A_705 = arith.cmpf olt, %select_n3A_702, %lt3A_704 : vector<16xf32>
      %add3A_706 = arith.constant 6.28318548 : f32
      %add3A_707 = vector.broadcast %add3A_706 : f32 to vector<16xf32>
      %add3A_708 = arith.addf %select_n3A_702, %add3A_707 : vector<16xf32>
      %select_n3A_709 = arith.select %lt3A_705, %add3A_708, %select_n3A_702 : vector<16xi1>, vector<16xf32>
      %swap3A_710 = arith.index_cast %add3A_477 : i32 to index
      %swap3A_711 = tpu.vector_load %arg25[%swap3A_710] {strides = array<i32>} : memref<640xf32, #tpu.memory_space<vmem>>, vector<16xf32>,
      tpu.vector_store %arg25[%swap3A_710], %select_n3A_709 {strides = array<i32>} : memref<640xf32, #tpu.memory_space<vmem>>, vector<16xf32>,
    }
    %scan3A_356 = arith.constant 5 : i32
    %add3A_357 = arith.constant 400 : i32
    %add3A_358 = arith.addi %min3A_3, %add3A_357 : i32
    %dma_start3A_359 = arith.constant 0 : i32
    %dma_start3A_360 = tpu.memref_slice %arg8[%add3A_358, %dma_start3A_359] : memref<20000x4xf32, #tpu.memory_space<hbm>> -> memref<80x4xf32, #tpu.memory_space<hbm>>
    %dma_start3A_361 = arith.constant 0 : i32
    %dma_start3A_362 = tpu.memref_slice %arg8[%add3A_358, %dma_start3A_361] : memref<20000x4xf32, #tpu.memory_space<hbm>> -> memref<80x4xf32, #tpu.memory_space<hbm>>
    tpu.enqueue_dma source(%arg20 : memref<80x4xf32, #tpu.memory_space<vmem>>) target(%dma_start3A_362 : memref<80x4xf32, #tpu.memory_space<hbm>>) target_semaphore(%arg27 : memref<!tpu.dma_semaphore, #tpu.memory_space<semaphore_mem>>)
    %dma_start3A_363 = arith.constant 0 : i32
    %dma_start3A_364 = tpu.memref_slice %arg9[%add3A_358, %dma_start3A_363] : memref<20000x3xf32, #tpu.memory_space<hbm>> -> memref<80x3xf32, #tpu.memory_space<hbm>>
    %dma_start3A_365 = arith.constant 0 : i32
    %dma_start3A_366 = tpu.memref_slice %arg9[%add3A_358, %dma_start3A_365] : memref<20000x3xf32, #tpu.memory_space<hbm>> -> memref<80x3xf32, #tpu.memory_space<hbm>>
    tpu.enqueue_dma source(%arg21 : memref<80x3xf32, #tpu.memory_space<vmem>>) target(%dma_start3A_366 : memref<80x3xf32, #tpu.memory_space<hbm>>) target_semaphore(%arg27 : memref<!tpu.dma_semaphore, #tpu.memory_space<semaphore_mem>>)
    %add3A_367 = arith.constant 560 : i32
    %add3A_368 = arith.addi %min3A_3, %add3A_367 : i32
    %dma_start3A_369 = arith.constant 0 : i32
    %dma_start3A_370 = tpu.memref_slice %arg2[%add3A_368, %dma_start3A_369] : memref<20000x2xf32, #tpu.memory_space<hbm>> -> memref<80x2xf32, #tpu.memory_space<hbm>>
    %dma_start3A_371 = arith.constant 0 : i32
    %dma_start3A_372 = tpu.memref_slice %arg2[%add3A_368, %dma_start3A_371] : memref<20000x2xf32, #tpu.memory_space<hbm>> -> memref<80x2xf32, #tpu.memory_space<hbm>>
    tpu.enqueue_dma source(%dma_start3A_372 : memref<80x2xf32, #tpu.memory_space<hbm>>) target(%arg16 : memref<80x2xf32, #tpu.memory_space<vmem>>) target_semaphore(%arg26 : memref<!tpu.dma_semaphore, #tpu.memory_space<semaphore_mem>>)
    %dma_start3A_373 = arith.constant 0 : i32
    %dma_start3A_374 = tpu.memref_slice %arg3[%add3A_368, %dma_start3A_373] : memref<20000x4xf32, #tpu.memory_space<hbm>> -> memref<80x4xf32, #tpu.memory_space<hbm>>
    %dma_start3A_375 = arith.constant 0 : i32
    %dma_start3A_376 = tpu.memref_slice %arg3[%add3A_368, %dma_start3A_375] : memref<20000x4xf32, #tpu.memory_space<hbm>> -> memref<80x4xf32, #tpu.memory_space<hbm>>
    tpu.enqueue_dma source(%dma_start3A_376 : memref<80x4xf32, #tpu.memory_space<hbm>>) target(%arg17 : memref<80x4xf32, #tpu.memory_space<vmem>>) target_semaphore(%arg26 : memref<!tpu.dma_semaphore, #tpu.memory_space<semaphore_mem>>)
    %dma_start3A_377 = arith.constant 0 : i32
    %dma_start3A_378 = tpu.memref_slice %arg4[%add3A_368, %dma_start3A_377] : memref<20000x3xf32, #tpu.memory_space<hbm>> -> memref<80x3xf32, #tpu.memory_space<hbm>>
    %dma_start3A_379 = arith.constant 0 : i32
    %dma_start3A_380 = tpu.memref_slice %arg4[%add3A_368, %dma_start3A_379] : memref<20000x3xf32, #tpu.memory_space<hbm>> -> memref<80x3xf32, #tpu.memory_space<hbm>>
    tpu.enqueue_dma source(%dma_start3A_380 : memref<80x3xf32, #tpu.memory_space<hbm>>) target(%arg18 : memref<80x3xf32, #tpu.memory_space<vmem>>) target_semaphore(%arg26 : memref<!tpu.dma_semaphore, #tpu.memory_space<semaphore_mem>>)
    %dma_start3A_381 = arith.constant 0 : i32
    %dma_start3A_382 = tpu.memref_slice %arg6[%add3A_368, %dma_start3A_381] : memref<20000x16xf32, #tpu.memory_space<hbm>> -> memref<80x16xf32, #tpu.memory_space<hbm>>
    %dma_start3A_383 = arith.constant 0 : i32
    %dma_start3A_384 = tpu.memref_slice %arg6[%add3A_368, %dma_start3A_383] : memref<20000x16xf32, #tpu.memory_space<hbm>> -> memref<80x16xf32, #tpu.memory_space<hbm>>
    tpu.enqueue_dma source(%dma_start3A_384 : memref<80x16xf32, #tpu.memory_space<hbm>>) target(%arg19 : memref<80x16xf32, #tpu.memory_space<vmem>>) target_semaphore(%arg26 : memref<!tpu.dma_semaphore, #tpu.memory_space<semaphore_mem>>)
    %dma_wait3A_385 = arith.constant 0 : i32
    %dma_wait3A_386 = tpu.memref_slice %arg2[%add3A_310, %dma_wait3A_385] : memref<20000x2xf32, #tpu.memory_space<hbm>> -> memref<80x2xf32, #tpu.memory_space<hbm>>
    %dma_wait3A_387 = arith.constant 0 : i32
    %dma_wait3A_388 = tpu.memref_slice %arg2[%add3A_310, %dma_wait3A_387] : memref<20000x2xf32, #tpu.memory_space<hbm>> -> memref<80x2xf32, #tpu.memory_space<hbm>>
    tpu.wait_dma2 semaphore(%arg26 : memref<!tpu.dma_semaphore, #tpu.memory_space<semaphore_mem>>) src(%dma_wait3A_388 : memref<80x2xf32, #tpu.memory_space<hbm>>) dst(%arg12 : memref<80x2xf32, #tpu.memory_space<vmem>>)
    %dma_wait3A_389 = arith.constant 0 : i32
    %dma_wait3A_390 = tpu.memref_slice %arg3[%add3A_310, %dma_wait3A_389] : memref<20000x4xf32, #tpu.memory_space<hbm>> -> memref<80x4xf32, #tpu.memory_space<hbm>>
    %dma_wait3A_391 = arith.constant 0 : i32
    %dma_wait3A_392 = tpu.memref_slice %arg3[%add3A_310, %dma_wait3A_391] : memref<20000x4xf32, #tpu.memory_space<hbm>> -> memref<80x4xf32, #tpu.memory_space<hbm>>
    tpu.wait_dma2 semaphore(%arg26 : memref<!tpu.dma_semaphore, #tpu.memory_space<semaphore_mem>>) src(%dma_wait3A_392 : memref<80x4xf32, #tpu.memory_space<hbm>>) dst(%arg13 : memref<80x4xf32, #tpu.memory_space<vmem>>)
    %dma_wait3A_393 = arith.constant 0 : i32
    %dma_wait3A_394 = tpu.memref_slice %arg4[%add3A_310, %dma_wait3A_393] : memref<20000x3xf32, #tpu.memory_space<hbm>> -> memref<80x3xf32, #tpu.memory_space<hbm>>
    %dma_wait3A_395 = arith.constant 0 : i32
    %dma_wait3A_396 = tpu.memref_slice %arg4[%add3A_310, %dma_wait3A_395] : memref<20000x3xf32, #tpu.memory_space<hbm>> -> memref<80x3xf32, #tpu.memory_space<hbm>>
    tpu.wait_dma2 semaphore(%arg26 : memref<!tpu.dma_semaphore, #tpu.memory_space<semaphore_mem>>) src(%dma_wait3A_396 : memref<80x3xf32, #tpu.memory_space<hbm>>) dst(%arg14 : memref<80x3xf32, #tpu.memory_space<vmem>>)
    %dma_wait3A_397 = arith.constant 0 : i32
    %dma_wait3A_398 = tpu.memref_slice %arg6[%add3A_310, %dma_wait3A_397] : memref<20000x16xf32, #tpu.memory_space<hbm>> -> memref<80x16xf32, #tpu.memory_space<hbm>>
    %dma_wait3A_399 = arith.constant 0 : i32
    %dma_wait3A_400 = tpu.memref_slice %arg6[%add3A_310, %dma_wait3A_399] : memref<20000x16xf32, #tpu.memory_space<hbm>> -> memref<80x16xf32, #tpu.memory_space<hbm>>
    tpu.wait_dma2 semaphore(%arg26 : memref<!tpu.dma_semaphore, #tpu.memory_space<semaphore_mem>>) src(%dma_wait3A_400 : memref<80x16xf32, #tpu.memory_space<hbm>>) dst(%arg15 : memref<80x16xf32, #tpu.memory_space<vmem>>)
    %dma_wait3A_401 = arith.constant 0 : i32
    %dma_wait3A_402 = tpu.memref_slice %arg8[%add3A_358, %dma_wait3A_401] : memref<20000x4xf32, #tpu.memory_space<hbm>> -> memref<80x4xf32, #tpu.memory_space<hbm>>
    %dma_wait3A_403 = arith.constant 0 : i32
    %dma_wait3A_404 = tpu.memref_slice %arg8[%add3A_358, %dma_wait3A_403] : memref<20000x4xf32, #tpu.memory_space<hbm>> -> memref<80x4xf32, #tpu.memory_space<hbm>>
    tpu.wait_dma2 semaphore(%arg27 : memref<!tpu.dma_semaphore, #tpu.memory_space<semaphore_mem>>) src(%arg20 : memref<80x4xf32, #tpu.memory_space<vmem>>) dst(%dma_wait3A_404 : memref<80x4xf32, #tpu.memory_space<hbm>>)
    %dma_wait3A_405 = arith.constant 0 : i32
    %dma_wait3A_406 = tpu.memref_slice %arg9[%add3A_358, %dma_wait3A_405] : memref<20000x3xf32, #tpu.memory_space<hbm>> -> memref<80x3xf32, #tpu.memory_space<hbm>>
    %dma_wait3A_407 = arith.constant 0 : i32
    %dma_wait3A_408 = tpu.memref_slice %arg9[%add3A_358, %dma_wait3A_407] : memref<20000x3xf32, #tpu.memory_space<hbm>> -> memref<80x3xf32, #tpu.memory_space<hbm>>
    tpu.wait_dma2 semaphore(%arg27 : memref<!tpu.dma_semaphore, #tpu.memory_space<semaphore_mem>>) src(%arg21 : memref<80x3xf32, #tpu.memory_space<vmem>>) dst(%dma_wait3A_408 : memref<80x3xf32, #tpu.memory_space<hbm>>)
    %scan3A_409 = arith.constant 0 : i32
    %scan3A_410 = arith.constant 0 : i32
    %scan3A_411 = arith.constant 5 : i32
    %scan3A_412 = arith.addi %scan3A_410, %scan3A_411 : i32
    %scan3A_413 = arith.constant 1 : i32
    scf.for %scan3A_473 = %scan3A_410 to %scan3A_412 step %scan3A_413  : i32 {
      %mul3A_474 = arith.constant 16 : i32
      %mul3A_475 = arith.muli %scan3A_473, %mul3A_474 : i32
      %add3A_476 = arith.constant 480 : i32
      %add3A_477 = arith.addi %add3A_476, %mul3A_475 : i32
      %mul3A_478 = arith.constant 16 : i32
      %mul3A_479 = arith.muli %scan3A_473, %mul3A_478 : i32
      %add3A_480 = vector.broadcast %mul3A_479 : i32 to vector<16xi32>
      %add3A_481 = arith.addi %add3A_480, %iota3A : vector<16xi32>
      %broadcast_in_dim3A = arith.constant 0 : i32
      %broadcast_in_dim3A_482 = vector.broadcast %broadcast_in_dim3A : i32 to vector<16xi32>
      %gather3A = tpu.vector_load_idx %arg12[%add3A_481, %broadcast_in_dim3A_482] : memref<80x2xf32, #tpu.memory_space<vmem>>[vector<16xi32>, vector<16xi32>], vector<16xf32>,
      %broadcast_in_dim3A_483 = arith.constant 1 : i32
      %broadcast_in_dim3A_484 = vector.broadcast %broadcast_in_dim3A_483 : i32 to vector<16xi32>
      %gather3A_485 = tpu.vector_load_idx %arg12[%add3A_481, %broadcast_in_dim3A_484] : memref<80x2xf32, #tpu.memory_space<vmem>>[vector<16xi32>, vector<16xi32>], vector<16xf32>,
      %broadcast_in_dim3A_486 = arith.constant 0 : i32
      %broadcast_in_dim3A_487 = vector.broadcast %broadcast_in_dim3A_486 : i32 to vector<16xi32>
      %gather3A_488 = tpu.vector_load_idx %arg13[%add3A_481, %broadcast_in_dim3A_487] : memref<80x4xf32, #tpu.memory_space<vmem>>[vector<16xi32>, vector<16xi32>], vector<16xf32>,
      %sub3A = arith.subf %gather3A, %gather3A_488 : vector<16xf32>
      %mul3A_489 = arith.constant 4.000000e+00 : f32
      %mul3A_490 = vector.broadcast %mul3A_489 : f32 to vector<16xf32>
      %mul3A_491 = arith.mulf %sub3A, %mul3A_490 : vector<16xf32>
      %broadcast_in_dim3A_492 = arith.constant 1 : i32
      %broadcast_in_dim3A_493 = vector.broadcast %broadcast_in_dim3A_492 : i32 to vector<16xi32>
      %gather3A_494 = tpu.vector_load_idx %arg13[%add3A_481, %broadcast_in_dim3A_493] : memref<80x4xf32, #tpu.memory_space<vmem>>[vector<16xi32>, vector<16xi32>], vector<16xf32>,
      %sub3A_495 = arith.subf %gather3A_485, %gather3A_494 : vector<16xf32>
      %mul3A_496 = arith.constant 4.000000e+00 : f32
      %mul3A_497 = vector.broadcast %mul3A_496 : f32 to vector<16xf32>
      %mul3A_498 = arith.mulf %sub3A_495, %mul3A_497 : vector<16xf32>
      %broadcast_in_dim3A_499 = arith.constant 2 : i32
      %broadcast_in_dim3A_500 = vector.broadcast %broadcast_in_dim3A_499 : i32 to vector<16xi32>
      %gather3A_501 = tpu.vector_load_idx %arg13[%add3A_481, %broadcast_in_dim3A_500] : memref<80x4xf32, #tpu.memory_space<vmem>>[vector<16xi32>, vector<16xi32>], vector<16xf32>,
      %add3A_502 = arith.addf %gather3A, %gather3A_501 : vector<16xf32>
      %mul3A_503 = arith.constant 4.000000e+00 : f32
      %mul3A_504 = vector.broadcast %mul3A_503 : f32 to vector<16xf32>
      %mul3A_505 = arith.mulf %add3A_502, %mul3A_504 : vector<16xf32>
      %broadcast_in_dim3A_506 = arith.constant 3 : i32
      %broadcast_in_dim3A_507 = vector.broadcast %broadcast_in_dim3A_506 : i32 to vector<16xi32>
      %gather3A_508 = tpu.vector_load_idx %arg13[%add3A_481, %broadcast_in_dim3A_507] : memref<80x4xf32, #tpu.memory_space<vmem>>[vector<16xi32>, vector<16xi32>], vector<16xf32>,
      %add3A_509 = arith.addf %gather3A_485, %gather3A_508 : vector<16xf32>
      %mul3A_510 = arith.constant 4.000000e+00 : f32
      %mul3A_511 = vector.broadcast %mul3A_510 : f32 to vector<16xf32>
      %mul3A_512 = arith.mulf %add3A_509, %mul3A_511 : vector<16xf32>
      %jit3A = arith.constant 0.000000e+00 : f32
      %jit3A_513 = arith.constant 1280 : i32
      %max3A = vector.broadcast %jit3A : f32 to vector<16xf32>
      %max3A_514 = arith.maximumf %max3A, %mul3A_491 : vector<16xf32>
      %convert_element_type3A = arith.sitofp %jit3A_513 : i32 to f32
      %min3A_515 = vector.broadcast %convert_element_type3A : f32 to vector<16xf32>
      %min3A_516 = arith.minimumf %min3A_515, %max3A_514 : vector<16xf32>
      %broadcast_in_dim3A_517 = arith.constant 0 : i32
      %broadcast_in_dim3A_518 = vector.broadcast %broadcast_in_dim3A_517 : i32 to vector<16xi32>
      tpu.vector_store_idx %arg20[%add3A_481, %broadcast_in_dim3A_518], %min3A_516 : memref<80x4xf32, #tpu.memory_space<vmem>>[vector<16xi32>, vector<16xi32>], vector<16xf32>,
      %jit3A_519 = arith.constant 0.000000e+00 : f32
      %jit3A_520 = arith.constant 384 : i32
      %max3A_521 = vector.broadcast %jit3A_519 : f32 to vector<16xf32>
      %max3A_522 = arith.maximumf %max3A_521, %mul3A_498 : vector<16xf32>
      %convert_element_type3A_523 = arith.sitofp %jit3A_520 : i32 to f32
      %min3A_524 = vector.broadcast %convert_element_type3A_523 : f32 to vector<16xf32>
      %min3A_525 = arith.minimumf %min3A_524, %max3A_522 : vector<16xf32>
      %broadcast_in_dim3A_526 = arith.constant 1 : i32
      %broadcast_in_dim3A_527 = vector.broadcast %broadcast_in_dim3A_526 : i32 to vector<16xi32>
      tpu.vector_store_idx %arg20[%add3A_481, %broadcast_in_dim3A_527], %min3A_525 : memref<80x4xf32, #tpu.memory_space<vmem>>[vector<16xi32>, vector<16xi32>], vector<16xf32>,
      %broadcast_in_dim3A_528 = arith.constant 2 : i32
      %broadcast_in_dim3A_529 = vector.broadcast %broadcast_in_dim3A_528 : i32 to vector<16xi32>
      tpu.vector_store_idx %arg20[%add3A_481, %broadcast_in_dim3A_529], %mul3A_505 : memref<80x4xf32, #tpu.memory_space<vmem>>[vector<16xi32>, vector<16xi32>], vector<16xf32>,
      %broadcast_in_dim3A_530 = arith.constant 3 : i32
      %broadcast_in_dim3A_531 = vector.broadcast %broadcast_in_dim3A_530 : i32 to vector<16xi32>
      tpu.vector_store_idx %arg20[%add3A_481, %broadcast_in_dim3A_531], %mul3A_512 : memref<80x4xf32, #tpu.memory_space<vmem>>[vector<16xi32>, vector<16xi32>], vector<16xf32>,
      %get3A = arith.index_cast %add3A_477 : i32 to index
      %get3A_532 = tpu.vector_load %arg23[%get3A] {strides = array<i32>} : memref<640xi32, #tpu.memory_space<vmem>>, vector<16xi32>,
      %eq3A = arith.constant 0 : i32
      %eq3A_533 = vector.broadcast %eq3A : i32 to vector<16xi32>
      %eq3A_534 = arith.cmpi eq, %get3A_532, %eq3A_533 : vector<16xi32>
      %eq3A_535 = arith.constant 1 : i32
      %eq3A_536 = vector.broadcast %eq3A_535 : i32 to vector<16xi32>
      %eq3A_537 = arith.cmpi eq, %get3A_532, %eq3A_536 : vector<16xi32>
      %jit3A_538 = arith.constant 0.919867455 : f32
      %jit3A_539 = arith.constant 1.7865274 : f32
      %broadcast_in_dim3A_540 = vector.broadcast %jit3A_538 : f32 to vector<16xf32>
      %broadcast_in_dim3A_541 = vector.broadcast %jit3A_539 : f32 to vector<16xf32>
      %select_n3A = arith.select %eq3A_537, %broadcast_in_dim3A_540, %broadcast_in_dim3A_541 : vector<16xi1>, vector<16xf32>
      %jit3A_542 = arith.constant 4.83899879 : f32
      %broadcast_in_dim3A_543 = vector.broadcast %jit3A_542 : f32 to vector<16xf32>
      %select_n3A_544 = arith.select %eq3A_534, %broadcast_in_dim3A_543, %select_n3A : vector<16xi1>, vector<16xf32>
      %broadcast_in_dim3A_545 = arith.constant 0 : i32
      %broadcast_in_dim3A_546 = vector.broadcast %broadcast_in_dim3A_545 : i32 to vector<16xi32>
      %gather3A_547 = tpu.vector_load_idx %arg14[%add3A_481, %broadcast_in_dim3A_546] : memref<80x3xf32, #tpu.memory_space<vmem>>[vector<16xi32>, vector<16xi32>], vector<16xf32>,
      %exp3A = math.exp %gather3A_547 : vector<16xf32>
      %mul3A_548 = arith.mulf %exp3A, %select_n3A_544 : vector<16xf32>
      %broadcast_in_dim3A_549 = arith.constant 0 : i32
      %broadcast_in_dim3A_550 = vector.broadcast %broadcast_in_dim3A_549 : i32 to vector<16xi32>
      tpu.vector_store_idx %arg21[%add3A_481, %broadcast_in_dim3A_550], %mul3A_548 : memref<80x3xf32, #tpu.memory_space<vmem>>[vector<16xi32>, vector<16xi32>], vector<16xf32>,
      %jit3A_551 = arith.constant 1.75302339 : f32
      %jit3A_552 = arith.constant 1.76500988 : f32
      %broadcast_in_dim3A_553 = vector.broadcast %jit3A_551 : f32 to vector<16xf32>
      %broadcast_in_dim3A_554 = vector.broadcast %jit3A_552 : f32 to vector<16xf32>
      %select_n3A_555 = arith.select %eq3A_537, %broadcast_in_dim3A_553, %broadcast_in_dim3A_554 : vector<16xi1>, vector<16xf32>
      %jit3A_556 = arith.constant 1.80778956 : f32
      %broadcast_in_dim3A_557 = vector.broadcast %jit3A_556 : f32 to vector<16xf32>
      %select_n3A_558 = arith.select %eq3A_534, %broadcast_in_dim3A_557, %select_n3A_555 : vector<16xi1>, vector<16xf32>
      %broadcast_in_dim3A_559 = arith.constant 1 : i32
      %broadcast_in_dim3A_560 = vector.broadcast %broadcast_in_dim3A_559 : i32 to vector<16xi32>
      %gather3A_561 = tpu.vector_load_idx %arg14[%add3A_481, %broadcast_in_dim3A_560] : memref<80x3xf32, #tpu.memory_space<vmem>>[vector<16xi32>, vector<16xi32>], vector<16xf32>,
      %exp3A_562 = math.exp %gather3A_561 : vector<16xf32>
      %mul3A_563 = arith.mulf %exp3A_562, %select_n3A_558 : vector<16xf32>
      %broadcast_in_dim3A_564 = arith.constant 1 : i32
      %broadcast_in_dim3A_565 = vector.broadcast %broadcast_in_dim3A_564 : i32 to vector<16xi32>
      tpu.vector_store_idx %arg21[%add3A_481, %broadcast_in_dim3A_565], %mul3A_563 : memref<80x3xf32, #tpu.memory_space<vmem>>[vector<16xi32>, vector<16xi32>], vector<16xf32>,
      %jit3A_566 = arith.constant 0.862208068 : f32
      %jit3A_567 = arith.constant 0.833956241 : f32
      %broadcast_in_dim3A_568 = vector.broadcast %jit3A_566 : f32 to vector<16xf32>
      %broadcast_in_dim3A_569 = vector.broadcast %jit3A_567 : f32 to vector<16xf32>
      %select_n3A_570 = arith.select %eq3A_537, %broadcast_in_dim3A_568, %broadcast_in_dim3A_569 : vector<16xi1>, vector<16xf32>
      %jit3A_571 = arith.constant 2.11565804 : f32
      %broadcast_in_dim3A_572 = vector.broadcast %jit3A_571 : f32 to vector<16xf32>
      %select_n3A_573 = arith.select %eq3A_534, %broadcast_in_dim3A_572, %select_n3A_570 : vector<16xi1>, vector<16xf32>
      %broadcast_in_dim3A_574 = arith.constant 2 : i32
      %broadcast_in_dim3A_575 = vector.broadcast %broadcast_in_dim3A_574 : i32 to vector<16xi32>
      %gather3A_576 = tpu.vector_load_idx %arg14[%add3A_481, %broadcast_in_dim3A_575] : memref<80x3xf32, #tpu.memory_space<vmem>>[vector<16xi32>, vector<16xi32>], vector<16xf32>,
      %exp3A_577 = math.exp %gather3A_576 : vector<16xf32>
      %mul3A_578 = arith.mulf %exp3A_577, %select_n3A_573 : vector<16xf32>
      %broadcast_in_dim3A_579 = arith.constant 2 : i32
      %broadcast_in_dim3A_580 = vector.broadcast %broadcast_in_dim3A_579 : i32 to vector<16xi32>
      tpu.vector_store_idx %arg21[%add3A_481, %broadcast_in_dim3A_580], %mul3A_578 : memref<80x3xf32, #tpu.memory_space<vmem>>[vector<16xi32>, vector<16xi32>], vector<16xf32>,
      %get3A_581 = arith.index_cast %add3A_477 : i32 to index
      %get3A_582 = tpu.vector_load %arg22[%get3A_581] {strides = array<i32>} : memref<640xf32, #tpu.memory_space<vmem>>, vector<16xf32>,
      %neg3A = arith.constant 0.000000e+00 : f32
      %neg3A_583 = vector.broadcast %neg3A : f32 to vector<16xf32>
      %neg3A_584 = arith.subf %neg3A_583, %get3A_582 : vector<16xf32>
      %exp3A_585 = math.exp %neg3A_584 : vector<16xf32>
      %jit3A_586 = arith.constant 1.000000e-01 : f32
      %jit3A_587 = arith.constant 1.000000e+02 : f32
      %max3A_588 = vector.broadcast %jit3A_586 : f32 to vector<16xf32>
      %max3A_589 = arith.maximumf %max3A_588, %exp3A_585 : vector<16xf32>
      %min3A_590 = vector.broadcast %jit3A_587 : f32 to vector<16xf32>
      %min3A_591 = arith.minimumf %min3A_590, %max3A_589 : vector<16xf32>
      %swap3A = arith.index_cast %add3A_477 : i32 to index
      %swap3A_592 = tpu.vector_load %arg24[%swap3A] {strides = array<i32>} : memref<640xf32, #tpu.memory_space<vmem>>, vector<16xf32>,
      tpu.vector_store %arg24[%swap3A], %min3A_591 {strides = array<i32>} : memref<640xf32, #tpu.memory_space<vmem>>, vector<16xf32>,
      %broadcast_in_dim3A_593 = arith.constant 1 : i32
      %broadcast_in_dim3A_594 = vector.broadcast %broadcast_in_dim3A_593 : i32 to vector<16xi32>
      %gather3A_595 = tpu.vector_load_idx %arg15[%add3A_481, %broadcast_in_dim3A_594] : memref<80x16xf32, #tpu.memory_space<vmem>>[vector<16xi32>, vector<16xi32>], vector<16xf32>,
      %broadcast_in_dim3A_596 = arith.constant 0 : i32
      %broadcast_in_dim3A_597 = vector.broadcast %broadcast_in_dim3A_596 : i32 to vector<16xi32>
      %gather3A_598 = tpu.vector_load_idx %arg15[%add3A_481, %broadcast_in_dim3A_597] : memref<80x16xf32, #tpu.memory_space<vmem>>[vector<16xi32>, vector<16xi32>], vector<16xf32>,
      %sub3A_599 = arith.subf %gather3A_595, %gather3A_598 : vector<16xf32>
      %broadcast_in_dim3A_600 = arith.constant 0 : i32
      %broadcast_in_dim3A_601 = vector.broadcast %broadcast_in_dim3A_600 : i32 to vector<16xi32>
      %broadcast_in_dim3A_602 = arith.constant 3 : i32
      %broadcast_in_dim3A_603 = vector.broadcast %broadcast_in_dim3A_602 : i32 to vector<16xi32>
      %gather3A_604 = tpu.vector_load_idx %arg15[%add3A_481, %broadcast_in_dim3A_603] : memref<80x16xf32, #tpu.memory_space<vmem>>[vector<16xi32>, vector<16xi32>], vector<16xf32>,
      %broadcast_in_dim3A_605 = arith.constant 2 : i32
      %broadcast_in_dim3A_606 = vector.broadcast %broadcast_in_dim3A_605 : i32 to vector<16xi32>
      %gather3A_607 = tpu.vector_load_idx %arg15[%add3A_481, %broadcast_in_dim3A_606] : memref<80x16xf32, #tpu.memory_space<vmem>>[vector<16xi32>, vector<16xi32>], vector<16xf32>,
      %sub3A_608 = arith.subf %gather3A_604, %gather3A_607 : vector<16xf32>
      %gt3A = arith.cmpf ogt, %sub3A_608, %sub3A_599 : vector<16xf32>
      %select_n3A_609 = arith.select %gt3A, %sub3A_608, %sub3A_599 : vector<16xi1>, vector<16xf32>
      %jit3A_610 = arith.constant 1 : i32
      %broadcast_in_dim3A_611 = vector.broadcast %jit3A_610 : i32 to vector<16xi32>
      %select_n3A_612 = arith.select %gt3A, %broadcast_in_dim3A_611, %broadcast_in_dim3A_601 : vector<16xi1>, vector<16xi32>
      %broadcast_in_dim3A_613 = arith.constant 5 : i32
      %broadcast_in_dim3A_614 = vector.broadcast %broadcast_in_dim3A_613 : i32 to vector<16xi32>
      %gather3A_615 = tpu.vector_load_idx %arg15[%add3A_481, %broadcast_in_dim3A_614] : memref<80x16xf32, #tpu.memory_space<vmem>>[vector<16xi32>, vector<16xi32>], vector<16xf32>,
      %broadcast_in_dim3A_616 = arith.constant 4 : i32
      %broadcast_in_dim3A_617 = vector.broadcast %broadcast_in_dim3A_616 : i32 to vector<16xi32>
      %gather3A_618 = tpu.vector_load_idx %arg15[%add3A_481, %broadcast_in_dim3A_617] : memref<80x16xf32, #tpu.memory_space<vmem>>[vector<16xi32>, vector<16xi32>], vector<16xf32>,
      %sub3A_619 = arith.subf %gather3A_615, %gather3A_618 : vector<16xf32>
      %gt3A_620 = arith.cmpf ogt, %sub3A_619, %select_n3A_609 : vector<16xf32>
      %select_n3A_621 = arith.select %gt3A_620, %sub3A_619, %select_n3A_609 : vector<16xi1>, vector<16xf32>
      %jit3A_622 = arith.constant 2 : i32
      %broadcast_in_dim3A_623 = vector.broadcast %jit3A_622 : i32 to vector<16xi32>
      %select_n3A_624 = arith.select %gt3A_620, %broadcast_in_dim3A_623, %select_n3A_612 : vector<16xi1>, vector<16xi32>
      %broadcast_in_dim3A_625 = arith.constant 7 : i32
      %broadcast_in_dim3A_626 = vector.broadcast %broadcast_in_dim3A_625 : i32 to vector<16xi32>
      %gather3A_627 = tpu.vector_load_idx %arg15[%add3A_481, %broadcast_in_dim3A_626] : memref<80x16xf32, #tpu.memory_space<vmem>>[vector<16xi32>, vector<16xi32>], vector<16xf32>,
      %broadcast_in_dim3A_628 = arith.constant 6 : i32
      %broadcast_in_dim3A_629 = vector.broadcast %broadcast_in_dim3A_628 : i32 to vector<16xi32>
      %gather3A_630 = tpu.vector_load_idx %arg15[%add3A_481, %broadcast_in_dim3A_629] : memref<80x16xf32, #tpu.memory_space<vmem>>[vector<16xi32>, vector<16xi32>], vector<16xf32>,
      %sub3A_631 = arith.subf %gather3A_627, %gather3A_630 : vector<16xf32>
      %gt3A_632 = arith.cmpf ogt, %sub3A_631, %select_n3A_621 : vector<16xf32>
      %select_n3A_633 = arith.select %gt3A_632, %sub3A_631, %select_n3A_621 : vector<16xi1>, vector<16xf32>
      %jit3A_634 = arith.constant 3 : i32
      %broadcast_in_dim3A_635 = vector.broadcast %jit3A_634 : i32 to vector<16xi32>
      %select_n3A_636 = arith.select %gt3A_632, %broadcast_in_dim3A_635, %select_n3A_624 : vector<16xi1>, vector<16xi32>
      %mul3A_637 = arith.constant 2 : i32
      %mul3A_638 = vector.broadcast %mul3A_637 : i32 to vector<16xi32>
      %mul3A_639 = arith.muli %mul3A_638, %select_n3A_636 : vector<16xi32>
      %add3A_640 = arith.constant 8 : i32
      %add3A_641 = vector.broadcast %add3A_640 : i32 to vector<16xi32>
      %add3A_642 = arith.addi %add3A_641, %mul3A_639 : vector<16xi32>
      %gather3A_643 = tpu.vector_load_idx %arg15[%add3A_481, %add3A_642] : memref<80x16xf32, #tpu.memory_space<vmem>>[vector<16xi32>, vector<16xi32>], vector<16xf32>,
      %add3A_644 = arith.constant 1 : i32
      %add3A_645 = vector.broadcast %add3A_644 : i32 to vector<16xi32>
      %add3A_646 = arith.addi %add3A_642, %add3A_645 : vector<16xi32>
      %gather3A_647 = tpu.vector_load_idx %arg15[%add3A_481, %add3A_646] : memref<80x16xf32, #tpu.memory_space<vmem>>[vector<16xi32>, vector<16xi32>], vector<16xf32>,
      %div3A = arith.divf %gather3A_643, %gather3A_647 : vector<16xf32>
      %abs3A = math.absf %div3A : vector<16xf32>
      %gt3A_648 = arith.constant 1.000000e+00 : f32
      %gt3A_649 = vector.broadcast %gt3A_648 : f32 to vector<16xf32>
      %gt3A_650 = arith.cmpf ogt, %abs3A, %gt3A_649 : vector<16xf32>
      %div3A_651 = arith.constant 1.000000e+00 : f32
      %div3A_652 = vector.broadcast %div3A_651 : f32 to vector<16xf32>
      %div3A_653 = arith.divf %div3A_652, %abs3A : vector<16xf32>
      %select_n3A_654 = arith.select %gt3A_650, %div3A_653, %abs3A : vector<16xi1>, vector<16xf32>
      %mul3A_655 = arith.mulf %select_n3A_654, %select_n3A_654 : vector<16xf32>
      %broadcast_in_dim3A_656 = arith.constant 2.083510e-02 : f32
      %broadcast_in_dim3A_657 = vector.broadcast %broadcast_in_dim3A_656 : f32 to vector<16xf32>
      %mul3A_658 = arith.mulf %broadcast_in_dim3A_657, %mul3A_655 : vector<16xf32>
      %add3A_659 = arith.constant -8.513300e-02 : f32
      %add3A_660 = vector.broadcast %add3A_659 : f32 to vector<16xf32>
      %add3A_661 = arith.addf %mul3A_658, %add3A_660 : vector<16xf32>
      %mul3A_662 = arith.mulf %add3A_661, %mul3A_655 : vector<16xf32>
      %add3A_663 = arith.constant 1.801410e-01 : f32
      %add3A_664 = vector.broadcast %add3A_663 : f32 to vector<16xf32>
      %add3A_665 = arith.addf %mul3A_662, %add3A_664 : vector<16xf32>
      %mul3A_666 = arith.mulf %add3A_665, %mul3A_655 : vector<16xf32>
      %add3A_667 = arith.constant -0.330299497 : f32
      %add3A_668 = vector.broadcast %add3A_667 : f32 to vector<16xf32>
      %add3A_669 = arith.addf %mul3A_666, %add3A_668 : vector<16xf32>
      %mul3A_670 = arith.mulf %add3A_669, %mul3A_655 : vector<16xf32>
      %add3A_671 = arith.constant 9.998660e-01 : f32
      %add3A_672 = vector.broadcast %add3A_671 : f32 to vector<16xf32>
      %add3A_673 = arith.addf %mul3A_670, %add3A_672 : vector<16xf32>
      %mul3A_674 = arith.mulf %add3A_673, %select_n3A_654 : vector<16xf32>
      %sub3A_675 = arith.constant 1.57079637 : f32
      %sub3A_676 = vector.broadcast %sub3A_675 : f32 to vector<16xf32>
      %sub3A_677 = arith.subf %sub3A_676, %mul3A_674 : vector<16xf32>
      %select_n3A_678 = arith.select %gt3A_650, %sub3A_677, %mul3A_674 : vector<16xi1>, vector<16xf32>
      %lt3A = arith.constant 0.000000e+00 : f32
      %lt3A_679 = vector.broadcast %lt3A : f32 to vector<16xf32>
      %lt3A_680 = arith.cmpf olt, %div3A, %lt3A_679 : vector<16xf32>
      %neg3A_681 = arith.constant 0.000000e+00 : f32
      %neg3A_682 = vector.broadcast %neg3A_681 : f32 to vector<16xf32>
      %neg3A_683 = arith.subf %neg3A_682, %select_n3A_678 : vector<16xf32>
      %select_n3A_684 = arith.select %lt3A_680, %neg3A_683, %select_n3A_678 : vector<16xi1>, vector<16xf32>
      %eq3A_685 = arith.constant 3 : i32
      %eq3A_686 = vector.broadcast %eq3A_685 : i32 to vector<16xi32>
      %eq3A_687 = arith.cmpi eq, %select_n3A_636, %eq3A_686 : vector<16xi32>
      %convert_element_type3A_688 = arith.sitofp %select_n3A_636 : vector<16xi32> to vector<16xf32>
      %mul3A_689 = arith.constant 1.57079637 : f32
      %mul3A_690 = vector.broadcast %mul3A_689 : f32 to vector<16xf32>
      %mul3A_691 = arith.mulf %convert_element_type3A_688, %mul3A_690 : vector<16xf32>
      %jit3A_692 = arith.constant -1.57079637 : f32
      %broadcast_in_dim3A_693 = vector.broadcast %jit3A_692 : f32 to vector<16xf32>
      %select_n3A_694 = arith.select %eq3A_687, %broadcast_in_dim3A_693, %mul3A_691 : vector<16xi1>, vector<16xf32>
      %add3A_695 = arith.addf %select_n3A_684, %select_n3A_694 : vector<16xf32>
      %gt3A_696 = arith.constant 3.14159274 : f32
      %gt3A_697 = vector.broadcast %gt3A_696 : f32 to vector<16xf32>
      %gt3A_698 = arith.cmpf ogt, %add3A_695, %gt3A_697 : vector<16xf32>
      %sub3A_699 = arith.constant 6.28318548 : f32
      %sub3A_700 = vector.broadcast %sub3A_699 : f32 to vector<16xf32>
      %sub3A_701 = arith.subf %add3A_695, %sub3A_700 : vector<16xf32>
      %select_n3A_702 = arith.select %gt3A_698, %sub3A_701, %add3A_695 : vector<16xi1>, vector<16xf32>
      %lt3A_703 = arith.constant -3.14159274 : f32
      %lt3A_704 = vector.broadcast %lt3A_703 : f32 to vector<16xf32>
      %lt3A_705 = arith.cmpf olt, %select_n3A_702, %lt3A_704 : vector<16xf32>
      %add3A_706 = arith.constant 6.28318548 : f32
      %add3A_707 = vector.broadcast %add3A_706 : f32 to vector<16xf32>
      %add3A_708 = arith.addf %select_n3A_702, %add3A_707 : vector<16xf32>
      %select_n3A_709 = arith.select %lt3A_705, %add3A_708, %select_n3A_702 : vector<16xi1>, vector<16xf32>
      %swap3A_710 = arith.index_cast %add3A_477 : i32 to index
      %swap3A_711 = tpu.vector_load %arg25[%swap3A_710] {strides = array<i32>} : memref<640xf32, #tpu.memory_space<vmem>>, vector<16xf32>,
      tpu.vector_store %arg25[%swap3A_710], %select_n3A_709 {strides = array<i32>} : memref<640xf32, #tpu.memory_space<vmem>>, vector<16xf32>,
    }
    %scan3A_414 = arith.constant 5 : i32
    %add3A_415 = arith.constant 480 : i32
    %add3A_416 = arith.addi %min3A_3, %add3A_415 : i32
    %dma_start3A_417 = arith.constant 0 : i32
    %dma_start3A_418 = tpu.memref_slice %arg8[%add3A_416, %dma_start3A_417] : memref<20000x4xf32, #tpu.memory_space<hbm>> -> memref<80x4xf32, #tpu.memory_space<hbm>>
    %dma_start3A_419 = arith.constant 0 : i32
    %dma_start3A_420 = tpu.memref_slice %arg8[%add3A_416, %dma_start3A_419] : memref<20000x4xf32, #tpu.memory_space<hbm>> -> memref<80x4xf32, #tpu.memory_space<hbm>>
    tpu.enqueue_dma source(%arg20 : memref<80x4xf32, #tpu.memory_space<vmem>>) target(%dma_start3A_420 : memref<80x4xf32, #tpu.memory_space<hbm>>) target_semaphore(%arg27 : memref<!tpu.dma_semaphore, #tpu.memory_space<semaphore_mem>>)
    %dma_start3A_421 = arith.constant 0 : i32
    %dma_start3A_422 = tpu.memref_slice %arg9[%add3A_416, %dma_start3A_421] : memref<20000x3xf32, #tpu.memory_space<hbm>> -> memref<80x3xf32, #tpu.memory_space<hbm>>
    %dma_start3A_423 = arith.constant 0 : i32
    %dma_start3A_424 = tpu.memref_slice %arg9[%add3A_416, %dma_start3A_423] : memref<20000x3xf32, #tpu.memory_space<hbm>> -> memref<80x3xf32, #tpu.memory_space<hbm>>
    tpu.enqueue_dma source(%arg21 : memref<80x3xf32, #tpu.memory_space<vmem>>) target(%dma_start3A_424 : memref<80x3xf32, #tpu.memory_space<hbm>>) target_semaphore(%arg27 : memref<!tpu.dma_semaphore, #tpu.memory_space<semaphore_mem>>)
    %dma_wait3A_425 = arith.constant 0 : i32
    %dma_wait3A_426 = tpu.memref_slice %arg2[%add3A_368, %dma_wait3A_425] : memref<20000x2xf32, #tpu.memory_space<hbm>> -> memref<80x2xf32, #tpu.memory_space<hbm>>
    %dma_wait3A_427 = arith.constant 0 : i32
    %dma_wait3A_428 = tpu.memref_slice %arg2[%add3A_368, %dma_wait3A_427] : memref<20000x2xf32, #tpu.memory_space<hbm>> -> memref<80x2xf32, #tpu.memory_space<hbm>>
    tpu.wait_dma2 semaphore(%arg26 : memref<!tpu.dma_semaphore, #tpu.memory_space<semaphore_mem>>) src(%dma_wait3A_428 : memref<80x2xf32, #tpu.memory_space<hbm>>) dst(%arg16 : memref<80x2xf32, #tpu.memory_space<vmem>>)
    %dma_wait3A_429 = arith.constant 0 : i32
    %dma_wait3A_430 = tpu.memref_slice %arg3[%add3A_368, %dma_wait3A_429] : memref<20000x4xf32, #tpu.memory_space<hbm>> -> memref<80x4xf32, #tpu.memory_space<hbm>>
    %dma_wait3A_431 = arith.constant 0 : i32
    %dma_wait3A_432 = tpu.memref_slice %arg3[%add3A_368, %dma_wait3A_431] : memref<20000x4xf32, #tpu.memory_space<hbm>> -> memref<80x4xf32, #tpu.memory_space<hbm>>
    tpu.wait_dma2 semaphore(%arg26 : memref<!tpu.dma_semaphore, #tpu.memory_space<semaphore_mem>>) src(%dma_wait3A_432 : memref<80x4xf32, #tpu.memory_space<hbm>>) dst(%arg17 : memref<80x4xf32, #tpu.memory_space<vmem>>)
    %dma_wait3A_433 = arith.constant 0 : i32
    %dma_wait3A_434 = tpu.memref_slice %arg4[%add3A_368, %dma_wait3A_433] : memref<20000x3xf32, #tpu.memory_space<hbm>> -> memref<80x3xf32, #tpu.memory_space<hbm>>
    %dma_wait3A_435 = arith.constant 0 : i32
    %dma_wait3A_436 = tpu.memref_slice %arg4[%add3A_368, %dma_wait3A_435] : memref<20000x3xf32, #tpu.memory_space<hbm>> -> memref<80x3xf32, #tpu.memory_space<hbm>>
    tpu.wait_dma2 semaphore(%arg26 : memref<!tpu.dma_semaphore, #tpu.memory_space<semaphore_mem>>) src(%dma_wait3A_436 : memref<80x3xf32, #tpu.memory_space<hbm>>) dst(%arg18 : memref<80x3xf32, #tpu.memory_space<vmem>>)
    %dma_wait3A_437 = arith.constant 0 : i32
    %dma_wait3A_438 = tpu.memref_slice %arg6[%add3A_368, %dma_wait3A_437] : memref<20000x16xf32, #tpu.memory_space<hbm>> -> memref<80x16xf32, #tpu.memory_space<hbm>>
    %dma_wait3A_439 = arith.constant 0 : i32
    %dma_wait3A_440 = tpu.memref_slice %arg6[%add3A_368, %dma_wait3A_439] : memref<20000x16xf32, #tpu.memory_space<hbm>> -> memref<80x16xf32, #tpu.memory_space<hbm>>
    tpu.wait_dma2 semaphore(%arg26 : memref<!tpu.dma_semaphore, #tpu.memory_space<semaphore_mem>>) src(%dma_wait3A_440 : memref<80x16xf32, #tpu.memory_space<hbm>>) dst(%arg19 : memref<80x16xf32, #tpu.memory_space<vmem>>)
    %dma_wait3A_441 = arith.constant 0 : i32
    %dma_wait3A_442 = tpu.memref_slice %arg8[%add3A_416, %dma_wait3A_441] : memref<20000x4xf32, #tpu.memory_space<hbm>> -> memref<80x4xf32, #tpu.memory_space<hbm>>
    %dma_wait3A_443 = arith.constant 0 : i32
    %dma_wait3A_444 = tpu.memref_slice %arg8[%add3A_416, %dma_wait3A_443] : memref<20000x4xf32, #tpu.memory_space<hbm>> -> memref<80x4xf32, #tpu.memory_space<hbm>>
    tpu.wait_dma2 semaphore(%arg27 : memref<!tpu.dma_semaphore, #tpu.memory_space<semaphore_mem>>) src(%arg20 : memref<80x4xf32, #tpu.memory_space<vmem>>) dst(%dma_wait3A_444 : memref<80x4xf32, #tpu.memory_space<hbm>>)
    %dma_wait3A_445 = arith.constant 0 : i32
    %dma_wait3A_446 = tpu.memref_slice %arg9[%add3A_416, %dma_wait3A_445] : memref<20000x3xf32, #tpu.memory_space<hbm>> -> memref<80x3xf32, #tpu.memory_space<hbm>>
    %dma_wait3A_447 = arith.constant 0 : i32
    %dma_wait3A_448 = tpu.memref_slice %arg9[%add3A_416, %dma_wait3A_447] : memref<20000x3xf32, #tpu.memory_space<hbm>> -> memref<80x3xf32, #tpu.memory_space<hbm>>
    tpu.wait_dma2 semaphore(%arg27 : memref<!tpu.dma_semaphore, #tpu.memory_space<semaphore_mem>>) src(%arg21 : memref<80x3xf32, #tpu.memory_space<vmem>>) dst(%dma_wait3A_448 : memref<80x3xf32, #tpu.memory_space<hbm>>)
    %scan3A_449 = arith.constant 0 : i32
    %scan3A_450 = arith.constant 0 : i32
    %scan3A_451 = arith.constant 5 : i32
    %scan3A_452 = arith.addi %scan3A_450, %scan3A_451 : i32
    %scan3A_453 = arith.constant 1 : i32
    scf.for %scan3A_473 = %scan3A_450 to %scan3A_452 step %scan3A_453  : i32 {
      %mul3A_474 = arith.constant 16 : i32
      %mul3A_475 = arith.muli %scan3A_473, %mul3A_474 : i32
      %add3A_476 = arith.constant 560 : i32
      %add3A_477 = arith.addi %add3A_476, %mul3A_475 : i32
      %mul3A_478 = arith.constant 16 : i32
      %mul3A_479 = arith.muli %scan3A_473, %mul3A_478 : i32
      %add3A_480 = vector.broadcast %mul3A_479 : i32 to vector<16xi32>
      %add3A_481 = arith.addi %add3A_480, %iota3A : vector<16xi32>
      %broadcast_in_dim3A = arith.constant 0 : i32
      %broadcast_in_dim3A_482 = vector.broadcast %broadcast_in_dim3A : i32 to vector<16xi32>
      %gather3A = tpu.vector_load_idx %arg16[%add3A_481, %broadcast_in_dim3A_482] : memref<80x2xf32, #tpu.memory_space<vmem>>[vector<16xi32>, vector<16xi32>], vector<16xf32>,
      %broadcast_in_dim3A_483 = arith.constant 1 : i32
      %broadcast_in_dim3A_484 = vector.broadcast %broadcast_in_dim3A_483 : i32 to vector<16xi32>
      %gather3A_485 = tpu.vector_load_idx %arg16[%add3A_481, %broadcast_in_dim3A_484] : memref<80x2xf32, #tpu.memory_space<vmem>>[vector<16xi32>, vector<16xi32>], vector<16xf32>,
      %broadcast_in_dim3A_486 = arith.constant 0 : i32
      %broadcast_in_dim3A_487 = vector.broadcast %broadcast_in_dim3A_486 : i32 to vector<16xi32>
      %gather3A_488 = tpu.vector_load_idx %arg17[%add3A_481, %broadcast_in_dim3A_487] : memref<80x4xf32, #tpu.memory_space<vmem>>[vector<16xi32>, vector<16xi32>], vector<16xf32>,
      %sub3A = arith.subf %gather3A, %gather3A_488 : vector<16xf32>
      %mul3A_489 = arith.constant 4.000000e+00 : f32
      %mul3A_490 = vector.broadcast %mul3A_489 : f32 to vector<16xf32>
      %mul3A_491 = arith.mulf %sub3A, %mul3A_490 : vector<16xf32>
      %broadcast_in_dim3A_492 = arith.constant 1 : i32
      %broadcast_in_dim3A_493 = vector.broadcast %broadcast_in_dim3A_492 : i32 to vector<16xi32>
      %gather3A_494 = tpu.vector_load_idx %arg17[%add3A_481, %broadcast_in_dim3A_493] : memref<80x4xf32, #tpu.memory_space<vmem>>[vector<16xi32>, vector<16xi32>], vector<16xf32>,
      %sub3A_495 = arith.subf %gather3A_485, %gather3A_494 : vector<16xf32>
      %mul3A_496 = arith.constant 4.000000e+00 : f32
      %mul3A_497 = vector.broadcast %mul3A_496 : f32 to vector<16xf32>
      %mul3A_498 = arith.mulf %sub3A_495, %mul3A_497 : vector<16xf32>
      %broadcast_in_dim3A_499 = arith.constant 2 : i32
      %broadcast_in_dim3A_500 = vector.broadcast %broadcast_in_dim3A_499 : i32 to vector<16xi32>
      %gather3A_501 = tpu.vector_load_idx %arg17[%add3A_481, %broadcast_in_dim3A_500] : memref<80x4xf32, #tpu.memory_space<vmem>>[vector<16xi32>, vector<16xi32>], vector<16xf32>,
      %add3A_502 = arith.addf %gather3A, %gather3A_501 : vector<16xf32>
      %mul3A_503 = arith.constant 4.000000e+00 : f32
      %mul3A_504 = vector.broadcast %mul3A_503 : f32 to vector<16xf32>
      %mul3A_505 = arith.mulf %add3A_502, %mul3A_504 : vector<16xf32>
      %broadcast_in_dim3A_506 = arith.constant 3 : i32
      %broadcast_in_dim3A_507 = vector.broadcast %broadcast_in_dim3A_506 : i32 to vector<16xi32>
      %gather3A_508 = tpu.vector_load_idx %arg17[%add3A_481, %broadcast_in_dim3A_507] : memref<80x4xf32, #tpu.memory_space<vmem>>[vector<16xi32>, vector<16xi32>], vector<16xf32>,
      %add3A_509 = arith.addf %gather3A_485, %gather3A_508 : vector<16xf32>
      %mul3A_510 = arith.constant 4.000000e+00 : f32
      %mul3A_511 = vector.broadcast %mul3A_510 : f32 to vector<16xf32>
      %mul3A_512 = arith.mulf %add3A_509, %mul3A_511 : vector<16xf32>
      %jit3A = arith.constant 0.000000e+00 : f32
      %jit3A_513 = arith.constant 1280 : i32
      %max3A = vector.broadcast %jit3A : f32 to vector<16xf32>
      %max3A_514 = arith.maximumf %max3A, %mul3A_491 : vector<16xf32>
      %convert_element_type3A = arith.sitofp %jit3A_513 : i32 to f32
      %min3A_515 = vector.broadcast %convert_element_type3A : f32 to vector<16xf32>
      %min3A_516 = arith.minimumf %min3A_515, %max3A_514 : vector<16xf32>
      %broadcast_in_dim3A_517 = arith.constant 0 : i32
      %broadcast_in_dim3A_518 = vector.broadcast %broadcast_in_dim3A_517 : i32 to vector<16xi32>
      tpu.vector_store_idx %arg20[%add3A_481, %broadcast_in_dim3A_518], %min3A_516 : memref<80x4xf32, #tpu.memory_space<vmem>>[vector<16xi32>, vector<16xi32>], vector<16xf32>,
      %jit3A_519 = arith.constant 0.000000e+00 : f32
      %jit3A_520 = arith.constant 384 : i32
      %max3A_521 = vector.broadcast %jit3A_519 : f32 to vector<16xf32>
      %max3A_522 = arith.maximumf %max3A_521, %mul3A_498 : vector<16xf32>
      %convert_element_type3A_523 = arith.sitofp %jit3A_520 : i32 to f32
      %min3A_524 = vector.broadcast %convert_element_type3A_523 : f32 to vector<16xf32>
      %min3A_525 = arith.minimumf %min3A_524, %max3A_522 : vector<16xf32>
      %broadcast_in_dim3A_526 = arith.constant 1 : i32
      %broadcast_in_dim3A_527 = vector.broadcast %broadcast_in_dim3A_526 : i32 to vector<16xi32>
      tpu.vector_store_idx %arg20[%add3A_481, %broadcast_in_dim3A_527], %min3A_525 : memref<80x4xf32, #tpu.memory_space<vmem>>[vector<16xi32>, vector<16xi32>], vector<16xf32>,
      %broadcast_in_dim3A_528 = arith.constant 2 : i32
      %broadcast_in_dim3A_529 = vector.broadcast %broadcast_in_dim3A_528 : i32 to vector<16xi32>
      tpu.vector_store_idx %arg20[%add3A_481, %broadcast_in_dim3A_529], %mul3A_505 : memref<80x4xf32, #tpu.memory_space<vmem>>[vector<16xi32>, vector<16xi32>], vector<16xf32>,
      %broadcast_in_dim3A_530 = arith.constant 3 : i32
      %broadcast_in_dim3A_531 = vector.broadcast %broadcast_in_dim3A_530 : i32 to vector<16xi32>
      tpu.vector_store_idx %arg20[%add3A_481, %broadcast_in_dim3A_531], %mul3A_512 : memref<80x4xf32, #tpu.memory_space<vmem>>[vector<16xi32>, vector<16xi32>], vector<16xf32>,
      %get3A = arith.index_cast %add3A_477 : i32 to index
      %get3A_532 = tpu.vector_load %arg23[%get3A] {strides = array<i32>} : memref<640xi32, #tpu.memory_space<vmem>>, vector<16xi32>,
      %eq3A = arith.constant 0 : i32
      %eq3A_533 = vector.broadcast %eq3A : i32 to vector<16xi32>
      %eq3A_534 = arith.cmpi eq, %get3A_532, %eq3A_533 : vector<16xi32>
      %eq3A_535 = arith.constant 1 : i32
      %eq3A_536 = vector.broadcast %eq3A_535 : i32 to vector<16xi32>
      %eq3A_537 = arith.cmpi eq, %get3A_532, %eq3A_536 : vector<16xi32>
      %jit3A_538 = arith.constant 0.919867455 : f32
      %jit3A_539 = arith.constant 1.7865274 : f32
      %broadcast_in_dim3A_540 = vector.broadcast %jit3A_538 : f32 to vector<16xf32>
      %broadcast_in_dim3A_541 = vector.broadcast %jit3A_539 : f32 to vector<16xf32>
      %select_n3A = arith.select %eq3A_537, %broadcast_in_dim3A_540, %broadcast_in_dim3A_541 : vector<16xi1>, vector<16xf32>
      %jit3A_542 = arith.constant 4.83899879 : f32
      %broadcast_in_dim3A_543 = vector.broadcast %jit3A_542 : f32 to vector<16xf32>
      %select_n3A_544 = arith.select %eq3A_534, %broadcast_in_dim3A_543, %select_n3A : vector<16xi1>, vector<16xf32>
      %broadcast_in_dim3A_545 = arith.constant 0 : i32
      %broadcast_in_dim3A_546 = vector.broadcast %broadcast_in_dim3A_545 : i32 to vector<16xi32>
      %gather3A_547 = tpu.vector_load_idx %arg18[%add3A_481, %broadcast_in_dim3A_546] : memref<80x3xf32, #tpu.memory_space<vmem>>[vector<16xi32>, vector<16xi32>], vector<16xf32>,
      %exp3A = math.exp %gather3A_547 : vector<16xf32>
      %mul3A_548 = arith.mulf %exp3A, %select_n3A_544 : vector<16xf32>
      %broadcast_in_dim3A_549 = arith.constant 0 : i32
      %broadcast_in_dim3A_550 = vector.broadcast %broadcast_in_dim3A_549 : i32 to vector<16xi32>
      tpu.vector_store_idx %arg21[%add3A_481, %broadcast_in_dim3A_550], %mul3A_548 : memref<80x3xf32, #tpu.memory_space<vmem>>[vector<16xi32>, vector<16xi32>], vector<16xf32>,
      %jit3A_551 = arith.constant 1.75302339 : f32
      %jit3A_552 = arith.constant 1.76500988 : f32
      %broadcast_in_dim3A_553 = vector.broadcast %jit3A_551 : f32 to vector<16xf32>
      %broadcast_in_dim3A_554 = vector.broadcast %jit3A_552 : f32 to vector<16xf32>
      %select_n3A_555 = arith.select %eq3A_537, %broadcast_in_dim3A_553, %broadcast_in_dim3A_554 : vector<16xi1>, vector<16xf32>
      %jit3A_556 = arith.constant 1.80778956 : f32
      %broadcast_in_dim3A_557 = vector.broadcast %jit3A_556 : f32 to vector<16xf32>
      %select_n3A_558 = arith.select %eq3A_534, %broadcast_in_dim3A_557, %select_n3A_555 : vector<16xi1>, vector<16xf32>
      %broadcast_in_dim3A_559 = arith.constant 1 : i32
      %broadcast_in_dim3A_560 = vector.broadcast %broadcast_in_dim3A_559 : i32 to vector<16xi32>
      %gather3A_561 = tpu.vector_load_idx %arg18[%add3A_481, %broadcast_in_dim3A_560] : memref<80x3xf32, #tpu.memory_space<vmem>>[vector<16xi32>, vector<16xi32>], vector<16xf32>,
      %exp3A_562 = math.exp %gather3A_561 : vector<16xf32>
      %mul3A_563 = arith.mulf %exp3A_562, %select_n3A_558 : vector<16xf32>
      %broadcast_in_dim3A_564 = arith.constant 1 : i32
      %broadcast_in_dim3A_565 = vector.broadcast %broadcast_in_dim3A_564 : i32 to vector<16xi32>
      tpu.vector_store_idx %arg21[%add3A_481, %broadcast_in_dim3A_565], %mul3A_563 : memref<80x3xf32, #tpu.memory_space<vmem>>[vector<16xi32>, vector<16xi32>], vector<16xf32>,
      %jit3A_566 = arith.constant 0.862208068 : f32
      %jit3A_567 = arith.constant 0.833956241 : f32
      %broadcast_in_dim3A_568 = vector.broadcast %jit3A_566 : f32 to vector<16xf32>
      %broadcast_in_dim3A_569 = vector.broadcast %jit3A_567 : f32 to vector<16xf32>
      %select_n3A_570 = arith.select %eq3A_537, %broadcast_in_dim3A_568, %broadcast_in_dim3A_569 : vector<16xi1>, vector<16xf32>
      %jit3A_571 = arith.constant 2.11565804 : f32
      %broadcast_in_dim3A_572 = vector.broadcast %jit3A_571 : f32 to vector<16xf32>
      %select_n3A_573 = arith.select %eq3A_534, %broadcast_in_dim3A_572, %select_n3A_570 : vector<16xi1>, vector<16xf32>
      %broadcast_in_dim3A_574 = arith.constant 2 : i32
      %broadcast_in_dim3A_575 = vector.broadcast %broadcast_in_dim3A_574 : i32 to vector<16xi32>
      %gather3A_576 = tpu.vector_load_idx %arg18[%add3A_481, %broadcast_in_dim3A_575] : memref<80x3xf32, #tpu.memory_space<vmem>>[vector<16xi32>, vector<16xi32>], vector<16xf32>,
      %exp3A_577 = math.exp %gather3A_576 : vector<16xf32>
      %mul3A_578 = arith.mulf %exp3A_577, %select_n3A_573 : vector<16xf32>
      %broadcast_in_dim3A_579 = arith.constant 2 : i32
      %broadcast_in_dim3A_580 = vector.broadcast %broadcast_in_dim3A_579 : i32 to vector<16xi32>
      tpu.vector_store_idx %arg21[%add3A_481, %broadcast_in_dim3A_580], %mul3A_578 : memref<80x3xf32, #tpu.memory_space<vmem>>[vector<16xi32>, vector<16xi32>], vector<16xf32>,
      %get3A_581 = arith.index_cast %add3A_477 : i32 to index
      %get3A_582 = tpu.vector_load %arg22[%get3A_581] {strides = array<i32>} : memref<640xf32, #tpu.memory_space<vmem>>, vector<16xf32>,
      %neg3A = arith.constant 0.000000e+00 : f32
      %neg3A_583 = vector.broadcast %neg3A : f32 to vector<16xf32>
      %neg3A_584 = arith.subf %neg3A_583, %get3A_582 : vector<16xf32>
      %exp3A_585 = math.exp %neg3A_584 : vector<16xf32>
      %jit3A_586 = arith.constant 1.000000e-01 : f32
      %jit3A_587 = arith.constant 1.000000e+02 : f32
      %max3A_588 = vector.broadcast %jit3A_586 : f32 to vector<16xf32>
      %max3A_589 = arith.maximumf %max3A_588, %exp3A_585 : vector<16xf32>
      %min3A_590 = vector.broadcast %jit3A_587 : f32 to vector<16xf32>
      %min3A_591 = arith.minimumf %min3A_590, %max3A_589 : vector<16xf32>
      %swap3A = arith.index_cast %add3A_477 : i32 to index
      %swap3A_592 = tpu.vector_load %arg24[%swap3A] {strides = array<i32>} : memref<640xf32, #tpu.memory_space<vmem>>, vector<16xf32>,
      tpu.vector_store %arg24[%swap3A], %min3A_591 {strides = array<i32>} : memref<640xf32, #tpu.memory_space<vmem>>, vector<16xf32>,
      %broadcast_in_dim3A_593 = arith.constant 1 : i32
      %broadcast_in_dim3A_594 = vector.broadcast %broadcast_in_dim3A_593 : i32 to vector<16xi32>
      %gather3A_595 = tpu.vector_load_idx %arg19[%add3A_481, %broadcast_in_dim3A_594] : memref<80x16xf32, #tpu.memory_space<vmem>>[vector<16xi32>, vector<16xi32>], vector<16xf32>,
      %broadcast_in_dim3A_596 = arith.constant 0 : i32
      %broadcast_in_dim3A_597 = vector.broadcast %broadcast_in_dim3A_596 : i32 to vector<16xi32>
      %gather3A_598 = tpu.vector_load_idx %arg19[%add3A_481, %broadcast_in_dim3A_597] : memref<80x16xf32, #tpu.memory_space<vmem>>[vector<16xi32>, vector<16xi32>], vector<16xf32>,
      %sub3A_599 = arith.subf %gather3A_595, %gather3A_598 : vector<16xf32>
      %broadcast_in_dim3A_600 = arith.constant 0 : i32
      %broadcast_in_dim3A_601 = vector.broadcast %broadcast_in_dim3A_600 : i32 to vector<16xi32>
      %broadcast_in_dim3A_602 = arith.constant 3 : i32
      %broadcast_in_dim3A_603 = vector.broadcast %broadcast_in_dim3A_602 : i32 to vector<16xi32>
      %gather3A_604 = tpu.vector_load_idx %arg19[%add3A_481, %broadcast_in_dim3A_603] : memref<80x16xf32, #tpu.memory_space<vmem>>[vector<16xi32>, vector<16xi32>], vector<16xf32>,
      %broadcast_in_dim3A_605 = arith.constant 2 : i32
      %broadcast_in_dim3A_606 = vector.broadcast %broadcast_in_dim3A_605 : i32 to vector<16xi32>
      %gather3A_607 = tpu.vector_load_idx %arg19[%add3A_481, %broadcast_in_dim3A_606] : memref<80x16xf32, #tpu.memory_space<vmem>>[vector<16xi32>, vector<16xi32>], vector<16xf32>,
      %sub3A_608 = arith.subf %gather3A_604, %gather3A_607 : vector<16xf32>
      %gt3A = arith.cmpf ogt, %sub3A_608, %sub3A_599 : vector<16xf32>
      %select_n3A_609 = arith.select %gt3A, %sub3A_608, %sub3A_599 : vector<16xi1>, vector<16xf32>
      %jit3A_610 = arith.constant 1 : i32
      %broadcast_in_dim3A_611 = vector.broadcast %jit3A_610 : i32 to vector<16xi32>
      %select_n3A_612 = arith.select %gt3A, %broadcast_in_dim3A_611, %broadcast_in_dim3A_601 : vector<16xi1>, vector<16xi32>
      %broadcast_in_dim3A_613 = arith.constant 5 : i32
      %broadcast_in_dim3A_614 = vector.broadcast %broadcast_in_dim3A_613 : i32 to vector<16xi32>
      %gather3A_615 = tpu.vector_load_idx %arg19[%add3A_481, %broadcast_in_dim3A_614] : memref<80x16xf32, #tpu.memory_space<vmem>>[vector<16xi32>, vector<16xi32>], vector<16xf32>,
      %broadcast_in_dim3A_616 = arith.constant 4 : i32
      %broadcast_in_dim3A_617 = vector.broadcast %broadcast_in_dim3A_616 : i32 to vector<16xi32>
      %gather3A_618 = tpu.vector_load_idx %arg19[%add3A_481, %broadcast_in_dim3A_617] : memref<80x16xf32, #tpu.memory_space<vmem>>[vector<16xi32>, vector<16xi32>], vector<16xf32>,
      %sub3A_619 = arith.subf %gather3A_615, %gather3A_618 : vector<16xf32>
      %gt3A_620 = arith.cmpf ogt, %sub3A_619, %select_n3A_609 : vector<16xf32>
      %select_n3A_621 = arith.select %gt3A_620, %sub3A_619, %select_n3A_609 : vector<16xi1>, vector<16xf32>
      %jit3A_622 = arith.constant 2 : i32
      %broadcast_in_dim3A_623 = vector.broadcast %jit3A_622 : i32 to vector<16xi32>
      %select_n3A_624 = arith.select %gt3A_620, %broadcast_in_dim3A_623, %select_n3A_612 : vector<16xi1>, vector<16xi32>
      %broadcast_in_dim3A_625 = arith.constant 7 : i32
      %broadcast_in_dim3A_626 = vector.broadcast %broadcast_in_dim3A_625 : i32 to vector<16xi32>
      %gather3A_627 = tpu.vector_load_idx %arg19[%add3A_481, %broadcast_in_dim3A_626] : memref<80x16xf32, #tpu.memory_space<vmem>>[vector<16xi32>, vector<16xi32>], vector<16xf32>,
      %broadcast_in_dim3A_628 = arith.constant 6 : i32
      %broadcast_in_dim3A_629 = vector.broadcast %broadcast_in_dim3A_628 : i32 to vector<16xi32>
      %gather3A_630 = tpu.vector_load_idx %arg19[%add3A_481, %broadcast_in_dim3A_629] : memref<80x16xf32, #tpu.memory_space<vmem>>[vector<16xi32>, vector<16xi32>], vector<16xf32>,
      %sub3A_631 = arith.subf %gather3A_627, %gather3A_630 : vector<16xf32>
      %gt3A_632 = arith.cmpf ogt, %sub3A_631, %select_n3A_621 : vector<16xf32>
      %select_n3A_633 = arith.select %gt3A_632, %sub3A_631, %select_n3A_621 : vector<16xi1>, vector<16xf32>
      %jit3A_634 = arith.constant 3 : i32
      %broadcast_in_dim3A_635 = vector.broadcast %jit3A_634 : i32 to vector<16xi32>
      %select_n3A_636 = arith.select %gt3A_632, %broadcast_in_dim3A_635, %select_n3A_624 : vector<16xi1>, vector<16xi32>
      %mul3A_637 = arith.constant 2 : i32
      %mul3A_638 = vector.broadcast %mul3A_637 : i32 to vector<16xi32>
      %mul3A_639 = arith.muli %mul3A_638, %select_n3A_636 : vector<16xi32>
      %add3A_640 = arith.constant 8 : i32
      %add3A_641 = vector.broadcast %add3A_640 : i32 to vector<16xi32>
      %add3A_642 = arith.addi %add3A_641, %mul3A_639 : vector<16xi32>
      %gather3A_643 = tpu.vector_load_idx %arg19[%add3A_481, %add3A_642] : memref<80x16xf32, #tpu.memory_space<vmem>>[vector<16xi32>, vector<16xi32>], vector<16xf32>,
      %add3A_644 = arith.constant 1 : i32
      %add3A_645 = vector.broadcast %add3A_644 : i32 to vector<16xi32>
      %add3A_646 = arith.addi %add3A_642, %add3A_645 : vector<16xi32>
      %gather3A_647 = tpu.vector_load_idx %arg19[%add3A_481, %add3A_646] : memref<80x16xf32, #tpu.memory_space<vmem>>[vector<16xi32>, vector<16xi32>], vector<16xf32>,
      %div3A = arith.divf %gather3A_643, %gather3A_647 : vector<16xf32>
      %abs3A = math.absf %div3A : vector<16xf32>
      %gt3A_648 = arith.constant 1.000000e+00 : f32
      %gt3A_649 = vector.broadcast %gt3A_648 : f32 to vector<16xf32>
      %gt3A_650 = arith.cmpf ogt, %abs3A, %gt3A_649 : vector<16xf32>
      %div3A_651 = arith.constant 1.000000e+00 : f32
      %div3A_652 = vector.broadcast %div3A_651 : f32 to vector<16xf32>
      %div3A_653 = arith.divf %div3A_652, %abs3A : vector<16xf32>
      %select_n3A_654 = arith.select %gt3A_650, %div3A_653, %abs3A : vector<16xi1>, vector<16xf32>
      %mul3A_655 = arith.mulf %select_n3A_654, %select_n3A_654 : vector<16xf32>
      %broadcast_in_dim3A_656 = arith.constant 2.083510e-02 : f32
      %broadcast_in_dim3A_657 = vector.broadcast %broadcast_in_dim3A_656 : f32 to vector<16xf32>
      %mul3A_658 = arith.mulf %broadcast_in_dim3A_657, %mul3A_655 : vector<16xf32>
      %add3A_659 = arith.constant -8.513300e-02 : f32
      %add3A_660 = vector.broadcast %add3A_659 : f32 to vector<16xf32>
      %add3A_661 = arith.addf %mul3A_658, %add3A_660 : vector<16xf32>
      %mul3A_662 = arith.mulf %add3A_661, %mul3A_655 : vector<16xf32>
      %add3A_663 = arith.constant 1.801410e-01 : f32
      %add3A_664 = vector.broadcast %add3A_663 : f32 to vector<16xf32>
      %add3A_665 = arith.addf %mul3A_662, %add3A_664 : vector<16xf32>
      %mul3A_666 = arith.mulf %add3A_665, %mul3A_655 : vector<16xf32>
      %add3A_667 = arith.constant -0.330299497 : f32
      %add3A_668 = vector.broadcast %add3A_667 : f32 to vector<16xf32>
      %add3A_669 = arith.addf %mul3A_666, %add3A_668 : vector<16xf32>
      %mul3A_670 = arith.mulf %add3A_669, %mul3A_655 : vector<16xf32>
      %add3A_671 = arith.constant 9.998660e-01 : f32
      %add3A_672 = vector.broadcast %add3A_671 : f32 to vector<16xf32>
      %add3A_673 = arith.addf %mul3A_670, %add3A_672 : vector<16xf32>
      %mul3A_674 = arith.mulf %add3A_673, %select_n3A_654 : vector<16xf32>
      %sub3A_675 = arith.constant 1.57079637 : f32
      %sub3A_676 = vector.broadcast %sub3A_675 : f32 to vector<16xf32>
      %sub3A_677 = arith.subf %sub3A_676, %mul3A_674 : vector<16xf32>
      %select_n3A_678 = arith.select %gt3A_650, %sub3A_677, %mul3A_674 : vector<16xi1>, vector<16xf32>
      %lt3A = arith.constant 0.000000e+00 : f32
      %lt3A_679 = vector.broadcast %lt3A : f32 to vector<16xf32>
      %lt3A_680 = arith.cmpf olt, %div3A, %lt3A_679 : vector<16xf32>
      %neg3A_681 = arith.constant 0.000000e+00 : f32
      %neg3A_682 = vector.broadcast %neg3A_681 : f32 to vector<16xf32>
      %neg3A_683 = arith.subf %neg3A_682, %select_n3A_678 : vector<16xf32>
      %select_n3A_684 = arith.select %lt3A_680, %neg3A_683, %select_n3A_678 : vector<16xi1>, vector<16xf32>
      %eq3A_685 = arith.constant 3 : i32
      %eq3A_686 = vector.broadcast %eq3A_685 : i32 to vector<16xi32>
      %eq3A_687 = arith.cmpi eq, %select_n3A_636, %eq3A_686 : vector<16xi32>
      %convert_element_type3A_688 = arith.sitofp %select_n3A_636 : vector<16xi32> to vector<16xf32>
      %mul3A_689 = arith.constant 1.57079637 : f32
      %mul3A_690 = vector.broadcast %mul3A_689 : f32 to vector<16xf32>
      %mul3A_691 = arith.mulf %convert_element_type3A_688, %mul3A_690 : vector<16xf32>
      %jit3A_692 = arith.constant -1.57079637 : f32
      %broadcast_in_dim3A_693 = vector.broadcast %jit3A_692 : f32 to vector<16xf32>
      %select_n3A_694 = arith.select %eq3A_687, %broadcast_in_dim3A_693, %mul3A_691 : vector<16xi1>, vector<16xf32>
      %add3A_695 = arith.addf %select_n3A_684, %select_n3A_694 : vector<16xf32>
      %gt3A_696 = arith.constant 3.14159274 : f32
      %gt3A_697 = vector.broadcast %gt3A_696 : f32 to vector<16xf32>
      %gt3A_698 = arith.cmpf ogt, %add3A_695, %gt3A_697 : vector<16xf32>
      %sub3A_699 = arith.constant 6.28318548 : f32
      %sub3A_700 = vector.broadcast %sub3A_699 : f32 to vector<16xf32>
      %sub3A_701 = arith.subf %add3A_695, %sub3A_700 : vector<16xf32>
      %select_n3A_702 = arith.select %gt3A_698, %sub3A_701, %add3A_695 : vector<16xi1>, vector<16xf32>
      %lt3A_703 = arith.constant -3.14159274 : f32
      %lt3A_704 = vector.broadcast %lt3A_703 : f32 to vector<16xf32>
      %lt3A_705 = arith.cmpf olt, %select_n3A_702, %lt3A_704 : vector<16xf32>
      %add3A_706 = arith.constant 6.28318548 : f32
      %add3A_707 = vector.broadcast %add3A_706 : f32 to vector<16xf32>
      %add3A_708 = arith.addf %select_n3A_702, %add3A_707 : vector<16xf32>
      %select_n3A_709 = arith.select %lt3A_705, %add3A_708, %select_n3A_702 : vector<16xi1>, vector<16xf32>
      %swap3A_710 = arith.index_cast %add3A_477 : i32 to index
      %swap3A_711 = tpu.vector_load %arg25[%swap3A_710] {strides = array<i32>} : memref<640xf32, #tpu.memory_space<vmem>>, vector<16xf32>,
      tpu.vector_store %arg25[%swap3A_710], %select_n3A_709 {strides = array<i32>} : memref<640xf32, #tpu.memory_space<vmem>>, vector<16xf32>,
    }
    %scan3A_454 = arith.constant 5 : i32
    %add3A_455 = arith.constant 560 : i32
    %add3A_456 = arith.addi %min3A_3, %add3A_455 : i32
    %dma_start3A_457 = arith.constant 0 : i32
    %dma_start3A_458 = tpu.memref_slice %arg8[%add3A_456, %dma_start3A_457] : memref<20000x4xf32, #tpu.memory_space<hbm>> -> memref<80x4xf32, #tpu.memory_space<hbm>>
    %dma_start3A_459 = arith.constant 0 : i32
    %dma_start3A_460 = tpu.memref_slice %arg8[%add3A_456, %dma_start3A_459] : memref<20000x4xf32, #tpu.memory_space<hbm>> -> memref<80x4xf32, #tpu.memory_space<hbm>>
    tpu.enqueue_dma source(%arg20 : memref<80x4xf32, #tpu.memory_space<vmem>>) target(%dma_start3A_460 : memref<80x4xf32, #tpu.memory_space<hbm>>) target_semaphore(%arg27 : memref<!tpu.dma_semaphore, #tpu.memory_space<semaphore_mem>>)
    %dma_start3A_461 = arith.constant 0 : i32
    %dma_start3A_462 = tpu.memref_slice %arg9[%add3A_456, %dma_start3A_461] : memref<20000x3xf32, #tpu.memory_space<hbm>> -> memref<80x3xf32, #tpu.memory_space<hbm>>
    %dma_start3A_463 = arith.constant 0 : i32
    %dma_start3A_464 = tpu.memref_slice %arg9[%add3A_456, %dma_start3A_463] : memref<20000x3xf32, #tpu.memory_space<hbm>> -> memref<80x3xf32, #tpu.memory_space<hbm>>
    tpu.enqueue_dma source(%arg21 : memref<80x3xf32, #tpu.memory_space<vmem>>) target(%dma_start3A_464 : memref<80x3xf32, #tpu.memory_space<hbm>>) target_semaphore(%arg27 : memref<!tpu.dma_semaphore, #tpu.memory_space<semaphore_mem>>)
    %dma_wait3A_465 = arith.constant 0 : i32
    %dma_wait3A_466 = tpu.memref_slice %arg8[%add3A_456, %dma_wait3A_465] : memref<20000x4xf32, #tpu.memory_space<hbm>> -> memref<80x4xf32, #tpu.memory_space<hbm>>
    %dma_wait3A_467 = arith.constant 0 : i32
    %dma_wait3A_468 = tpu.memref_slice %arg8[%add3A_456, %dma_wait3A_467] : memref<20000x4xf32, #tpu.memory_space<hbm>> -> memref<80x4xf32, #tpu.memory_space<hbm>>
    tpu.wait_dma2 semaphore(%arg27 : memref<!tpu.dma_semaphore, #tpu.memory_space<semaphore_mem>>) src(%arg20 : memref<80x4xf32, #tpu.memory_space<vmem>>) dst(%dma_wait3A_468 : memref<80x4xf32, #tpu.memory_space<hbm>>)
    %dma_wait3A_469 = arith.constant 0 : i32
    %dma_wait3A_470 = tpu.memref_slice %arg9[%add3A_456, %dma_wait3A_469] : memref<20000x3xf32, #tpu.memory_space<hbm>> -> memref<80x3xf32, #tpu.memory_space<hbm>>
    %dma_wait3A_471 = arith.constant 0 : i32
    %dma_wait3A_472 = tpu.memref_slice %arg9[%add3A_456, %dma_wait3A_471] : memref<20000x3xf32, #tpu.memory_space<hbm>> -> memref<80x3xf32, #tpu.memory_space<hbm>>
    tpu.wait_dma2 semaphore(%arg27 : memref<!tpu.dma_semaphore, #tpu.memory_space<semaphore_mem>>) src(%arg21 : memref<80x3xf32, #tpu.memory_space<vmem>>) dst(%dma_wait3A_472 : memref<80x3xf32, #tpu.memory_space<hbm>>)
    "tpu.region"() ({
      %run_scoped3A = tpu.sem_alloc : memref<!tpu.dma_semaphore, #tpu.memory_space<semaphore_mem>>
      %dma_start3A_473 = tpu.memref_slice %arg10[%min3A_3] : memref<20000xf32, #tpu.memory_space<hbm>> -> memref<640xf32, #tpu.memory_space<hbm>>
      %dma_start3A_474 = tpu.memref_slice %arg10[%min3A_3] : memref<20000xf32, #tpu.memory_space<hbm>> -> memref<640xf32, #tpu.memory_space<hbm>>
      tpu.enqueue_dma source(%arg24 : memref<640xf32, #tpu.memory_space<vmem>>) target(%dma_start3A_474 : memref<640xf32, #tpu.memory_space<hbm>>) target_semaphore(%run_scoped3A : memref<!tpu.dma_semaphore, #tpu.memory_space<semaphore_mem>>)
      %dma_wait3A_475 = tpu.memref_slice %arg10[%min3A_3] : memref<20000xf32, #tpu.memory_space<hbm>> -> memref<640xf32, #tpu.memory_space<hbm>>
      %dma_wait3A_476 = tpu.memref_slice %arg10[%min3A_3] : memref<20000xf32, #tpu.memory_space<hbm>> -> memref<640xf32, #tpu.memory_space<hbm>>
      tpu.wait_dma2 semaphore(%run_scoped3A : memref<!tpu.dma_semaphore, #tpu.memory_space<semaphore_mem>>) src(%arg24 : memref<640xf32, #tpu.memory_space<vmem>>) dst(%dma_wait3A_476 : memref<640xf32, #tpu.memory_space<hbm>>)
      tpu.yield
    }) : () -> ()
    "tpu.region"() ({
      %run_scoped3A = tpu.sem_alloc : memref<!tpu.dma_semaphore, #tpu.memory_space<semaphore_mem>>
      %dma_start3A_473 = tpu.memref_slice %arg11[%min3A_3] : memref<20000xf32, #tpu.memory_space<hbm>> -> memref<640xf32, #tpu.memory_space<hbm>>
      %dma_start3A_474 = tpu.memref_slice %arg11[%min3A_3] : memref<20000xf32, #tpu.memory_space<hbm>> -> memref<640xf32, #tpu.memory_space<hbm>>
      tpu.enqueue_dma source(%arg25 : memref<640xf32, #tpu.memory_space<vmem>>) target(%dma_start3A_474 : memref<640xf32, #tpu.memory_space<hbm>>) target_semaphore(%run_scoped3A : memref<!tpu.dma_semaphore, #tpu.memory_space<semaphore_mem>>)
      %dma_wait3A_475 = tpu.memref_slice %arg11[%min3A_3] : memref<20000xf32, #tpu.memory_space<hbm>> -> memref<640xf32, #tpu.memory_space<hbm>>
      %dma_wait3A_476 = tpu.memref_slice %arg11[%min3A_3] : memref<20000xf32, #tpu.memory_space<hbm>> -> memref<640xf32, #tpu.memory_space<hbm>>
      tpu.wait_dma2 semaphore(%run_scoped3A : memref<!tpu.dma_semaphore, #tpu.memory_space<semaphore_mem>>) src(%arg25 : memref<640xf32, #tpu.memory_space<vmem>>) dst(%dma_wait3A_476 : memref<640xf32, #tpu.memory_space<hbm>>)
      tpu.yield
    }) : () -> ()
    return
  }
}

</mosaic_0001>

<sc_bundles>
// kernel: kernel.3.cloned.1.call-start
scs
__scs_entry_jumppad:
0x0: {  	(pc) =	sbr.rel $0x88, $3  }
0x1: {  	(tag) =	ssettag $0x0;
	lr =	simm.s32 $0x1  }
0x2: {  	[smem:$0x3F9B] =	sst lr;
	_ =	strace $0xD0000000  }
0x3: {  	_ = 	snop  }
0x4: {  	_ = 	snop  }
0x5: {  	_ = 	snop  }
0x6: {  	_ = 	snop  }
0x7: {  	_ = 	snop  }
__scs_overlays_trampoline_lowered:
0x8: {  	[smem:$0x3FAA] =	sst s0  }
0x9: {  	[smem:$0x3FAB] =	sst s1  }
0xa: {  	[smem:$0x3FAC] =	sst s2  }
0xb: {  	[smem:$0x3FAD] =	sst s3  }
0xc: {  	[smem:$0x3FAE] =	sst s4  }
0xd: {  	[smem:$0x3FAF] =	sst s5  }
0xe: {  	[smem:$0x3FB0] =	sst s6  }
0xf: {  	[smem:$0x3FB1] =	sst s7  }
0x10: {  	[smem:$0x3FB2] =	sst s8  }
0x11: {  	[smem:$0x3FB3] =	sst s9;
	s0 =	simm.s32 @!p0 $0x0  }
0x12: {  	s1 =	sld [smem:$0x3F99];
	s0 =	simm.s32 @p0 $0x1  }
0x13: {  	[smem:$0x3FB4] =	sst s0;
	s0 =	simm.s32 @!p1 $0x0  }
0x14: {  	s2 =	sld [smem:$0x3F98];
	s0 =	simm.s32 @p1 $0x1  }
0x15: {  	[smem:$0x3FB5] =	sst s0;
	s0 =	simm.s32 @!p2 $0x0  }
0x16: {  	s3 =	sld [smem:$0x3FDB];
	s0 =	simm.s32 @p2 $0x1  }
0x17: {  	s4 =	simm.s32 $0x1BF5;
	[smem:$0x3FB7] =	sst s0  }
0x18: {  	s0 =	sld [smem:$0x3F9A];
	_ =	swait.ge [sflag:s4], $0x0  }
0x19: {  	s7 =	sld [smem:$0x3F9B]  }
0x1a: {  	s8 =	sadd.s32 $0xFFFFE003, lr  }
0x1b: {  	s9 =	sadd.s32 $0xFFFFFEF7, lr;
	s5 =	simm.s32 $0xFFFFFFFF;
	p2 =	slt.u32 s8, $0xFFFFF086  }
0x1c: {  	p1 =	slt.u32 s9, $0xF7A;
	s5 =	simm.s32 @!p2 $0x0  }
0x1d: {  	s5 =	simm.s32 @p1 $0x1;
	p0 =	seq.s32 s7, s2  }
0x1e: {  	s7 =	smul.u32 @!p0 $0xF7A, s2;
	p2 =	seq.s32 @!p0 s5, $0x0  }
0x1f: {  	s9 =	smul.u32 $0xF7A, s1;
	s8 =	simm.s32 @!p0 $0x1BF5;
	p2 =	por !p2, p0  }
0x20: {  	[sflag:s8] =	ssyncset.s32 @!p0 $0xFFFFF086;
	s6 =	sadd.s32 @!p0 s3, s7;
	s7 =	simm.s32 @!p0 $0x108  }
0x21: {  	s3 =	sadd.s32 s3, s9;
	s6 =	sadd.s32 @!p0 $0x88, s6;
	s7 =	simm.s32 @p2 $0x1082  }
0x22: {  	[simem:s7], [sflag:s8] =	dma.local @!p0 [hbm:s6], $0xF7A  }
0x23: {  	s9 =	sor.u32 $0xD0000000, s2;
	s6 =	simm.s32 $0x108;
	_ =	swait.ge @!p0 [sflag:s8], $0x0  }
0x24: {  	s3 =	sadd.s32 $0x88, s3;
	s6 =	simm.s32 @!p1 $0x1082;
	[sflag:s4] =	ssyncset.s32 $0xFFFFF086  }
0x25: {  	[simem:s6], [sflag:s4] =	dma.local [hbm:s3], $0xF7A  }
0x26: {  	[smem:$0x3F9B] =	sst s1;
	(tag) =	ssettag s2;
	_ =	strace s9  }
0x27: {  	s1 =	sld [smem:$0x3FAB]  }
0x28: {  	s2 =	sld [smem:$0x3FAC]  }
0x29: {  	s4 =	sld [smem:$0x3FAE]  }
0x2a: {  	p0 =	seq.s32 s5, $0x0;
	s5 =	sld [smem:$0x3FAF]  }
0x2b: {  	s6 =	sld [smem:$0x3FB0]  }
0x2c: {  	s7 =	sld [smem:$0x3FB1]  }
0x2d: {  	s3 =	simm.s32 $0x108;
	s8 =	sld [smem:$0x3FB2]  }
0x2e: {  	s3 =	simm.s32 @!p0 $0x1082;
	s9 =	sld [smem:$0x3FB3]  }
0x2f: {  	lr =	sadd.s32 s0, s3;
	s0 =	sld [smem:$0x3FAA]  }
0x30: {  	s3 =	sld [smem:$0x3FAD]  }
0x31: {  	[smem:$0x3FB6] =	sst s10  }
0x32: {  	s10 =	sld [smem:$0x3FB4];
	_ =	sdelay $0x3  }
0x33: {  	p0 =	seq.s32 s10, $0x1;
	s10 =	sld [smem:$0x3FB6];
	_ =	sdelay $0x3  }
0x34: {  	[smem:$0x3FB6] =	sst s10  }
0x35: {  	s10 =	sld [smem:$0x3FB5];
	_ =	sdelay $0x3  }
0x36: {  	p1 =	seq.s32 s10, $0x1;
	s10 =	sld [smem:$0x3FB6];
	_ =	sdelay $0x3  }
0x37: {  	[smem:$0x3FB6] =	sst s10  }
0x38: {  	s10 =	sld [smem:$0x3FB7]  }
0x39: {  	_ = 	snop;
	(pc) =	sbr.ind lr, $3  }
0x3a: {  	_ = 	snop  }
0x3b: {  	_ = 	snop  }
0x3c: {  	p2 =	seq.s32 s10, $0x1;
	s10 =	sld [smem:$0x3FB6]  }
0x3d: {  	_ =	shalt  }
0x3e: {  	_ =	shalt  }
0x3f: {  	_ =	shalt  }
0x40: {  	_ =	shalt  }
0x41: {  	_ =	shalt  }
0x42: {  	_ =	shalt  }
0x43: {  	_ =	shalt  }
0x44: {  	_ =	shalt  }
0x45: {  	_ =	shalt  }
0x46: {  	_ =	shalt  }
0x47: {  	_ =	shalt  }
0x48: {  	_ =	shalt  }
0x49: {  	_ =	shalt  }
0x4a: {  	_ =	shalt  }
0x4b: {  	_ =	shalt  }
0x4c: {  	_ =	shalt  }
0x4d: {  	_ =	shalt  }
0x4e: {  	_ =	shalt  }
0x4f: {  	_ =	shalt  }
0x50: {  	_ =	shalt  }
0x51: {  	_ =	shalt  }
0x52: {  	_ =	shalt  }
0x53: {  	_ =	shalt  }
0x54: {  	_ =	shalt  }
0x55: {  	_ =	shalt  }
0x56: {  	_ =	shalt  }
0x57: {  	_ =	shalt  }
0x58: {  	_ =	shalt  }
0x59: {  	_ =	shalt  }
0x5a: {  	_ =	shalt  }
0x5b: {  	_ =	shalt  }
0x5c: {  	_ =	shalt  }
0x5d: {  	_ =	shalt  }
0x5e: {  	_ =	shalt  }
0x5f: {  	_ =	shalt  }
0x60: {  	_ =	shalt  }
0x61: {  	_ =	shalt  }
0x62: {  	_ =	shalt  }
0x63: {  	_ =	shalt  }
0x64: {  	_ =	shalt  }
0x65: {  	_ =	shalt  }
0x66: {  	_ =	shalt  }
0x67: {  	_ =	shalt  }
0x68: {  	_ =	shalt  }
0x69: {  	_ =	shalt  }
0x6a: {  	_ =	shalt  }
0x6b: {  	_ =	shalt  }
0x6c: {  	_ =	shalt  }
0x6d: {  	_ =	shalt  }
0x6e: {  	_ =	shalt  }
0x6f: {  	_ =	shalt  }
0x70: {  	_ =	shalt  }
0x71: {  	_ =	shalt  }
0x72: {  	_ =	shalt  }
0x73: {  	_ =	shalt  }
0x74: {  	_ =	shalt  }
0x75: {  	_ =	shalt  }
0x76: {  	_ =	shalt  }
0x77: {  	_ =	shalt  }
0x78: {  	_ =	shalt  }
0x79: {  	_ =	shalt  }
0x7a: {  	_ =	shalt  }
0x7b: {  	_ =	shalt  }
0x7c: {  	_ =	shalt  }
0x7d: {  	_ =	shalt  }
0x7e: {  	_ =	shalt  }
0x7f: {  	_ =	shalt  }
0x80: {  	_ =	shalt  }
0x81: {  	_ =	shalt  }
0x82: {  	_ =	shalt  }
0x83: {  	_ =	shalt  }
0x84: {  	_ =	shalt  }
0x85: {  	_ =	shalt  }
0x86: {  	_ =	shalt  }
0x87: {  	_ =	shalt  }
.Lfunc_end0:
.L_simem_size_0:
called_computation_lowered:
.L_overlay_start_0:
0x88: {  	s2 =	sld [smem:$0x3FD9]  }
0x89: {  	s3 =	sld [smem:$0x3FFE];
	_ =	sdelay $0x1  }
0x8a: {  	s1 =	srdreg.scid  }
0x8b: {  	s0 =	sand.u32 $0x1, s1  }
0x8c: {  	s14 =	sshll.u32 s0, $0xA;
	s2 =	sadd.s32 s3, s2  }
0x8d: {  	s2 =	sadd.s32 s2, s14  }
0x8e: {  	[smem:$0x3FC2] =	sst s2  }
0x8f: {  	_ = 	snop  }
0x90: {  	s2 =	sld [smem:$0x3FD0];
	_ =	sdelay $0x1  }
0x91: {  	s15 =	sld [smem:$0x3FC6]  }
0x92: {  	s5 =	simm.s32 $0xA;
	s6 =	simm.s32 $0x10;
	s4 =	sld [smem:$0x3FC4]  }
0x93: {  	[smem:s6], [sflag:s5] =	dma.local [hbm:s2], $0x1  }
0x94: {  	_ =	swait.eq [sflag:s5], $0x1  }
0x95: {  	[sflag:s5] =	ssyncset.done $0x0  }
0x96: {  	s16 =	sld [smem:$0x12];
	[sflag:s5] =	ssyncadd.s32 $0xFFFFFFFF  }
0x97: {  	s17 =	sld [smem:$0x13];
	(tm) =	ssettm $0x1  }
0x98: {  	s18 =	sld [smem:$0x3FFB];
	_ =	sdelay $0x3  }
0x99: {  	_ =	strace s18  }
0x9a: {  	s6 =	sld [smem:$0x3FFC];
	_ =	sdelay $0x3  }
0x9b: {  	_ =	strace s6  }
0x9c: {  	s6 =	sld [smem:$0x3FFD];
	_ =	sdelay $0x3  }
0x9d: {  	_ =	strace s6  }
0x9e: {  	_ =	strace $0x8FFFFFFF  }
0x9f: {  	s19 =	sld [smem:$0x3FDB];
	_ =	sdelay $0x1  }
0xa0: {  	s7 =	simm.s32 $_scs_section_size  }
0xa1: {  	s8 =	simm.s32 $_size__tile_overlayer_lowered;
	s9 =	simm.s32 $_tile_overlayer_lowered  }
0xa2: {  	s22 =	simm.s32 $0x1BFF;
	s21 =	sshll.u32 s9, $0x1;
	s6 =	sadd.s32 s7, s19  }
0xa3: {  	s10 =	simm.s32 $0x0;
	s20 =	sshll.u32 s8, $0x1;
	s8 =	sadd.s32 s21, s6  }
0xa4: {  	[timem:s10], [sflag:s22] =	dma.local [hbm:s8], s20  }
0xa5: {  	_ =	swait.ge [sflag:s22], s20  }
0xa6: {  	s7 =	ssub.s32 $0x0, s20;
	[sflag:s22] =	ssyncset.done $0x0  }
0xa7: {  	[sflag:s22] =	ssyncadd.s32 s7;
	_ =	sdelay $0x1  }
0xa8: {  	s23 =	simm.s32 $0x1B8B  }
0xa9: {  	_ =	swait.ge [sflag:s23], $0x1  }
0xaa: {  	[sflag:s23] =	ssyncset.done $0x0  }
0xab: {  	s25 =	simm.s32 $0x1B8E;
	s24 =	sld [smem:$0x3FFE];
	[sflag:s23] =	ssyncadd.s32 $0xFFFFFFFF  }
0xac: {  	s26 =	simm.s32 $execute0_lowered;
	[smem:$0x3FD2] =	sst s25  }
0xad: {  	s8 =	sshll.u32 s26, $0x1;
	_ =	strace $0x80000046;
	[dreg:$0x1] =	wrdreg $0xFFFFFFFF  }
0xae: {  	s28 =	simm.s32 $_size_execute0_lowered;
	s6 =	sadd.s32 s6, s8;
	[dreg:$0x0] =	wrdreg $0x0  }
0xaf: {  	s8 =	sshll.u32 s28, $0x1;
	[dreg:$0x2] =	wrdreg s6  }
0xb0: {  	[dreg:$0x3] =	wrdreg s8  }
0xb1: {  	[dreg:$0x4] =	wrdreg $0xC0  }
0xb2: {  	_ =	task [dreg:s10], $0x5FFFF  }
0xb3: {  	[dreg:$0x1] =	wrdreg $0xFFFFFFFF  }
0xb4: {  	[dreg:$0x0] =	wrdreg $0x60  }
0xb5: {  	[dreg:$0x2] =	wrdreg s24  }
0xb6: {  	[dreg:$0x3] =	wrdreg s15  }
0xb7: {  	[dreg:$0x4] =	wrdreg s4  }
0xb8: {  	[dreg:$0x5] =	wrdreg s16  }
0xb9: {  	[dreg:$0x6] =	wrdreg s17  }
0xba: {  	[dreg:$0x7] =	wrdreg $0x9  }
0xbb: {  	_ =	task.clear_ibuf [dreg:s10], $0x8FFFF;
	_ =	strace $0x90000046  }
0xbc: {  	s29 =	simm.s32 $0x9;
	_ =	strace $0x80000048  }
0xbd: {  	_ =	swait.ge [sflag:s29], $0x1  }
0xbe: {  	[sflag:s29] =	ssyncadd.s32 $0xFFFFFFFF  }
0xbf: {  	_ =	strace $0x90000048  }
0xc0: {  	_ =	sfence  }
0xc1: {  	s30 =	sld [smem:$0x0];
	_ =	sdelay $0x2  }
0xc2: {  	s31 =	sshll.u32 s1, $0xD;
	s1 =	sshrl.u32 s1, $0x2  }
0xc3: {  	s3 =	sand.u32 $0x4000, s31;
	s1 =	sadd.s32 s1, s30  }
0xc4: {  	s0 =	sor.u32 s3, s0;
	s1 =	sshll.u32 s1, $0x11  }
0xc5: {  	s0 =	sor.u32 s1, s0  }
0xc6: {  	s0 =	sadd.s32 $0x8F2B, s0  }
0xc7: {  	[sflag:s0] =	ssyncadd.remote.s32 $0x1  }
0xc8: {  	_ =	sfence.sel $0xFFFF  }
0xc9: {  	[dreg:$0x0] =	wrdreg $0xFFFFFFFF;
	(pc) =	sbr.abs _section_cstart, $3  }
0xca: {  	[dreg:$0x1] =	wrdreg $0xFFFFFFFF  }
0xcb: {  	_ =	task.clear_ibuf [dreg:s10], $0x2FFFF;
	_ =	strace $0x9FFFFFFF  }
0xcc: {  	(tm) =	ssettm $0x7FFFFFFF  }
0xcd: {  	_ =	shalt  }
tec
execute0_lowered:
.L_overlay_start_1:
0x0: {  	(tag) =	ssettag $0x1  }
0x1: {  	s0 =	srdreg.scid;
	s1 =	stileid.u32  }
0x2: {  	s0 =	sand.u32 $0x1, s0;
	s2 =	sshll.u32 s1, $0x1  }
0x3: {  	s2 =	sor.u32 s0, s2  }
0x4: {  	s2 =	smul.u32 $0x280, s2;
	_ =	sdelay $0x1  }
0x5: {  	s2 =	smin.u32 s2, $0x4BA0  }
0x6: {  	s3 =	rddreg [dreg:$0x0];
	s1 =	simm.s32 $0x0;
	s10 =	sshll.u32 s2, $0x4  }
0x7: {  	s4 =	sadd.s32 $0x1000, s3;
	s5 =	sadd.s32 $0x4F200, s3;
	s24 =	sor.u32 $0x500, s10  }
0x8: {  	s6 =	sadd.s32 $0x9D400, s3;
	[smem:$0x7FF] =	sst s1;
	s11 =	sadd.s32 s4, s24  }
0x9: {  	s7 =	sadd.s32 $0xEB600, s3;
	s25 =	sadd.s32 s5, s24;
	[dreg:$0x6] =	wrdreg s11  }
0xa: {  	s8 =	sadd.s32 $0x139800, s3;
	s26 =	sadd.s32 s6, s24;
	[dreg:$0x7] =	wrdreg s25  }
0xb: {  	s13 =	sadd.s32 $0xA00, s10;
	s12 =	sadd.s32 s7, s24;
	[dreg:$0x8] =	wrdreg s26  }
0xc: {  	s3 =	sadd.s32 $0x187A00, s3;
	s14 =	sadd.s32 s5, s13;
	[dreg:$0x9] =	wrdreg s12  }
0xd: {  	s0 =	ssub.s32 $0x2, s0;
	s15 =	sadd.s32 s6, s13;
	[dreg:$0xb] =	wrdreg s14  }
0xe: {  	s9 =	sshrl.u32 s0, $0x1;
	s16 =	sadd.s32 s7, s13;
	[dreg:$0xc] =	wrdreg s15  }
0xf: {  	s0 =	ssub.s32 s0, s9;
	s17 =	sadd.s32 s8, s24;
	[dreg:$0xd] =	wrdreg s16  }
0x10: {  	s18 =	sadd.s32 $0xF00, s10;
	s9 =	sadd.s32 s3, s24;
	[dreg:$0xe] =	wrdreg s17  }
0x11: {  	s19 =	sadd.s32 s4, s18;
	[dreg:$0xf] =	wrdreg s9  }
0x12: {  	s20 =	sadd.s32 s5, s18;
	[dreg:$0x10] =	wrdreg s19  }
0x13: {  	s21 =	sadd.s32 s8, s13;
	[dreg:$0x11] =	wrdreg s20  }
0x14: {  	s22 =	sadd.s32 s3, s13;
	[dreg:$0x12] =	wrdreg s21  }
0x15: {  	s23 =	sadd.s32 s6, s18;
	[dreg:$0x13] =	wrdreg s22  }
0x16: {  	s24 =	sadd.s32 s7, s18;
	[dreg:$0x14] =	wrdreg s23  }
0x17: {  	s12 =	sadd.s32 s4, s13;
	[dreg:$0x15] =	wrdreg s24  }
0x18: {  	s26 =	sadd.s32 s8, s18;
	[dreg:$0xa] =	wrdreg s12  }
0x19: {  	s19 =	sadd.s32 s5, s10;
	[dreg:$0x16] =	wrdreg s26  }
0x1a: {  	s20 =	sadd.s32 s6, s10;
	[dreg:$0x1f] =	wrdreg s19  }
0x1b: {  	s21 =	sadd.s32 s7, s10;
	[smem:$0x7EC] =	sst s20  }
0x1c: {  	s22 =	sadd.s32 s8, s10;
	[smem:$0x7ED] =	sst s21  }
0x1d: {  	s23 =	sadd.s32 s3, s10;
	[smem:$0x7EE] =	sst s22  }
0x1e: {  	[smem:$0x7EF] =	sst s23  }
0x1f: {  	s25 =	sadd.s32 $0x1400, s10;
	s12 =	sadd.s32 s3, s18;
	s21 =	rddreg [dreg:$0x1]  }
0x20: {  	s13 =	sadd.s32 s4, s25;
	[dreg:$0x17] =	wrdreg s12  }
0x21: {  	s14 =	sadd.s32 s5, s25;
	[dreg:$0x18] =	wrdreg s13  }
0x22: {  	s15 =	sadd.s32 s6, s25;
	[dreg:$0x19] =	wrdreg s14  }
0x23: {  	s16 =	sadd.s32 s7, s25;
	[dreg:$0x1a] =	wrdreg s15  }
0x24: {  	s17 =	sadd.s32 s8, s25;
	[dreg:$0x1b] =	wrdreg s16  }
0x25: {  	s9 =	sadd.s32 s3, s25;
	[dreg:$0x1c] =	wrdreg s17  }
0x26: {  	s24 =	sadd.s32 $0x1900, s10;
	s18 =	sadd.s32 s4, s10;
	[dreg:$0x1d] =	wrdreg s9  }
0x27: {  	s25 =	sadd.s32 s4, s24;
	[dreg:$0x1e] =	wrdreg s18  }
0x28: {  	s11 =	sadd.s32 $0x1E00, s10;
	s26 =	sadd.s32 s5, s24;
	[smem:$0x7F0] =	sst s25  }
0x29: {  	s19 =	sadd.s32 s6, s11;
	[smem:$0x7F1] =	sst s26  }
0x2a: {  	s22 =	sadd.s32 s7, s11;
	[smem:$0x7FA] =	sst s19  }
0x2b: {  	s13 =	sadd.s32 s6, s24;
	s14 =	sadd.s32 s7, s24;
	[smem:$0x7FC] =	sst s22  }
0x2c: {  	s15 =	sadd.s32 s8, s24;
	s9 =	sadd.s32 s3, s24;
	s24 =	rddreg [dreg:$0x2]  }
0x2d: {  	s25 =	rddreg [dreg:$0x3]  }
0x2e: {  	s26 =	rddreg [dreg:$0x4]  }
0x2f: {  	[smem:$0x7F2] =	sst s13  }
0x30: {  	s28 =	simm.s32 $0x7800;
	[smem:$0x7F3] =	sst s14  }
0x31: {  	s29 =	simm.s32 $0xA000;
	s30 =	simm.s32 $0xC800;
	[smem:$0x7F4] =	sst s15  }
0x32: {  	s10 =	sadd.s32 $0x2300, s10;
	s16 =	sadd.s32 s4, s11;
	[smem:$0x7F5] =	sst s9  }
0x33: {  	s31 =	simm.s32 $0xF000;
	s4 =	sadd.s32 s4, s10;
	[smem:$0x7F6] =	sst s16  }
0x34: {  	s2 =	sshrl.u32 s2, $0x3;
	s17 =	sadd.s32 s5, s11;
	[smem:$0x7F7] =	sst s4  }
0x35: {  	s18 =	sadd.s32 s5, s10;
	s20 =	sadd.s32 s6, s10;
	[smem:$0x7F8] =	sst s17  }
0x36: {  	s23 =	sadd.s32 s7, s10;
	s19 =	sadd.s32 s3, s10;
	[smem:$0x7F9] =	sst s18  }
0x37: {  	s5 =	simm.s32 $0x2;
	s6 =	simm.s32 $0x3;
	[smem:$0x7FB] =	sst s20  }
0x38: {  	s7 =	simm.s32 $0x0;
	[smem:$0x7FD] =	sst s23;
	s16 =	sadd.s32 s8, s11  }
0x39: {  	s17 =	sadd.s32 s3, s11;
	s18 =	sadd.s32 s8, s10;
	s20 =	sadd.s32 s21, s2  }
0x3a: {  	s21 =	sadd.s32 s24, s2;
	s22 =	sadd.s32 s25, s2;
	s23 =	sadd.s32 s26, s2  }
0x3b: {  	v1 =	vimm.f32 $1.786527400e+00;
	s24 =	smax.u32 s0, $0x1;
	s25 =	simm.s32 $0x2800;
	s26 =	simm.s32 $0x5000  }
0x3c: {  	v0 =	vlaneseq.u32;
	v2 =	vimm.f32 $1.765009880e+00;
	v3 =	vimm.f32 $8.339562410e-01;
	s0 =	simm.s32 $0x11800;
	s2 =	simm.s32 $0x1;
	s3 =	simm.s32 $0x14000  }
0x3d: {  	v4 =	vimm.s32 $0x0;
	v0 =	vmul.u32 $0x80, v0;
	s4 =	simm.s32 $0x16800;
	s11 =	simm.s32 $0x19500;
	_ =	strace $0x80000047  }
.LBB2_1:
0x3e: {  	s8 =	simm.s32 $0x19000  }
0x3f: {  	[tilespmem:s8], [sflag:$0x1] =	stream.linear.gather [hbm4b:s20+s1], $0x280, $0x38;
	[tilespmem:$0x19A00] =	vst v63  }
0x40: {  	s9 =	simm.s32 $0x19280;
	s10 =	rddreg [dreg:$0x1e]  }
0x41: {  	[tilespmem:s9], [sflag:$0x1] =	stream.linear.gather [hbm4b:s21+s1], $0x280, $0x38;
	[tilespmem:$0x19A00] =	vst v63  }
0x42: {  	s12 =	rddreg [dreg:$0x1f]  }
0x43: {  	[tilespmem:s1], [sflag:$0x1] =	stream.linear.gather [hbm4b:s10+s1], $0x2800, $0x38;
	[tilespmem:$0x19A00] =	vst v63  }
0x44: {  	s13 =	sld [smem:$0x7EC]  }
0x45: {  	[tilespmem:s25], [sflag:$0x1] =	stream.linear.gather [hbm4b:s12+s1], $0x2800, $0x38;
	[tilespmem:$0x19A00] =	vst v63  }
0x46: {  	s14 =	sld [smem:$0x7ED]  }
0x47: {  	[tilespmem:s26], [sflag:$0x1] =	stream.linear.gather [hbm4b:s13+s1], $0x2800, $0x38;
	[tilespmem:$0x19A00] =	vst v63  }
0x48: {  	_ = 	snop  }
0x49: {  	[tilespmem:s28], [sflag:$0x1] =	stream.linear.gather [hbm4b:s14+s1], $0x2800, $0x38;
	[tilespmem:$0x19A00] =	vst v63  }
0x4a: {  	s15 =	rddreg [dreg:$0x6]  }
0x4b: {  	[tilespmem:s29], [sflag:$0x1] =	stream.linear.gather [hbm4b:s15+s1], $0x2800, $0x38;
	[tilespmem:$0x19A00] =	vst v63  }
0x4c: {  	s12 =	rddreg [dreg:$0x7]  }
0x4d: {  	[tilespmem:s30], [sflag:$0x1] =	stream.linear.gather [hbm4b:s12+s1], $0x2800, $0x38;
	[tilespmem:$0x19A00] =	vst v63  }
0x4e: {  	s13 =	rddreg [dreg:$0x8]  }
0x4f: {  	[tilespmem:s31], [sflag:$0x1] =	stream.linear.gather [hbm4b:s13+s1], $0x2800, $0x38;
	[tilespmem:$0x19A00] =	vst v63  }
0x50: {  	s14 =	rddreg [dreg:$0x9]  }
0x51: {  	[tilespmem:s0], [sflag:$0x1] =	stream.linear.gather [hbm4b:s14+s1], $0x2800, $0x38;
	[tilespmem:$0x19A00] =	vst v63  }
0x52: {  	_ =	swait.ge [sflag:s2], $0x280  }
0x53: {  	[sflag:s2] =	ssyncset.done $0x0  }
0x54: {  	[sflag:s2] =	ssyncadd.s32 $0xFFFFFD80  }
0x55: {  	_ =	swait.ge [sflag:s2], $0x280  }
0x56: {  	[sflag:s2] =	ssyncset.done $0x0  }
0x57: {  	[sflag:s2] =	ssyncadd.s32 $0xFFFFFD80  }
0x58: {  	_ =	swait.ge [sflag:s2], $0x2800  }
0x59: {  	[sflag:s2] =	ssyncset.done $0x0  }
0x5a: {  	[sflag:s2] =	ssyncadd.s32 $0xFFFFD800  }
0x5b: {  	_ =	swait.ge [sflag:s2], $0x2800  }
0x5c: {  	[sflag:s2] =	ssyncset.done $0x0  }
0x5d: {  	v5 =	vmov s1;
	[sflag:s2] =	ssyncadd.s32 $0xFFFFD800  }
0x5e: {  	v5 =	vshll.u32 v5, $0x7;
	_ =	swait.ge [sflag:s2], $0x2800  }
0x5f: {  	v5 =	vor.u32 v0, v5;
	[sflag:s2] =	ssyncset.done $0x0  }
0x60: {  	v6 =	vor.u32 $0x1, v5;
	[sflag:s2] =	ssyncadd.s32 $0xFFFFD800  }
0x61: {  	_ =	swait.ge [sflag:s2], $0x2800  }
0x62: {  	[sflag:s2] =	ssyncset.done $0x0  }
0x63: {  	[sflag:s2] =	ssyncadd.s32 $0xFFFFD800  }
0x64: {  	v7 =	vld.idx.msk [tilespmem:v5+s1+$0x0], $0xffff  }
0x65: {  	v9 =	vor.u32 $0x2, v5;
	v8 =	vld.idx.msk [tilespmem:v6+s25+$0x0], $0xffff  }
0x66: {  	v10 =	vor.u32 $0x3, v5;
	v11 =	vld.idx.msk [tilespmem:v5+s25+$0x0], $0xffff  }
0x67: {  	v12 =	vld.idx.msk [tilespmem:v6+s1+$0x0], $0xffff;
	_ =	sdelay $0x2  }
0x68: {  	v13 =	vld.idx.msk [tilespmem:v9+s25+$0x0], $0xffff  }
0x69: {  	v14 =	vld.idx.msk [tilespmem:v10+s25+$0x0], $0xffff;
	v11 =	vsub.f32 v7, v11  }
0x6a: {  	v8 =	vsub.f32 v12, v8  }
0x6b: {  	v11 =	vmul.f32 $4.000000000e+00, v11  }
0x6c: {  	v8 =	vmul.f32 $4.000000000e+00, v8  }
0x6d: {  	v7 =	vadd.f32 v13, v7;
	v11 =	vmax.f32 v11, $0.0e+00  }
0x6e: {  	v12 =	vadd.f32 v14, v12;
	v8 =	vmax.f32 v8, $0.0e+00;
	v11 =	vmin.f32 v11, $1.280000000e+03  }
0x6f: {  	v7 =	vmul.f32 $4.000000000e+00, v7;
	v8 =	vmin.f32 v8, $3.840000000e+02;
	[tilespmem:v5+s3+$0x0] =	vst.idx.msk $0xffff, v11  }
0x70: {  	v59 =	vmul.f32 $4.000000000e+00, v12;
	[tilespmem:v6+s3+$0x0] =	vst.idx.msk $0xffff, v8  }
0x71: {  	[tilespmem:v9+s3+$0x0] =	vst.idx.msk $0xffff, v7  }
0x72: {  	[tilespmem:v10+s3+$0x0] =	vst.idx.msk $0xffff, v59  }
0x73: {  	v7 =	vld.idx.msk [tilespmem:v5+s26+$0x0], $0xffff;
	_ =	sdelay $0x4  }
0x74: {  	v7 =	vmul.f32 $1.442695020e+00, v7;
	_ =	sdelay $0x1  }
0x75: {  	(erf) = vpow2.f32 v7;
	_ =	sdelay $0x1  }
0x76: {  	v7 =	vld [tilespmem:s9+$0x0];
	_ =	sdelay $0x4  }
0x77: {  	vm0 =	veq.s32 v7, $0x1  }
0x78: {  	vm1 =	veq.s32 v7, $0x0;
	v7 =	vsel vm0, $0x3F6B7C6F, v1  }
0x79: {  	v7 =	vsel vm1, $0x409AD914, v7;
	v8 =	vpop (erf)  }
0x7a: {  	v7 =	vmul.f32 v7, v8;
	_ =	sdelay $0x1  }
0x7b: {  	[tilespmem:v5+s4+$0x0] =	vst.idx.msk $0xffff, v7  }
0x7c: {  	v7 =	vld.idx.msk [tilespmem:v6+s26+$0x0], $0xffff;
	_ =	sdelay $0x4  }
0x7d: {  	v7 =	vmul.f32 $1.442695020e+00, v7;
	_ =	sdelay $0x1  }
0x7e: {  	(erf) = vpow2.f32 v7;
	_ =	sdelay $0x7  }
0x7f: {  	v7 =	vsel vm0, $0x3FE06312, v2  }
0x80: {  	v7 =	vsel vm1, $0x3FE765A6, v7;
	v8 =	vpop (erf)  }
0x81: {  	v7 =	vmul.f32 v8, v7;
	_ =	sdelay $0x1  }
0x82: {  	[tilespmem:v6+s4+$0x0] =	vst.idx.msk $0xffff, v7  }
0x83: {  	v7 =	vld.idx.msk [tilespmem:v9+s26+$0x0], $0xffff;
	_ =	sdelay $0x4  }
0x84: {  	v7 =	vmul.f32 $1.442695020e+00, v7;
	_ =	sdelay $0x1  }
0x85: {  	(erf) = vpow2.f32 v7;
	_ =	sdelay $0x7  }
0x86: {  	v7 =	vsel vm0, $0x3F5CB9AB, v3  }
0x87: {  	v7 =	vsel vm1, $0x400766F1, v7;
	v8 =	vpop (erf)  }
0x88: {  	v7 =	vmul.f32 v8, v7;
	_ =	sdelay $0x1  }
0x89: {  	[tilespmem:v9+s4+$0x0] =	vst.idx.msk $0xffff, v7  }
0x8a: {  	v7 =	vld [tilespmem:s8+$0x0];
	_ =	sdelay $0x4  }
0x8b: {  	v7 =	vsub.f32 $0.0e+00, v7;
	_ =	sdelay $0x1  }
0x8c: {  	v7 =	vmul.f32 $1.442695020e+00, v7;
	_ =	sdelay $0x1  }
0x8d: {  	(erf) = vpow2.f32 v7;
	_ =	sdelay $0x8  }
0x8e: {  	v7 =	vpop (erf)  }
0x8f: {  	v7 =	vmax.f32 v7, $1.000000010e-01  }
0x90: {  	v7 =	vmin.f32 v7, $1.000000000e+02  }
0x91: {  	v8 =	vor.u32 $0x4, v5;
	[tilespmem:s11+$0x0] =	vst v7  }
0x92: {  	v7 =	vor.u32 $0x5, v5;
	v6 =	vld.idx.msk [tilespmem:v6+s28+$0x0], $0xffff  }
0x93: {  	v60 =	vor.u32 $0x7, v5;
	v11 =	vld.idx.msk [tilespmem:v5+s28+$0x0], $0xffff  }
0x94: {  	v61 =	vor.u32 $0x6, v5;
	v9 =	vld.idx.msk [tilespmem:v9+s28+$0x0], $0xffff  }
0x95: {  	v10 =	vld.idx.msk [tilespmem:v10+s28+$0x0], $0xffff  }
0x96: {  	v8 =	vld.idx.msk [tilespmem:v8+s28+$0x0], $0xffff  }
0x97: {  	v7 =	vld.idx.msk [tilespmem:v7+s28+$0x0], $0xffff  }
0x98: {  	v12 =	vld.idx.msk [tilespmem:v60+s28+$0x0], $0xffff  }
0x99: {  	v13 =	vld.idx.msk [tilespmem:v61+s28+$0x0], $0xffff  }
0x9a: {  	v6 =	vsub.f32 v6, v11;
	v9 =	vsub.f32 v10, v9;
	_ =	sdelay $0x1  }
0x9b: {  	vm0 =	vgt.f32 v9, v6;
	v7 =	vsub.f32 v7, v8  }
0x9c: {  	v6 =	vsel vm0, v9, v6  }
0x9d: {  	v8 =	vsub.f32 v12, v13;
	vm1 =	vgt.f32 v7, v6  }
0x9e: {  	v62 =	vsel vm0, $0x1, v4;
	v6 =	vsel vm1, v7, v6  }
0x9f: {  	v7 =	vsel vm1, $0x2, v62;
	vm0 =	vgt.f32 v8, v6  }
0xa0: {  	v6 =	vsel vm0, $0x3, v7  }
0xa1: {  	v7 =	vshll.u32 v6, $0x1  }
0xa2: {  	v5 =	vor.u32 v5, v7  }
0xa3: {  	v7 =	vor.u32 $0x9, v5;
	_ =	sdelay $0x4  }
0xa4: {  	v7 =	vld.idx.msk [tilespmem:v7+s28+$0x0], $0xffff;
	_ =	sdelay $0x4  }
0xa5: {  	v5 =	vor.u32 $0x8, v5;
	(erf) = vrcp.f32 v7;
	_ =	sdelay $0x4  }
0xa6: {  	v5 =	vld.idx.msk [tilespmem:v5+s28+$0x0], $0xffff;
	_ =	sdelay $0x3  }
0xa7: {  	v7 =	vpop (erf)  }
0xa8: {  	v5 =	vmul.f32 v7, v5;
	_ =	sdelay $0x1  }
0xa9: {  	v7 =	vand.u32 $0x7FFFFFFF, v5  }
0xaa: {  	(erf) = vrcp.f32 v7;
	_ =	sdelay $0x8  }
0xab: {  	vm1 =	vgt.f32 v7, $1.000000000e+00;
	v8 =	vpop (erf)  }
0xac: {  	v7 =	vsel vm1, v8, v7  }
0xad: {  	v8 =	vmul.f32 v7, v7;
	_ =	sdelay $0x1  }
0xae: {  	v63 =	vmul.f32 $2.083509970e-02, v8;
	_ =	sdelay $0x1  }
0xaf: {  	v9 =	vadd.f32 $-8.513300120e-02, v63;
	_ =	sdelay $0x1  }
0xb0: {  	v9 =	vmul.f32 v9, v8;
	_ =	sdelay $0x1  }
0xb1: {  	v9 =	vadd.f32 $1.801410020e-01, v9;
	_ =	sdelay $0x1  }
0xb2: {  	v9 =	vmul.f32 v9, v8;
	_ =	sdelay $0x1  }
0xb3: {  	v9 =	vadd.f32 $-3.302994970e-01, v9;
	_ =	sdelay $0x1  }
0xb4: {  	v8 =	vmul.f32 v9, v8;
	_ =	sdelay $0x1  }
0xb5: {  	v8 =	vadd.f32 $9.998660080e-01, v8;
	_ =	sdelay $0x1  }
0xb6: {  	v7 =	vmul.f32 v8, v7;
	_ =	sdelay $0x1  }
0xb7: {  	v8 =	vsub.f32 $1.570796370e+00, v7  }
0xb8: {  	v6 =	vcvt.s32.f32 v6  }
0xb9: {  	v7 =	vsel vm1, v8, v7  }
0xba: {  	v6 =	vmul.f32 $1.570796370e+00, v6;
	v8 =	vsub.f32 $0.0e+00, v7  }
0xbb: {  	vm1 =	vlt.f32 v5, $0.0e+00  }
0xbc: {  	v5 =	vsel vm0, $0xBFC90FDB, v6;
	v6 =	vsel vm1, v8, v7  }
0xbd: {  	v6 =	vadd.f32 v6, v5  }
0xbe: {  	s10 =	simm.s32 $0x19790;
	s15 =	simm.s32 $0x10  }
0xbf: {  	s12 =	simm.s32 $0x19780;
	s13 =	simm.s32 $0x20;
	s11 =	simm.s32 $0x19510;
	v5 =	vmov s15;
	vm0 =	vgt.f32 v6, $3.141592740e+00;
	v7 =	vadd.f32 $-6.283185480e+00, v6  }
.LBB2_2:
0xc0: {  	s9 =	sadd.s32 $0x10, s9  }
0xc1: {  	v5 =	vshll.u32 v5, $0x7;
	s8 =	sadd.s32 $0x10, s8;
	s14 =	smov.u32 s13;
	s15 =	sadd.s32 $0x10, s13  }
0xc2: {  	p0 =	sne.s32 s13, $0x40;
	v5 =	vor.u32 v0, v5;
	v8 =	vsel vm0, v7, v6  }
0xc3: {  	v7 =	vor.u32 $0x1, v5;
	v9 =	vadd.f32 $6.283185480e+00, v8  }
0xc4: {  	vm0 =	vlt.f32 v8, $-3.141592740e+00  }
0xc5: {  	v6 =	vor.u32 $0x3, v5;
	v8 =	vsel vm0, v9, v8  }
0xc6: {  	[tilespmem:s12+$0x0] =	vst v8;
	s12 =	smov.u32 s10  }
0xc7: {  	v9 =	vld.idx.msk [tilespmem:v5+s1+$0x0], $0xffff  }
0xc8: {  	v8 =	vor.u32 $0x2, v5;
	v10 =	vld.idx.msk [tilespmem:v7+s25+$0x0], $0xffff  }
0xc9: {  	v11 =	vld.idx.msk [tilespmem:v5+s25+$0x0], $0xffff  }
0xca: {  	v12 =	vld.idx.msk [tilespmem:v7+s1+$0x0], $0xffff  }
0xcb: {  	v13 =	vld.idx.msk [tilespmem:v6+s25+$0x0], $0xffff;
	_ =	sdelay $0x1  }
0xcc: {  	v14 =	vld.idx.msk [tilespmem:v8+s25+$0x0], $0xffff;
	_ =	sdelay $0x1  }
0xcd: {  	v11 =	vsub.f32 v9, v11  }
0xce: {  	v10 =	vsub.f32 v12, v10  }
0xcf: {  	v11 =	vmul.f32 $4.000000000e+00, v11;
	v12 =	vadd.f32 v13, v12  }
0xd0: {  	v10 =	vmul.f32 $4.000000000e+00, v10  }
0xd1: {  	v9 =	vadd.f32 v14, v9;
	v11 =	vmax.f32 v11, $0.0e+00  }
0xd2: {  	v11 =	vmin.f32 v11, $1.280000000e+03;
	v10 =	vmax.f32 v10, $0.0e+00  }
0xd3: {  	v9 =	vmul.f32 $4.000000000e+00, v9;
	v10 =	vmin.f32 v10, $3.840000000e+02;
	[tilespmem:v5+s3+$0x0] =	vst.idx.msk $0xffff, v11  }
0xd4: {  	v11 =	vmul.f32 $4.000000000e+00, v12;
	[tilespmem:v7+s3+$0x0] =	vst.idx.msk $0xffff, v10  }
0xd5: {  	[tilespmem:v8+s3+$0x0] =	vst.idx.msk $0xffff, v9  }
0xd6: {  	[tilespmem:v6+s3+$0x0] =	vst.idx.msk $0xffff, v11  }
0xd7: {  	v9 =	vld.idx.msk [tilespmem:v5+s26+$0x0], $0xffff;
	_ =	sdelay $0x5  }
0xd8: {  	v9 =	vmul.f32 $1.442695020e+00, v9;
	_ =	sdelay $0x1  }
0xd9: {  	(erf) = vpow2.f32 v9;
	_ =	sdelay $0x1  }
0xda: {  	v9 =	vld [tilespmem:s9+$0x0];
	_ =	sdelay $0x4  }
0xdb: {  	vm0 =	veq.s32 v9, $0x1  }
0xdc: {  	vm1 =	veq.s32 v9, $0x0;
	v9 =	vsel vm0, $0x3F6B7C6F, v1;
	v10 =	vsel vm0, $0x3FE06312, v2  }
0xdd: {  	v11 =	vsel vm0, $0x3F5CB9AB, v3;
	v9 =	vsel vm1, $0x409AD914, v9;
	v10 =	vsel vm1, $0x3FE765A6, v10;
	v12 =	vpop (erf)  }
0xde: {  	v11 =	vsel vm1, $0x400766F1, v11;
	v9 =	vmul.f32 v9, v12;
	_ =	sdelay $0x1  }
0xdf: {  	[tilespmem:v5+s4+$0x0] =	vst.idx.msk $0xffff, v9  }
0xe0: {  	v9 =	vld.idx.msk [tilespmem:v7+s26+$0x0], $0xffff;
	_ =	sdelay $0x5  }
0xe1: {  	v9 =	vmul.f32 $1.442695020e+00, v9;
	_ =	sdelay $0x1  }
0xe2: {  	(erf) = vpow2.f32 v9;
	_ =	sdelay $0x8  }
0xe3: {  	v9 =	vpop (erf)  }
0xe4: {  	v9 =	vmul.f32 v9, v10;
	_ =	sdelay $0x1  }
0xe5: {  	[tilespmem:v7+s4+$0x0] =	vst.idx.msk $0xffff, v9  }
0xe6: {  	v9 =	vld.idx.msk [tilespmem:v8+s26+$0x0], $0xffff;
	_ =	sdelay $0x5  }
0xe7: {  	v9 =	vmul.f32 $1.442695020e+00, v9;
	_ =	sdelay $0x1  }
0xe8: {  	(erf) = vpow2.f32 v9;
	_ =	sdelay $0x8  }
0xe9: {  	v9 =	vpop (erf)  }
0xea: {  	v9 =	vmul.f32 v9, v11;
	_ =	sdelay $0x1  }
0xeb: {  	[tilespmem:v8+s4+$0x0] =	vst.idx.msk $0xffff, v9  }
0xec: {  	v9 =	vld [tilespmem:s8+$0x0];
	_ =	sdelay $0x4  }
0xed: {  	v9 =	vsub.f32 $0.0e+00, v9;
	_ =	sdelay $0x1  }
0xee: {  	v9 =	vmul.f32 $1.442695020e+00, v9;
	_ =	sdelay $0x1  }
0xef: {  	(erf) = vpow2.f32 v9;
	_ =	sdelay $0x8  }
0xf0: {  	v9 =	vpop (erf)  }
0xf1: {  	v9 =	vmax.f32 v9, $1.000000010e-01  }
0xf2: {  	v9 =	vmin.f32 v9, $1.000000000e+02  }
0xf3: {  	[tilespmem:s11+$0x0] =	vst v9;
	v9 =	vor.u32 $0x5, v5  }
0xf4: {  	v10 =	vor.u32 $0x4, v5;
	v7 =	vld.idx.msk [tilespmem:v7+s28+$0x0], $0xffff  }
0xf5: {  	v12 =	vor.u32 $0x7, v5;
	v11 =	vld.idx.msk [tilespmem:v5+s28+$0x0], $0xffff  }
0xf6: {  	v13 =	vor.u32 $0x6, v5;
	v8 =	vld.idx.msk [tilespmem:v8+s28+$0x0], $0xffff  }
0xf7: {  	v6 =	vld.idx.msk [tilespmem:v6+s28+$0x0], $0xffff  }
0xf8: {  	v9 =	vld.idx.msk [tilespmem:v9+s28+$0x0], $0xffff  }
0xf9: {  	v10 =	vld.idx.msk [tilespmem:v10+s28+$0x0], $0xffff  }
0xfa: {  	v12 =	vld.idx.msk [tilespmem:v12+s28+$0x0], $0xffff  }
0xfb: {  	v13 =	vld.idx.msk [tilespmem:v13+s28+$0x0], $0xffff;
	_ =	sdelay $0x1  }
0xfc: {  	v7 =	vsub.f32 v7, v11;
	v6 =	vsub.f32 v6, v8;
	_ =	sdelay $0x1  }
0xfd: {  	vm0 =	vgt.f32 v6, v7;
	v8 =	vsub.f32 v9, v10  }
0xfe: {  	v6 =	vsel vm0, v6, v7  }
0xff: {  	vm1 =	vgt.f32 v8, v6;
	v7 =	vsub.f32 v12, v13  }
0x100: {  	v9 =	vsel vm0, $0x1, v4;
	v6 =	vsel vm1, v8, v6  }
0x101: {  	v8 =	vsel vm1, $0x2, v9;
	vm0 =	vgt.f32 v7, v6  }
0x102: {  	v6 =	vsel vm0, $0x3, v8  }
0x103: {  	v7 =	vshll.u32 v6, $0x1;
	v6 =	vcvt.s32.f32 v6  }
0x104: {  	v5 =	vor.u32 v5, v7  }
0x105: {  	v7 =	vor.u32 $0x8, v5;
	v5 =	vor.u32 $0x9, v5;
	v6 =	vmul.f32 $1.570796370e+00, v6;
	_ =	sdelay $0x1  }
0x106: {  	v6 =	vsel vm0, $0xBFC90FDB, v6;
	_ =	sdelay $0x2  }
0x107: {  	v5 =	vld.idx.msk [tilespmem:v5+s28+$0x0], $0xffff  }
0x108: {  	v7 =	vld.idx.msk [tilespmem:v7+s28+$0x0], $0xffff;
	_ =	sdelay $0x4  }
0x109: {  	(erf) = vrcp.f32 v5;
	_ =	sdelay $0x8  }
0x10a: {  	v5 =	vpop (erf)  }
0x10b: {  	v5 =	vmul.f32 v5, v7;
	_ =	sdelay $0x1  }
0x10c: {  	v7 =	vand.u32 $0x7FFFFFFF, v5  }
0x10d: {  	(erf) = vrcp.f32 v7;
	_ =	sdelay $0x8  }
0x10e: {  	vm0 =	vgt.f32 v7, $1.000000000e+00;
	v8 =	vpop (erf)  }
0x10f: {  	v7 =	vsel vm0, v8, v7  }
0x110: {  	v8 =	vmul.f32 v7, v7;
	_ =	sdelay $0x1  }
0x111: {  	v9 =	vmul.f32 $2.083509970e-02, v8;
	_ =	sdelay $0x1  }
0x112: {  	v9 =	vadd.f32 $-8.513300120e-02, v9;
	_ =	sdelay $0x1  }
0x113: {  	v9 =	vmul.f32 v9, v8;
	_ =	sdelay $0x1  }
0x114: {  	v9 =	vadd.f32 $1.801410020e-01, v9;
	_ =	sdelay $0x1  }
0x115: {  	v9 =	vmul.f32 v9, v8;
	_ =	sdelay $0x1  }
0x116: {  	v9 =	vadd.f32 $-3.302994970e-01, v9;
	_ =	sdelay $0x1  }
0x117: {  	v8 =	vmul.f32 v9, v8;
	_ =	sdelay $0x1  }
0x118: {  	v8 =	vadd.f32 $9.998660080e-01, v8;
	_ =	sdelay $0x1  }
0x119: {  	v7 =	vmul.f32 v8, v7;
	_ =	sdelay $0x1  }
0x11a: {  	v8 =	vsub.f32 $1.570796370e+00, v7;
	_ =	sdelay $0x1  }
0x11b: {  	v7 =	vsel vm0, v8, v7  }
0x11c: {  	v8 =	vsub.f32 $0.0e+00, v7  }
.Ltmp0:
0x11d: {  	vm0 =	vlt.f32 v5, $0.0e+00;
	(pc) =	sbr.rel @p0 .LBB2_2-.Ltmp0, $3  }
0x11e: {  	v5 =	vsel vm0, v8, v7  }
0x11f: {  	v6 =	vadd.f32 v5, v6;
	_ =	sdelay $0x1  }
0x120: {  	s13 =	smov.u32 s15;
	s10 =	sadd.s32 $0x10, s10;
	s11 =	sadd.s32 $0x10, s11;
	v5 =	vmov s14;
	vm0 =	vgt.f32 v6, $3.141592740e+00;
	v7 =	vadd.f32 $-6.283185480e+00, v6  }
0x121: {  	v5 =	vshll.u32 v5, $0x7  }
0x122: {  	v5 =	vor.u32 v0, v5;
	v6 =	vsel vm0, v7, v6  }
0x123: {  	v8 =	vadd.f32 $6.283185480e+00, v6  }
0x124: {  	v7 =	vor.u32 $0x1, v5;
	vm0 =	vlt.f32 v6, $-3.141592740e+00  }
0x125: {  	v6 =	vsel vm0, v8, v6  }
0x126: {  	[tilespmem:s12+$0x0] =	vst v6  }
0x127: {  	v6 =	vld.idx.msk [tilespmem:v5+s1+$0x0], $0xffff  }
0x128: {  	v9 =	vor.u32 $0x2, v5;
	v11 =	vld.idx.msk [tilespmem:v5+s25+$0x0], $0xffff  }
0x129: {  	v10 =	vor.u32 $0x3, v5;
	v8 =	vld.idx.msk [tilespmem:v7+s25+$0x0], $0xffff  }
0x12a: {  	v12 =	vld.idx.msk [tilespmem:v7+s1+$0x0], $0xffff;
	_ =	sdelay $0x2  }
0x12b: {  	v13 =	vld.idx.msk [tilespmem:v9+s25+$0x0], $0xffff  }
0x12c: {  	v14 =	vld.idx.msk [tilespmem:v10+s25+$0x0], $0xffff;
	v11 =	vsub.f32 v6, v11  }
0x12d: {  	v8 =	vsub.f32 v12, v8  }
0x12e: {  	v11 =	vmul.f32 $4.000000000e+00, v11  }
0x12f: {  	v8 =	vmul.f32 $4.000000000e+00, v8  }
0x130: {  	v6 =	vadd.f32 v13, v6;
	v11 =	vmax.f32 v11, $0.0e+00  }
0x131: {  	v12 =	vadd.f32 v14, v12;
	v11 =	vmin.f32 v11, $1.280000000e+03;
	v8 =	vmax.f32 v8, $0.0e+00  }
0x132: {  	v6 =	vmul.f32 $4.000000000e+00, v6;
	[tilespmem:v5+s3+$0x0] =	vst.idx.msk $0xffff, v11;
	v8 =	vmin.f32 v8, $3.840000000e+02  }
0x133: {  	v48 =	vmul.f32 $4.000000000e+00, v12;
	[tilespmem:v7+s3+$0x0] =	vst.idx.msk $0xffff, v8  }
0x134: {  	[tilespmem:v9+s3+$0x0] =	vst.idx.msk $0xffff, v6  }
0x135: {  	[tilespmem:v10+s3+$0x0] =	vst.idx.msk $0xffff, v48  }
0x136: {  	v6 =	vld.idx.msk [tilespmem:v5+s26+$0x0], $0xffff;
	_ =	sdelay $0x4  }
0x137: {  	v6 =	vmul.f32 $1.442695020e+00, v6;
	_ =	sdelay $0x1  }
0x138: {  	(erf) = vpow2.f32 v6  }
0x139: {  	s9 =	sadd.s32 $0x10, s9  }
0x13a: {  	v6 =	vld [tilespmem:s9+$0x0];
	_ =	sdelay $0x4  }
0x13b: {  	vm0 =	veq.s32 v6, $0x1  }
0x13c: {  	vm1 =	veq.s32 v6, $0x0;
	v6 =	vsel vm0, $0x3F6B7C6F, v1  }
0x13d: {  	v6 =	vsel vm1, $0x409AD914, v6;
	v8 =	vpop (erf)  }
0x13e: {  	v6 =	vmul.f32 v6, v8;
	_ =	sdelay $0x1  }
0x13f: {  	[tilespmem:v5+s4+$0x0] =	vst.idx.msk $0xffff, v6  }
0x140: {  	v6 =	vld.idx.msk [tilespmem:v7+s26+$0x0], $0xffff;
	_ =	sdelay $0x4  }
0x141: {  	v6 =	vmul.f32 $1.442695020e+00, v6;
	_ =	sdelay $0x1  }
0x142: {  	(erf) = vpow2.f32 v6;
	_ =	sdelay $0x7  }
0x143: {  	v6 =	vsel vm0, $0x3FE06312, v2  }
0x144: {  	v6 =	vsel vm1, $0x3FE765A6, v6;
	v8 =	vpop (erf)  }
0x145: {  	v6 =	vmul.f32 v8, v6;
	_ =	sdelay $0x1  }
0x146: {  	[tilespmem:v7+s4+$0x0] =	vst.idx.msk $0xffff, v6  }
0x147: {  	v6 =	vld.idx.msk [tilespmem:v9+s26+$0x0], $0xffff;
	_ =	sdelay $0x4  }
0x148: {  	v6 =	vmul.f32 $1.442695020e+00, v6;
	_ =	sdelay $0x1  }
0x149: {  	(erf) = vpow2.f32 v6;
	_ =	sdelay $0x7  }
0x14a: {  	v6 =	vsel vm0, $0x3F5CB9AB, v3  }
0x14b: {  	v6 =	vsel vm1, $0x400766F1, v6;
	v8 =	vpop (erf)  }
0x14c: {  	v6 =	vmul.f32 v8, v6;
	_ =	sdelay $0x1  }
0x14d: {  	s8 =	sadd.s32 $0x10, s8;
	[tilespmem:v9+s4+$0x0] =	vst.idx.msk $0xffff, v6  }
0x14e: {  	v6 =	vld [tilespmem:s8+$0x0];
	_ =	sdelay $0x4  }
0x14f: {  	v6 =	vsub.f32 $0.0e+00, v6;
	_ =	sdelay $0x1  }
0x150: {  	v6 =	vmul.f32 $1.442695020e+00, v6;
	_ =	sdelay $0x1  }
0x151: {  	(erf) = vpow2.f32 v6;
	_ =	sdelay $0x8  }
0x152: {  	v6 =	vpop (erf)  }
0x153: {  	v6 =	vmax.f32 v6, $1.000000010e-01  }
0x154: {  	v6 =	vmin.f32 v6, $1.000000000e+02  }
0x155: {  	v8 =	vor.u32 $0x4, v5;
	[tilespmem:s11+$0x0] =	vst v6  }
0x156: {  	v6 =	vor.u32 $0x5, v5;
	v7 =	vld.idx.msk [tilespmem:v7+s28+$0x0], $0xffff  }
0x157: {  	v49 =	vor.u32 $0x7, v5;
	v11 =	vld.idx.msk [tilespmem:v5+s28+$0x0], $0xffff  }
0x158: {  	v50 =	vor.u32 $0x6, v5;
	v9 =	vld.idx.msk [tilespmem:v9+s28+$0x0], $0xffff  }
0x159: {  	v10 =	vld.idx.msk [tilespmem:v10+s28+$0x0], $0xffff  }
0x15a: {  	v8 =	vld.idx.msk [tilespmem:v8+s28+$0x0], $0xffff  }
0x15b: {  	v6 =	vld.idx.msk [tilespmem:v6+s28+$0x0], $0xffff  }
0x15c: {  	v12 =	vld.idx.msk [tilespmem:v49+s28+$0x0], $0xffff  }
0x15d: {  	v13 =	vld.idx.msk [tilespmem:v50+s28+$0x0], $0xffff  }
0x15e: {  	v7 =	vsub.f32 v7, v11;
	v9 =	vsub.f32 v10, v9;
	_ =	sdelay $0x1  }
0x15f: {  	vm0 =	vgt.f32 v9, v7;
	v6 =	vsub.f32 v6, v8  }
0x160: {  	v7 =	vsel vm0, v9, v7  }
0x161: {  	v8 =	vsub.f32 v12, v13;
	vm1 =	vgt.f32 v6, v7  }
0x162: {  	v51 =	vsel vm0, $0x1, v4;
	v6 =	vsel vm1, v6, v7  }
0x163: {  	v7 =	vsel vm1, $0x2, v51;
	vm0 =	vgt.f32 v8, v6  }
0x164: {  	v6 =	vsel vm0, $0x3, v7  }
0x165: {  	v7 =	vshll.u32 v6, $0x1  }
0x166: {  	v5 =	vor.u32 v5, v7  }
0x167: {  	v7 =	vor.u32 $0x9, v5;
	_ =	sdelay $0x4  }
0x168: {  	v7 =	vld.idx.msk [tilespmem:v7+s28+$0x0], $0xffff;
	_ =	sdelay $0x4  }
0x169: {  	v5 =	vor.u32 $0x8, v5;
	(erf) = vrcp.f32 v7;
	_ =	sdelay $0x4  }
0x16a: {  	v5 =	vld.idx.msk [tilespmem:v5+s28+$0x0], $0xffff;
	_ =	sdelay $0x3  }
0x16b: {  	v7 =	vpop (erf)  }
0x16c: {  	v5 =	vmul.f32 v7, v5;
	_ =	sdelay $0x1  }
0x16d: {  	v7 =	vand.u32 $0x7FFFFFFF, v5  }
0x16e: {  	(erf) = vrcp.f32 v7;
	_ =	sdelay $0x8  }
0x16f: {  	vm1 =	vgt.f32 v7, $1.000000000e+00;
	v8 =	vpop (erf)  }
0x170: {  	v7 =	vsel vm1, v8, v7  }
0x171: {  	v8 =	vmul.f32 v7, v7;
	_ =	sdelay $0x1  }
0x172: {  	v52 =	vmul.f32 $2.083509970e-02, v8;
	_ =	sdelay $0x1  }
0x173: {  	v9 =	vadd.f32 $-8.513300120e-02, v52;
	_ =	sdelay $0x1  }
0x174: {  	v9 =	vmul.f32 v9, v8;
	_ =	sdelay $0x1  }
0x175: {  	v9 =	vadd.f32 $1.801410020e-01, v9;
	_ =	sdelay $0x1  }
0x176: {  	v9 =	vmul.f32 v9, v8;
	_ =	sdelay $0x1  }
0x177: {  	v9 =	vadd.f32 $-3.302994970e-01, v9;
	_ =	sdelay $0x1  }
0x178: {  	v8 =	vmul.f32 v9, v8;
	_ =	sdelay $0x1  }
0x179: {  	v8 =	vadd.f32 $9.998660080e-01, v8;
	_ =	sdelay $0x1  }
0x17a: {  	v7 =	vmul.f32 v8, v7;
	_ =	sdelay $0x1  }
0x17b: {  	v8 =	vsub.f32 $1.570796370e+00, v7  }
0x17c: {  	v6 =	vcvt.s32.f32 v6  }
0x17d: {  	v7 =	vsel vm1, v8, v7  }
0x17e: {  	v6 =	vmul.f32 $1.570796370e+00, v6;
	v8 =	vsub.f32 $0.0e+00, v7  }
0x17f: {  	vm1 =	vlt.f32 v5, $0.0e+00  }
0x180: {  	v5 =	vsel vm0, $0xBFC90FDB, v6;
	v6 =	vsel vm1, v8, v7  }
0x181: {  	v5 =	vadd.f32 v6, v5;
	_ =	sdelay $0x1  }
0x182: {  	v6 =	vadd.f32 $-6.283185480e+00, v5  }
0x183: {  	vm0 =	vgt.f32 v5, $3.141592740e+00  }
0x184: {  	v5 =	vsel vm0, v6, v5  }
0x185: {  	v6 =	vadd.f32 $6.283185480e+00, v5  }
0x186: {  	s13 =	sld [smem:$0x7EE];
	vm0 =	vlt.f32 v5, $-3.141592740e+00  }
0x187: {  	v5 =	vsel vm0, v6, v5  }
0x188: {  	s14 =	sld [smem:$0x7EF];
	s8 =	simm.s32 $0x0;
	[tilespmem:s10+$0x0] =	vst v5  }
0x189: {  	[hbm4b:s13+s8] =	stream.linear.scatter [tilespmem:s3], [sflag:$0x2], $0x2800, $0x38;
	[tilespmem:$0x19A00] =	vst v63  }
0x18a: {  	_ = 	snop  }
0x18b: {  	[hbm4b:s14+s8] =	stream.linear.scatter [tilespmem:s4], [sflag:$0x2], $0x2800, $0x38;
	[tilespmem:$0x19A00] =	vst v63  }
0x18c: {  	s15 =	rddreg [dreg:$0xa]  }
0x18d: {  	[tilespmem:s8], [sflag:$0x1] =	stream.linear.gather [hbm4b:s15+s8], $0x2800, $0x38;
	[tilespmem:$0x19A00] =	vst v63  }
0x18e: {  	s10 =	rddreg [dreg:$0xb]  }
0x18f: {  	[tilespmem:s25], [sflag:$0x1] =	stream.linear.gather [hbm4b:s10+s8], $0x2800, $0x38;
	[tilespmem:$0x19A00] =	vst v63  }
0x190: {  	s11 =	rddreg [dreg:$0xc]  }
0x191: {  	[tilespmem:s26], [sflag:$0x1] =	stream.linear.gather [hbm4b:s11+s8], $0x2800, $0x38;
	[tilespmem:$0x19A00] =	vst v63  }
0x192: {  	s12 =	rddreg [dreg:$0xd]  }
0x193: {  	[tilespmem:s28], [sflag:$0x1] =	stream.linear.gather [hbm4b:s12+s8], $0x2800, $0x38;
	[tilespmem:$0x19A00] =	vst v63  }
0x194: {  	_ =	swait.ge [sflag:s2], $0x2800  }
0x195: {  	[sflag:s2] =	ssyncset.done $0x0  }
0x196: {  	[sflag:s2] =	ssyncadd.s32 $0xFFFFD800  }
0x197: {  	_ =	swait.ge [sflag:s2], $0x2800  }
0x198: {  	[sflag:s2] =	ssyncset.done $0x0  }
0x199: {  	[sflag:s2] =	ssyncadd.s32 $0xFFFFD800  }
0x19a: {  	_ =	swait.ge [sflag:s2], $0x2800  }
0x19b: {  	[sflag:s2] =	ssyncset.done $0x0  }
0x19c: {  	[sflag:s2] =	ssyncadd.s32 $0xFFFFD800  }
0x19d: {  	_ =	swait.ge [sflag:s2], $0x2800  }
0x19e: {  	[sflag:s2] =	ssyncset.done $0x0  }
0x19f: {  	v5 =	vmov s8;
	[sflag:s2] =	ssyncadd.s32 $0xFFFFD800  }
0x1a0: {  	v5 =	vshll.u32 v5, $0x7;
	_ =	swait.ge [sflag:s5], $0x2800  }
0x1a1: {  	v5 =	vor.u32 v0, v5;
	[sflag:s5] =	ssyncset.done $0x0  }
0x1a2: {  	v6 =	vor.u32 $0x1, v5;
	[sflag:s5] =	ssyncadd.s32 $0xFFFFD800  }
0x1a3: {  	_ =	swait.ge [sflag:s5], $0x2800  }
0x1a4: {  	[sflag:s5] =	ssyncset.done $0x0  }
0x1a5: {  	[sflag:s5] =	ssyncadd.s32 $0xFFFFD800  }
0x1a6: {  	v7 =	vld.idx.msk [tilespmem:v5+s29+$0x0], $0xffff  }
0x1a7: {  	v53 =	vor.u32 $0x2, v5;
	v8 =	vld.idx.msk [tilespmem:v6+s30+$0x0], $0xffff  }
0x1a8: {  	v54 =	vor.u32 $0x3, v5;
	v55 =	vld.idx.msk [tilespmem:v5+s30+$0x0], $0xffff  }
0x1a9: {  	v56 =	vld.idx.msk [tilespmem:v6+s29+$0x0], $0xffff;
	_ =	sdelay $0x2  }
0x1aa: {  	v57 =	vld.idx.msk [tilespmem:v53+s30+$0x0], $0xffff  }
0x1ab: {  	v58 =	vld.idx.msk [tilespmem:v54+s30+$0x0], $0xffff;
	v11 =	vsub.f32 v7, v55  }
0x1ac: {  	v8 =	vsub.f32 v56, v8  }
0x1ad: {  	v11 =	vmul.f32 $4.000000000e+00, v11  }
0x1ae: {  	v8 =	vmul.f32 $4.000000000e+00, v8  }
0x1af: {  	v7 =	vadd.f32 v57, v7;
	v11 =	vmax.f32 v11, $0.0e+00  }
0x1b0: {  	v12 =	vadd.f32 v58, v56;
	v8 =	vmax.f32 v8, $0.0e+00;
	v11 =	vmin.f32 v11, $1.280000000e+03  }
0x1b1: {  	v7 =	vmul.f32 $4.000000000e+00, v7;
	v8 =	vmin.f32 v8, $3.840000000e+02;
	[tilespmem:v5+s3+$0x0] =	vst.idx.msk $0xffff, v11  }
0x1b2: {  	v59 =	vmul.f32 $4.000000000e+00, v12;
	[tilespmem:v6+s3+$0x0] =	vst.idx.msk $0xffff, v8  }
0x1b3: {  	[tilespmem:v53+s3+$0x0] =	vst.idx.msk $0xffff, v7  }
0x1b4: {  	[tilespmem:v54+s3+$0x0] =	vst.idx.msk $0xffff, v59  }
0x1b5: {  	v7 =	vld.idx.msk [tilespmem:v5+s31+$0x0], $0xffff;
	_ =	sdelay $0x4  }
0x1b6: {  	v7 =	vmul.f32 $1.442695020e+00, v7;
	_ =	sdelay $0x1  }
0x1b7: {  	(erf) = vpow2.f32 v7  }
0x1b8: {  	s8 =	simm.s32 $0x192D0  }
0x1b9: {  	v7 =	vld [tilespmem:s8+$0x0];
	_ =	sdelay $0x4  }
0x1ba: {  	vm0 =	veq.s32 v7, $0x1  }
0x1bb: {  	vm1 =	veq.s32 v7, $0x0;
	v7 =	vsel vm0, $0x3F6B7C6F, v1  }
0x1bc: {  	v7 =	vsel vm1, $0x409AD914, v7;
	v8 =	vpop (erf)  }
0x1bd: {  	v7 =	vmul.f32 v7, v8;
	_ =	sdelay $0x1  }
0x1be: {  	[tilespmem:v5+s4+$0x0] =	vst.idx.msk $0xffff, v7  }
0x1bf: {  	v7 =	vld.idx.msk [tilespmem:v6+s31+$0x0], $0xffff;
	_ =	sdelay $0x4  }
0x1c0: {  	v7 =	vmul.f32 $1.442695020e+00, v7;
	_ =	sdelay $0x1  }
0x1c1: {  	(erf) = vpow2.f32 v7;
	_ =	sdelay $0x7  }
0x1c2: {  	v7 =	vsel vm0, $0x3FE06312, v2  }
0x1c3: {  	v7 =	vsel vm1, $0x3FE765A6, v7;
	v8 =	vpop (erf)  }
0x1c4: {  	v7 =	vmul.f32 v8, v7;
	_ =	sdelay $0x1  }
0x1c5: {  	[tilespmem:v6+s4+$0x0] =	vst.idx.msk $0xffff, v7  }
0x1c6: {  	v7 =	vld.idx.msk [tilespmem:v53+s31+$0x0], $0xffff;
	_ =	sdelay $0x4  }
0x1c7: {  	v7 =	vmul.f32 $1.442695020e+00, v7;
	_ =	sdelay $0x1  }
0x1c8: {  	(erf) = vpow2.f32 v7;
	_ =	sdelay $0x7  }
0x1c9: {  	v7 =	vsel vm0, $0x3F5CB9AB, v3  }
0x1ca: {  	v7 =	vsel vm1, $0x400766F1, v7;
	v8 =	vpop (erf)  }
0x1cb: {  	v7 =	vmul.f32 v8, v7;
	_ =	sdelay $0x1  }
0x1cc: {  	s9 =	simm.s32 $0x19050;
	[tilespmem:v53+s4+$0x0] =	vst.idx.msk $0xffff, v7  }
0x1cd: {  	v7 =	vld [tilespmem:s9+$0x0];
	_ =	sdelay $0x4  }
0x1ce: {  	v7 =	vsub.f32 $0.0e+00, v7;
	_ =	sdelay $0x1  }
0x1cf: {  	v7 =	vmul.f32 $1.442695020e+00, v7;
	_ =	sdelay $0x1  }
0x1d0: {  	(erf) = vpow2.f32 v7;
	_ =	sdelay $0x8  }
0x1d1: {  	v7 =	vpop (erf)  }
0x1d2: {  	v7 =	vmax.f32 v7, $1.000000010e-01  }
0x1d3: {  	s13 =	simm.s32 $0x19550;
	v7 =	vmin.f32 v7, $1.000000000e+02  }
0x1d4: {  	v8 =	vor.u32 $0x4, v5;
	[tilespmem:s13+$0x0] =	vst v7  }
0x1d5: {  	v7 =	vor.u32 $0x5, v5;
	v6 =	vld.idx.msk [tilespmem:v6+s0+$0x0], $0xffff  }
0x1d6: {  	v60 =	vor.u32 $0x7, v5;
	v11 =	vld.idx.msk [tilespmem:v5+s0+$0x0], $0xffff  }
0x1d7: {  	v61 =	vor.u32 $0x6, v5;
	v9 =	vld.idx.msk [tilespmem:v53+s0+$0x0], $0xffff  }
0x1d8: {  	v10 =	vld.idx.msk [tilespmem:v54+s0+$0x0], $0xffff  }
0x1d9: {  	v8 =	vld.idx.msk [tilespmem:v8+s0+$0x0], $0xffff  }
0x1da: {  	v7 =	vld.idx.msk [tilespmem:v7+s0+$0x0], $0xffff  }
0x1db: {  	v12 =	vld.idx.msk [tilespmem:v60+s0+$0x0], $0xffff  }
0x1dc: {  	v13 =	vld.idx.msk [tilespmem:v61+s0+$0x0], $0xffff  }
0x1dd: {  	v6 =	vsub.f32 v6, v11;
	v9 =	vsub.f32 v10, v9;
	_ =	sdelay $0x1  }
0x1de: {  	vm0 =	vgt.f32 v9, v6;
	v7 =	vsub.f32 v7, v8  }
0x1df: {  	v6 =	vsel vm0, v9, v6  }
0x1e0: {  	v8 =	vsub.f32 v12, v13;
	vm1 =	vgt.f32 v7, v6  }
0x1e1: {  	v62 =	vsel vm0, $0x1, v4;
	v6 =	vsel vm1, v7, v6  }
0x1e2: {  	v7 =	vsel vm1, $0x2, v62;
	vm0 =	vgt.f32 v8, v6  }
0x1e3: {  	v6 =	vsel vm0, $0x3, v7  }
0x1e4: {  	v7 =	vshll.u32 v6, $0x1  }
0x1e5: {  	v5 =	vor.u32 v5, v7  }
0x1e6: {  	v7 =	vor.u32 $0x9, v5;
	_ =	sdelay $0x4  }
0x1e7: {  	v7 =	vld.idx.msk [tilespmem:v7+s0+$0x0], $0xffff;
	_ =	sdelay $0x4  }
0x1e8: {  	v5 =	vor.u32 $0x8, v5;
	(erf) = vrcp.f32 v7;
	_ =	sdelay $0x4  }
0x1e9: {  	v5 =	vld.idx.msk [tilespmem:v5+s0+$0x0], $0xffff;
	_ =	sdelay $0x3  }
0x1ea: {  	v7 =	vpop (erf)  }
0x1eb: {  	v5 =	vmul.f32 v7, v5;
	_ =	sdelay $0x1  }
0x1ec: {  	v7 =	vand.u32 $0x7FFFFFFF, v5  }
0x1ed: {  	(erf) = vrcp.f32 v7;
	_ =	sdelay $0x8  }
0x1ee: {  	vm1 =	vgt.f32 v7, $1.000000000e+00;
	v8 =	vpop (erf)  }
0x1ef: {  	v7 =	vsel vm1, v8, v7  }
0x1f0: {  	v8 =	vmul.f32 v7, v7;
	_ =	sdelay $0x1  }
0x1f1: {  	v63 =	vmul.f32 $2.083509970e-02, v8;
	_ =	sdelay $0x1  }
0x1f2: {  	v9 =	vadd.f32 $-8.513300120e-02, v63;
	_ =	sdelay $0x1  }
0x1f3: {  	v9 =	vmul.f32 v9, v8;
	_ =	sdelay $0x1  }
0x1f4: {  	v9 =	vadd.f32 $1.801410020e-01, v9;
	_ =	sdelay $0x1  }
0x1f5: {  	v9 =	vmul.f32 v9, v8;
	_ =	sdelay $0x1  }
0x1f6: {  	v9 =	vadd.f32 $-3.302994970e-01, v9;
	_ =	sdelay $0x1  }
0x1f7: {  	v8 =	vmul.f32 v9, v8;
	_ =	sdelay $0x1  }
0x1f8: {  	v8 =	vadd.f32 $9.998660080e-01, v8;
	_ =	sdelay $0x1  }
0x1f9: {  	v7 =	vmul.f32 v8, v7;
	_ =	sdelay $0x1  }
0x1fa: {  	v8 =	vsub.f32 $1.570796370e+00, v7  }
0x1fb: {  	v6 =	vcvt.s32.f32 v6  }
0x1fc: {  	v7 =	vsel vm1, v8, v7  }
0x1fd: {  	v6 =	vmul.f32 $1.570796370e+00, v6;
	v8 =	vsub.f32 $0.0e+00, v7  }
0x1fe: {  	vm1 =	vlt.f32 v5, $0.0e+00  }
0x1ff: {  	v5 =	vsel vm0, $0xBFC90FDB, v6;
	v6 =	vsel vm1, v8, v7  }
0x200: {  	v6 =	vadd.f32 v6, v5  }
0x201: {  	s14 =	simm.s32 $0x10;
	s10 =	simm.s32 $0x197E0  }
0x202: {  	s15 =	simm.s32 $0x20;
	s11 =	simm.s32 $0x19560;
	s12 =	simm.s32 $0x197D0;
	v5 =	vmov s14;
	vm0 =	vgt.f32 v6, $3.141592740e+00;
	v7 =	vadd.f32 $-6.283185480e+00, v6  }
.LBB2_4:
0x203: {  	s8 =	sadd.s32 $0x10, s8  }
0x204: {  	v5 =	vshll.u32 v5, $0x7;
	s9 =	sadd.s32 $0x10, s9;
	s14 =	smov.u32 s15;
	s13 =	sadd.s32 $0x10, s15  }
0x205: {  	p0 =	sne.s32 s15, $0x40;
	v5 =	vor.u32 v0, v5;
	v8 =	vsel vm0, v7, v6  }
0x206: {  	v7 =	vor.u32 $0x1, v5;
	v9 =	vadd.f32 $6.283185480e+00, v8  }
0x207: {  	vm0 =	vlt.f32 v8, $-3.141592740e+00  }
0x208: {  	v6 =	vor.u32 $0x3, v5;
	v8 =	vsel vm0, v9, v8  }
0x209: {  	[tilespmem:s12+$0x0] =	vst v8;
	s12 =	smov.u32 s10  }
0x20a: {  	v9 =	vld.idx.msk [tilespmem:v5+s29+$0x0], $0xffff  }
0x20b: {  	v8 =	vor.u32 $0x2, v5;
	v10 =	vld.idx.msk [tilespmem:v7+s30+$0x0], $0xffff  }
0x20c: {  	v11 =	vld.idx.msk [tilespmem:v5+s30+$0x0], $0xffff  }
0x20d: {  	v12 =	vld.idx.msk [tilespmem:v7+s29+$0x0], $0xffff  }
0x20e: {  	v13 =	vld.idx.msk [tilespmem:v6+s30+$0x0], $0xffff;
	_ =	sdelay $0x1  }
0x20f: {  	v14 =	vld.idx.msk [tilespmem:v8+s30+$0x0], $0xffff;
	_ =	sdelay $0x1  }
0x210: {  	v11 =	vsub.f32 v9, v11  }
0x211: {  	v10 =	vsub.f32 v12, v10  }
0x212: {  	v11 =	vmul.f32 $4.000000000e+00, v11;
	v12 =	vadd.f32 v13, v12  }
0x213: {  	v10 =	vmul.f32 $4.000000000e+00, v10  }
0x214: {  	v9 =	vadd.f32 v14, v9;
	v11 =	vmax.f32 v11, $0.0e+00  }
0x215: {  	v11 =	vmin.f32 v11, $1.280000000e+03;
	v10 =	vmax.f32 v10, $0.0e+00  }
0x216: {  	v9 =	vmul.f32 $4.000000000e+00, v9;
	v10 =	vmin.f32 v10, $3.840000000e+02;
	[tilespmem:v5+s3+$0x0] =	vst.idx.msk $0xffff, v11  }
0x217: {  	v11 =	vmul.f32 $4.000000000e+00, v12;
	[tilespmem:v7+s3+$0x0] =	vst.idx.msk $0xffff, v10  }
0x218: {  	[tilespmem:v8+s3+$0x0] =	vst.idx.msk $0xffff, v9  }
0x219: {  	[tilespmem:v6+s3+$0x0] =	vst.idx.msk $0xffff, v11  }
0x21a: {  	v9 =	vld.idx.msk [tilespmem:v5+s31+$0x0], $0xffff;
	_ =	sdelay $0x5  }
0x21b: {  	v9 =	vmul.f32 $1.442695020e+00, v9;
	_ =	sdelay $0x1  }
0x21c: {  	(erf) = vpow2.f32 v9;
	_ =	sdelay $0x1  }
0x21d: {  	v9 =	vld [tilespmem:s8+$0x0];
	_ =	sdelay $0x4  }
0x21e: {  	vm0 =	veq.s32 v9, $0x1  }
0x21f: {  	vm1 =	veq.s32 v9, $0x0;
	v9 =	vsel vm0, $0x3F6B7C6F, v1;
	v10 =	vsel vm0, $0x3FE06312, v2  }
0x220: {  	v11 =	vsel vm0, $0x3F5CB9AB, v3;
	v9 =	vsel vm1, $0x409AD914, v9;
	v10 =	vsel vm1, $0x3FE765A6, v10;
	v12 =	vpop (erf)  }
0x221: {  	v11 =	vsel vm1, $0x400766F1, v11;
	v9 =	vmul.f32 v9, v12;
	_ =	sdelay $0x1  }
0x222: {  	[tilespmem:v5+s4+$0x0] =	vst.idx.msk $0xffff, v9  }
0x223: {  	v9 =	vld.idx.msk [tilespmem:v7+s31+$0x0], $0xffff;
	_ =	sdelay $0x5  }
0x224: {  	v9 =	vmul.f32 $1.442695020e+00, v9;
	_ =	sdelay $0x1  }
0x225: {  	(erf) = vpow2.f32 v9;
	_ =	sdelay $0x8  }
0x226: {  	v9 =	vpop (erf)  }
0x227: {  	v9 =	vmul.f32 v9, v10;
	_ =	sdelay $0x1  }
0x228: {  	[tilespmem:v7+s4+$0x0] =	vst.idx.msk $0xffff, v9  }
0x229: {  	v9 =	vld.idx.msk [tilespmem:v8+s31+$0x0], $0xffff;
	_ =	sdelay $0x5  }
0x22a: {  	v9 =	vmul.f32 $1.442695020e+00, v9;
	_ =	sdelay $0x1  }
0x22b: {  	(erf) = vpow2.f32 v9;
	_ =	sdelay $0x8  }
0x22c: {  	v9 =	vpop (erf)  }
0x22d: {  	v9 =	vmul.f32 v9, v11;
	_ =	sdelay $0x1  }
0x22e: {  	[tilespmem:v8+s4+$0x0] =	vst.idx.msk $0xffff, v9  }
0x22f: {  	v9 =	vld [tilespmem:s9+$0x0];
	_ =	sdelay $0x4  }
0x230: {  	v9 =	vsub.f32 $0.0e+00, v9;
	_ =	sdelay $0x1  }
0x231: {  	v9 =	vmul.f32 $1.442695020e+00, v9;
	_ =	sdelay $0x1  }
0x232: {  	(erf) = vpow2.f32 v9;
	_ =	sdelay $0x8  }
0x233: {  	v9 =	vpop (erf)  }
0x234: {  	v9 =	vmax.f32 v9, $1.000000010e-01  }
0x235: {  	v9 =	vmin.f32 v9, $1.000000000e+02  }
0x236: {  	[tilespmem:s11+$0x0] =	vst v9;
	v9 =	vor.u32 $0x5, v5  }
0x237: {  	v10 =	vor.u32 $0x4, v5;
	v7 =	vld.idx.msk [tilespmem:v7+s0+$0x0], $0xffff  }
0x238: {  	v12 =	vor.u32 $0x7, v5;
	v11 =	vld.idx.msk [tilespmem:v5+s0+$0x0], $0xffff  }
0x239: {  	v13 =	vor.u32 $0x6, v5;
	v8 =	vld.idx.msk [tilespmem:v8+s0+$0x0], $0xffff  }
0x23a: {  	v6 =	vld.idx.msk [tilespmem:v6+s0+$0x0], $0xffff  }
0x23b: {  	v9 =	vld.idx.msk [tilespmem:v9+s0+$0x0], $0xffff  }
0x23c: {  	v10 =	vld.idx.msk [tilespmem:v10+s0+$0x0], $0xffff  }
0x23d: {  	v12 =	vld.idx.msk [tilespmem:v12+s0+$0x0], $0xffff  }
0x23e: {  	v13 =	vld.idx.msk [tilespmem:v13+s0+$0x0], $0xffff;
	_ =	sdelay $0x1  }
0x23f: {  	v7 =	vsub.f32 v7, v11;
	v6 =	vsub.f32 v6, v8;
	_ =	sdelay $0x1  }
0x240: {  	vm0 =	vgt.f32 v6, v7;
	v8 =	vsub.f32 v9, v10  }
0x241: {  	v6 =	vsel vm0, v6, v7  }
0x242: {  	vm1 =	vgt.f32 v8, v6;
	v7 =	vsub.f32 v12, v13  }
0x243: {  	v9 =	vsel vm0, $0x1, v4;
	v6 =	vsel vm1, v8, v6  }
0x244: {  	v8 =	vsel vm1, $0x2, v9;
	vm0 =	vgt.f32 v7, v6  }
0x245: {  	v6 =	vsel vm0, $0x3, v8  }
0x246: {  	v7 =	vshll.u32 v6, $0x1;
	v6 =	vcvt.s32.f32 v6  }
0x247: {  	v5 =	vor.u32 v5, v7  }
0x248: {  	v7 =	vor.u32 $0x8, v5;
	v5 =	vor.u32 $0x9, v5;
	v6 =	vmul.f32 $1.570796370e+00, v6;
	_ =	sdelay $0x1  }
0x249: {  	v6 =	vsel vm0, $0xBFC90FDB, v6;
	_ =	sdelay $0x2  }
0x24a: {  	v5 =	vld.idx.msk [tilespmem:v5+s0+$0x0], $0xffff  }
0x24b: {  	v7 =	vld.idx.msk [tilespmem:v7+s0+$0x0], $0xffff;
	_ =	sdelay $0x4  }
0x24c: {  	(erf) = vrcp.f32 v5;
	_ =	sdelay $0x8  }
0x24d: {  	v5 =	vpop (erf)  }
0x24e: {  	v5 =	vmul.f32 v5, v7;
	_ =	sdelay $0x1  }
0x24f: {  	v7 =	vand.u32 $0x7FFFFFFF, v5  }
0x250: {  	(erf) = vrcp.f32 v7;
	_ =	sdelay $0x8  }
0x251: {  	vm0 =	vgt.f32 v7, $1.000000000e+00;
	v8 =	vpop (erf)  }
0x252: {  	v7 =	vsel vm0, v8, v7  }
0x253: {  	v8 =	vmul.f32 v7, v7;
	_ =	sdelay $0x1  }
0x254: {  	v9 =	vmul.f32 $2.083509970e-02, v8;
	_ =	sdelay $0x1  }
0x255: {  	v9 =	vadd.f32 $-8.513300120e-02, v9;
	_ =	sdelay $0x1  }
0x256: {  	v9 =	vmul.f32 v9, v8;
	_ =	sdelay $0x1  }
0x257: {  	v9 =	vadd.f32 $1.801410020e-01, v9;
	_ =	sdelay $0x1  }
0x258: {  	v9 =	vmul.f32 v9, v8;
	_ =	sdelay $0x1  }
0x259: {  	v9 =	vadd.f32 $-3.302994970e-01, v9;
	_ =	sdelay $0x1  }
0x25a: {  	v8 =	vmul.f32 v9, v8;
	_ =	sdelay $0x1  }
0x25b: {  	v8 =	vadd.f32 $9.998660080e-01, v8;
	_ =	sdelay $0x1  }
0x25c: {  	v7 =	vmul.f32 v8, v7;
	_ =	sdelay $0x1  }
0x25d: {  	v8 =	vsub.f32 $1.570796370e+00, v7;
	_ =	sdelay $0x1  }
0x25e: {  	v7 =	vsel vm0, v8, v7  }
0x25f: {  	v8 =	vsub.f32 $0.0e+00, v7  }
.Ltmp1:
0x260: {  	vm0 =	vlt.f32 v5, $0.0e+00;
	(pc) =	sbr.rel @p0 .LBB2_4-.Ltmp1, $3  }
0x261: {  	v5 =	vsel vm0, v8, v7  }
0x262: {  	v6 =	vadd.f32 v5, v6;
	_ =	sdelay $0x1  }
0x263: {  	s15 =	smov.u32 s13;
	s10 =	sadd.s32 $0x10, s10;
	s11 =	sadd.s32 $0x10, s11;
	v5 =	vmov s14;
	vm0 =	vgt.f32 v6, $3.141592740e+00;
	v7 =	vadd.f32 $-6.283185480e+00, v6  }
0x264: {  	v5 =	vshll.u32 v5, $0x7  }
0x265: {  	v5 =	vor.u32 v0, v5;
	v6 =	vsel vm0, v7, v6  }
0x266: {  	v8 =	vadd.f32 $6.283185480e+00, v6  }
0x267: {  	v7 =	vor.u32 $0x1, v5;
	vm0 =	vlt.f32 v6, $-3.141592740e+00  }
0x268: {  	v6 =	vsel vm0, v8, v6  }
0x269: {  	[tilespmem:s12+$0x0] =	vst v6  }
0x26a: {  	v6 =	vld.idx.msk [tilespmem:v5+s29+$0x0], $0xffff  }
0x26b: {  	v9 =	vor.u32 $0x2, v5;
	v11 =	vld.idx.msk [tilespmem:v5+s30+$0x0], $0xffff  }
0x26c: {  	v10 =	vor.u32 $0x3, v5;
	v8 =	vld.idx.msk [tilespmem:v7+s30+$0x0], $0xffff  }
0x26d: {  	v12 =	vld.idx.msk [tilespmem:v7+s29+$0x0], $0xffff;
	_ =	sdelay $0x2  }
0x26e: {  	v13 =	vld.idx.msk [tilespmem:v9+s30+$0x0], $0xffff  }
0x26f: {  	v14 =	vld.idx.msk [tilespmem:v10+s30+$0x0], $0xffff;
	v11 =	vsub.f32 v6, v11  }
0x270: {  	v8 =	vsub.f32 v12, v8  }
0x271: {  	v11 =	vmul.f32 $4.000000000e+00, v11  }
0x272: {  	v8 =	vmul.f32 $4.000000000e+00, v8  }
0x273: {  	v6 =	vadd.f32 v13, v6;
	v11 =	vmax.f32 v11, $0.0e+00  }
0x274: {  	v12 =	vadd.f32 v14, v12;
	v11 =	vmin.f32 v11, $1.280000000e+03;
	v8 =	vmax.f32 v8, $0.0e+00  }
0x275: {  	v6 =	vmul.f32 $4.000000000e+00, v6;
	[tilespmem:v5+s3+$0x0] =	vst.idx.msk $0xffff, v11;
	v8 =	vmin.f32 v8, $3.840000000e+02  }
0x276: {  	v48 =	vmul.f32 $4.000000000e+00, v12;
	[tilespmem:v7+s3+$0x0] =	vst.idx.msk $0xffff, v8  }
0x277: {  	[tilespmem:v9+s3+$0x0] =	vst.idx.msk $0xffff, v6  }
0x278: {  	[tilespmem:v10+s3+$0x0] =	vst.idx.msk $0xffff, v48  }
0x279: {  	v6 =	vld.idx.msk [tilespmem:v5+s31+$0x0], $0xffff;
	_ =	sdelay $0x4  }
0x27a: {  	v6 =	vmul.f32 $1.442695020e+00, v6;
	_ =	sdelay $0x1  }
0x27b: {  	(erf) = vpow2.f32 v6  }
0x27c: {  	s8 =	sadd.s32 $0x10, s8  }
0x27d: {  	v6 =	vld [tilespmem:s8+$0x0];
	_ =	sdelay $0x4  }
0x27e: {  	vm0 =	veq.s32 v6, $0x1  }
0x27f: {  	vm1 =	veq.s32 v6, $0x0;
	v6 =	vsel vm0, $0x3F6B7C6F, v1  }
0x280: {  	v6 =	vsel vm1, $0x409AD914, v6;
	v8 =	vpop (erf)  }
0x281: {  	v6 =	vmul.f32 v6, v8;
	_ =	sdelay $0x1  }
0x282: {  	[tilespmem:v5+s4+$0x0] =	vst.idx.msk $0xffff, v6  }
0x283: {  	v6 =	vld.idx.msk [tilespmem:v7+s31+$0x0], $0xffff;
	_ =	sdelay $0x4  }
0x284: {  	v6 =	vmul.f32 $1.442695020e+00, v6;
	_ =	sdelay $0x1  }
0x285: {  	(erf) = vpow2.f32 v6;
	_ =	sdelay $0x7  }
0x286: {  	v6 =	vsel vm0, $0x3FE06312, v2  }
0x287: {  	v6 =	vsel vm1, $0x3FE765A6, v6;
	v8 =	vpop (erf)  }
0x288: {  	v6 =	vmul.f32 v8, v6;
	_ =	sdelay $0x1  }
0x289: {  	[tilespmem:v7+s4+$0x0] =	vst.idx.msk $0xffff, v6  }
0x28a: {  	v6 =	vld.idx.msk [tilespmem:v9+s31+$0x0], $0xffff;
	_ =	sdelay $0x4  }
0x28b: {  	v6 =	vmul.f32 $1.442695020e+00, v6;
	_ =	sdelay $0x1  }
0x28c: {  	(erf) = vpow2.f32 v6;
	_ =	sdelay $0x7  }
0x28d: {  	v6 =	vsel vm0, $0x3F5CB9AB, v3  }
0x28e: {  	v6 =	vsel vm1, $0x400766F1, v6;
	v8 =	vpop (erf)  }
0x28f: {  	v6 =	vmul.f32 v8, v6;
	_ =	sdelay $0x1  }
0x290: {  	s12 =	sadd.s32 $0x10, s9;
	[tilespmem:v9+s4+$0x0] =	vst.idx.msk $0xffff, v6  }
0x291: {  	v6 =	vld [tilespmem:s12+$0x0];
	_ =	sdelay $0x4  }
0x292: {  	v6 =	vsub.f32 $0.0e+00, v6;
	_ =	sdelay $0x1  }
0x293: {  	v6 =	vmul.f32 $1.442695020e+00, v6;
	_ =	sdelay $0x1  }
0x294: {  	(erf) = vpow2.f32 v6;
	_ =	sdelay $0x8  }
0x295: {  	v6 =	vpop (erf)  }
0x296: {  	v6 =	vmax.f32 v6, $1.000000010e-01  }
0x297: {  	v6 =	vmin.f32 v6, $1.000000000e+02  }
0x298: {  	v8 =	vor.u32 $0x4, v5;
	[tilespmem:s11+$0x0] =	vst v6  }
0x299: {  	v6 =	vor.u32 $0x5, v5;
	v7 =	vld.idx.msk [tilespmem:v7+s0+$0x0], $0xffff  }
0x29a: {  	v49 =	vor.u32 $0x7, v5;
	v11 =	vld.idx.msk [tilespmem:v5+s0+$0x0], $0xffff  }
0x29b: {  	v50 =	vor.u32 $0x6, v5;
	v9 =	vld.idx.msk [tilespmem:v9+s0+$0x0], $0xffff  }
0x29c: {  	v10 =	vld.idx.msk [tilespmem:v10+s0+$0x0], $0xffff  }
0x29d: {  	v8 =	vld.idx.msk [tilespmem:v8+s0+$0x0], $0xffff  }
0x29e: {  	v6 =	vld.idx.msk [tilespmem:v6+s0+$0x0], $0xffff  }
0x29f: {  	v12 =	vld.idx.msk [tilespmem:v49+s0+$0x0], $0xffff  }
0x2a0: {  	v13 =	vld.idx.msk [tilespmem:v50+s0+$0x0], $0xffff  }
0x2a1: {  	v7 =	vsub.f32 v7, v11;
	v9 =	vsub.f32 v10, v9;
	_ =	sdelay $0x1  }
0x2a2: {  	vm0 =	vgt.f32 v9, v7;
	v6 =	vsub.f32 v6, v8  }
0x2a3: {  	v7 =	vsel vm0, v9, v7  }
0x2a4: {  	v8 =	vsub.f32 v12, v13;
	vm1 =	vgt.f32 v6, v7  }
0x2a5: {  	v51 =	vsel vm0, $0x1, v4;
	v6 =	vsel vm1, v6, v7  }
0x2a6: {  	v7 =	vsel vm1, $0x2, v51;
	vm0 =	vgt.f32 v8, v6  }
0x2a7: {  	v6 =	vsel vm0, $0x3, v7  }
0x2a8: {  	v7 =	vshll.u32 v6, $0x1  }
0x2a9: {  	v5 =	vor.u32 v5, v7  }
0x2aa: {  	v7 =	vor.u32 $0x9, v5;
	_ =	sdelay $0x4  }
0x2ab: {  	v7 =	vld.idx.msk [tilespmem:v7+s0+$0x0], $0xffff;
	_ =	sdelay $0x4  }
0x2ac: {  	v5 =	vor.u32 $0x8, v5;
	(erf) = vrcp.f32 v7;
	_ =	sdelay $0x4  }
0x2ad: {  	v5 =	vld.idx.msk [tilespmem:v5+s0+$0x0], $0xffff;
	_ =	sdelay $0x3  }
0x2ae: {  	v7 =	vpop (erf)  }
0x2af: {  	v5 =	vmul.f32 v7, v5;
	_ =	sdelay $0x1  }
0x2b0: {  	v7 =	vand.u32 $0x7FFFFFFF, v5  }
0x2b1: {  	(erf) = vrcp.f32 v7;
	_ =	sdelay $0x8  }
0x2b2: {  	vm1 =	vgt.f32 v7, $1.000000000e+00;
	v8 =	vpop (erf)  }
0x2b3: {  	v7 =	vsel vm1, v8, v7  }
0x2b4: {  	v8 =	vmul.f32 v7, v7;
	_ =	sdelay $0x1  }
0x2b5: {  	v52 =	vmul.f32 $2.083509970e-02, v8;
	_ =	sdelay $0x1  }
0x2b6: {  	v9 =	vadd.f32 $-8.513300120e-02, v52;
	_ =	sdelay $0x1  }
0x2b7: {  	v9 =	vmul.f32 v9, v8;
	_ =	sdelay $0x1  }
0x2b8: {  	v9 =	vadd.f32 $1.801410020e-01, v9;
	_ =	sdelay $0x1  }
0x2b9: {  	v9 =	vmul.f32 v9, v8;
	_ =	sdelay $0x1  }
0x2ba: {  	v9 =	vadd.f32 $-3.302994970e-01, v9;
	_ =	sdelay $0x1  }
0x2bb: {  	v8 =	vmul.f32 v9, v8;
	_ =	sdelay $0x1  }
0x2bc: {  	v8 =	vadd.f32 $9.998660080e-01, v8;
	_ =	sdelay $0x1  }
0x2bd: {  	v7 =	vmul.f32 v8, v7;
	_ =	sdelay $0x1  }
0x2be: {  	v8 =	vsub.f32 $1.570796370e+00, v7  }
0x2bf: {  	v6 =	vcvt.s32.f32 v6  }
0x2c0: {  	v7 =	vsel vm1, v8, v7  }
0x2c1: {  	v6 =	vmul.f32 $1.570796370e+00, v6;
	v8 =	vsub.f32 $0.0e+00, v7  }
0x2c2: {  	vm1 =	vlt.f32 v5, $0.0e+00  }
0x2c3: {  	v5 =	vsel vm0, $0xBFC90FDB, v6;
	v6 =	vsel vm1, v8, v7  }
0x2c4: {  	v5 =	vadd.f32 v6, v5;
	_ =	sdelay $0x1  }
0x2c5: {  	v6 =	vadd.f32 $-6.283185480e+00, v5  }
0x2c6: {  	vm0 =	vgt.f32 v5, $3.141592740e+00  }
0x2c7: {  	v5 =	vsel vm0, v6, v5  }
0x2c8: {  	v6 =	vadd.f32 $6.283185480e+00, v5  }
0x2c9: {  	vm0 =	vlt.f32 v5, $-3.141592740e+00  }
0x2ca: {  	v5 =	vsel vm0, v6, v5  }
0x2cb: {  	s13 =	rddreg [dreg:$0xe];
	s8 =	simm.s32 $0x0;
	[tilespmem:s10+$0x0] =	vst v5  }
0x2cc: {  	[hbm4b:s13+s8] =	stream.linear.scatter [tilespmem:s3], [sflag:$0x2], $0x2800, $0x38;
	[tilespmem:$0x19A00] =	vst v63  }
0x2cd: {  	s14 =	rddreg [dreg:$0xf]  }
0x2ce: {  	[hbm4b:s14+s8] =	stream.linear.scatter [tilespmem:s4], [sflag:$0x2], $0x2800, $0x38;
	[tilespmem:$0x19A00] =	vst v63  }
0x2cf: {  	s15 =	rddreg [dreg:$0x10]  }
0x2d0: {  	[tilespmem:s29], [sflag:$0x1] =	stream.linear.gather [hbm4b:s15+s8], $0x2800, $0x38;
	[tilespmem:$0x19A00] =	vst v63  }
0x2d1: {  	s10 =	rddreg [dreg:$0x11]  }
0x2d2: {  	[tilespmem:s30], [sflag:$0x1] =	stream.linear.gather [hbm4b:s10+s8], $0x2800, $0x38;
	[tilespmem:$0x19A00] =	vst v63  }
0x2d3: {  	s11 =	rddreg [dreg:$0x14]  }
0x2d4: {  	[tilespmem:s31], [sflag:$0x1] =	stream.linear.gather [hbm4b:s11+s8], $0x2800, $0x38;
	[tilespmem:$0x19A00] =	vst v63  }
0x2d5: {  	s12 =	rddreg [dreg:$0x15]  }
0x2d6: {  	[tilespmem:s0], [sflag:$0x1] =	stream.linear.gather [hbm4b:s12+s8], $0x2800, $0x38;
	[tilespmem:$0x19A00] =	vst v63  }
0x2d7: {  	_ =	swait.ge [sflag:s2], $0x2800  }
0x2d8: {  	[sflag:s2] =	ssyncset.done $0x0  }
0x2d9: {  	[sflag:s2] =	ssyncadd.s32 $0xFFFFD800  }
0x2da: {  	_ =	swait.ge [sflag:s2], $0x2800  }
0x2db: {  	[sflag:s2] =	ssyncset.done $0x0  }
0x2dc: {  	[sflag:s2] =	ssyncadd.s32 $0xFFFFD800  }
0x2dd: {  	_ =	swait.ge [sflag:s2], $0x2800  }
0x2de: {  	[sflag:s2] =	ssyncset.done $0x0  }
0x2df: {  	[sflag:s2] =	ssyncadd.s32 $0xFFFFD800  }
0x2e0: {  	_ =	swait.ge [sflag:s2], $0x2800  }
0x2e1: {  	[sflag:s2] =	ssyncset.done $0x0  }
0x2e2: {  	v5 =	vmov s8;
	[sflag:s2] =	ssyncadd.s32 $0xFFFFD800  }
0x2e3: {  	v5 =	vshll.u32 v5, $0x7;
	_ =	swait.ge [sflag:s5], $0x2800  }
0x2e4: {  	v5 =	vor.u32 v0, v5;
	[sflag:s5] =	ssyncset.done $0x0  }
0x2e5: {  	v6 =	vor.u32 $0x1, v5;
	[sflag:s5] =	ssyncadd.s32 $0xFFFFD800  }
0x2e6: {  	_ =	swait.ge [sflag:s5], $0x2800  }
0x2e7: {  	[sflag:s5] =	ssyncset.done $0x0  }
0x2e8: {  	[sflag:s5] =	ssyncadd.s32 $0xFFFFD800  }
0x2e9: {  	v7 =	vld.idx.msk [tilespmem:v5+s1+$0x0], $0xffff  }
0x2ea: {  	v53 =	vor.u32 $0x2, v5;
	v8 =	vld.idx.msk [tilespmem:v6+s25+$0x0], $0xffff  }
0x2eb: {  	v54 =	vor.u32 $0x3, v5;
	v55 =	vld.idx.msk [tilespmem:v5+s25+$0x0], $0xffff  }
0x2ec: {  	v56 =	vld.idx.msk [tilespmem:v6+s1+$0x0], $0xffff;
	_ =	sdelay $0x2  }
0x2ed: {  	v57 =	vld.idx.msk [tilespmem:v53+s25+$0x0], $0xffff  }
0x2ee: {  	v58 =	vld.idx.msk [tilespmem:v54+s25+$0x0], $0xffff;
	v11 =	vsub.f32 v7, v55  }
0x2ef: {  	v8 =	vsub.f32 v56, v8  }
0x2f0: {  	v11 =	vmul.f32 $4.000000000e+00, v11  }
0x2f1: {  	v8 =	vmul.f32 $4.000000000e+00, v8  }
0x2f2: {  	v7 =	vadd.f32 v57, v7;
	v11 =	vmax.f32 v11, $0.0e+00  }
0x2f3: {  	v12 =	vadd.f32 v58, v56;
	v8 =	vmax.f32 v8, $0.0e+00;
	v11 =	vmin.f32 v11, $1.280000000e+03  }
0x2f4: {  	v7 =	vmul.f32 $4.000000000e+00, v7;
	v8 =	vmin.f32 v8, $3.840000000e+02;
	[tilespmem:v5+s3+$0x0] =	vst.idx.msk $0xffff, v11  }
0x2f5: {  	v59 =	vmul.f32 $4.000000000e+00, v12;
	[tilespmem:v6+s3+$0x0] =	vst.idx.msk $0xffff, v8  }
0x2f6: {  	[tilespmem:v53+s3+$0x0] =	vst.idx.msk $0xffff, v7  }
0x2f7: {  	[tilespmem:v54+s3+$0x0] =	vst.idx.msk $0xffff, v59  }
0x2f8: {  	v7 =	vld.idx.msk [tilespmem:v5+s26+$0x0], $0xffff;
	_ =	sdelay $0x4  }
0x2f9: {  	v7 =	vmul.f32 $1.442695020e+00, v7;
	_ =	sdelay $0x1  }
0x2fa: {  	(erf) = vpow2.f32 v7  }
0x2fb: {  	s8 =	simm.s32 $0x19320  }
0x2fc: {  	v7 =	vld [tilespmem:s8+$0x0];
	_ =	sdelay $0x4  }
0x2fd: {  	vm0 =	veq.s32 v7, $0x1  }
0x2fe: {  	vm1 =	veq.s32 v7, $0x0;
	v7 =	vsel vm0, $0x3F6B7C6F, v1  }
0x2ff: {  	v7 =	vsel vm1, $0x409AD914, v7;
	v8 =	vpop (erf)  }
0x300: {  	v7 =	vmul.f32 v7, v8;
	_ =	sdelay $0x1  }
0x301: {  	[tilespmem:v5+s4+$0x0] =	vst.idx.msk $0xffff, v7  }
0x302: {  	v7 =	vld.idx.msk [tilespmem:v6+s26+$0x0], $0xffff;
	_ =	sdelay $0x4  }
0x303: {  	v7 =	vmul.f32 $1.442695020e+00, v7;
	_ =	sdelay $0x1  }
0x304: {  	(erf) = vpow2.f32 v7;
	_ =	sdelay $0x7  }
0x305: {  	v7 =	vsel vm0, $0x3FE06312, v2  }
0x306: {  	v7 =	vsel vm1, $0x3FE765A6, v7;
	v8 =	vpop (erf)  }
0x307: {  	v7 =	vmul.f32 v8, v7;
	_ =	sdelay $0x1  }
0x308: {  	[tilespmem:v6+s4+$0x0] =	vst.idx.msk $0xffff, v7  }
0x309: {  	v7 =	vld.idx.msk [tilespmem:v53+s26+$0x0], $0xffff;
	_ =	sdelay $0x4  }
0x30a: {  	v7 =	vmul.f32 $1.442695020e+00, v7;
	_ =	sdelay $0x1  }
0x30b: {  	(erf) = vpow2.f32 v7;
	_ =	sdelay $0x7  }
0x30c: {  	v7 =	vsel vm0, $0x3F5CB9AB, v3  }
0x30d: {  	v7 =	vsel vm1, $0x400766F1, v7;
	v8 =	vpop (erf)  }
0x30e: {  	v7 =	vmul.f32 v8, v7;
	_ =	sdelay $0x1  }
0x30f: {  	s9 =	simm.s32 $0x190A0;
	[tilespmem:v53+s4+$0x0] =	vst.idx.msk $0xffff, v7  }
0x310: {  	v7 =	vld [tilespmem:s9+$0x0];
	_ =	sdelay $0x4  }
0x311: {  	v7 =	vsub.f32 $0.0e+00, v7;
	_ =	sdelay $0x1  }
0x312: {  	v7 =	vmul.f32 $1.442695020e+00, v7;
	_ =	sdelay $0x1  }
0x313: {  	(erf) = vpow2.f32 v7;
	_ =	sdelay $0x8  }
0x314: {  	v7 =	vpop (erf)  }
0x315: {  	v7 =	vmax.f32 v7, $1.000000010e-01  }
0x316: {  	s13 =	simm.s32 $0x195A0;
	v7 =	vmin.f32 v7, $1.000000000e+02  }
0x317: {  	v8 =	vor.u32 $0x4, v5;
	[tilespmem:s13+$0x0] =	vst v7  }
0x318: {  	v7 =	vor.u32 $0x5, v5;
	v6 =	vld.idx.msk [tilespmem:v6+s28+$0x0], $0xffff  }
0x319: {  	v60 =	vor.u32 $0x7, v5;
	v11 =	vld.idx.msk [tilespmem:v5+s28+$0x0], $0xffff  }
0x31a: {  	v61 =	vor.u32 $0x6, v5;
	v9 =	vld.idx.msk [tilespmem:v53+s28+$0x0], $0xffff  }
0x31b: {  	v10 =	vld.idx.msk [tilespmem:v54+s28+$0x0], $0xffff  }
0x31c: {  	v8 =	vld.idx.msk [tilespmem:v8+s28+$0x0], $0xffff  }
0x31d: {  	v7 =	vld.idx.msk [tilespmem:v7+s28+$0x0], $0xffff  }
0x31e: {  	v12 =	vld.idx.msk [tilespmem:v60+s28+$0x0], $0xffff  }
0x31f: {  	v13 =	vld.idx.msk [tilespmem:v61+s28+$0x0], $0xffff  }
0x320: {  	v6 =	vsub.f32 v6, v11;
	v9 =	vsub.f32 v10, v9;
	_ =	sdelay $0x1  }
0x321: {  	vm0 =	vgt.f32 v9, v6;
	v7 =	vsub.f32 v7, v8  }
0x322: {  	v6 =	vsel vm0, v9, v6  }
0x323: {  	v8 =	vsub.f32 v12, v13;
	vm1 =	vgt.f32 v7, v6  }
0x324: {  	v62 =	vsel vm0, $0x1, v4;
	v6 =	vsel vm1, v7, v6  }
0x325: {  	v7 =	vsel vm1, $0x2, v62;
	vm0 =	vgt.f32 v8, v6  }
0x326: {  	v6 =	vsel vm0, $0x3, v7  }
0x327: {  	v7 =	vshll.u32 v6, $0x1  }
0x328: {  	v5 =	vor.u32 v5, v7  }
0x329: {  	v7 =	vor.u32 $0x9, v5;
	_ =	sdelay $0x4  }
0x32a: {  	v7 =	vld.idx.msk [tilespmem:v7+s28+$0x0], $0xffff;
	_ =	sdelay $0x4  }
0x32b: {  	v5 =	vor.u32 $0x8, v5;
	(erf) = vrcp.f32 v7;
	_ =	sdelay $0x4  }
0x32c: {  	v5 =	vld.idx.msk [tilespmem:v5+s28+$0x0], $0xffff;
	_ =	sdelay $0x3  }
0x32d: {  	v7 =	vpop (erf)  }
0x32e: {  	v5 =	vmul.f32 v7, v5;
	_ =	sdelay $0x1  }
0x32f: {  	v7 =	vand.u32 $0x7FFFFFFF, v5  }
0x330: {  	(erf) = vrcp.f32 v7;
	_ =	sdelay $0x8  }
0x331: {  	vm1 =	vgt.f32 v7, $1.000000000e+00;
	v8 =	vpop (erf)  }
0x332: {  	v7 =	vsel vm1, v8, v7  }
0x333: {  	v8 =	vmul.f32 v7, v7;
	_ =	sdelay $0x1  }
0x334: {  	v63 =	vmul.f32 $2.083509970e-02, v8;
	_ =	sdelay $0x1  }
0x335: {  	v9 =	vadd.f32 $-8.513300120e-02, v63;
	_ =	sdelay $0x1  }
0x336: {  	v9 =	vmul.f32 v9, v8;
	_ =	sdelay $0x1  }
0x337: {  	v9 =	vadd.f32 $1.801410020e-01, v9;
	_ =	sdelay $0x1  }
0x338: {  	v9 =	vmul.f32 v9, v8;
	_ =	sdelay $0x1  }
0x339: {  	v9 =	vadd.f32 $-3.302994970e-01, v9;
	_ =	sdelay $0x1  }
0x33a: {  	v8 =	vmul.f32 v9, v8;
	_ =	sdelay $0x1  }
0x33b: {  	v8 =	vadd.f32 $9.998660080e-01, v8;
	_ =	sdelay $0x1  }
0x33c: {  	v7 =	vmul.f32 v8, v7;
	_ =	sdelay $0x1  }
0x33d: {  	v8 =	vsub.f32 $1.570796370e+00, v7  }
0x33e: {  	v6 =	vcvt.s32.f32 v6  }
0x33f: {  	v7 =	vsel vm1, v8, v7  }
0x340: {  	v6 =	vmul.f32 $1.570796370e+00, v6;
	v8 =	vsub.f32 $0.0e+00, v7  }
0x341: {  	vm1 =	vlt.f32 v5, $0.0e+00  }
0x342: {  	v5 =	vsel vm0, $0xBFC90FDB, v6;
	v6 =	vsel vm1, v8, v7  }
0x343: {  	v6 =	vadd.f32 v6, v5  }
0x344: {  	s14 =	simm.s32 $0x10;
	s10 =	simm.s32 $0x19830  }
0x345: {  	s15 =	simm.s32 $0x20;
	s11 =	simm.s32 $0x195B0;
	s12 =	simm.s32 $0x19820;
	v5 =	vmov s14;
	vm0 =	vgt.f32 v6, $3.141592740e+00;
	v7 =	vadd.f32 $-6.283185480e+00, v6  }
.LBB2_6:
0x346: {  	s8 =	sadd.s32 $0x10, s8  }
0x347: {  	v5 =	vshll.u32 v5, $0x7;
	s9 =	sadd.s32 $0x10, s9;
	s14 =	smov.u32 s15;
	s13 =	sadd.s32 $0x10, s15  }
0x348: {  	p0 =	sne.s32 s15, $0x40;
	v5 =	vor.u32 v0, v5;
	v8 =	vsel vm0, v7, v6  }
0x349: {  	v7 =	vor.u32 $0x1, v5;
	v9 =	vadd.f32 $6.283185480e+00, v8  }
0x34a: {  	vm0 =	vlt.f32 v8, $-3.141592740e+00  }
0x34b: {  	v6 =	vor.u32 $0x3, v5;
	v8 =	vsel vm0, v9, v8  }
0x34c: {  	[tilespmem:s12+$0x0] =	vst v8;
	s12 =	smov.u32 s10  }
0x34d: {  	v9 =	vld.idx.msk [tilespmem:v5+s1+$0x0], $0xffff  }
0x34e: {  	v8 =	vor.u32 $0x2, v5;
	v10 =	vld.idx.msk [tilespmem:v7+s25+$0x0], $0xffff  }
0x34f: {  	v11 =	vld.idx.msk [tilespmem:v5+s25+$0x0], $0xffff  }
0x350: {  	v12 =	vld.idx.msk [tilespmem:v7+s1+$0x0], $0xffff  }
0x351: {  	v13 =	vld.idx.msk [tilespmem:v6+s25+$0x0], $0xffff;
	_ =	sdelay $0x1  }
0x352: {  	v14 =	vld.idx.msk [tilespmem:v8+s25+$0x0], $0xffff;
	_ =	sdelay $0x1  }
0x353: {  	v11 =	vsub.f32 v9, v11  }
0x354: {  	v10 =	vsub.f32 v12, v10  }
0x355: {  	v11 =	vmul.f32 $4.000000000e+00, v11;
	v12 =	vadd.f32 v13, v12  }
0x356: {  	v10 =	vmul.f32 $4.000000000e+00, v10  }
0x357: {  	v9 =	vadd.f32 v14, v9;
	v11 =	vmax.f32 v11, $0.0e+00  }
0x358: {  	v11 =	vmin.f32 v11, $1.280000000e+03;
	v10 =	vmax.f32 v10, $0.0e+00  }
0x359: {  	v9 =	vmul.f32 $4.000000000e+00, v9;
	v10 =	vmin.f32 v10, $3.840000000e+02;
	[tilespmem:v5+s3+$0x0] =	vst.idx.msk $0xffff, v11  }
0x35a: {  	v11 =	vmul.f32 $4.000000000e+00, v12;
	[tilespmem:v7+s3+$0x0] =	vst.idx.msk $0xffff, v10  }
0x35b: {  	[tilespmem:v8+s3+$0x0] =	vst.idx.msk $0xffff, v9  }
0x35c: {  	[tilespmem:v6+s3+$0x0] =	vst.idx.msk $0xffff, v11  }
0x35d: {  	v9 =	vld.idx.msk [tilespmem:v5+s26+$0x0], $0xffff;
	_ =	sdelay $0x5  }
0x35e: {  	v9 =	vmul.f32 $1.442695020e+00, v9;
	_ =	sdelay $0x1  }
0x35f: {  	(erf) = vpow2.f32 v9;
	_ =	sdelay $0x1  }
0x360: {  	v9 =	vld [tilespmem:s8+$0x0];
	_ =	sdelay $0x4  }
0x361: {  	vm0 =	veq.s32 v9, $0x1  }
0x362: {  	vm1 =	veq.s32 v9, $0x0;
	v9 =	vsel vm0, $0x3F6B7C6F, v1;
	v10 =	vsel vm0, $0x3FE06312, v2  }
0x363: {  	v11 =	vsel vm0, $0x3F5CB9AB, v3;
	v9 =	vsel vm1, $0x409AD914, v9;
	v10 =	vsel vm1, $0x3FE765A6, v10;
	v12 =	vpop (erf)  }
0x364: {  	v11 =	vsel vm1, $0x400766F1, v11;
	v9 =	vmul.f32 v9, v12;
	_ =	sdelay $0x1  }
0x365: {  	[tilespmem:v5+s4+$0x0] =	vst.idx.msk $0xffff, v9  }
0x366: {  	v9 =	vld.idx.msk [tilespmem:v7+s26+$0x0], $0xffff;
	_ =	sdelay $0x5  }
0x367: {  	v9 =	vmul.f32 $1.442695020e+00, v9;
	_ =	sdelay $0x1  }
0x368: {  	(erf) = vpow2.f32 v9;
	_ =	sdelay $0x8  }
0x369: {  	v9 =	vpop (erf)  }
0x36a: {  	v9 =	vmul.f32 v9, v10;
	_ =	sdelay $0x1  }
0x36b: {  	[tilespmem:v7+s4+$0x0] =	vst.idx.msk $0xffff, v9  }
0x36c: {  	v9 =	vld.idx.msk [tilespmem:v8+s26+$0x0], $0xffff;
	_ =	sdelay $0x5  }
0x36d: {  	v9 =	vmul.f32 $1.442695020e+00, v9;
	_ =	sdelay $0x1  }
0x36e: {  	(erf) = vpow2.f32 v9;
	_ =	sdelay $0x8  }
0x36f: {  	v9 =	vpop (erf)  }
0x370: {  	v9 =	vmul.f32 v9, v11;
	_ =	sdelay $0x1  }
0x371: {  	[tilespmem:v8+s4+$0x0] =	vst.idx.msk $0xffff, v9  }
0x372: {  	v9 =	vld [tilespmem:s9+$0x0];
	_ =	sdelay $0x4  }
0x373: {  	v9 =	vsub.f32 $0.0e+00, v9;
	_ =	sdelay $0x1  }
0x374: {  	v9 =	vmul.f32 $1.442695020e+00, v9;
	_ =	sdelay $0x1  }
0x375: {  	(erf) = vpow2.f32 v9;
	_ =	sdelay $0x8  }
0x376: {  	v9 =	vpop (erf)  }
0x377: {  	v9 =	vmax.f32 v9, $1.000000010e-01  }
0x378: {  	v9 =	vmin.f32 v9, $1.000000000e+02  }
0x379: {  	[tilespmem:s11+$0x0] =	vst v9;
	v9 =	vor.u32 $0x5, v5  }
0x37a: {  	v10 =	vor.u32 $0x4, v5;
	v7 =	vld.idx.msk [tilespmem:v7+s28+$0x0], $0xffff  }
0x37b: {  	v12 =	vor.u32 $0x7, v5;
	v11 =	vld.idx.msk [tilespmem:v5+s28+$0x0], $0xffff  }
0x37c: {  	v13 =	vor.u32 $0x6, v5;
	v8 =	vld.idx.msk [tilespmem:v8+s28+$0x0], $0xffff  }
0x37d: {  	v6 =	vld.idx.msk [tilespmem:v6+s28+$0x0], $0xffff  }
0x37e: {  	v9 =	vld.idx.msk [tilespmem:v9+s28+$0x0], $0xffff  }
0x37f: {  	v10 =	vld.idx.msk [tilespmem:v10+s28+$0x0], $0xffff  }
0x380: {  	v12 =	vld.idx.msk [tilespmem:v12+s28+$0x0], $0xffff  }
0x381: {  	v13 =	vld.idx.msk [tilespmem:v13+s28+$0x0], $0xffff;
	_ =	sdelay $0x1  }
0x382: {  	v7 =	vsub.f32 v7, v11;
	v6 =	vsub.f32 v6, v8;
	_ =	sdelay $0x1  }
0x383: {  	vm0 =	vgt.f32 v6, v7;
	v8 =	vsub.f32 v9, v10  }
0x384: {  	v6 =	vsel vm0, v6, v7  }
0x385: {  	vm1 =	vgt.f32 v8, v6;
	v7 =	vsub.f32 v12, v13  }
0x386: {  	v9 =	vsel vm0, $0x1, v4;
	v6 =	vsel vm1, v8, v6  }
0x387: {  	v8 =	vsel vm1, $0x2, v9;
	vm0 =	vgt.f32 v7, v6  }
0x388: {  	v6 =	vsel vm0, $0x3, v8  }
0x389: {  	v7 =	vshll.u32 v6, $0x1;
	v6 =	vcvt.s32.f32 v6  }
0x38a: {  	v5 =	vor.u32 v5, v7  }
0x38b: {  	v7 =	vor.u32 $0x8, v5;
	v5 =	vor.u32 $0x9, v5;
	v6 =	vmul.f32 $1.570796370e+00, v6;
	_ =	sdelay $0x1  }
0x38c: {  	v6 =	vsel vm0, $0xBFC90FDB, v6;
	_ =	sdelay $0x2  }
0x38d: {  	v5 =	vld.idx.msk [tilespmem:v5+s28+$0x0], $0xffff  }
0x38e: {  	v7 =	vld.idx.msk [tilespmem:v7+s28+$0x0], $0xffff;
	_ =	sdelay $0x4  }
0x38f: {  	(erf) = vrcp.f32 v5;
	_ =	sdelay $0x8  }
0x390: {  	v5 =	vpop (erf)  }
0x391: {  	v5 =	vmul.f32 v5, v7;
	_ =	sdelay $0x1  }
0x392: {  	v7 =	vand.u32 $0x7FFFFFFF, v5  }
0x393: {  	(erf) = vrcp.f32 v7;
	_ =	sdelay $0x8  }
0x394: {  	vm0 =	vgt.f32 v7, $1.000000000e+00;
	v8 =	vpop (erf)  }
0x395: {  	v7 =	vsel vm0, v8, v7  }
0x396: {  	v8 =	vmul.f32 v7, v7;
	_ =	sdelay $0x1  }
0x397: {  	v9 =	vmul.f32 $2.083509970e-02, v8;
	_ =	sdelay $0x1  }
0x398: {  	v9 =	vadd.f32 $-8.513300120e-02, v9;
	_ =	sdelay $0x1  }
0x399: {  	v9 =	vmul.f32 v9, v8;
	_ =	sdelay $0x1  }
0x39a: {  	v9 =	vadd.f32 $1.801410020e-01, v9;
	_ =	sdelay $0x1  }
0x39b: {  	v9 =	vmul.f32 v9, v8;
	_ =	sdelay $0x1  }
0x39c: {  	v9 =	vadd.f32 $-3.302994970e-01, v9;
	_ =	sdelay $0x1  }
0x39d: {  	v8 =	vmul.f32 v9, v8;
	_ =	sdelay $0x1  }
0x39e: {  	v8 =	vadd.f32 $9.998660080e-01, v8;
	_ =	sdelay $0x1  }
0x39f: {  	v7 =	vmul.f32 v8, v7;
	_ =	sdelay $0x1  }
0x3a0: {  	v8 =	vsub.f32 $1.570796370e+00, v7;
	_ =	sdelay $0x1  }
0x3a1: {  	v7 =	vsel vm0, v8, v7  }
0x3a2: {  	v8 =	vsub.f32 $0.0e+00, v7  }
.Ltmp2:
0x3a3: {  	vm0 =	vlt.f32 v5, $0.0e+00;
	(pc) =	sbr.rel @p0 .LBB2_6-.Ltmp2, $3  }
0x3a4: {  	v5 =	vsel vm0, v8, v7  }
0x3a5: {  	v6 =	vadd.f32 v5, v6;
	_ =	sdelay $0x1  }
0x3a6: {  	s15 =	smov.u32 s13;
	s10 =	sadd.s32 $0x10, s10;
	s11 =	sadd.s32 $0x10, s11;
	v5 =	vmov s14;
	vm0 =	vgt.f32 v6, $3.141592740e+00;
	v7 =	vadd.f32 $-6.283185480e+00, v6  }
0x3a7: {  	v5 =	vshll.u32 v5, $0x7  }
0x3a8: {  	v5 =	vor.u32 v0, v5;
	v6 =	vsel vm0, v7, v6  }
0x3a9: {  	v8 =	vadd.f32 $6.283185480e+00, v6  }
0x3aa: {  	v7 =	vor.u32 $0x1, v5;
	vm0 =	vlt.f32 v6, $-3.141592740e+00  }
0x3ab: {  	v6 =	vsel vm0, v8, v6  }
0x3ac: {  	[tilespmem:s12+$0x0] =	vst v6  }
0x3ad: {  	v6 =	vld.idx.msk [tilespmem:v5+s1+$0x0], $0xffff  }
0x3ae: {  	v9 =	vor.u32 $0x2, v5;
	v11 =	vld.idx.msk [tilespmem:v5+s25+$0x0], $0xffff  }
0x3af: {  	v10 =	vor.u32 $0x3, v5;
	v8 =	vld.idx.msk [tilespmem:v7+s25+$0x0], $0xffff  }
0x3b0: {  	v12 =	vld.idx.msk [tilespmem:v7+s1+$0x0], $0xffff;
	_ =	sdelay $0x2  }
0x3b1: {  	v13 =	vld.idx.msk [tilespmem:v9+s25+$0x0], $0xffff  }
0x3b2: {  	v14 =	vld.idx.msk [tilespmem:v10+s25+$0x0], $0xffff;
	v11 =	vsub.f32 v6, v11  }
0x3b3: {  	v8 =	vsub.f32 v12, v8  }
0x3b4: {  	v11 =	vmul.f32 $4.000000000e+00, v11  }
0x3b5: {  	v8 =	vmul.f32 $4.000000000e+00, v8  }
0x3b6: {  	v6 =	vadd.f32 v13, v6;
	v11 =	vmax.f32 v11, $0.0e+00  }
0x3b7: {  	v12 =	vadd.f32 v14, v12;
	v11 =	vmin.f32 v11, $1.280000000e+03;
	v8 =	vmax.f32 v8, $0.0e+00  }
0x3b8: {  	v6 =	vmul.f32 $4.000000000e+00, v6;
	[tilespmem:v5+s3+$0x0] =	vst.idx.msk $0xffff, v11;
	v8 =	vmin.f32 v8, $3.840000000e+02  }
0x3b9: {  	v48 =	vmul.f32 $4.000000000e+00, v12;
	[tilespmem:v7+s3+$0x0] =	vst.idx.msk $0xffff, v8  }
0x3ba: {  	[tilespmem:v9+s3+$0x0] =	vst.idx.msk $0xffff, v6  }
0x3bb: {  	[tilespmem:v10+s3+$0x0] =	vst.idx.msk $0xffff, v48  }
0x3bc: {  	v6 =	vld.idx.msk [tilespmem:v5+s26+$0x0], $0xffff;
	_ =	sdelay $0x4  }
0x3bd: {  	v6 =	vmul.f32 $1.442695020e+00, v6;
	_ =	sdelay $0x1  }
0x3be: {  	(erf) = vpow2.f32 v6  }
0x3bf: {  	s8 =	sadd.s32 $0x10, s8  }
0x3c0: {  	v6 =	vld [tilespmem:s8+$0x0];
	_ =	sdelay $0x4  }
0x3c1: {  	vm0 =	veq.s32 v6, $0x1  }
0x3c2: {  	vm1 =	veq.s32 v6, $0x0;
	v6 =	vsel vm0, $0x3F6B7C6F, v1  }
0x3c3: {  	v6 =	vsel vm1, $0x409AD914, v6;
	v8 =	vpop (erf)  }
0x3c4: {  	v6 =	vmul.f32 v6, v8;
	_ =	sdelay $0x1  }
0x3c5: {  	[tilespmem:v5+s4+$0x0] =	vst.idx.msk $0xffff, v6  }
0x3c6: {  	v6 =	vld.idx.msk [tilespmem:v7+s26+$0x0], $0xffff;
	_ =	sdelay $0x4  }
0x3c7: {  	v6 =	vmul.f32 $1.442695020e+00, v6;
	_ =	sdelay $0x1  }
0x3c8: {  	(erf) = vpow2.f32 v6;
	_ =	sdelay $0x7  }
0x3c9: {  	v6 =	vsel vm0, $0x3FE06312, v2  }
0x3ca: {  	v6 =	vsel vm1, $0x3FE765A6, v6;
	v8 =	vpop (erf)  }
0x3cb: {  	v6 =	vmul.f32 v8, v6;
	_ =	sdelay $0x1  }
0x3cc: {  	[tilespmem:v7+s4+$0x0] =	vst.idx.msk $0xffff, v6  }
0x3cd: {  	v6 =	vld.idx.msk [tilespmem:v9+s26+$0x0], $0xffff;
	_ =	sdelay $0x4  }
0x3ce: {  	v6 =	vmul.f32 $1.442695020e+00, v6;
	_ =	sdelay $0x1  }
0x3cf: {  	(erf) = vpow2.f32 v6;
	_ =	sdelay $0x7  }
0x3d0: {  	v6 =	vsel vm0, $0x3F5CB9AB, v3  }
0x3d1: {  	v6 =	vsel vm1, $0x400766F1, v6;
	v8 =	vpop (erf)  }
0x3d2: {  	v6 =	vmul.f32 v8, v6;
	_ =	sdelay $0x1  }
0x3d3: {  	s12 =	sadd.s32 $0x10, s9;
	[tilespmem:v9+s4+$0x0] =	vst.idx.msk $0xffff, v6  }
0x3d4: {  	v6 =	vld [tilespmem:s12+$0x0];
	_ =	sdelay $0x4  }
0x3d5: {  	v6 =	vsub.f32 $0.0e+00, v6;
	_ =	sdelay $0x1  }
0x3d6: {  	v6 =	vmul.f32 $1.442695020e+00, v6;
	_ =	sdelay $0x1  }
0x3d7: {  	(erf) = vpow2.f32 v6;
	_ =	sdelay $0x8  }
0x3d8: {  	v6 =	vpop (erf)  }
0x3d9: {  	v6 =	vmax.f32 v6, $1.000000010e-01  }
0x3da: {  	v6 =	vmin.f32 v6, $1.000000000e+02  }
0x3db: {  	v8 =	vor.u32 $0x4, v5;
	[tilespmem:s11+$0x0] =	vst v6  }
0x3dc: {  	v6 =	vor.u32 $0x5, v5;
	v7 =	vld.idx.msk [tilespmem:v7+s28+$0x0], $0xffff  }
0x3dd: {  	v49 =	vor.u32 $0x7, v5;
	v11 =	vld.idx.msk [tilespmem:v5+s28+$0x0], $0xffff  }
0x3de: {  	v50 =	vor.u32 $0x6, v5;
	v9 =	vld.idx.msk [tilespmem:v9+s28+$0x0], $0xffff  }
0x3df: {  	v10 =	vld.idx.msk [tilespmem:v10+s28+$0x0], $0xffff  }
0x3e0: {  	v8 =	vld.idx.msk [tilespmem:v8+s28+$0x0], $0xffff  }
0x3e1: {  	v6 =	vld.idx.msk [tilespmem:v6+s28+$0x0], $0xffff  }
0x3e2: {  	v12 =	vld.idx.msk [tilespmem:v49+s28+$0x0], $0xffff  }
0x3e3: {  	v13 =	vld.idx.msk [tilespmem:v50+s28+$0x0], $0xffff  }
0x3e4: {  	v7 =	vsub.f32 v7, v11;
	v9 =	vsub.f32 v10, v9;
	_ =	sdelay $0x1  }
0x3e5: {  	vm0 =	vgt.f32 v9, v7;
	v6 =	vsub.f32 v6, v8  }
0x3e6: {  	v7 =	vsel vm0, v9, v7  }
0x3e7: {  	v8 =	vsub.f32 v12, v13;
	vm1 =	vgt.f32 v6, v7  }
0x3e8: {  	v51 =	vsel vm0, $0x1, v4;
	v6 =	vsel vm1, v6, v7  }
0x3e9: {  	v7 =	vsel vm1, $0x2, v51;
	vm0 =	vgt.f32 v8, v6  }
0x3ea: {  	v6 =	vsel vm0, $0x3, v7  }
0x3eb: {  	v7 =	vshll.u32 v6, $0x1  }
0x3ec: {  	v5 =	vor.u32 v5, v7  }
0x3ed: {  	v7 =	vor.u32 $0x9, v5;
	_ =	sdelay $0x4  }
0x3ee: {  	v7 =	vld.idx.msk [tilespmem:v7+s28+$0x0], $0xffff;
	_ =	sdelay $0x4  }
0x3ef: {  	v5 =	vor.u32 $0x8, v5;
	(erf) = vrcp.f32 v7;
	_ =	sdelay $0x4  }
0x3f0: {  	v5 =	vld.idx.msk [tilespmem:v5+s28+$0x0], $0xffff;
	_ =	sdelay $0x3  }
0x3f1: {  	v7 =	vpop (erf)  }
0x3f2: {  	v5 =	vmul.f32 v7, v5;
	_ =	sdelay $0x1  }
0x3f3: {  	v7 =	vand.u32 $0x7FFFFFFF, v5  }
0x3f4: {  	(erf) = vrcp.f32 v7;
	_ =	sdelay $0x8  }
0x3f5: {  	vm1 =	vgt.f32 v7, $1.000000000e+00;
	v8 =	vpop (erf)  }
0x3f6: {  	v7 =	vsel vm1, v8, v7  }
0x3f7: {  	v8 =	vmul.f32 v7, v7;
	_ =	sdelay $0x1  }
0x3f8: {  	v52 =	vmul.f32 $2.083509970e-02, v8;
	_ =	sdelay $0x1  }
0x3f9: {  	v9 =	vadd.f32 $-8.513300120e-02, v52;
	_ =	sdelay $0x1  }
0x3fa: {  	v9 =	vmul.f32 v9, v8;
	_ =	sdelay $0x1  }
0x3fb: {  	v9 =	vadd.f32 $1.801410020e-01, v9;
	_ =	sdelay $0x1  }
0x3fc: {  	v9 =	vmul.f32 v9, v8;
	_ =	sdelay $0x1  }
0x3fd: {  	v9 =	vadd.f32 $-3.302994970e-01, v9;
	_ =	sdelay $0x1  }
0x3fe: {  	v8 =	vmul.f32 v9, v8;
	_ =	sdelay $0x1  }
0x3ff: {  	v8 =	vadd.f32 $9.998660080e-01, v8;
	_ =	sdelay $0x1  }
0x400: {  	v7 =	vmul.f32 v8, v7;
	_ =	sdelay $0x1  }
0x401: {  	v8 =	vsub.f32 $1.570796370e+00, v7  }
0x402: {  	v6 =	vcvt.s32.f32 v6  }
0x403: {  	v7 =	vsel vm1, v8, v7  }
0x404: {  	v6 =	vmul.f32 $1.570796370e+00, v6;
	v8 =	vsub.f32 $0.0e+00, v7  }
0x405: {  	vm1 =	vlt.f32 v5, $0.0e+00  }
0x406: {  	v5 =	vsel vm0, $0xBFC90FDB, v6;
	v6 =	vsel vm1, v8, v7  }
0x407: {  	v5 =	vadd.f32 v6, v5;
	_ =	sdelay $0x1  }
0x408: {  	v6 =	vadd.f32 $-6.283185480e+00, v5  }
0x409: {  	vm0 =	vgt.f32 v5, $3.141592740e+00  }
0x40a: {  	v5 =	vsel vm0, v6, v5  }
0x40b: {  	v6 =	vadd.f32 $6.283185480e+00, v5  }
0x40c: {  	vm0 =	vlt.f32 v5, $-3.141592740e+00  }
0x40d: {  	v5 =	vsel vm0, v6, v5  }
0x40e: {  	s13 =	rddreg [dreg:$0x12];
	s8 =	simm.s32 $0x0;
	[tilespmem:s10+$0x0] =	vst v5  }
0x40f: {  	[hbm4b:s13+s8] =	stream.linear.scatter [tilespmem:s3], [sflag:$0x2], $0x2800, $0x38;
	[tilespmem:$0x19A00] =	vst v63  }
0x410: {  	s14 =	rddreg [dreg:$0x13]  }
0x411: {  	[hbm4b:s14+s8] =	stream.linear.scatter [tilespmem:s4], [sflag:$0x2], $0x2800, $0x38;
	[tilespmem:$0x19A00] =	vst v63  }
0x412: {  	s15 =	rddreg [dreg:$0x18]  }
0x413: {  	[tilespmem:s8], [sflag:$0x1] =	stream.linear.gather [hbm4b:s15+s8], $0x2800, $0x38;
	[tilespmem:$0x19A00] =	vst v63  }
0x414: {  	s10 =	rddreg [dreg:$0x19]  }
0x415: {  	[tilespmem:s25], [sflag:$0x1] =	stream.linear.gather [hbm4b:s10+s8], $0x2800, $0x38;
	[tilespmem:$0x19A00] =	vst v63  }
0x416: {  	s11 =	rddreg [dreg:$0x1a]  }
0x417: {  	[tilespmem:s26], [sflag:$0x1] =	stream.linear.gather [hbm4b:s11+s8], $0x2800, $0x38;
	[tilespmem:$0x19A00] =	vst v63  }
0x418: {  	s12 =	rddreg [dreg:$0x1b]  }
0x419: {  	[tilespmem:s28], [sflag:$0x1] =	stream.linear.gather [hbm4b:s12+s8], $0x2800, $0x38;
	[tilespmem:$0x19A00] =	vst v63  }
0x41a: {  	_ =	swait.ge [sflag:s2], $0x2800  }
0x41b: {  	[sflag:s2] =	ssyncset.done $0x0  }
0x41c: {  	[sflag:s2] =	ssyncadd.s32 $0xFFFFD800  }
0x41d: {  	_ =	swait.ge [sflag:s2], $0x2800  }
0x41e: {  	[sflag:s2] =	ssyncset.done $0x0  }
0x41f: {  	[sflag:s2] =	ssyncadd.s32 $0xFFFFD800  }
0x420: {  	_ =	swait.ge [sflag:s2], $0x2800  }
0x421: {  	[sflag:s2] =	ssyncset.done $0x0  }
0x422: {  	[sflag:s2] =	ssyncadd.s32 $0xFFFFD800  }
0x423: {  	_ =	swait.ge [sflag:s2], $0x2800  }
0x424: {  	[sflag:s2] =	ssyncset.done $0x0  }
0x425: {  	v5 =	vmov s8;
	[sflag:s2] =	ssyncadd.s32 $0xFFFFD800  }
0x426: {  	v5 =	vshll.u32 v5, $0x7;
	_ =	swait.ge [sflag:s5], $0x2800  }
0x427: {  	v5 =	vor.u32 v0, v5;
	[sflag:s5] =	ssyncset.done $0x0  }
0x428: {  	v6 =	vor.u32 $0x1, v5;
	[sflag:s5] =	ssyncadd.s32 $0xFFFFD800  }
0x429: {  	_ =	swait.ge [sflag:s5], $0x2800  }
0x42a: {  	[sflag:s5] =	ssyncset.done $0x0  }
0x42b: {  	[sflag:s5] =	ssyncadd.s32 $0xFFFFD800  }
0x42c: {  	v7 =	vld.idx.msk [tilespmem:v5+s29+$0x0], $0xffff  }
0x42d: {  	v53 =	vor.u32 $0x2, v5;
	v8 =	vld.idx.msk [tilespmem:v6+s30+$0x0], $0xffff  }
0x42e: {  	v54 =	vor.u32 $0x3, v5;
	v55 =	vld.idx.msk [tilespmem:v5+s30+$0x0], $0xffff  }
0x42f: {  	v56 =	vld.idx.msk [tilespmem:v6+s29+$0x0], $0xffff;
	_ =	sdelay $0x2  }
0x430: {  	v57 =	vld.idx.msk [tilespmem:v53+s30+$0x0], $0xffff  }
0x431: {  	v58 =	vld.idx.msk [tilespmem:v54+s30+$0x0], $0xffff;
	v11 =	vsub.f32 v7, v55  }
0x432: {  	v8 =	vsub.f32 v56, v8  }
0x433: {  	v11 =	vmul.f32 $4.000000000e+00, v11  }
0x434: {  	v8 =	vmul.f32 $4.000000000e+00, v8  }
0x435: {  	v7 =	vadd.f32 v57, v7;
	v11 =	vmax.f32 v11, $0.0e+00  }
0x436: {  	v12 =	vadd.f32 v58, v56;
	v8 =	vmax.f32 v8, $0.0e+00;
	v11 =	vmin.f32 v11, $1.280000000e+03  }
0x437: {  	v7 =	vmul.f32 $4.000000000e+00, v7;
	v8 =	vmin.f32 v8, $3.840000000e+02;
	[tilespmem:v5+s3+$0x0] =	vst.idx.msk $0xffff, v11  }
0x438: {  	v59 =	vmul.f32 $4.000000000e+00, v12;
	[tilespmem:v6+s3+$0x0] =	vst.idx.msk $0xffff, v8  }
0x439: {  	[tilespmem:v53+s3+$0x0] =	vst.idx.msk $0xffff, v7  }
0x43a: {  	[tilespmem:v54+s3+$0x0] =	vst.idx.msk $0xffff, v59  }
0x43b: {  	v7 =	vld.idx.msk [tilespmem:v5+s31+$0x0], $0xffff;
	_ =	sdelay $0x4  }
0x43c: {  	v7 =	vmul.f32 $1.442695020e+00, v7;
	_ =	sdelay $0x1  }
0x43d: {  	(erf) = vpow2.f32 v7  }
0x43e: {  	s8 =	simm.s32 $0x19370  }
0x43f: {  	v7 =	vld [tilespmem:s8+$0x0];
	_ =	sdelay $0x4  }
0x440: {  	vm0 =	veq.s32 v7, $0x1  }
0x441: {  	vm1 =	veq.s32 v7, $0x0;
	v7 =	vsel vm0, $0x3F6B7C6F, v1  }
0x442: {  	v7 =	vsel vm1, $0x409AD914, v7;
	v8 =	vpop (erf)  }
0x443: {  	v7 =	vmul.f32 v7, v8;
	_ =	sdelay $0x1  }
0x444: {  	[tilespmem:v5+s4+$0x0] =	vst.idx.msk $0xffff, v7  }
0x445: {  	v7 =	vld.idx.msk [tilespmem:v6+s31+$0x0], $0xffff;
	_ =	sdelay $0x4  }
0x446: {  	v7 =	vmul.f32 $1.442695020e+00, v7;
	_ =	sdelay $0x1  }
0x447: {  	(erf) = vpow2.f32 v7;
	_ =	sdelay $0x7  }
0x448: {  	v7 =	vsel vm0, $0x3FE06312, v2  }
0x449: {  	v7 =	vsel vm1, $0x3FE765A6, v7;
	v8 =	vpop (erf)  }
0x44a: {  	v7 =	vmul.f32 v8, v7;
	_ =	sdelay $0x1  }
0x44b: {  	[tilespmem:v6+s4+$0x0] =	vst.idx.msk $0xffff, v7  }
0x44c: {  	v7 =	vld.idx.msk [tilespmem:v53+s31+$0x0], $0xffff;
	_ =	sdelay $0x4  }
0x44d: {  	v7 =	vmul.f32 $1.442695020e+00, v7;
	_ =	sdelay $0x1  }
0x44e: {  	(erf) = vpow2.f32 v7;
	_ =	sdelay $0x7  }
0x44f: {  	v7 =	vsel vm0, $0x3F5CB9AB, v3  }
0x450: {  	v7 =	vsel vm1, $0x400766F1, v7;
	v8 =	vpop (erf)  }
0x451: {  	v7 =	vmul.f32 v8, v7;
	_ =	sdelay $0x1  }
0x452: {  	s9 =	simm.s32 $0x190F0;
	[tilespmem:v53+s4+$0x0] =	vst.idx.msk $0xffff, v7  }
0x453: {  	v7 =	vld [tilespmem:s9+$0x0];
	_ =	sdelay $0x4  }
0x454: {  	v7 =	vsub.f32 $0.0e+00, v7;
	_ =	sdelay $0x1  }
0x455: {  	v7 =	vmul.f32 $1.442695020e+00, v7;
	_ =	sdelay $0x1  }
0x456: {  	(erf) = vpow2.f32 v7;
	_ =	sdelay $0x8  }
0x457: {  	v7 =	vpop (erf)  }
0x458: {  	v7 =	vmax.f32 v7, $1.000000010e-01  }
0x459: {  	s13 =	simm.s32 $0x195F0;
	v7 =	vmin.f32 v7, $1.000000000e+02  }
0x45a: {  	v8 =	vor.u32 $0x4, v5;
	[tilespmem:s13+$0x0] =	vst v7  }
0x45b: {  	v7 =	vor.u32 $0x5, v5;
	v6 =	vld.idx.msk [tilespmem:v6+s0+$0x0], $0xffff  }
0x45c: {  	v60 =	vor.u32 $0x7, v5;
	v11 =	vld.idx.msk [tilespmem:v5+s0+$0x0], $0xffff  }
0x45d: {  	v61 =	vor.u32 $0x6, v5;
	v9 =	vld.idx.msk [tilespmem:v53+s0+$0x0], $0xffff  }
0x45e: {  	v10 =	vld.idx.msk [tilespmem:v54+s0+$0x0], $0xffff  }
0x45f: {  	v8 =	vld.idx.msk [tilespmem:v8+s0+$0x0], $0xffff  }
0x460: {  	v7 =	vld.idx.msk [tilespmem:v7+s0+$0x0], $0xffff  }
0x461: {  	v12 =	vld.idx.msk [tilespmem:v60+s0+$0x0], $0xffff  }
0x462: {  	v13 =	vld.idx.msk [tilespmem:v61+s0+$0x0], $0xffff  }
0x463: {  	v6 =	vsub.f32 v6, v11;
	v9 =	vsub.f32 v10, v9;
	_ =	sdelay $0x1  }
0x464: {  	vm0 =	vgt.f32 v9, v6;
	v7 =	vsub.f32 v7, v8  }
0x465: {  	v6 =	vsel vm0, v9, v6  }
0x466: {  	v8 =	vsub.f32 v12, v13;
	vm1 =	vgt.f32 v7, v6  }
0x467: {  	v62 =	vsel vm0, $0x1, v4;
	v6 =	vsel vm1, v7, v6  }
0x468: {  	v7 =	vsel vm1, $0x2, v62;
	vm0 =	vgt.f32 v8, v6  }
0x469: {  	v6 =	vsel vm0, $0x3, v7  }
0x46a: {  	v7 =	vshll.u32 v6, $0x1  }
0x46b: {  	v5 =	vor.u32 v5, v7  }
0x46c: {  	v7 =	vor.u32 $0x9, v5;
	_ =	sdelay $0x4  }
0x46d: {  	v7 =	vld.idx.msk [tilespmem:v7+s0+$0x0], $0xffff;
	_ =	sdelay $0x4  }
0x46e: {  	v5 =	vor.u32 $0x8, v5;
	(erf) = vrcp.f32 v7;
	_ =	sdelay $0x4  }
0x46f: {  	v5 =	vld.idx.msk [tilespmem:v5+s0+$0x0], $0xffff;
	_ =	sdelay $0x3  }
0x470: {  	v7 =	vpop (erf)  }
0x471: {  	v5 =	vmul.f32 v7, v5;
	_ =	sdelay $0x1  }
0x472: {  	v7 =	vand.u32 $0x7FFFFFFF, v5  }
0x473: {  	(erf) = vrcp.f32 v7;
	_ =	sdelay $0x8  }
0x474: {  	vm1 =	vgt.f32 v7, $1.000000000e+00;
	v8 =	vpop (erf)  }
0x475: {  	v7 =	vsel vm1, v8, v7  }
0x476: {  	v8 =	vmul.f32 v7, v7;
	_ =	sdelay $0x1  }
0x477: {  	v63 =	vmul.f32 $2.083509970e-02, v8;
	_ =	sdelay $0x1  }
0x478: {  	v9 =	vadd.f32 $-8.513300120e-02, v63;
	_ =	sdelay $0x1  }
0x479: {  	v9 =	vmul.f32 v9, v8;
	_ =	sdelay $0x1  }
0x47a: {  	v9 =	vadd.f32 $1.801410020e-01, v9;
	_ =	sdelay $0x1  }
0x47b: {  	v9 =	vmul.f32 v9, v8;
	_ =	sdelay $0x1  }
0x47c: {  	v9 =	vadd.f32 $-3.302994970e-01, v9;
	_ =	sdelay $0x1  }
0x47d: {  	v8 =	vmul.f32 v9, v8;
	_ =	sdelay $0x1  }
0x47e: {  	v8 =	vadd.f32 $9.998660080e-01, v8;
	_ =	sdelay $0x1  }
0x47f: {  	v7 =	vmul.f32 v8, v7;
	_ =	sdelay $0x1  }
0x480: {  	v8 =	vsub.f32 $1.570796370e+00, v7  }
0x481: {  	v6 =	vcvt.s32.f32 v6  }
0x482: {  	v7 =	vsel vm1, v8, v7  }
0x483: {  	v6 =	vmul.f32 $1.570796370e+00, v6;
	v8 =	vsub.f32 $0.0e+00, v7  }
0x484: {  	vm1 =	vlt.f32 v5, $0.0e+00  }
0x485: {  	v5 =	vsel vm0, $0xBFC90FDB, v6;
	v6 =	vsel vm1, v8, v7  }
0x486: {  	v6 =	vadd.f32 v6, v5  }
0x487: {  	s14 =	simm.s32 $0x10;
	s10 =	simm.s32 $0x19880  }
0x488: {  	s15 =	simm.s32 $0x20;
	s11 =	simm.s32 $0x19600;
	s12 =	simm.s32 $0x19870;
	v5 =	vmov s14;
	vm0 =	vgt.f32 v6, $3.141592740e+00;
	v7 =	vadd.f32 $-6.283185480e+00, v6  }
.LBB2_8:
0x489: {  	s8 =	sadd.s32 $0x10, s8  }
0x48a: {  	v5 =	vshll.u32 v5, $0x7;
	s9 =	sadd.s32 $0x10, s9;
	s14 =	smov.u32 s15;
	s13 =	sadd.s32 $0x10, s15  }
0x48b: {  	p0 =	sne.s32 s15, $0x40;
	v5 =	vor.u32 v0, v5;
	v8 =	vsel vm0, v7, v6  }
0x48c: {  	v7 =	vor.u32 $0x1, v5;
	v9 =	vadd.f32 $6.283185480e+00, v8  }
0x48d: {  	vm0 =	vlt.f32 v8, $-3.141592740e+00  }
0x48e: {  	v6 =	vor.u32 $0x3, v5;
	v8 =	vsel vm0, v9, v8  }
0x48f: {  	[tilespmem:s12+$0x0] =	vst v8;
	s12 =	smov.u32 s10  }
0x490: {  	v9 =	vld.idx.msk [tilespmem:v5+s29+$0x0], $0xffff  }
0x491: {  	v8 =	vor.u32 $0x2, v5;
	v10 =	vld.idx.msk [tilespmem:v7+s30+$0x0], $0xffff  }
0x492: {  	v11 =	vld.idx.msk [tilespmem:v5+s30+$0x0], $0xffff  }
0x493: {  	v12 =	vld.idx.msk [tilespmem:v7+s29+$0x0], $0xffff  }
0x494: {  	v13 =	vld.idx.msk [tilespmem:v6+s30+$0x0], $0xffff;
	_ =	sdelay $0x1  }
0x495: {  	v14 =	vld.idx.msk [tilespmem:v8+s30+$0x0], $0xffff;
	_ =	sdelay $0x1  }
0x496: {  	v11 =	vsub.f32 v9, v11  }
0x497: {  	v10 =	vsub.f32 v12, v10  }
0x498: {  	v11 =	vmul.f32 $4.000000000e+00, v11;
	v12 =	vadd.f32 v13, v12  }
0x499: {  	v10 =	vmul.f32 $4.000000000e+00, v10  }
0x49a: {  	v9 =	vadd.f32 v14, v9;
	v11 =	vmax.f32 v11, $0.0e+00  }
0x49b: {  	v11 =	vmin.f32 v11, $1.280000000e+03;
	v10 =	vmax.f32 v10, $0.0e+00  }
0x49c: {  	v9 =	vmul.f32 $4.000000000e+00, v9;
	v10 =	vmin.f32 v10, $3.840000000e+02;
	[tilespmem:v5+s3+$0x0] =	vst.idx.msk $0xffff, v11  }
0x49d: {  	v11 =	vmul.f32 $4.000000000e+00, v12;
	[tilespmem:v7+s3+$0x0] =	vst.idx.msk $0xffff, v10  }
0x49e: {  	[tilespmem:v8+s3+$0x0] =	vst.idx.msk $0xffff, v9  }
0x49f: {  	[tilespmem:v6+s3+$0x0] =	vst.idx.msk $0xffff, v11  }
0x4a0: {  	v9 =	vld.idx.msk [tilespmem:v5+s31+$0x0], $0xffff;
	_ =	sdelay $0x5  }
0x4a1: {  	v9 =	vmul.f32 $1.442695020e+00, v9;
	_ =	sdelay $0x1  }
0x4a2: {  	(erf) = vpow2.f32 v9;
	_ =	sdelay $0x1  }
0x4a3: {  	v9 =	vld [tilespmem:s8+$0x0];
	_ =	sdelay $0x4  }
0x4a4: {  	vm0 =	veq.s32 v9, $0x1  }
0x4a5: {  	vm1 =	veq.s32 v9, $0x0;
	v9 =	vsel vm0, $0x3F6B7C6F, v1;
	v10 =	vsel vm0, $0x3FE06312, v2  }
0x4a6: {  	v11 =	vsel vm0, $0x3F5CB9AB, v3;
	v9 =	vsel vm1, $0x409AD914, v9;
	v10 =	vsel vm1, $0x3FE765A6, v10;
	v12 =	vpop (erf)  }
0x4a7: {  	v11 =	vsel vm1, $0x400766F1, v11;
	v9 =	vmul.f32 v9, v12;
	_ =	sdelay $0x1  }
0x4a8: {  	[tilespmem:v5+s4+$0x0] =	vst.idx.msk $0xffff, v9  }
0x4a9: {  	v9 =	vld.idx.msk [tilespmem:v7+s31+$0x0], $0xffff;
	_ =	sdelay $0x5  }
0x4aa: {  	v9 =	vmul.f32 $1.442695020e+00, v9;
	_ =	sdelay $0x1  }
0x4ab: {  	(erf) = vpow2.f32 v9;
	_ =	sdelay $0x8  }
0x4ac: {  	v9 =	vpop (erf)  }
0x4ad: {  	v9 =	vmul.f32 v9, v10;
	_ =	sdelay $0x1  }
0x4ae: {  	[tilespmem:v7+s4+$0x0] =	vst.idx.msk $0xffff, v9  }
0x4af: {  	v9 =	vld.idx.msk [tilespmem:v8+s31+$0x0], $0xffff;
	_ =	sdelay $0x5  }
0x4b0: {  	v9 =	vmul.f32 $1.442695020e+00, v9;
	_ =	sdelay $0x1  }
0x4b1: {  	(erf) = vpow2.f32 v9;
	_ =	sdelay $0x8  }
0x4b2: {  	v9 =	vpop (erf)  }
0x4b3: {  	v9 =	vmul.f32 v9, v11;
	_ =	sdelay $0x1  }
0x4b4: {  	[tilespmem:v8+s4+$0x0] =	vst.idx.msk $0xffff, v9  }
0x4b5: {  	v9 =	vld [tilespmem:s9+$0x0];
	_ =	sdelay $0x4  }
0x4b6: {  	v9 =	vsub.f32 $0.0e+00, v9;
	_ =	sdelay $0x1  }
0x4b7: {  	v9 =	vmul.f32 $1.442695020e+00, v9;
	_ =	sdelay $0x1  }
0x4b8: {  	(erf) = vpow2.f32 v9;
	_ =	sdelay $0x8  }
0x4b9: {  	v9 =	vpop (erf)  }
0x4ba: {  	v9 =	vmax.f32 v9, $1.000000010e-01  }
0x4bb: {  	v9 =	vmin.f32 v9, $1.000000000e+02  }
0x4bc: {  	[tilespmem:s11+$0x0] =	vst v9;
	v9 =	vor.u32 $0x5, v5  }
0x4bd: {  	v10 =	vor.u32 $0x4, v5;
	v7 =	vld.idx.msk [tilespmem:v7+s0+$0x0], $0xffff  }
0x4be: {  	v12 =	vor.u32 $0x7, v5;
	v11 =	vld.idx.msk [tilespmem:v5+s0+$0x0], $0xffff  }
0x4bf: {  	v13 =	vor.u32 $0x6, v5;
	v8 =	vld.idx.msk [tilespmem:v8+s0+$0x0], $0xffff  }
0x4c0: {  	v6 =	vld.idx.msk [tilespmem:v6+s0+$0x0], $0xffff  }
0x4c1: {  	v9 =	vld.idx.msk [tilespmem:v9+s0+$0x0], $0xffff  }
0x4c2: {  	v10 =	vld.idx.msk [tilespmem:v10+s0+$0x0], $0xffff  }
0x4c3: {  	v12 =	vld.idx.msk [tilespmem:v12+s0+$0x0], $0xffff  }
0x4c4: {  	v13 =	vld.idx.msk [tilespmem:v13+s0+$0x0], $0xffff;
	_ =	sdelay $0x1  }
0x4c5: {  	v7 =	vsub.f32 v7, v11;
	v6 =	vsub.f32 v6, v8;
	_ =	sdelay $0x1  }
0x4c6: {  	vm0 =	vgt.f32 v6, v7;
	v8 =	vsub.f32 v9, v10  }
0x4c7: {  	v6 =	vsel vm0, v6, v7  }
0x4c8: {  	vm1 =	vgt.f32 v8, v6;
	v7 =	vsub.f32 v12, v13  }
0x4c9: {  	v9 =	vsel vm0, $0x1, v4;
	v6 =	vsel vm1, v8, v6  }
0x4ca: {  	v8 =	vsel vm1, $0x2, v9;
	vm0 =	vgt.f32 v7, v6  }
0x4cb: {  	v6 =	vsel vm0, $0x3, v8  }
0x4cc: {  	v7 =	vshll.u32 v6, $0x1;
	v6 =	vcvt.s32.f32 v6  }
0x4cd: {  	v5 =	vor.u32 v5, v7  }
0x4ce: {  	v7 =	vor.u32 $0x8, v5;
	v5 =	vor.u32 $0x9, v5;
	v6 =	vmul.f32 $1.570796370e+00, v6;
	_ =	sdelay $0x1  }
0x4cf: {  	v6 =	vsel vm0, $0xBFC90FDB, v6;
	_ =	sdelay $0x2  }
0x4d0: {  	v5 =	vld.idx.msk [tilespmem:v5+s0+$0x0], $0xffff  }
0x4d1: {  	v7 =	vld.idx.msk [tilespmem:v7+s0+$0x0], $0xffff;
	_ =	sdelay $0x4  }
0x4d2: {  	(erf) = vrcp.f32 v5;
	_ =	sdelay $0x8  }
0x4d3: {  	v5 =	vpop (erf)  }
0x4d4: {  	v5 =	vmul.f32 v5, v7;
	_ =	sdelay $0x1  }
0x4d5: {  	v7 =	vand.u32 $0x7FFFFFFF, v5  }
0x4d6: {  	(erf) = vrcp.f32 v7;
	_ =	sdelay $0x8  }
0x4d7: {  	vm0 =	vgt.f32 v7, $1.000000000e+00;
	v8 =	vpop (erf)  }
0x4d8: {  	v7 =	vsel vm0, v8, v7  }
0x4d9: {  	v8 =	vmul.f32 v7, v7;
	_ =	sdelay $0x1  }
0x4da: {  	v9 =	vmul.f32 $2.083509970e-02, v8;
	_ =	sdelay $0x1  }
0x4db: {  	v9 =	vadd.f32 $-8.513300120e-02, v9;
	_ =	sdelay $0x1  }
0x4dc: {  	v9 =	vmul.f32 v9, v8;
	_ =	sdelay $0x1  }
0x4dd: {  	v9 =	vadd.f32 $1.801410020e-01, v9;
	_ =	sdelay $0x1  }
0x4de: {  	v9 =	vmul.f32 v9, v8;
	_ =	sdelay $0x1  }
0x4df: {  	v9 =	vadd.f32 $-3.302994970e-01, v9;
	_ =	sdelay $0x1  }
0x4e0: {  	v8 =	vmul.f32 v9, v8;
	_ =	sdelay $0x1  }
0x4e1: {  	v8 =	vadd.f32 $9.998660080e-01, v8;
	_ =	sdelay $0x1  }
0x4e2: {  	v7 =	vmul.f32 v8, v7;
	_ =	sdelay $0x1  }
0x4e3: {  	v8 =	vsub.f32 $1.570796370e+00, v7;
	_ =	sdelay $0x1  }
0x4e4: {  	v7 =	vsel vm0, v8, v7  }
0x4e5: {  	v8 =	vsub.f32 $0.0e+00, v7  }
.Ltmp3:
0x4e6: {  	vm0 =	vlt.f32 v5, $0.0e+00;
	(pc) =	sbr.rel @p0 .LBB2_8-.Ltmp3, $3  }
0x4e7: {  	v5 =	vsel vm0, v8, v7  }
0x4e8: {  	v6 =	vadd.f32 v5, v6;
	_ =	sdelay $0x1  }
0x4e9: {  	s15 =	smov.u32 s13;
	s10 =	sadd.s32 $0x10, s10;
	s11 =	sadd.s32 $0x10, s11;
	v5 =	vmov s14;
	vm0 =	vgt.f32 v6, $3.141592740e+00;
	v7 =	vadd.f32 $-6.283185480e+00, v6  }
0x4ea: {  	v5 =	vshll.u32 v5, $0x7  }
0x4eb: {  	v5 =	vor.u32 v0, v5;
	v6 =	vsel vm0, v7, v6  }
0x4ec: {  	v8 =	vadd.f32 $6.283185480e+00, v6  }
0x4ed: {  	v7 =	vor.u32 $0x1, v5;
	vm0 =	vlt.f32 v6, $-3.141592740e+00  }
0x4ee: {  	v6 =	vsel vm0, v8, v6  }
0x4ef: {  	[tilespmem:s12+$0x0] =	vst v6  }
0x4f0: {  	v6 =	vld.idx.msk [tilespmem:v5+s29+$0x0], $0xffff  }
0x4f1: {  	v9 =	vor.u32 $0x2, v5;
	v11 =	vld.idx.msk [tilespmem:v5+s30+$0x0], $0xffff  }
0x4f2: {  	v10 =	vor.u32 $0x3, v5;
	v8 =	vld.idx.msk [tilespmem:v7+s30+$0x0], $0xffff  }
0x4f3: {  	v12 =	vld.idx.msk [tilespmem:v7+s29+$0x0], $0xffff;
	_ =	sdelay $0x2  }
0x4f4: {  	v13 =	vld.idx.msk [tilespmem:v9+s30+$0x0], $0xffff  }
0x4f5: {  	v14 =	vld.idx.msk [tilespmem:v10+s30+$0x0], $0xffff;
	v11 =	vsub.f32 v6, v11  }
0x4f6: {  	v8 =	vsub.f32 v12, v8  }
0x4f7: {  	v11 =	vmul.f32 $4.000000000e+00, v11  }
0x4f8: {  	v8 =	vmul.f32 $4.000000000e+00, v8  }
0x4f9: {  	v6 =	vadd.f32 v13, v6;
	v11 =	vmax.f32 v11, $0.0e+00  }
0x4fa: {  	v12 =	vadd.f32 v14, v12;
	v11 =	vmin.f32 v11, $1.280000000e+03;
	v8 =	vmax.f32 v8, $0.0e+00  }
0x4fb: {  	v6 =	vmul.f32 $4.000000000e+00, v6;
	[tilespmem:v5+s3+$0x0] =	vst.idx.msk $0xffff, v11;
	v8 =	vmin.f32 v8, $3.840000000e+02  }
0x4fc: {  	v48 =	vmul.f32 $4.000000000e+00, v12;
	[tilespmem:v7+s3+$0x0] =	vst.idx.msk $0xffff, v8  }
0x4fd: {  	[tilespmem:v9+s3+$0x0] =	vst.idx.msk $0xffff, v6  }
0x4fe: {  	[tilespmem:v10+s3+$0x0] =	vst.idx.msk $0xffff, v48  }
0x4ff: {  	v6 =	vld.idx.msk [tilespmem:v5+s31+$0x0], $0xffff;
	_ =	sdelay $0x4  }
0x500: {  	v6 =	vmul.f32 $1.442695020e+00, v6;
	_ =	sdelay $0x1  }
0x501: {  	(erf) = vpow2.f32 v6  }
0x502: {  	s8 =	sadd.s32 $0x10, s8  }
0x503: {  	v6 =	vld [tilespmem:s8+$0x0];
	_ =	sdelay $0x4  }
0x504: {  	vm0 =	veq.s32 v6, $0x1  }
0x505: {  	vm1 =	veq.s32 v6, $0x0;
	v6 =	vsel vm0, $0x3F6B7C6F, v1  }
0x506: {  	v6 =	vsel vm1, $0x409AD914, v6;
	v8 =	vpop (erf)  }
0x507: {  	v6 =	vmul.f32 v6, v8;
	_ =	sdelay $0x1  }
0x508: {  	[tilespmem:v5+s4+$0x0] =	vst.idx.msk $0xffff, v6  }
0x509: {  	v6 =	vld.idx.msk [tilespmem:v7+s31+$0x0], $0xffff;
	_ =	sdelay $0x4  }
0x50a: {  	v6 =	vmul.f32 $1.442695020e+00, v6;
	_ =	sdelay $0x1  }
0x50b: {  	(erf) = vpow2.f32 v6;
	_ =	sdelay $0x7  }
0x50c: {  	v6 =	vsel vm0, $0x3FE06312, v2  }
0x50d: {  	v6 =	vsel vm1, $0x3FE765A6, v6;
	v8 =	vpop (erf)  }
0x50e: {  	v6 =	vmul.f32 v8, v6;
	_ =	sdelay $0x1  }
0x50f: {  	[tilespmem:v7+s4+$0x0] =	vst.idx.msk $0xffff, v6  }
0x510: {  	v6 =	vld.idx.msk [tilespmem:v9+s31+$0x0], $0xffff;
	_ =	sdelay $0x4  }
0x511: {  	v6 =	vmul.f32 $1.442695020e+00, v6;
	_ =	sdelay $0x1  }
0x512: {  	(erf) = vpow2.f32 v6;
	_ =	sdelay $0x7  }
0x513: {  	v6 =	vsel vm0, $0x3F5CB9AB, v3  }
0x514: {  	v6 =	vsel vm1, $0x400766F1, v6;
	v8 =	vpop (erf)  }
0x515: {  	v6 =	vmul.f32 v8, v6;
	_ =	sdelay $0x1  }
0x516: {  	s12 =	sadd.s32 $0x10, s9;
	[tilespmem:v9+s4+$0x0] =	vst.idx.msk $0xffff, v6  }
0x517: {  	v6 =	vld [tilespmem:s12+$0x0];
	_ =	sdelay $0x4  }
0x518: {  	v6 =	vsub.f32 $0.0e+00, v6;
	_ =	sdelay $0x1  }
0x519: {  	v6 =	vmul.f32 $1.442695020e+00, v6;
	_ =	sdelay $0x1  }
0x51a: {  	(erf) = vpow2.f32 v6;
	_ =	sdelay $0x8  }
0x51b: {  	v6 =	vpop (erf)  }
0x51c: {  	v6 =	vmax.f32 v6, $1.000000010e-01  }
0x51d: {  	v6 =	vmin.f32 v6, $1.000000000e+02  }
0x51e: {  	v8 =	vor.u32 $0x4, v5;
	[tilespmem:s11+$0x0] =	vst v6  }
0x51f: {  	v6 =	vor.u32 $0x5, v5;
	v7 =	vld.idx.msk [tilespmem:v7+s0+$0x0], $0xffff  }
0x520: {  	v49 =	vor.u32 $0x7, v5;
	v11 =	vld.idx.msk [tilespmem:v5+s0+$0x0], $0xffff  }
0x521: {  	v50 =	vor.u32 $0x6, v5;
	v9 =	vld.idx.msk [tilespmem:v9+s0+$0x0], $0xffff  }
0x522: {  	v10 =	vld.idx.msk [tilespmem:v10+s0+$0x0], $0xffff  }
0x523: {  	v8 =	vld.idx.msk [tilespmem:v8+s0+$0x0], $0xffff  }
0x524: {  	v6 =	vld.idx.msk [tilespmem:v6+s0+$0x0], $0xffff  }
0x525: {  	v12 =	vld.idx.msk [tilespmem:v49+s0+$0x0], $0xffff  }
0x526: {  	v13 =	vld.idx.msk [tilespmem:v50+s0+$0x0], $0xffff  }
0x527: {  	v7 =	vsub.f32 v7, v11;
	v9 =	vsub.f32 v10, v9;
	_ =	sdelay $0x1  }
0x528: {  	vm0 =	vgt.f32 v9, v7;
	v6 =	vsub.f32 v6, v8  }
0x529: {  	v7 =	vsel vm0, v9, v7  }
0x52a: {  	v8 =	vsub.f32 v12, v13;
	vm1 =	vgt.f32 v6, v7  }
0x52b: {  	v51 =	vsel vm0, $0x1, v4;
	v6 =	vsel vm1, v6, v7  }
0x52c: {  	v7 =	vsel vm1, $0x2, v51;
	vm0 =	vgt.f32 v8, v6  }
0x52d: {  	v6 =	vsel vm0, $0x3, v7  }
0x52e: {  	v7 =	vshll.u32 v6, $0x1  }
0x52f: {  	v5 =	vor.u32 v5, v7  }
0x530: {  	v7 =	vor.u32 $0x9, v5;
	_ =	sdelay $0x4  }
0x531: {  	v7 =	vld.idx.msk [tilespmem:v7+s0+$0x0], $0xffff;
	_ =	sdelay $0x4  }
0x532: {  	v5 =	vor.u32 $0x8, v5;
	(erf) = vrcp.f32 v7;
	_ =	sdelay $0x4  }
0x533: {  	v5 =	vld.idx.msk [tilespmem:v5+s0+$0x0], $0xffff;
	_ =	sdelay $0x3  }
0x534: {  	v7 =	vpop (erf)  }
0x535: {  	v5 =	vmul.f32 v7, v5;
	_ =	sdelay $0x1  }
0x536: {  	v7 =	vand.u32 $0x7FFFFFFF, v5  }
0x537: {  	(erf) = vrcp.f32 v7;
	_ =	sdelay $0x8  }
0x538: {  	vm1 =	vgt.f32 v7, $1.000000000e+00;
	v8 =	vpop (erf)  }
0x539: {  	v7 =	vsel vm1, v8, v7  }
0x53a: {  	v8 =	vmul.f32 v7, v7;
	_ =	sdelay $0x1  }
0x53b: {  	v52 =	vmul.f32 $2.083509970e-02, v8;
	_ =	sdelay $0x1  }
0x53c: {  	v9 =	vadd.f32 $-8.513300120e-02, v52;
	_ =	sdelay $0x1  }
0x53d: {  	v9 =	vmul.f32 v9, v8;
	_ =	sdelay $0x1  }
0x53e: {  	v9 =	vadd.f32 $1.801410020e-01, v9;
	_ =	sdelay $0x1  }
0x53f: {  	v9 =	vmul.f32 v9, v8;
	_ =	sdelay $0x1  }
0x540: {  	v9 =	vadd.f32 $-3.302994970e-01, v9;
	_ =	sdelay $0x1  }
0x541: {  	v8 =	vmul.f32 v9, v8;
	_ =	sdelay $0x1  }
0x542: {  	v8 =	vadd.f32 $9.998660080e-01, v8;
	_ =	sdelay $0x1  }
0x543: {  	v7 =	vmul.f32 v8, v7;
	_ =	sdelay $0x1  }
0x544: {  	v8 =	vsub.f32 $1.570796370e+00, v7  }
0x545: {  	v6 =	vcvt.s32.f32 v6  }
0x546: {  	v7 =	vsel vm1, v8, v7  }
0x547: {  	v6 =	vmul.f32 $1.570796370e+00, v6;
	v8 =	vsub.f32 $0.0e+00, v7  }
0x548: {  	vm1 =	vlt.f32 v5, $0.0e+00  }
0x549: {  	v5 =	vsel vm0, $0xBFC90FDB, v6;
	v6 =	vsel vm1, v8, v7  }
0x54a: {  	v5 =	vadd.f32 v6, v5;
	_ =	sdelay $0x1  }
0x54b: {  	v6 =	vadd.f32 $-6.283185480e+00, v5  }
0x54c: {  	vm0 =	vgt.f32 v5, $3.141592740e+00  }
0x54d: {  	v5 =	vsel vm0, v6, v5  }
0x54e: {  	v6 =	vadd.f32 $6.283185480e+00, v5  }
0x54f: {  	vm0 =	vlt.f32 v5, $-3.141592740e+00  }
0x550: {  	s13 =	rddreg [dreg:$0x16];
	v5 =	vsel vm0, v6, v5  }
0x551: {  	s14 =	rddreg [dreg:$0x17];
	s8 =	simm.s32 $0x0;
	[tilespmem:s10+$0x0] =	vst v5  }
0x552: {  	[hbm4b:s13+s8] =	stream.linear.scatter [tilespmem:s3], [sflag:$0x2], $0x2800, $0x38;
	[tilespmem:$0x19A00] =	vst v63  }
0x553: {  	s15 =	sld [smem:$0x7F0]  }
0x554: {  	[hbm4b:s14+s8] =	stream.linear.scatter [tilespmem:s4], [sflag:$0x2], $0x2800, $0x38;
	[tilespmem:$0x19A00] =	vst v63  }
0x555: {  	s10 =	sld [smem:$0x7F1]  }
0x556: {  	[tilespmem:s29], [sflag:$0x1] =	stream.linear.gather [hbm4b:s15+s8], $0x2800, $0x38;
	[tilespmem:$0x19A00] =	vst v63  }
0x557: {  	s11 =	sld [smem:$0x7F2]  }
0x558: {  	[tilespmem:s30], [sflag:$0x1] =	stream.linear.gather [hbm4b:s10+s8], $0x2800, $0x38;
	[tilespmem:$0x19A00] =	vst v63  }
0x559: {  	s12 =	sld [smem:$0x7F3]  }
0x55a: {  	[tilespmem:s31], [sflag:$0x1] =	stream.linear.gather [hbm4b:s11+s8], $0x2800, $0x38;
	[tilespmem:$0x19A00] =	vst v63  }
0x55b: {  	_ = 	snop  }
0x55c: {  	[tilespmem:s0], [sflag:$0x1] =	stream.linear.gather [hbm4b:s12+s8], $0x2800, $0x38;
	[tilespmem:$0x19A00] =	vst v63  }
0x55d: {  	_ =	swait.ge [sflag:s2], $0x2800  }
0x55e: {  	[sflag:s2] =	ssyncset.done $0x0  }
0x55f: {  	[sflag:s2] =	ssyncadd.s32 $0xFFFFD800  }
0x560: {  	_ =	swait.ge [sflag:s2], $0x2800  }
0x561: {  	[sflag:s2] =	ssyncset.done $0x0  }
0x562: {  	[sflag:s2] =	ssyncadd.s32 $0xFFFFD800  }
0x563: {  	_ =	swait.ge [sflag:s2], $0x2800  }
0x564: {  	[sflag:s2] =	ssyncset.done $0x0  }
0x565: {  	[sflag:s2] =	ssyncadd.s32 $0xFFFFD800  }
0x566: {  	_ =	swait.ge [sflag:s2], $0x2800  }
0x567: {  	[sflag:s2] =	ssyncset.done $0x0  }
0x568: {  	v5 =	vmov s8;
	[sflag:s2] =	ssyncadd.s32 $0xFFFFD800  }
0x569: {  	v5 =	vshll.u32 v5, $0x7;
	_ =	swait.ge [sflag:s5], $0x2800  }
0x56a: {  	v5 =	vor.u32 v0, v5;
	[sflag:s5] =	ssyncset.done $0x0  }
0x56b: {  	v6 =	vor.u32 $0x1, v5;
	[sflag:s5] =	ssyncadd.s32 $0xFFFFD800  }
0x56c: {  	_ =	swait.ge [sflag:s5], $0x2800  }
0x56d: {  	[sflag:s5] =	ssyncset.done $0x0  }
0x56e: {  	[sflag:s5] =	ssyncadd.s32 $0xFFFFD800  }
0x56f: {  	v7 =	vld.idx.msk [tilespmem:v5+s1+$0x0], $0xffff  }
0x570: {  	v53 =	vor.u32 $0x2, v5;
	v8 =	vld.idx.msk [tilespmem:v6+s25+$0x0], $0xffff  }
0x571: {  	v54 =	vor.u32 $0x3, v5;
	v55 =	vld.idx.msk [tilespmem:v5+s25+$0x0], $0xffff  }
0x572: {  	v56 =	vld.idx.msk [tilespmem:v6+s1+$0x0], $0xffff;
	_ =	sdelay $0x2  }
0x573: {  	v57 =	vld.idx.msk [tilespmem:v53+s25+$0x0], $0xffff  }
0x574: {  	v58 =	vld.idx.msk [tilespmem:v54+s25+$0x0], $0xffff;
	v11 =	vsub.f32 v7, v55  }
0x575: {  	v8 =	vsub.f32 v56, v8  }
0x576: {  	v11 =	vmul.f32 $4.000000000e+00, v11  }
0x577: {  	v8 =	vmul.f32 $4.000000000e+00, v8  }
0x578: {  	v7 =	vadd.f32 v57, v7;
	v11 =	vmax.f32 v11, $0.0e+00  }
0x579: {  	v12 =	vadd.f32 v58, v56;
	v8 =	vmax.f32 v8, $0.0e+00;
	v11 =	vmin.f32 v11, $1.280000000e+03  }
0x57a: {  	v7 =	vmul.f32 $4.000000000e+00, v7;
	v8 =	vmin.f32 v8, $3.840000000e+02;
	[tilespmem:v5+s3+$0x0] =	vst.idx.msk $0xffff, v11  }
0x57b: {  	v59 =	vmul.f32 $4.000000000e+00, v12;
	[tilespmem:v6+s3+$0x0] =	vst.idx.msk $0xffff, v8  }
0x57c: {  	[tilespmem:v53+s3+$0x0] =	vst.idx.msk $0xffff, v7  }
0x57d: {  	[tilespmem:v54+s3+$0x0] =	vst.idx.msk $0xffff, v59  }
0x57e: {  	v7 =	vld.idx.msk [tilespmem:v5+s26+$0x0], $0xffff;
	_ =	sdelay $0x4  }
0x57f: {  	v7 =	vmul.f32 $1.442695020e+00, v7;
	_ =	sdelay $0x1  }
0x580: {  	(erf) = vpow2.f32 v7  }
0x581: {  	s8 =	simm.s32 $0x193C0  }
0x582: {  	v7 =	vld [tilespmem:s8+$0x0];
	_ =	sdelay $0x4  }
0x583: {  	vm0 =	veq.s32 v7, $0x1  }
0x584: {  	vm1 =	veq.s32 v7, $0x0;
	v7 =	vsel vm0, $0x3F6B7C6F, v1  }
0x585: {  	v7 =	vsel vm1, $0x409AD914, v7;
	v8 =	vpop (erf)  }
0x586: {  	v7 =	vmul.f32 v7, v8;
	_ =	sdelay $0x1  }
0x587: {  	[tilespmem:v5+s4+$0x0] =	vst.idx.msk $0xffff, v7  }
0x588: {  	v7 =	vld.idx.msk [tilespmem:v6+s26+$0x0], $0xffff;
	_ =	sdelay $0x4  }
0x589: {  	v7 =	vmul.f32 $1.442695020e+00, v7;
	_ =	sdelay $0x1  }
0x58a: {  	(erf) = vpow2.f32 v7;
	_ =	sdelay $0x7  }
0x58b: {  	v7 =	vsel vm0, $0x3FE06312, v2  }
0x58c: {  	v7 =	vsel vm1, $0x3FE765A6, v7;
	v8 =	vpop (erf)  }
0x58d: {  	v7 =	vmul.f32 v8, v7;
	_ =	sdelay $0x1  }
0x58e: {  	[tilespmem:v6+s4+$0x0] =	vst.idx.msk $0xffff, v7  }
0x58f: {  	v7 =	vld.idx.msk [tilespmem:v53+s26+$0x0], $0xffff;
	_ =	sdelay $0x4  }
0x590: {  	v7 =	vmul.f32 $1.442695020e+00, v7;
	_ =	sdelay $0x1  }
0x591: {  	(erf) = vpow2.f32 v7;
	_ =	sdelay $0x7  }
0x592: {  	v7 =	vsel vm0, $0x3F5CB9AB, v3  }
0x593: {  	v7 =	vsel vm1, $0x400766F1, v7;
	v8 =	vpop (erf)  }
0x594: {  	v7 =	vmul.f32 v8, v7;
	_ =	sdelay $0x1  }
0x595: {  	s9 =	simm.s32 $0x19140;
	[tilespmem:v53+s4+$0x0] =	vst.idx.msk $0xffff, v7  }
0x596: {  	v7 =	vld [tilespmem:s9+$0x0];
	_ =	sdelay $0x4  }
0x597: {  	v7 =	vsub.f32 $0.0e+00, v7;
	_ =	sdelay $0x1  }
0x598: {  	v7 =	vmul.f32 $1.442695020e+00, v7;
	_ =	sdelay $0x1  }
0x599: {  	(erf) = vpow2.f32 v7;
	_ =	sdelay $0x8  }
0x59a: {  	v7 =	vpop (erf)  }
0x59b: {  	v7 =	vmax.f32 v7, $1.000000010e-01  }
0x59c: {  	s13 =	simm.s32 $0x19640;
	v7 =	vmin.f32 v7, $1.000000000e+02  }
0x59d: {  	v8 =	vor.u32 $0x4, v5;
	[tilespmem:s13+$0x0] =	vst v7  }
0x59e: {  	v7 =	vor.u32 $0x5, v5;
	v6 =	vld.idx.msk [tilespmem:v6+s28+$0x0], $0xffff  }
0x59f: {  	v60 =	vor.u32 $0x7, v5;
	v11 =	vld.idx.msk [tilespmem:v5+s28+$0x0], $0xffff  }
0x5a0: {  	v61 =	vor.u32 $0x6, v5;
	v9 =	vld.idx.msk [tilespmem:v53+s28+$0x0], $0xffff  }
0x5a1: {  	v10 =	vld.idx.msk [tilespmem:v54+s28+$0x0], $0xffff  }
0x5a2: {  	v8 =	vld.idx.msk [tilespmem:v8+s28+$0x0], $0xffff  }
0x5a3: {  	v7 =	vld.idx.msk [tilespmem:v7+s28+$0x0], $0xffff  }
0x5a4: {  	v12 =	vld.idx.msk [tilespmem:v60+s28+$0x0], $0xffff  }
0x5a5: {  	v13 =	vld.idx.msk [tilespmem:v61+s28+$0x0], $0xffff  }
0x5a6: {  	v6 =	vsub.f32 v6, v11;
	v9 =	vsub.f32 v10, v9;
	_ =	sdelay $0x1  }
0x5a7: {  	vm0 =	vgt.f32 v9, v6;
	v7 =	vsub.f32 v7, v8  }
0x5a8: {  	v6 =	vsel vm0, v9, v6  }
0x5a9: {  	v8 =	vsub.f32 v12, v13;
	vm1 =	vgt.f32 v7, v6  }
0x5aa: {  	v62 =	vsel vm0, $0x1, v4;
	v6 =	vsel vm1, v7, v6  }
0x5ab: {  	v7 =	vsel vm1, $0x2, v62;
	vm0 =	vgt.f32 v8, v6  }
0x5ac: {  	v6 =	vsel vm0, $0x3, v7  }
0x5ad: {  	v7 =	vshll.u32 v6, $0x1  }
0x5ae: {  	v5 =	vor.u32 v5, v7  }
0x5af: {  	v7 =	vor.u32 $0x9, v5;
	_ =	sdelay $0x4  }
0x5b0: {  	v7 =	vld.idx.msk [tilespmem:v7+s28+$0x0], $0xffff;
	_ =	sdelay $0x4  }
0x5b1: {  	v5 =	vor.u32 $0x8, v5;
	(erf) = vrcp.f32 v7;
	_ =	sdelay $0x4  }
0x5b2: {  	v5 =	vld.idx.msk [tilespmem:v5+s28+$0x0], $0xffff;
	_ =	sdelay $0x3  }
0x5b3: {  	v7 =	vpop (erf)  }
0x5b4: {  	v5 =	vmul.f32 v7, v5;
	_ =	sdelay $0x1  }
0x5b5: {  	v7 =	vand.u32 $0x7FFFFFFF, v5  }
0x5b6: {  	(erf) = vrcp.f32 v7;
	_ =	sdelay $0x8  }
0x5b7: {  	vm1 =	vgt.f32 v7, $1.000000000e+00;
	v8 =	vpop (erf)  }
0x5b8: {  	v7 =	vsel vm1, v8, v7  }
0x5b9: {  	v8 =	vmul.f32 v7, v7;
	_ =	sdelay $0x1  }
0x5ba: {  	v63 =	vmul.f32 $2.083509970e-02, v8;
	_ =	sdelay $0x1  }
0x5bb: {  	v9 =	vadd.f32 $-8.513300120e-02, v63;
	_ =	sdelay $0x1  }
0x5bc: {  	v9 =	vmul.f32 v9, v8;
	_ =	sdelay $0x1  }
0x5bd: {  	v9 =	vadd.f32 $1.801410020e-01, v9;
	_ =	sdelay $0x1  }
0x5be: {  	v9 =	vmul.f32 v9, v8;
	_ =	sdelay $0x1  }
0x5bf: {  	v9 =	vadd.f32 $-3.302994970e-01, v9;
	_ =	sdelay $0x1  }
0x5c0: {  	v8 =	vmul.f32 v9, v8;
	_ =	sdelay $0x1  }
0x5c1: {  	v8 =	vadd.f32 $9.998660080e-01, v8;
	_ =	sdelay $0x1  }
0x5c2: {  	v7 =	vmul.f32 v8, v7;
	_ =	sdelay $0x1  }
0x5c3: {  	v8 =	vsub.f32 $1.570796370e+00, v7  }
0x5c4: {  	v6 =	vcvt.s32.f32 v6  }
0x5c5: {  	v7 =	vsel vm1, v8, v7  }
0x5c6: {  	v6 =	vmul.f32 $1.570796370e+00, v6;
	v8 =	vsub.f32 $0.0e+00, v7  }
0x5c7: {  	vm1 =	vlt.f32 v5, $0.0e+00  }
0x5c8: {  	v5 =	vsel vm0, $0xBFC90FDB, v6;
	v6 =	vsel vm1, v8, v7  }
0x5c9: {  	v6 =	vadd.f32 v6, v5  }
0x5ca: {  	s14 =	simm.s32 $0x10;
	s10 =	simm.s32 $0x198D0  }
0x5cb: {  	s15 =	simm.s32 $0x20;
	s11 =	simm.s32 $0x19650;
	s12 =	simm.s32 $0x198C0;
	v5 =	vmov s14;
	vm0 =	vgt.f32 v6, $3.141592740e+00;
	v7 =	vadd.f32 $-6.283185480e+00, v6  }
.LBB2_10:
0x5cc: {  	s8 =	sadd.s32 $0x10, s8  }
0x5cd: {  	v5 =	vshll.u32 v5, $0x7;
	s9 =	sadd.s32 $0x10, s9;
	s14 =	smov.u32 s15;
	s13 =	sadd.s32 $0x10, s15  }
0x5ce: {  	p0 =	sne.s32 s15, $0x40;
	v5 =	vor.u32 v0, v5;
	v8 =	vsel vm0, v7, v6  }
0x5cf: {  	v7 =	vor.u32 $0x1, v5;
	v9 =	vadd.f32 $6.283185480e+00, v8  }
0x5d0: {  	vm0 =	vlt.f32 v8, $-3.141592740e+00  }
0x5d1: {  	v6 =	vor.u32 $0x3, v5;
	v8 =	vsel vm0, v9, v8  }
0x5d2: {  	[tilespmem:s12+$0x0] =	vst v8;
	s12 =	smov.u32 s10  }
0x5d3: {  	v9 =	vld.idx.msk [tilespmem:v5+s1+$0x0], $0xffff  }
0x5d4: {  	v8 =	vor.u32 $0x2, v5;
	v10 =	vld.idx.msk [tilespmem:v7+s25+$0x0], $0xffff  }
0x5d5: {  	v11 =	vld.idx.msk [tilespmem:v5+s25+$0x0], $0xffff  }
0x5d6: {  	v12 =	vld.idx.msk [tilespmem:v7+s1+$0x0], $0xffff  }
0x5d7: {  	v13 =	vld.idx.msk [tilespmem:v6+s25+$0x0], $0xffff;
	_ =	sdelay $0x1  }
0x5d8: {  	v14 =	vld.idx.msk [tilespmem:v8+s25+$0x0], $0xffff;
	_ =	sdelay $0x1  }
0x5d9: {  	v11 =	vsub.f32 v9, v11  }
0x5da: {  	v10 =	vsub.f32 v12, v10  }
0x5db: {  	v11 =	vmul.f32 $4.000000000e+00, v11;
	v12 =	vadd.f32 v13, v12  }
0x5dc: {  	v10 =	vmul.f32 $4.000000000e+00, v10  }
0x5dd: {  	v9 =	vadd.f32 v14, v9;
	v11 =	vmax.f32 v11, $0.0e+00  }
0x5de: {  	v11 =	vmin.f32 v11, $1.280000000e+03;
	v10 =	vmax.f32 v10, $0.0e+00  }
0x5df: {  	v9 =	vmul.f32 $4.000000000e+00, v9;
	v10 =	vmin.f32 v10, $3.840000000e+02;
	[tilespmem:v5+s3+$0x0] =	vst.idx.msk $0xffff, v11  }
0x5e0: {  	v11 =	vmul.f32 $4.000000000e+00, v12;
	[tilespmem:v7+s3+$0x0] =	vst.idx.msk $0xffff, v10  }
0x5e1: {  	[tilespmem:v8+s3+$0x0] =	vst.idx.msk $0xffff, v9  }
0x5e2: {  	[tilespmem:v6+s3+$0x0] =	vst.idx.msk $0xffff, v11  }
0x5e3: {  	v9 =	vld.idx.msk [tilespmem:v5+s26+$0x0], $0xffff;
	_ =	sdelay $0x5  }
0x5e4: {  	v9 =	vmul.f32 $1.442695020e+00, v9;
	_ =	sdelay $0x1  }
0x5e5: {  	(erf) = vpow2.f32 v9;
	_ =	sdelay $0x1  }
0x5e6: {  	v9 =	vld [tilespmem:s8+$0x0];
	_ =	sdelay $0x4  }
0x5e7: {  	vm0 =	veq.s32 v9, $0x1  }
0x5e8: {  	vm1 =	veq.s32 v9, $0x0;
	v9 =	vsel vm0, $0x3F6B7C6F, v1;
	v10 =	vsel vm0, $0x3FE06312, v2  }
0x5e9: {  	v11 =	vsel vm0, $0x3F5CB9AB, v3;
	v9 =	vsel vm1, $0x409AD914, v9;
	v10 =	vsel vm1, $0x3FE765A6, v10;
	v12 =	vpop (erf)  }
0x5ea: {  	v11 =	vsel vm1, $0x400766F1, v11;
	v9 =	vmul.f32 v9, v12;
	_ =	sdelay $0x1  }
0x5eb: {  	[tilespmem:v5+s4+$0x0] =	vst.idx.msk $0xffff, v9  }
0x5ec: {  	v9 =	vld.idx.msk [tilespmem:v7+s26+$0x0], $0xffff;
	_ =	sdelay $0x5  }
0x5ed: {  	v9 =	vmul.f32 $1.442695020e+00, v9;
	_ =	sdelay $0x1  }
0x5ee: {  	(erf) = vpow2.f32 v9;
	_ =	sdelay $0x8  }
0x5ef: {  	v9 =	vpop (erf)  }
0x5f0: {  	v9 =	vmul.f32 v9, v10;
	_ =	sdelay $0x1  }
0x5f1: {  	[tilespmem:v7+s4+$0x0] =	vst.idx.msk $0xffff, v9  }
0x5f2: {  	v9 =	vld.idx.msk [tilespmem:v8+s26+$0x0], $0xffff;
	_ =	sdelay $0x5  }
0x5f3: {  	v9 =	vmul.f32 $1.442695020e+00, v9;
	_ =	sdelay $0x1  }
0x5f4: {  	(erf) = vpow2.f32 v9;
	_ =	sdelay $0x8  }
0x5f5: {  	v9 =	vpop (erf)  }
0x5f6: {  	v9 =	vmul.f32 v9, v11;
	_ =	sdelay $0x1  }
0x5f7: {  	[tilespmem:v8+s4+$0x0] =	vst.idx.msk $0xffff, v9  }
0x5f8: {  	v9 =	vld [tilespmem:s9+$0x0];
	_ =	sdelay $0x4  }
0x5f9: {  	v9 =	vsub.f32 $0.0e+00, v9;
	_ =	sdelay $0x1  }
0x5fa: {  	v9 =	vmul.f32 $1.442695020e+00, v9;
	_ =	sdelay $0x1  }
0x5fb: {  	(erf) = vpow2.f32 v9;
	_ =	sdelay $0x8  }
0x5fc: {  	v9 =	vpop (erf)  }
0x5fd: {  	v9 =	vmax.f32 v9, $1.000000010e-01  }
0x5fe: {  	v9 =	vmin.f32 v9, $1.000000000e+02  }
0x5ff: {  	[tilespmem:s11+$0x0] =	vst v9;
	v9 =	vor.u32 $0x5, v5  }
0x600: {  	v10 =	vor.u32 $0x4, v5;
	v7 =	vld.idx.msk [tilespmem:v7+s28+$0x0], $0xffff  }
0x601: {  	v12 =	vor.u32 $0x7, v5;
	v11 =	vld.idx.msk [tilespmem:v5+s28+$0x0], $0xffff  }
0x602: {  	v13 =	vor.u32 $0x6, v5;
	v8 =	vld.idx.msk [tilespmem:v8+s28+$0x0], $0xffff  }
0x603: {  	v6 =	vld.idx.msk [tilespmem:v6+s28+$0x0], $0xffff  }
0x604: {  	v9 =	vld.idx.msk [tilespmem:v9+s28+$0x0], $0xffff  }
0x605: {  	v10 =	vld.idx.msk [tilespmem:v10+s28+$0x0], $0xffff  }
0x606: {  	v12 =	vld.idx.msk [tilespmem:v12+s28+$0x0], $0xffff  }
0x607: {  	v13 =	vld.idx.msk [tilespmem:v13+s28+$0x0], $0xffff;
	_ =	sdelay $0x1  }
0x608: {  	v7 =	vsub.f32 v7, v11;
	v6 =	vsub.f32 v6, v8;
	_ =	sdelay $0x1  }
0x609: {  	vm0 =	vgt.f32 v6, v7;
	v8 =	vsub.f32 v9, v10  }
0x60a: {  	v6 =	vsel vm0, v6, v7  }
0x60b: {  	vm1 =	vgt.f32 v8, v6;
	v7 =	vsub.f32 v12, v13  }
0x60c: {  	v9 =	vsel vm0, $0x1, v4;
	v6 =	vsel vm1, v8, v6  }
0x60d: {  	v8 =	vsel vm1, $0x2, v9;
	vm0 =	vgt.f32 v7, v6  }
0x60e: {  	v6 =	vsel vm0, $0x3, v8  }
0x60f: {  	v7 =	vshll.u32 v6, $0x1;
	v6 =	vcvt.s32.f32 v6  }
0x610: {  	v5 =	vor.u32 v5, v7  }
0x611: {  	v7 =	vor.u32 $0x8, v5;
	v5 =	vor.u32 $0x9, v5;
	v6 =	vmul.f32 $1.570796370e+00, v6;
	_ =	sdelay $0x1  }
0x612: {  	v6 =	vsel vm0, $0xBFC90FDB, v6;
	_ =	sdelay $0x2  }
0x613: {  	v5 =	vld.idx.msk [tilespmem:v5+s28+$0x0], $0xffff  }
0x614: {  	v7 =	vld.idx.msk [tilespmem:v7+s28+$0x0], $0xffff;
	_ =	sdelay $0x4  }
0x615: {  	(erf) = vrcp.f32 v5;
	_ =	sdelay $0x8  }
0x616: {  	v5 =	vpop (erf)  }
0x617: {  	v5 =	vmul.f32 v5, v7;
	_ =	sdelay $0x1  }
0x618: {  	v7 =	vand.u32 $0x7FFFFFFF, v5  }
0x619: {  	(erf) = vrcp.f32 v7;
	_ =	sdelay $0x8  }
0x61a: {  	vm0 =	vgt.f32 v7, $1.000000000e+00;
	v8 =	vpop (erf)  }
0x61b: {  	v7 =	vsel vm0, v8, v7  }
0x61c: {  	v8 =	vmul.f32 v7, v7;
	_ =	sdelay $0x1  }
0x61d: {  	v9 =	vmul.f32 $2.083509970e-02, v8;
	_ =	sdelay $0x1  }
0x61e: {  	v9 =	vadd.f32 $-8.513300120e-02, v9;
	_ =	sdelay $0x1  }
0x61f: {  	v9 =	vmul.f32 v9, v8;
	_ =	sdelay $0x1  }
0x620: {  	v9 =	vadd.f32 $1.801410020e-01, v9;
	_ =	sdelay $0x1  }
0x621: {  	v9 =	vmul.f32 v9, v8;
	_ =	sdelay $0x1  }
0x622: {  	v9 =	vadd.f32 $-3.302994970e-01, v9;
	_ =	sdelay $0x1  }
0x623: {  	v8 =	vmul.f32 v9, v8;
	_ =	sdelay $0x1  }
0x624: {  	v8 =	vadd.f32 $9.998660080e-01, v8;
	_ =	sdelay $0x1  }
0x625: {  	v7 =	vmul.f32 v8, v7;
	_ =	sdelay $0x1  }
0x626: {  	v8 =	vsub.f32 $1.570796370e+00, v7;
	_ =	sdelay $0x1  }
0x627: {  	v7 =	vsel vm0, v8, v7  }
0x628: {  	v8 =	vsub.f32 $0.0e+00, v7  }
.Ltmp4:
0x629: {  	vm0 =	vlt.f32 v5, $0.0e+00;
	(pc) =	sbr.rel @p0 .LBB2_10-.Ltmp4, $3  }
0x62a: {  	v5 =	vsel vm0, v8, v7  }
0x62b: {  	v6 =	vadd.f32 v5, v6;
	_ =	sdelay $0x1  }
0x62c: {  	s15 =	smov.u32 s13;
	s10 =	sadd.s32 $0x10, s10;
	s11 =	sadd.s32 $0x10, s11;
	v5 =	vmov s14;
	vm0 =	vgt.f32 v6, $3.141592740e+00;
	v7 =	vadd.f32 $-6.283185480e+00, v6  }
0x62d: {  	v5 =	vshll.u32 v5, $0x7  }
0x62e: {  	v5 =	vor.u32 v0, v5;
	v6 =	vsel vm0, v7, v6  }
0x62f: {  	v8 =	vadd.f32 $6.283185480e+00, v6  }
0x630: {  	v7 =	vor.u32 $0x1, v5;
	vm0 =	vlt.f32 v6, $-3.141592740e+00  }
0x631: {  	v6 =	vsel vm0, v8, v6  }
0x632: {  	[tilespmem:s12+$0x0] =	vst v6  }
0x633: {  	v6 =	vld.idx.msk [tilespmem:v5+s1+$0x0], $0xffff  }
0x634: {  	v9 =	vor.u32 $0x2, v5;
	v11 =	vld.idx.msk [tilespmem:v5+s25+$0x0], $0xffff  }
0x635: {  	v10 =	vor.u32 $0x3, v5;
	v8 =	vld.idx.msk [tilespmem:v7+s25+$0x0], $0xffff  }
0x636: {  	v12 =	vld.idx.msk [tilespmem:v7+s1+$0x0], $0xffff;
	_ =	sdelay $0x2  }
0x637: {  	v13 =	vld.idx.msk [tilespmem:v9+s25+$0x0], $0xffff  }
0x638: {  	v14 =	vld.idx.msk [tilespmem:v10+s25+$0x0], $0xffff;
	v11 =	vsub.f32 v6, v11  }
0x639: {  	v8 =	vsub.f32 v12, v8  }
0x63a: {  	v11 =	vmul.f32 $4.000000000e+00, v11  }
0x63b: {  	v8 =	vmul.f32 $4.000000000e+00, v8  }
0x63c: {  	v6 =	vadd.f32 v13, v6;
	v11 =	vmax.f32 v11, $0.0e+00  }
0x63d: {  	v12 =	vadd.f32 v14, v12;
	v11 =	vmin.f32 v11, $1.280000000e+03;
	v8 =	vmax.f32 v8, $0.0e+00  }
0x63e: {  	v6 =	vmul.f32 $4.000000000e+00, v6;
	[tilespmem:v5+s3+$0x0] =	vst.idx.msk $0xffff, v11;
	v8 =	vmin.f32 v8, $3.840000000e+02  }
0x63f: {  	v48 =	vmul.f32 $4.000000000e+00, v12;
	[tilespmem:v7+s3+$0x0] =	vst.idx.msk $0xffff, v8  }
0x640: {  	[tilespmem:v9+s3+$0x0] =	vst.idx.msk $0xffff, v6  }
0x641: {  	[tilespmem:v10+s3+$0x0] =	vst.idx.msk $0xffff, v48  }
0x642: {  	v6 =	vld.idx.msk [tilespmem:v5+s26+$0x0], $0xffff;
	_ =	sdelay $0x4  }
0x643: {  	v6 =	vmul.f32 $1.442695020e+00, v6;
	_ =	sdelay $0x1  }
0x644: {  	(erf) = vpow2.f32 v6  }
0x645: {  	s8 =	sadd.s32 $0x10, s8  }
0x646: {  	v6 =	vld [tilespmem:s8+$0x0];
	_ =	sdelay $0x4  }
0x647: {  	vm0 =	veq.s32 v6, $0x1  }
0x648: {  	vm1 =	veq.s32 v6, $0x0;
	v6 =	vsel vm0, $0x3F6B7C6F, v1  }
0x649: {  	v6 =	vsel vm1, $0x409AD914, v6;
	v8 =	vpop (erf)  }
0x64a: {  	v6 =	vmul.f32 v6, v8;
	_ =	sdelay $0x1  }
0x64b: {  	[tilespmem:v5+s4+$0x0] =	vst.idx.msk $0xffff, v6  }
0x64c: {  	v6 =	vld.idx.msk [tilespmem:v7+s26+$0x0], $0xffff;
	_ =	sdelay $0x4  }
0x64d: {  	v6 =	vmul.f32 $1.442695020e+00, v6;
	_ =	sdelay $0x1  }
0x64e: {  	(erf) = vpow2.f32 v6;
	_ =	sdelay $0x7  }
0x64f: {  	v6 =	vsel vm0, $0x3FE06312, v2  }
0x650: {  	v6 =	vsel vm1, $0x3FE765A6, v6;
	v8 =	vpop (erf)  }
0x651: {  	v6 =	vmul.f32 v8, v6;
	_ =	sdelay $0x1  }
0x652: {  	[tilespmem:v7+s4+$0x0] =	vst.idx.msk $0xffff, v6  }
0x653: {  	v6 =	vld.idx.msk [tilespmem:v9+s26+$0x0], $0xffff;
	_ =	sdelay $0x4  }
0x654: {  	v6 =	vmul.f32 $1.442695020e+00, v6;
	_ =	sdelay $0x1  }
0x655: {  	(erf) = vpow2.f32 v6;
	_ =	sdelay $0x7  }
0x656: {  	v6 =	vsel vm0, $0x3F5CB9AB, v3  }
0x657: {  	v6 =	vsel vm1, $0x400766F1, v6;
	v8 =	vpop (erf)  }
0x658: {  	v6 =	vmul.f32 v8, v6;
	_ =	sdelay $0x1  }
0x659: {  	s12 =	sadd.s32 $0x10, s9;
	[tilespmem:v9+s4+$0x0] =	vst.idx.msk $0xffff, v6  }
0x65a: {  	v6 =	vld [tilespmem:s12+$0x0];
	_ =	sdelay $0x4  }
0x65b: {  	v6 =	vsub.f32 $0.0e+00, v6;
	_ =	sdelay $0x1  }
0x65c: {  	v6 =	vmul.f32 $1.442695020e+00, v6;
	_ =	sdelay $0x1  }
0x65d: {  	(erf) = vpow2.f32 v6;
	_ =	sdelay $0x8  }
0x65e: {  	v6 =	vpop (erf)  }
0x65f: {  	v6 =	vmax.f32 v6, $1.000000010e-01  }
0x660: {  	v6 =	vmin.f32 v6, $1.000000000e+02  }
0x661: {  	v8 =	vor.u32 $0x4, v5;
	[tilespmem:s11+$0x0] =	vst v6  }
0x662: {  	v6 =	vor.u32 $0x5, v5;
	v7 =	vld.idx.msk [tilespmem:v7+s28+$0x0], $0xffff  }
0x663: {  	v49 =	vor.u32 $0x7, v5;
	v11 =	vld.idx.msk [tilespmem:v5+s28+$0x0], $0xffff  }
0x664: {  	v50 =	vor.u32 $0x6, v5;
	v9 =	vld.idx.msk [tilespmem:v9+s28+$0x0], $0xffff  }
0x665: {  	v10 =	vld.idx.msk [tilespmem:v10+s28+$0x0], $0xffff  }
0x666: {  	v8 =	vld.idx.msk [tilespmem:v8+s28+$0x0], $0xffff  }
0x667: {  	v6 =	vld.idx.msk [tilespmem:v6+s28+$0x0], $0xffff  }
0x668: {  	v12 =	vld.idx.msk [tilespmem:v49+s28+$0x0], $0xffff  }
0x669: {  	v13 =	vld.idx.msk [tilespmem:v50+s28+$0x0], $0xffff  }
0x66a: {  	v7 =	vsub.f32 v7, v11;
	v9 =	vsub.f32 v10, v9;
	_ =	sdelay $0x1  }
0x66b: {  	vm0 =	vgt.f32 v9, v7;
	v6 =	vsub.f32 v6, v8  }
0x66c: {  	v7 =	vsel vm0, v9, v7  }
0x66d: {  	v8 =	vsub.f32 v12, v13;
	vm1 =	vgt.f32 v6, v7  }
0x66e: {  	v51 =	vsel vm0, $0x1, v4;
	v6 =	vsel vm1, v6, v7  }
0x66f: {  	v7 =	vsel vm1, $0x2, v51;
	vm0 =	vgt.f32 v8, v6  }
0x670: {  	v6 =	vsel vm0, $0x3, v7  }
0x671: {  	v7 =	vshll.u32 v6, $0x1  }
0x672: {  	v5 =	vor.u32 v5, v7  }
0x673: {  	v7 =	vor.u32 $0x9, v5;
	_ =	sdelay $0x4  }
0x674: {  	v7 =	vld.idx.msk [tilespmem:v7+s28+$0x0], $0xffff;
	_ =	sdelay $0x4  }
0x675: {  	v5 =	vor.u32 $0x8, v5;
	(erf) = vrcp.f32 v7;
	_ =	sdelay $0x4  }
0x676: {  	v5 =	vld.idx.msk [tilespmem:v5+s28+$0x0], $0xffff;
	_ =	sdelay $0x3  }
0x677: {  	v7 =	vpop (erf)  }
0x678: {  	v5 =	vmul.f32 v7, v5;
	_ =	sdelay $0x1  }
0x679: {  	v7 =	vand.u32 $0x7FFFFFFF, v5  }
0x67a: {  	(erf) = vrcp.f32 v7;
	_ =	sdelay $0x8  }
0x67b: {  	vm1 =	vgt.f32 v7, $1.000000000e+00;
	v8 =	vpop (erf)  }
0x67c: {  	v7 =	vsel vm1, v8, v7  }
0x67d: {  	v8 =	vmul.f32 v7, v7;
	_ =	sdelay $0x1  }
0x67e: {  	v52 =	vmul.f32 $2.083509970e-02, v8;
	_ =	sdelay $0x1  }
0x67f: {  	v9 =	vadd.f32 $-8.513300120e-02, v52;
	_ =	sdelay $0x1  }
0x680: {  	v9 =	vmul.f32 v9, v8;
	_ =	sdelay $0x1  }
0x681: {  	v9 =	vadd.f32 $1.801410020e-01, v9;
	_ =	sdelay $0x1  }
0x682: {  	v9 =	vmul.f32 v9, v8;
	_ =	sdelay $0x1  }
0x683: {  	v9 =	vadd.f32 $-3.302994970e-01, v9;
	_ =	sdelay $0x1  }
0x684: {  	v8 =	vmul.f32 v9, v8;
	_ =	sdelay $0x1  }
0x685: {  	v8 =	vadd.f32 $9.998660080e-01, v8;
	_ =	sdelay $0x1  }
0x686: {  	v7 =	vmul.f32 v8, v7;
	_ =	sdelay $0x1  }
0x687: {  	v8 =	vsub.f32 $1.570796370e+00, v7  }
0x688: {  	v6 =	vcvt.s32.f32 v6  }
0x689: {  	v7 =	vsel vm1, v8, v7  }
0x68a: {  	v6 =	vmul.f32 $1.570796370e+00, v6;
	v8 =	vsub.f32 $0.0e+00, v7  }
0x68b: {  	vm1 =	vlt.f32 v5, $0.0e+00  }
0x68c: {  	v5 =	vsel vm0, $0xBFC90FDB, v6;
	v6 =	vsel vm1, v8, v7  }
0x68d: {  	v5 =	vadd.f32 v6, v5;
	_ =	sdelay $0x1  }
0x68e: {  	v6 =	vadd.f32 $-6.283185480e+00, v5  }
0x68f: {  	vm0 =	vgt.f32 v5, $3.141592740e+00  }
0x690: {  	v5 =	vsel vm0, v6, v5  }
0x691: {  	v6 =	vadd.f32 $6.283185480e+00, v5  }
0x692: {  	vm0 =	vlt.f32 v5, $-3.141592740e+00  }
0x693: {  	s13 =	rddreg [dreg:$0x1c];
	v5 =	vsel vm0, v6, v5  }
0x694: {  	s14 =	rddreg [dreg:$0x1d];
	s8 =	simm.s32 $0x0;
	[tilespmem:s10+$0x0] =	vst v5  }
0x695: {  	[hbm4b:s13+s8] =	stream.linear.scatter [tilespmem:s3], [sflag:$0x2], $0x2800, $0x38;
	[tilespmem:$0x19A00] =	vst v63  }
0x696: {  	s15 =	sld [smem:$0x7F6]  }
0x697: {  	[hbm4b:s14+s8] =	stream.linear.scatter [tilespmem:s4], [sflag:$0x2], $0x2800, $0x38;
	[tilespmem:$0x19A00] =	vst v63  }
0x698: {  	s10 =	sld [smem:$0x7F8]  }
0x699: {  	[tilespmem:s8], [sflag:$0x1] =	stream.linear.gather [hbm4b:s15+s8], $0x2800, $0x38;
	[tilespmem:$0x19A00] =	vst v63  }
0x69a: {  	s11 =	sld [smem:$0x7FA]  }
0x69b: {  	[tilespmem:s25], [sflag:$0x1] =	stream.linear.gather [hbm4b:s10+s8], $0x2800, $0x38;
	[tilespmem:$0x19A00] =	vst v63  }
0x69c: {  	s12 =	sld [smem:$0x7FC]  }
0x69d: {  	[tilespmem:s26], [sflag:$0x1] =	stream.linear.gather [hbm4b:s11+s8], $0x2800, $0x38;
	[tilespmem:$0x19A00] =	vst v63  }
0x69e: {  	_ = 	snop  }
0x69f: {  	[tilespmem:s28], [sflag:$0x1] =	stream.linear.gather [hbm4b:s12+s8], $0x2800, $0x38;
	[tilespmem:$0x19A00] =	vst v63  }
0x6a0: {  	_ =	swait.ge [sflag:s2], $0x2800  }
0x6a1: {  	[sflag:s2] =	ssyncset.done $0x0  }
0x6a2: {  	[sflag:s2] =	ssyncadd.s32 $0xFFFFD800  }
0x6a3: {  	_ =	swait.ge [sflag:s2], $0x2800  }
0x6a4: {  	[sflag:s2] =	ssyncset.done $0x0  }
0x6a5: {  	[sflag:s2] =	ssyncadd.s32 $0xFFFFD800  }
0x6a6: {  	_ =	swait.ge [sflag:s2], $0x2800  }
0x6a7: {  	[sflag:s2] =	ssyncset.done $0x0  }
0x6a8: {  	[sflag:s2] =	ssyncadd.s32 $0xFFFFD800  }
0x6a9: {  	_ =	swait.ge [sflag:s2], $0x2800  }
0x6aa: {  	[sflag:s2] =	ssyncset.done $0x0  }
0x6ab: {  	v5 =	vmov s8;
	[sflag:s2] =	ssyncadd.s32 $0xFFFFD800  }
0x6ac: {  	v5 =	vshll.u32 v5, $0x7;
	_ =	swait.ge [sflag:s5], $0x2800  }
0x6ad: {  	v5 =	vor.u32 v0, v5;
	[sflag:s5] =	ssyncset.done $0x0  }
0x6ae: {  	v6 =	vor.u32 $0x1, v5;
	[sflag:s5] =	ssyncadd.s32 $0xFFFFD800  }
0x6af: {  	_ =	swait.ge [sflag:s5], $0x2800  }
0x6b0: {  	[sflag:s5] =	ssyncset.done $0x0  }
0x6b1: {  	[sflag:s5] =	ssyncadd.s32 $0xFFFFD800  }
0x6b2: {  	v7 =	vld.idx.msk [tilespmem:v5+s29+$0x0], $0xffff  }
0x6b3: {  	v53 =	vor.u32 $0x2, v5;
	v8 =	vld.idx.msk [tilespmem:v6+s30+$0x0], $0xffff  }
0x6b4: {  	v54 =	vor.u32 $0x3, v5;
	v55 =	vld.idx.msk [tilespmem:v5+s30+$0x0], $0xffff  }
0x6b5: {  	v56 =	vld.idx.msk [tilespmem:v6+s29+$0x0], $0xffff;
	_ =	sdelay $0x2  }
0x6b6: {  	v57 =	vld.idx.msk [tilespmem:v53+s30+$0x0], $0xffff  }
0x6b7: {  	v58 =	vld.idx.msk [tilespmem:v54+s30+$0x0], $0xffff;
	v11 =	vsub.f32 v7, v55  }
0x6b8: {  	v8 =	vsub.f32 v56, v8  }
0x6b9: {  	v11 =	vmul.f32 $4.000000000e+00, v11  }
0x6ba: {  	v8 =	vmul.f32 $4.000000000e+00, v8  }
0x6bb: {  	v7 =	vadd.f32 v57, v7;
	v11 =	vmax.f32 v11, $0.0e+00  }
0x6bc: {  	v12 =	vadd.f32 v58, v56;
	v8 =	vmax.f32 v8, $0.0e+00;
	v11 =	vmin.f32 v11, $1.280000000e+03  }
0x6bd: {  	v7 =	vmul.f32 $4.000000000e+00, v7;
	v8 =	vmin.f32 v8, $3.840000000e+02;
	[tilespmem:v5+s3+$0x0] =	vst.idx.msk $0xffff, v11  }
0x6be: {  	v59 =	vmul.f32 $4.000000000e+00, v12;
	[tilespmem:v6+s3+$0x0] =	vst.idx.msk $0xffff, v8  }
0x6bf: {  	[tilespmem:v53+s3+$0x0] =	vst.idx.msk $0xffff, v7  }
0x6c0: {  	[tilespmem:v54+s3+$0x0] =	vst.idx.msk $0xffff, v59  }
0x6c1: {  	v7 =	vld.idx.msk [tilespmem:v5+s31+$0x0], $0xffff;
	_ =	sdelay $0x4  }
0x6c2: {  	v7 =	vmul.f32 $1.442695020e+00, v7;
	_ =	sdelay $0x1  }
0x6c3: {  	(erf) = vpow2.f32 v7  }
0x6c4: {  	s8 =	simm.s32 $0x19410  }
0x6c5: {  	v7 =	vld [tilespmem:s8+$0x0];
	_ =	sdelay $0x4  }
0x6c6: {  	vm0 =	veq.s32 v7, $0x1  }
0x6c7: {  	vm1 =	veq.s32 v7, $0x0;
	v7 =	vsel vm0, $0x3F6B7C6F, v1  }
0x6c8: {  	v7 =	vsel vm1, $0x409AD914, v7;
	v8 =	vpop (erf)  }
0x6c9: {  	v7 =	vmul.f32 v7, v8;
	_ =	sdelay $0x1  }
0x6ca: {  	[tilespmem:v5+s4+$0x0] =	vst.idx.msk $0xffff, v7  }
0x6cb: {  	v7 =	vld.idx.msk [tilespmem:v6+s31+$0x0], $0xffff;
	_ =	sdelay $0x4  }
0x6cc: {  	v7 =	vmul.f32 $1.442695020e+00, v7;
	_ =	sdelay $0x1  }
0x6cd: {  	(erf) = vpow2.f32 v7;
	_ =	sdelay $0x7  }
0x6ce: {  	v7 =	vsel vm0, $0x3FE06312, v2  }
0x6cf: {  	v7 =	vsel vm1, $0x3FE765A6, v7;
	v8 =	vpop (erf)  }
0x6d0: {  	v7 =	vmul.f32 v8, v7;
	_ =	sdelay $0x1  }
0x6d1: {  	[tilespmem:v6+s4+$0x0] =	vst.idx.msk $0xffff, v7  }
0x6d2: {  	v7 =	vld.idx.msk [tilespmem:v53+s31+$0x0], $0xffff;
	_ =	sdelay $0x4  }
0x6d3: {  	v7 =	vmul.f32 $1.442695020e+00, v7;
	_ =	sdelay $0x1  }
0x6d4: {  	(erf) = vpow2.f32 v7;
	_ =	sdelay $0x7  }
0x6d5: {  	v7 =	vsel vm0, $0x3F5CB9AB, v3  }
0x6d6: {  	v7 =	vsel vm1, $0x400766F1, v7;
	v8 =	vpop (erf)  }
0x6d7: {  	v7 =	vmul.f32 v8, v7;
	_ =	sdelay $0x1  }
0x6d8: {  	s9 =	simm.s32 $0x19190;
	[tilespmem:v53+s4+$0x0] =	vst.idx.msk $0xffff, v7  }
0x6d9: {  	v7 =	vld [tilespmem:s9+$0x0];
	_ =	sdelay $0x4  }
0x6da: {  	v7 =	vsub.f32 $0.0e+00, v7;
	_ =	sdelay $0x1  }
0x6db: {  	v7 =	vmul.f32 $1.442695020e+00, v7;
	_ =	sdelay $0x1  }
0x6dc: {  	(erf) = vpow2.f32 v7;
	_ =	sdelay $0x8  }
0x6dd: {  	v7 =	vpop (erf)  }
0x6de: {  	v7 =	vmax.f32 v7, $1.000000010e-01  }
0x6df: {  	s13 =	simm.s32 $0x19690;
	v7 =	vmin.f32 v7, $1.000000000e+02  }
0x6e0: {  	v8 =	vor.u32 $0x4, v5;
	[tilespmem:s13+$0x0] =	vst v7  }
0x6e1: {  	v7 =	vor.u32 $0x5, v5;
	v6 =	vld.idx.msk [tilespmem:v6+s0+$0x0], $0xffff  }
0x6e2: {  	v60 =	vor.u32 $0x7, v5;
	v11 =	vld.idx.msk [tilespmem:v5+s0+$0x0], $0xffff  }
0x6e3: {  	v61 =	vor.u32 $0x6, v5;
	v9 =	vld.idx.msk [tilespmem:v53+s0+$0x0], $0xffff  }
0x6e4: {  	v10 =	vld.idx.msk [tilespmem:v54+s0+$0x0], $0xffff  }
0x6e5: {  	v8 =	vld.idx.msk [tilespmem:v8+s0+$0x0], $0xffff  }
0x6e6: {  	v7 =	vld.idx.msk [tilespmem:v7+s0+$0x0], $0xffff  }
0x6e7: {  	v12 =	vld.idx.msk [tilespmem:v60+s0+$0x0], $0xffff  }
0x6e8: {  	v13 =	vld.idx.msk [tilespmem:v61+s0+$0x0], $0xffff  }
0x6e9: {  	v6 =	vsub.f32 v6, v11;
	v9 =	vsub.f32 v10, v9;
	_ =	sdelay $0x1  }
0x6ea: {  	vm0 =	vgt.f32 v9, v6;
	v7 =	vsub.f32 v7, v8  }
0x6eb: {  	v6 =	vsel vm0, v9, v6  }
0x6ec: {  	v8 =	vsub.f32 v12, v13;
	vm1 =	vgt.f32 v7, v6  }
0x6ed: {  	v62 =	vsel vm0, $0x1, v4;
	v6 =	vsel vm1, v7, v6  }
0x6ee: {  	v7 =	vsel vm1, $0x2, v62;
	vm0 =	vgt.f32 v8, v6  }
0x6ef: {  	v6 =	vsel vm0, $0x3, v7  }
0x6f0: {  	v7 =	vshll.u32 v6, $0x1  }
0x6f1: {  	v5 =	vor.u32 v5, v7  }
0x6f2: {  	v7 =	vor.u32 $0x9, v5;
	_ =	sdelay $0x4  }
0x6f3: {  	v7 =	vld.idx.msk [tilespmem:v7+s0+$0x0], $0xffff;
	_ =	sdelay $0x4  }
0x6f4: {  	v5 =	vor.u32 $0x8, v5;
	(erf) = vrcp.f32 v7;
	_ =	sdelay $0x4  }
0x6f5: {  	v5 =	vld.idx.msk [tilespmem:v5+s0+$0x0], $0xffff;
	_ =	sdelay $0x3  }
0x6f6: {  	v7 =	vpop (erf)  }
0x6f7: {  	v5 =	vmul.f32 v7, v5;
	_ =	sdelay $0x1  }
0x6f8: {  	v7 =	vand.u32 $0x7FFFFFFF, v5  }
0x6f9: {  	(erf) = vrcp.f32 v7;
	_ =	sdelay $0x8  }
0x6fa: {  	vm1 =	vgt.f32 v7, $1.000000000e+00;
	v8 =	vpop (erf)  }
0x6fb: {  	v7 =	vsel vm1, v8, v7  }
0x6fc: {  	v8 =	vmul.f32 v7, v7;
	_ =	sdelay $0x1  }
0x6fd: {  	v63 =	vmul.f32 $2.083509970e-02, v8;
	_ =	sdelay $0x1  }
0x6fe: {  	v9 =	vadd.f32 $-8.513300120e-02, v63;
	_ =	sdelay $0x1  }
0x6ff: {  	v9 =	vmul.f32 v9, v8;
	_ =	sdelay $0x1  }
0x700: {  	v9 =	vadd.f32 $1.801410020e-01, v9;
	_ =	sdelay $0x1  }
0x701: {  	v9 =	vmul.f32 v9, v8;
	_ =	sdelay $0x1  }
0x702: {  	v9 =	vadd.f32 $-3.302994970e-01, v9;
	_ =	sdelay $0x1  }
0x703: {  	v8 =	vmul.f32 v9, v8;
	_ =	sdelay $0x1  }
0x704: {  	v8 =	vadd.f32 $9.998660080e-01, v8;
	_ =	sdelay $0x1  }
0x705: {  	v7 =	vmul.f32 v8, v7;
	_ =	sdelay $0x1  }
0x706: {  	v8 =	vsub.f32 $1.570796370e+00, v7  }
0x707: {  	v6 =	vcvt.s32.f32 v6  }
0x708: {  	v7 =	vsel vm1, v8, v7  }
0x709: {  	v6 =	vmul.f32 $1.570796370e+00, v6;
	v8 =	vsub.f32 $0.0e+00, v7  }
0x70a: {  	vm1 =	vlt.f32 v5, $0.0e+00  }
0x70b: {  	v5 =	vsel vm0, $0xBFC90FDB, v6;
	v6 =	vsel vm1, v8, v7  }
0x70c: {  	v6 =	vadd.f32 v6, v5  }
0x70d: {  	s14 =	simm.s32 $0x10;
	s10 =	simm.s32 $0x19920  }
0x70e: {  	s15 =	simm.s32 $0x20;
	s11 =	simm.s32 $0x196A0;
	s12 =	simm.s32 $0x19910;
	v5 =	vmov s14;
	vm0 =	vgt.f32 v6, $3.141592740e+00;
	v7 =	vadd.f32 $-6.283185480e+00, v6  }
.LBB2_12:
0x70f: {  	s8 =	sadd.s32 $0x10, s8  }
0x710: {  	v5 =	vshll.u32 v5, $0x7;
	s9 =	sadd.s32 $0x10, s9;
	s14 =	smov.u32 s15;
	s13 =	sadd.s32 $0x10, s15  }
0x711: {  	p0 =	sne.s32 s15, $0x40;
	v5 =	vor.u32 v0, v5;
	v8 =	vsel vm0, v7, v6  }
0x712: {  	v7 =	vor.u32 $0x1, v5;
	v9 =	vadd.f32 $6.283185480e+00, v8  }
0x713: {  	vm0 =	vlt.f32 v8, $-3.141592740e+00  }
0x714: {  	v6 =	vor.u32 $0x3, v5;
	v8 =	vsel vm0, v9, v8  }
0x715: {  	[tilespmem:s12+$0x0] =	vst v8;
	s12 =	smov.u32 s10  }
0x716: {  	v9 =	vld.idx.msk [tilespmem:v5+s29+$0x0], $0xffff  }
0x717: {  	v8 =	vor.u32 $0x2, v5;
	v10 =	vld.idx.msk [tilespmem:v7+s30+$0x0], $0xffff  }
0x718: {  	v11 =	vld.idx.msk [tilespmem:v5+s30+$0x0], $0xffff  }
0x719: {  	v12 =	vld.idx.msk [tilespmem:v7+s29+$0x0], $0xffff  }
0x71a: {  	v13 =	vld.idx.msk [tilespmem:v6+s30+$0x0], $0xffff;
	_ =	sdelay $0x1  }
0x71b: {  	v14 =	vld.idx.msk [tilespmem:v8+s30+$0x0], $0xffff;
	_ =	sdelay $0x1  }
0x71c: {  	v11 =	vsub.f32 v9, v11  }
0x71d: {  	v10 =	vsub.f32 v12, v10  }
0x71e: {  	v11 =	vmul.f32 $4.000000000e+00, v11;
	v12 =	vadd.f32 v13, v12  }
0x71f: {  	v10 =	vmul.f32 $4.000000000e+00, v10  }
0x720: {  	v9 =	vadd.f32 v14, v9;
	v11 =	vmax.f32 v11, $0.0e+00  }
0x721: {  	v11 =	vmin.f32 v11, $1.280000000e+03;
	v10 =	vmax.f32 v10, $0.0e+00  }
0x722: {  	v9 =	vmul.f32 $4.000000000e+00, v9;
	v10 =	vmin.f32 v10, $3.840000000e+02;
	[tilespmem:v5+s3+$0x0] =	vst.idx.msk $0xffff, v11  }
0x723: {  	v11 =	vmul.f32 $4.000000000e+00, v12;
	[tilespmem:v7+s3+$0x0] =	vst.idx.msk $0xffff, v10  }
0x724: {  	[tilespmem:v8+s3+$0x0] =	vst.idx.msk $0xffff, v9  }
0x725: {  	[tilespmem:v6+s3+$0x0] =	vst.idx.msk $0xffff, v11  }
0x726: {  	v9 =	vld.idx.msk [tilespmem:v5+s31+$0x0], $0xffff;
	_ =	sdelay $0x5  }
0x727: {  	v9 =	vmul.f32 $1.442695020e+00, v9;
	_ =	sdelay $0x1  }
0x728: {  	(erf) = vpow2.f32 v9;
	_ =	sdelay $0x1  }
0x729: {  	v9 =	vld [tilespmem:s8+$0x0];
	_ =	sdelay $0x4  }
0x72a: {  	vm0 =	veq.s32 v9, $0x1  }
0x72b: {  	vm1 =	veq.s32 v9, $0x0;
	v9 =	vsel vm0, $0x3F6B7C6F, v1;
	v10 =	vsel vm0, $0x3FE06312, v2  }
0x72c: {  	v11 =	vsel vm0, $0x3F5CB9AB, v3;
	v9 =	vsel vm1, $0x409AD914, v9;
	v10 =	vsel vm1, $0x3FE765A6, v10;
	v12 =	vpop (erf)  }
0x72d: {  	v11 =	vsel vm1, $0x400766F1, v11;
	v9 =	vmul.f32 v9, v12;
	_ =	sdelay $0x1  }
0x72e: {  	[tilespmem:v5+s4+$0x0] =	vst.idx.msk $0xffff, v9  }
0x72f: {  	v9 =	vld.idx.msk [tilespmem:v7+s31+$0x0], $0xffff;
	_ =	sdelay $0x5  }
0x730: {  	v9 =	vmul.f32 $1.442695020e+00, v9;
	_ =	sdelay $0x1  }
0x731: {  	(erf) = vpow2.f32 v9;
	_ =	sdelay $0x8  }
0x732: {  	v9 =	vpop (erf)  }
0x733: {  	v9 =	vmul.f32 v9, v10;
	_ =	sdelay $0x1  }
0x734: {  	[tilespmem:v7+s4+$0x0] =	vst.idx.msk $0xffff, v9  }
0x735: {  	v9 =	vld.idx.msk [tilespmem:v8+s31+$0x0], $0xffff;
	_ =	sdelay $0x5  }
0x736: {  	v9 =	vmul.f32 $1.442695020e+00, v9;
	_ =	sdelay $0x1  }
0x737: {  	(erf) = vpow2.f32 v9;
	_ =	sdelay $0x8  }
0x738: {  	v9 =	vpop (erf)  }
0x739: {  	v9 =	vmul.f32 v9, v11;
	_ =	sdelay $0x1  }
0x73a: {  	[tilespmem:v8+s4+$0x0] =	vst.idx.msk $0xffff, v9  }
0x73b: {  	v9 =	vld [tilespmem:s9+$0x0];
	_ =	sdelay $0x4  }
0x73c: {  	v9 =	vsub.f32 $0.0e+00, v9;
	_ =	sdelay $0x1  }
0x73d: {  	v9 =	vmul.f32 $1.442695020e+00, v9;
	_ =	sdelay $0x1  }
0x73e: {  	(erf) = vpow2.f32 v9;
	_ =	sdelay $0x8  }
0x73f: {  	v9 =	vpop (erf)  }
0x740: {  	v9 =	vmax.f32 v9, $1.000000010e-01  }
0x741: {  	v9 =	vmin.f32 v9, $1.000000000e+02  }
0x742: {  	[tilespmem:s11+$0x0] =	vst v9;
	v9 =	vor.u32 $0x5, v5  }
0x743: {  	v10 =	vor.u32 $0x4, v5;
	v7 =	vld.idx.msk [tilespmem:v7+s0+$0x0], $0xffff  }
0x744: {  	v12 =	vor.u32 $0x7, v5;
	v11 =	vld.idx.msk [tilespmem:v5+s0+$0x0], $0xffff  }
0x745: {  	v13 =	vor.u32 $0x6, v5;
	v8 =	vld.idx.msk [tilespmem:v8+s0+$0x0], $0xffff  }
0x746: {  	v6 =	vld.idx.msk [tilespmem:v6+s0+$0x0], $0xffff  }
0x747: {  	v9 =	vld.idx.msk [tilespmem:v9+s0+$0x0], $0xffff  }
0x748: {  	v10 =	vld.idx.msk [tilespmem:v10+s0+$0x0], $0xffff  }
0x749: {  	v12 =	vld.idx.msk [tilespmem:v12+s0+$0x0], $0xffff  }
0x74a: {  	v13 =	vld.idx.msk [tilespmem:v13+s0+$0x0], $0xffff;
	_ =	sdelay $0x1  }
0x74b: {  	v7 =	vsub.f32 v7, v11;
	v6 =	vsub.f32 v6, v8;
	_ =	sdelay $0x1  }
0x74c: {  	vm0 =	vgt.f32 v6, v7;
	v8 =	vsub.f32 v9, v10  }
0x74d: {  	v6 =	vsel vm0, v6, v7  }
0x74e: {  	vm1 =	vgt.f32 v8, v6;
	v7 =	vsub.f32 v12, v13  }
0x74f: {  	v9 =	vsel vm0, $0x1, v4;
	v6 =	vsel vm1, v8, v6  }
0x750: {  	v8 =	vsel vm1, $0x2, v9;
	vm0 =	vgt.f32 v7, v6  }
0x751: {  	v6 =	vsel vm0, $0x3, v8  }
0x752: {  	v7 =	vshll.u32 v6, $0x1;
	v6 =	vcvt.s32.f32 v6  }
0x753: {  	v5 =	vor.u32 v5, v7  }
0x754: {  	v7 =	vor.u32 $0x8, v5;
	v5 =	vor.u32 $0x9, v5;
	v6 =	vmul.f32 $1.570796370e+00, v6;
	_ =	sdelay $0x1  }
0x755: {  	v6 =	vsel vm0, $0xBFC90FDB, v6;
	_ =	sdelay $0x2  }
0x756: {  	v5 =	vld.idx.msk [tilespmem:v5+s0+$0x0], $0xffff  }
0x757: {  	v7 =	vld.idx.msk [tilespmem:v7+s0+$0x0], $0xffff;
	_ =	sdelay $0x4  }
0x758: {  	(erf) = vrcp.f32 v5;
	_ =	sdelay $0x8  }
0x759: {  	v5 =	vpop (erf)  }
0x75a: {  	v5 =	vmul.f32 v5, v7;
	_ =	sdelay $0x1  }
0x75b: {  	v7 =	vand.u32 $0x7FFFFFFF, v5  }
0x75c: {  	(erf) = vrcp.f32 v7;
	_ =	sdelay $0x8  }
0x75d: {  	vm0 =	vgt.f32 v7, $1.000000000e+00;
	v8 =	vpop (erf)  }
0x75e: {  	v7 =	vsel vm0, v8, v7  }
0x75f: {  	v8 =	vmul.f32 v7, v7;
	_ =	sdelay $0x1  }
0x760: {  	v9 =	vmul.f32 $2.083509970e-02, v8;
	_ =	sdelay $0x1  }
0x761: {  	v9 =	vadd.f32 $-8.513300120e-02, v9;
	_ =	sdelay $0x1  }
0x762: {  	v9 =	vmul.f32 v9, v8;
	_ =	sdelay $0x1  }
0x763: {  	v9 =	vadd.f32 $1.801410020e-01, v9;
	_ =	sdelay $0x1  }
0x764: {  	v9 =	vmul.f32 v9, v8;
	_ =	sdelay $0x1  }
0x765: {  	v9 =	vadd.f32 $-3.302994970e-01, v9;
	_ =	sdelay $0x1  }
0x766: {  	v8 =	vmul.f32 v9, v8;
	_ =	sdelay $0x1  }
0x767: {  	v8 =	vadd.f32 $9.998660080e-01, v8;
	_ =	sdelay $0x1  }
0x768: {  	v7 =	vmul.f32 v8, v7;
	_ =	sdelay $0x1  }
0x769: {  	v8 =	vsub.f32 $1.570796370e+00, v7;
	_ =	sdelay $0x1  }
0x76a: {  	v7 =	vsel vm0, v8, v7  }
0x76b: {  	v8 =	vsub.f32 $0.0e+00, v7  }
.Ltmp5:
0x76c: {  	vm0 =	vlt.f32 v5, $0.0e+00;
	(pc) =	sbr.rel @p0 .LBB2_12-.Ltmp5, $3  }
0x76d: {  	v5 =	vsel vm0, v8, v7  }
0x76e: {  	v6 =	vadd.f32 v5, v6;
	_ =	sdelay $0x1  }
0x76f: {  	s15 =	smov.u32 s13;
	s10 =	sadd.s32 $0x10, s10;
	s11 =	sadd.s32 $0x10, s11;
	v5 =	vmov s14;
	vm0 =	vgt.f32 v6, $3.141592740e+00;
	v7 =	vadd.f32 $-6.283185480e+00, v6  }
0x770: {  	v5 =	vshll.u32 v5, $0x7  }
0x771: {  	v5 =	vor.u32 v0, v5;
	v6 =	vsel vm0, v7, v6  }
0x772: {  	v8 =	vadd.f32 $6.283185480e+00, v6  }
0x773: {  	v7 =	vor.u32 $0x1, v5;
	vm0 =	vlt.f32 v6, $-3.141592740e+00  }
0x774: {  	v6 =	vsel vm0, v8, v6  }
0x775: {  	[tilespmem:s12+$0x0] =	vst v6  }
0x776: {  	v6 =	vld.idx.msk [tilespmem:v5+s29+$0x0], $0xffff  }
0x777: {  	v9 =	vor.u32 $0x2, v5;
	v11 =	vld.idx.msk [tilespmem:v5+s30+$0x0], $0xffff  }
0x778: {  	v10 =	vor.u32 $0x3, v5;
	v8 =	vld.idx.msk [tilespmem:v7+s30+$0x0], $0xffff  }
0x779: {  	v12 =	vld.idx.msk [tilespmem:v7+s29+$0x0], $0xffff;
	_ =	sdelay $0x2  }
0x77a: {  	v13 =	vld.idx.msk [tilespmem:v9+s30+$0x0], $0xffff  }
0x77b: {  	v14 =	vld.idx.msk [tilespmem:v10+s30+$0x0], $0xffff;
	v11 =	vsub.f32 v6, v11  }
0x77c: {  	v8 =	vsub.f32 v12, v8  }
0x77d: {  	v11 =	vmul.f32 $4.000000000e+00, v11  }
0x77e: {  	v8 =	vmul.f32 $4.000000000e+00, v8  }
0x77f: {  	v6 =	vadd.f32 v13, v6;
	v11 =	vmax.f32 v11, $0.0e+00  }
0x780: {  	v12 =	vadd.f32 v14, v12;
	v11 =	vmin.f32 v11, $1.280000000e+03;
	v8 =	vmax.f32 v8, $0.0e+00  }
0x781: {  	v6 =	vmul.f32 $4.000000000e+00, v6;
	[tilespmem:v5+s3+$0x0] =	vst.idx.msk $0xffff, v11;
	v8 =	vmin.f32 v8, $3.840000000e+02  }
0x782: {  	v48 =	vmul.f32 $4.000000000e+00, v12;
	[tilespmem:v7+s3+$0x0] =	vst.idx.msk $0xffff, v8  }
0x783: {  	[tilespmem:v9+s3+$0x0] =	vst.idx.msk $0xffff, v6  }
0x784: {  	[tilespmem:v10+s3+$0x0] =	vst.idx.msk $0xffff, v48  }
0x785: {  	v6 =	vld.idx.msk [tilespmem:v5+s31+$0x0], $0xffff;
	_ =	sdelay $0x4  }
0x786: {  	v6 =	vmul.f32 $1.442695020e+00, v6;
	_ =	sdelay $0x1  }
0x787: {  	(erf) = vpow2.f32 v6  }
0x788: {  	s8 =	sadd.s32 $0x10, s8  }
0x789: {  	v6 =	vld [tilespmem:s8+$0x0];
	_ =	sdelay $0x4  }
0x78a: {  	vm0 =	veq.s32 v6, $0x1  }
0x78b: {  	vm1 =	veq.s32 v6, $0x0;
	v6 =	vsel vm0, $0x3F6B7C6F, v1  }
0x78c: {  	v6 =	vsel vm1, $0x409AD914, v6;
	v8 =	vpop (erf)  }
0x78d: {  	v6 =	vmul.f32 v6, v8;
	_ =	sdelay $0x1  }
0x78e: {  	[tilespmem:v5+s4+$0x0] =	vst.idx.msk $0xffff, v6  }
0x78f: {  	v6 =	vld.idx.msk [tilespmem:v7+s31+$0x0], $0xffff;
	_ =	sdelay $0x4  }
0x790: {  	v6 =	vmul.f32 $1.442695020e+00, v6;
	_ =	sdelay $0x1  }
0x791: {  	(erf) = vpow2.f32 v6;
	_ =	sdelay $0x7  }
0x792: {  	v6 =	vsel vm0, $0x3FE06312, v2  }
0x793: {  	v6 =	vsel vm1, $0x3FE765A6, v6;
	v8 =	vpop (erf)  }
0x794: {  	v6 =	vmul.f32 v8, v6;
	_ =	sdelay $0x1  }
0x795: {  	[tilespmem:v7+s4+$0x0] =	vst.idx.msk $0xffff, v6  }
0x796: {  	v6 =	vld.idx.msk [tilespmem:v9+s31+$0x0], $0xffff;
	_ =	sdelay $0x4  }
0x797: {  	v6 =	vmul.f32 $1.442695020e+00, v6;
	_ =	sdelay $0x1  }
0x798: {  	(erf) = vpow2.f32 v6;
	_ =	sdelay $0x7  }
0x799: {  	v6 =	vsel vm0, $0x3F5CB9AB, v3  }
0x79a: {  	v6 =	vsel vm1, $0x400766F1, v6;
	v8 =	vpop (erf)  }
0x79b: {  	v6 =	vmul.f32 v8, v6;
	_ =	sdelay $0x1  }
0x79c: {  	s12 =	sadd.s32 $0x10, s9;
	[tilespmem:v9+s4+$0x0] =	vst.idx.msk $0xffff, v6  }
0x79d: {  	v6 =	vld [tilespmem:s12+$0x0];
	_ =	sdelay $0x4  }
0x79e: {  	v6 =	vsub.f32 $0.0e+00, v6;
	_ =	sdelay $0x1  }
0x79f: {  	v6 =	vmul.f32 $1.442695020e+00, v6;
	_ =	sdelay $0x1  }
0x7a0: {  	(erf) = vpow2.f32 v6;
	_ =	sdelay $0x8  }
0x7a1: {  	v6 =	vpop (erf)  }
0x7a2: {  	v6 =	vmax.f32 v6, $1.000000010e-01  }
0x7a3: {  	v6 =	vmin.f32 v6, $1.000000000e+02  }
0x7a4: {  	v8 =	vor.u32 $0x4, v5;
	[tilespmem:s11+$0x0] =	vst v6  }
0x7a5: {  	v6 =	vor.u32 $0x5, v5;
	v7 =	vld.idx.msk [tilespmem:v7+s0+$0x0], $0xffff  }
0x7a6: {  	v49 =	vor.u32 $0x7, v5;
	v11 =	vld.idx.msk [tilespmem:v5+s0+$0x0], $0xffff  }
0x7a7: {  	v50 =	vor.u32 $0x6, v5;
	v9 =	vld.idx.msk [tilespmem:v9+s0+$0x0], $0xffff  }
0x7a8: {  	v10 =	vld.idx.msk [tilespmem:v10+s0+$0x0], $0xffff  }
0x7a9: {  	v8 =	vld.idx.msk [tilespmem:v8+s0+$0x0], $0xffff  }
0x7aa: {  	v6 =	vld.idx.msk [tilespmem:v6+s0+$0x0], $0xffff  }
0x7ab: {  	v12 =	vld.idx.msk [tilespmem:v49+s0+$0x0], $0xffff  }
0x7ac: {  	v13 =	vld.idx.msk [tilespmem:v50+s0+$0x0], $0xffff  }
0x7ad: {  	v7 =	vsub.f32 v7, v11;
	v9 =	vsub.f32 v10, v9;
	_ =	sdelay $0x1  }
0x7ae: {  	vm0 =	vgt.f32 v9, v7;
	v6 =	vsub.f32 v6, v8  }
0x7af: {  	v7 =	vsel vm0, v9, v7  }
0x7b0: {  	v8 =	vsub.f32 v12, v13;
	vm1 =	vgt.f32 v6, v7  }
0x7b1: {  	v51 =	vsel vm0, $0x1, v4;
	v6 =	vsel vm1, v6, v7  }
0x7b2: {  	v7 =	vsel vm1, $0x2, v51;
	vm0 =	vgt.f32 v8, v6  }
0x7b3: {  	v6 =	vsel vm0, $0x3, v7  }
0x7b4: {  	v7 =	vshll.u32 v6, $0x1  }
0x7b5: {  	v5 =	vor.u32 v5, v7  }
0x7b6: {  	v7 =	vor.u32 $0x9, v5;
	_ =	sdelay $0x4  }
0x7b7: {  	v7 =	vld.idx.msk [tilespmem:v7+s0+$0x0], $0xffff;
	_ =	sdelay $0x4  }
0x7b8: {  	v5 =	vor.u32 $0x8, v5;
	(erf) = vrcp.f32 v7;
	_ =	sdelay $0x4  }
0x7b9: {  	v5 =	vld.idx.msk [tilespmem:v5+s0+$0x0], $0xffff;
	_ =	sdelay $0x3  }
0x7ba: {  	v7 =	vpop (erf)  }
0x7bb: {  	v5 =	vmul.f32 v7, v5;
	_ =	sdelay $0x1  }
0x7bc: {  	v7 =	vand.u32 $0x7FFFFFFF, v5  }
0x7bd: {  	(erf) = vrcp.f32 v7;
	_ =	sdelay $0x8  }
0x7be: {  	vm1 =	vgt.f32 v7, $1.000000000e+00;
	v8 =	vpop (erf)  }
0x7bf: {  	v7 =	vsel vm1, v8, v7  }
0x7c0: {  	v8 =	vmul.f32 v7, v7;
	_ =	sdelay $0x1  }
0x7c1: {  	v52 =	vmul.f32 $2.083509970e-02, v8;
	_ =	sdelay $0x1  }
0x7c2: {  	v9 =	vadd.f32 $-8.513300120e-02, v52;
	_ =	sdelay $0x1  }
0x7c3: {  	v9 =	vmul.f32 v9, v8;
	_ =	sdelay $0x1  }
0x7c4: {  	v9 =	vadd.f32 $1.801410020e-01, v9;
	_ =	sdelay $0x1  }
0x7c5: {  	v9 =	vmul.f32 v9, v8;
	_ =	sdelay $0x1  }
0x7c6: {  	v9 =	vadd.f32 $-3.302994970e-01, v9;
	_ =	sdelay $0x1  }
0x7c7: {  	v8 =	vmul.f32 v9, v8;
	_ =	sdelay $0x1  }
0x7c8: {  	v8 =	vadd.f32 $9.998660080e-01, v8;
	_ =	sdelay $0x1  }
0x7c9: {  	v7 =	vmul.f32 v8, v7;
	_ =	sdelay $0x1  }
0x7ca: {  	v8 =	vsub.f32 $1.570796370e+00, v7  }
0x7cb: {  	v6 =	vcvt.s32.f32 v6  }
0x7cc: {  	v7 =	vsel vm1, v8, v7  }
0x7cd: {  	v6 =	vmul.f32 $1.570796370e+00, v6;
	v8 =	vsub.f32 $0.0e+00, v7  }
0x7ce: {  	vm1 =	vlt.f32 v5, $0.0e+00  }
0x7cf: {  	v5 =	vsel vm0, $0xBFC90FDB, v6;
	v6 =	vsel vm1, v8, v7  }
0x7d0: {  	v5 =	vadd.f32 v6, v5;
	_ =	sdelay $0x1  }
0x7d1: {  	v6 =	vadd.f32 $-6.283185480e+00, v5  }
0x7d2: {  	vm0 =	vgt.f32 v5, $3.141592740e+00  }
0x7d3: {  	v5 =	vsel vm0, v6, v5  }
0x7d4: {  	v6 =	vadd.f32 $6.283185480e+00, v5  }
0x7d5: {  	s13 =	sld [smem:$0x7F4];
	vm0 =	vlt.f32 v5, $-3.141592740e+00  }
0x7d6: {  	v5 =	vsel vm0, v6, v5  }
0x7d7: {  	s14 =	sld [smem:$0x7F5];
	s8 =	simm.s32 $0x0;
	[tilespmem:s10+$0x0] =	vst v5  }
0x7d8: {  	[hbm4b:s13+s8] =	stream.linear.scatter [tilespmem:s3], [sflag:$0x2], $0x2800, $0x38;
	[tilespmem:$0x19A00] =	vst v63  }
0x7d9: {  	s15 =	sld [smem:$0x7F7]  }
0x7da: {  	[hbm4b:s14+s8] =	stream.linear.scatter [tilespmem:s4], [sflag:$0x2], $0x2800, $0x38;
	[tilespmem:$0x19A00] =	vst v63  }
0x7db: {  	s10 =	sld [smem:$0x7F9]  }
0x7dc: {  	[tilespmem:s29], [sflag:$0x1] =	stream.linear.gather [hbm4b:s15+s8], $0x2800, $0x38;
	[tilespmem:$0x19A00] =	vst v63  }
0x7dd: {  	s11 =	sld [smem:$0x7FB]  }
0x7de: {  	[tilespmem:s30], [sflag:$0x1] =	stream.linear.gather [hbm4b:s10+s8], $0x2800, $0x38;
	[tilespmem:$0x19A00] =	vst v63  }
0x7df: {  	s12 =	sld [smem:$0x7FD]  }
0x7e0: {  	[tilespmem:s31], [sflag:$0x1] =	stream.linear.gather [hbm4b:s11+s8], $0x2800, $0x38;
	[tilespmem:$0x19A00] =	vst v63  }
0x7e1: {  	_ = 	snop  }
0x7e2: {  	[tilespmem:s0], [sflag:$0x1] =	stream.linear.gather [hbm4b:s12+s8], $0x2800, $0x38;
	[tilespmem:$0x19A00] =	vst v63  }
0x7e3: {  	_ =	swait.ge [sflag:s2], $0x2800  }
0x7e4: {  	[sflag:s2] =	ssyncset.done $0x0  }
0x7e5: {  	[sflag:s2] =	ssyncadd.s32 $0xFFFFD800  }
0x7e6: {  	_ =	swait.ge [sflag:s2], $0x2800  }
0x7e7: {  	[sflag:s2] =	ssyncset.done $0x0  }
0x7e8: {  	[sflag:s2] =	ssyncadd.s32 $0xFFFFD800  }
0x7e9: {  	_ =	swait.ge [sflag:s2], $0x2800  }
0x7ea: {  	[sflag:s2] =	ssyncset.done $0x0  }
0x7eb: {  	[sflag:s2] =	ssyncadd.s32 $0xFFFFD800  }
0x7ec: {  	_ =	swait.ge [sflag:s2], $0x2800  }
0x7ed: {  	[sflag:s2] =	ssyncset.done $0x0  }
0x7ee: {  	v5 =	vmov s8;
	[sflag:s2] =	ssyncadd.s32 $0xFFFFD800  }
0x7ef: {  	v5 =	vshll.u32 v5, $0x7;
	_ =	swait.ge [sflag:s5], $0x2800  }
0x7f0: {  	v5 =	vor.u32 v0, v5;
	[sflag:s5] =	ssyncset.done $0x0  }
0x7f1: {  	v6 =	vor.u32 $0x1, v5;
	[sflag:s5] =	ssyncadd.s32 $0xFFFFD800  }
0x7f2: {  	_ =	swait.ge [sflag:s5], $0x2800  }
0x7f3: {  	[sflag:s5] =	ssyncset.done $0x0  }
0x7f4: {  	[sflag:s5] =	ssyncadd.s32 $0xFFFFD800  }
0x7f5: {  	v7 =	vld.idx.msk [tilespmem:v5+s1+$0x0], $0xffff  }
0x7f6: {  	v53 =	vor.u32 $0x2, v5;
	v8 =	vld.idx.msk [tilespmem:v6+s25+$0x0], $0xffff  }
0x7f7: {  	v54 =	vor.u32 $0x3, v5;
	v55 =	vld.idx.msk [tilespmem:v5+s25+$0x0], $0xffff  }
0x7f8: {  	v56 =	vld.idx.msk [tilespmem:v6+s1+$0x0], $0xffff;
	_ =	sdelay $0x2  }
0x7f9: {  	v57 =	vld.idx.msk [tilespmem:v53+s25+$0x0], $0xffff  }
0x7fa: {  	v58 =	vld.idx.msk [tilespmem:v54+s25+$0x0], $0xffff;
	v11 =	vsub.f32 v7, v55  }
0x7fb: {  	v8 =	vsub.f32 v56, v8  }
0x7fc: {  	v11 =	vmul.f32 $4.000000000e+00, v11  }
0x7fd: {  	v8 =	vmul.f32 $4.000000000e+00, v8  }
0x7fe: {  	v7 =	vadd.f32 v57, v7;
	v11 =	vmax.f32 v11, $0.0e+00  }
0x7ff: {  	v12 =	vadd.f32 v58, v56;
	v8 =	vmax.f32 v8, $0.0e+00;
	v11 =	vmin.f32 v11, $1.280000000e+03  }
0x800: {  	v7 =	vmul.f32 $4.000000000e+00, v7;
	v8 =	vmin.f32 v8, $3.840000000e+02;
	[tilespmem:v5+s3+$0x0] =	vst.idx.msk $0xffff, v11  }
0x801: {  	v59 =	vmul.f32 $4.000000000e+00, v12;
	[tilespmem:v6+s3+$0x0] =	vst.idx.msk $0xffff, v8  }
0x802: {  	[tilespmem:v53+s3+$0x0] =	vst.idx.msk $0xffff, v7  }
0x803: {  	[tilespmem:v54+s3+$0x0] =	vst.idx.msk $0xffff, v59  }
0x804: {  	v7 =	vld.idx.msk [tilespmem:v5+s26+$0x0], $0xffff;
	_ =	sdelay $0x4  }
0x805: {  	v7 =	vmul.f32 $1.442695020e+00, v7;
	_ =	sdelay $0x1  }
0x806: {  	(erf) = vpow2.f32 v7  }
0x807: {  	s8 =	simm.s32 $0x19460  }
0x808: {  	v7 =	vld [tilespmem:s8+$0x0];
	_ =	sdelay $0x4  }
0x809: {  	vm0 =	veq.s32 v7, $0x1  }
0x80a: {  	vm1 =	veq.s32 v7, $0x0;
	v7 =	vsel vm0, $0x3F6B7C6F, v1  }
0x80b: {  	v7 =	vsel vm1, $0x409AD914, v7;
	v8 =	vpop (erf)  }
0x80c: {  	v7 =	vmul.f32 v7, v8;
	_ =	sdelay $0x1  }
0x80d: {  	[tilespmem:v5+s4+$0x0] =	vst.idx.msk $0xffff, v7  }
0x80e: {  	v7 =	vld.idx.msk [tilespmem:v6+s26+$0x0], $0xffff;
	_ =	sdelay $0x4  }
0x80f: {  	v7 =	vmul.f32 $1.442695020e+00, v7;
	_ =	sdelay $0x1  }
0x810: {  	(erf) = vpow2.f32 v7;
	_ =	sdelay $0x7  }
0x811: {  	v7 =	vsel vm0, $0x3FE06312, v2  }
0x812: {  	v7 =	vsel vm1, $0x3FE765A6, v7;
	v8 =	vpop (erf)  }
0x813: {  	v7 =	vmul.f32 v8, v7;
	_ =	sdelay $0x1  }
0x814: {  	[tilespmem:v6+s4+$0x0] =	vst.idx.msk $0xffff, v7  }
0x815: {  	v7 =	vld.idx.msk [tilespmem:v53+s26+$0x0], $0xffff;
	_ =	sdelay $0x4  }
0x816: {  	v7 =	vmul.f32 $1.442695020e+00, v7;
	_ =	sdelay $0x1  }
0x817: {  	(erf) = vpow2.f32 v7;
	_ =	sdelay $0x7  }
0x818: {  	v7 =	vsel vm0, $0x3F5CB9AB, v3  }
0x819: {  	v7 =	vsel vm1, $0x400766F1, v7;
	v8 =	vpop (erf)  }
0x81a: {  	v7 =	vmul.f32 v8, v7;
	_ =	sdelay $0x1  }
0x81b: {  	s9 =	simm.s32 $0x191E0;
	[tilespmem:v53+s4+$0x0] =	vst.idx.msk $0xffff, v7  }
0x81c: {  	v7 =	vld [tilespmem:s9+$0x0];
	_ =	sdelay $0x4  }
0x81d: {  	v7 =	vsub.f32 $0.0e+00, v7;
	_ =	sdelay $0x1  }
0x81e: {  	v7 =	vmul.f32 $1.442695020e+00, v7;
	_ =	sdelay $0x1  }
0x81f: {  	(erf) = vpow2.f32 v7;
	_ =	sdelay $0x8  }
0x820: {  	v7 =	vpop (erf)  }
0x821: {  	v7 =	vmax.f32 v7, $1.000000010e-01  }
0x822: {  	s13 =	simm.s32 $0x196E0;
	v7 =	vmin.f32 v7, $1.000000000e+02  }
0x823: {  	v8 =	vor.u32 $0x4, v5;
	[tilespmem:s13+$0x0] =	vst v7  }
0x824: {  	v7 =	vor.u32 $0x5, v5;
	v6 =	vld.idx.msk [tilespmem:v6+s28+$0x0], $0xffff  }
0x825: {  	v60 =	vor.u32 $0x7, v5;
	v11 =	vld.idx.msk [tilespmem:v5+s28+$0x0], $0xffff  }
0x826: {  	v61 =	vor.u32 $0x6, v5;
	v9 =	vld.idx.msk [tilespmem:v53+s28+$0x0], $0xffff  }
0x827: {  	v10 =	vld.idx.msk [tilespmem:v54+s28+$0x0], $0xffff  }
0x828: {  	v8 =	vld.idx.msk [tilespmem:v8+s28+$0x0], $0xffff  }
0x829: {  	v7 =	vld.idx.msk [tilespmem:v7+s28+$0x0], $0xffff  }
0x82a: {  	v12 =	vld.idx.msk [tilespmem:v60+s28+$0x0], $0xffff  }
0x82b: {  	v13 =	vld.idx.msk [tilespmem:v61+s28+$0x0], $0xffff  }
0x82c: {  	v6 =	vsub.f32 v6, v11;
	v9 =	vsub.f32 v10, v9;
	_ =	sdelay $0x1  }
0x82d: {  	vm0 =	vgt.f32 v9, v6;
	v7 =	vsub.f32 v7, v8  }
0x82e: {  	v6 =	vsel vm0, v9, v6  }
0x82f: {  	v8 =	vsub.f32 v12, v13;
	vm1 =	vgt.f32 v7, v6  }
0x830: {  	v62 =	vsel vm0, $0x1, v4;
	v6 =	vsel vm1, v7, v6  }
0x831: {  	v7 =	vsel vm1, $0x2, v62;
	vm0 =	vgt.f32 v8, v6  }
0x832: {  	v6 =	vsel vm0, $0x3, v7  }
0x833: {  	v7 =	vshll.u32 v6, $0x1  }
0x834: {  	v5 =	vor.u32 v5, v7  }
0x835: {  	v7 =	vor.u32 $0x9, v5;
	_ =	sdelay $0x4  }
0x836: {  	v7 =	vld.idx.msk [tilespmem:v7+s28+$0x0], $0xffff;
	_ =	sdelay $0x4  }
0x837: {  	v5 =	vor.u32 $0x8, v5;
	(erf) = vrcp.f32 v7;
	_ =	sdelay $0x4  }
0x838: {  	v5 =	vld.idx.msk [tilespmem:v5+s28+$0x0], $0xffff;
	_ =	sdelay $0x3  }
0x839: {  	v7 =	vpop (erf)  }
0x83a: {  	v5 =	vmul.f32 v7, v5;
	_ =	sdelay $0x1  }
0x83b: {  	v7 =	vand.u32 $0x7FFFFFFF, v5  }
0x83c: {  	(erf) = vrcp.f32 v7;
	_ =	sdelay $0x8  }
0x83d: {  	vm1 =	vgt.f32 v7, $1.000000000e+00;
	v8 =	vpop (erf)  }
0x83e: {  	v7 =	vsel vm1, v8, v7  }
0x83f: {  	v8 =	vmul.f32 v7, v7;
	_ =	sdelay $0x1  }
0x840: {  	v63 =	vmul.f32 $2.083509970e-02, v8;
	_ =	sdelay $0x1  }
0x841: {  	v9 =	vadd.f32 $-8.513300120e-02, v63;
	_ =	sdelay $0x1  }
0x842: {  	v9 =	vmul.f32 v9, v8;
	_ =	sdelay $0x1  }
0x843: {  	v9 =	vadd.f32 $1.801410020e-01, v9;
	_ =	sdelay $0x1  }
0x844: {  	v9 =	vmul.f32 v9, v8;
	_ =	sdelay $0x1  }
0x845: {  	v9 =	vadd.f32 $-3.302994970e-01, v9;
	_ =	sdelay $0x1  }
0x846: {  	v8 =	vmul.f32 v9, v8;
	_ =	sdelay $0x1  }
0x847: {  	v8 =	vadd.f32 $9.998660080e-01, v8;
	_ =	sdelay $0x1  }
0x848: {  	v7 =	vmul.f32 v8, v7;
	_ =	sdelay $0x1  }
0x849: {  	v8 =	vsub.f32 $1.570796370e+00, v7  }
0x84a: {  	v6 =	vcvt.s32.f32 v6  }
0x84b: {  	v7 =	vsel vm1, v8, v7  }
0x84c: {  	v6 =	vmul.f32 $1.570796370e+00, v6;
	v8 =	vsub.f32 $0.0e+00, v7  }
0x84d: {  	vm1 =	vlt.f32 v5, $0.0e+00  }
0x84e: {  	v5 =	vsel vm0, $0xBFC90FDB, v6;
	v6 =	vsel vm1, v8, v7  }
0x84f: {  	v6 =	vadd.f32 v6, v5  }
0x850: {  	s14 =	simm.s32 $0x10;
	s10 =	simm.s32 $0x19970  }
0x851: {  	s15 =	simm.s32 $0x20;
	s11 =	simm.s32 $0x196F0;
	s12 =	simm.s32 $0x19960;
	v5 =	vmov s14;
	vm0 =	vgt.f32 v6, $3.141592740e+00;
	v7 =	vadd.f32 $-6.283185480e+00, v6  }
.LBB2_14:
0x852: {  	s8 =	sadd.s32 $0x10, s8  }
0x853: {  	v5 =	vshll.u32 v5, $0x7;
	s9 =	sadd.s32 $0x10, s9;
	s14 =	smov.u32 s15;
	s13 =	sadd.s32 $0x10, s15  }
0x854: {  	p0 =	sne.s32 s15, $0x40;
	v5 =	vor.u32 v0, v5;
	v8 =	vsel vm0, v7, v6  }
0x855: {  	v7 =	vor.u32 $0x1, v5;
	v9 =	vadd.f32 $6.283185480e+00, v8  }
0x856: {  	vm0 =	vlt.f32 v8, $-3.141592740e+00  }
0x857: {  	v6 =	vor.u32 $0x3, v5;
	v8 =	vsel vm0, v9, v8  }
0x858: {  	[tilespmem:s12+$0x0] =	vst v8;
	s12 =	smov.u32 s10  }
0x859: {  	v9 =	vld.idx.msk [tilespmem:v5+s1+$0x0], $0xffff  }
0x85a: {  	v8 =	vor.u32 $0x2, v5;
	v10 =	vld.idx.msk [tilespmem:v7+s25+$0x0], $0xffff  }
0x85b: {  	v11 =	vld.idx.msk [tilespmem:v5+s25+$0x0], $0xffff  }
0x85c: {  	v12 =	vld.idx.msk [tilespmem:v7+s1+$0x0], $0xffff  }
0x85d: {  	v13 =	vld.idx.msk [tilespmem:v6+s25+$0x0], $0xffff;
	_ =	sdelay $0x1  }
0x85e: {  	v14 =	vld.idx.msk [tilespmem:v8+s25+$0x0], $0xffff;
	_ =	sdelay $0x1  }
0x85f: {  	v11 =	vsub.f32 v9, v11  }
0x860: {  	v10 =	vsub.f32 v12, v10  }
0x861: {  	v11 =	vmul.f32 $4.000000000e+00, v11;
	v12 =	vadd.f32 v13, v12  }
0x862: {  	v10 =	vmul.f32 $4.000000000e+00, v10  }
0x863: {  	v9 =	vadd.f32 v14, v9;
	v11 =	vmax.f32 v11, $0.0e+00  }
0x864: {  	v11 =	vmin.f32 v11, $1.280000000e+03;
	v10 =	vmax.f32 v10, $0.0e+00  }
0x865: {  	v9 =	vmul.f32 $4.000000000e+00, v9;
	v10 =	vmin.f32 v10, $3.840000000e+02;
	[tilespmem:v5+s3+$0x0] =	vst.idx.msk $0xffff, v11  }
0x866: {  	v11 =	vmul.f32 $4.000000000e+00, v12;
	[tilespmem:v7+s3+$0x0] =	vst.idx.msk $0xffff, v10  }
0x867: {  	[tilespmem:v8+s3+$0x0] =	vst.idx.msk $0xffff, v9  }
0x868: {  	[tilespmem:v6+s3+$0x0] =	vst.idx.msk $0xffff, v11  }
0x869: {  	v9 =	vld.idx.msk [tilespmem:v5+s26+$0x0], $0xffff;
	_ =	sdelay $0x5  }
0x86a: {  	v9 =	vmul.f32 $1.442695020e+00, v9;
	_ =	sdelay $0x1  }
0x86b: {  	(erf) = vpow2.f32 v9;
	_ =	sdelay $0x1  }
0x86c: {  	v9 =	vld [tilespmem:s8+$0x0];
	_ =	sdelay $0x4  }
0x86d: {  	vm0 =	veq.s32 v9, $0x1  }
0x86e: {  	vm1 =	veq.s32 v9, $0x0;
	v9 =	vsel vm0, $0x3F6B7C6F, v1;
	v10 =	vsel vm0, $0x3FE06312, v2  }
0x86f: {  	v11 =	vsel vm0, $0x3F5CB9AB, v3;
	v9 =	vsel vm1, $0x409AD914, v9;
	v10 =	vsel vm1, $0x3FE765A6, v10;
	v12 =	vpop (erf)  }
0x870: {  	v11 =	vsel vm1, $0x400766F1, v11;
	v9 =	vmul.f32 v9, v12;
	_ =	sdelay $0x1  }
0x871: {  	[tilespmem:v5+s4+$0x0] =	vst.idx.msk $0xffff, v9  }
0x872: {  	v9 =	vld.idx.msk [tilespmem:v7+s26+$0x0], $0xffff;
	_ =	sdelay $0x5  }
0x873: {  	v9 =	vmul.f32 $1.442695020e+00, v9;
	_ =	sdelay $0x1  }
0x874: {  	(erf) = vpow2.f32 v9;
	_ =	sdelay $0x8  }
0x875: {  	v9 =	vpop (erf)  }
0x876: {  	v9 =	vmul.f32 v9, v10;
	_ =	sdelay $0x1  }
0x877: {  	[tilespmem:v7+s4+$0x0] =	vst.idx.msk $0xffff, v9  }
0x878: {  	v9 =	vld.idx.msk [tilespmem:v8+s26+$0x0], $0xffff;
	_ =	sdelay $0x5  }
0x879: {  	v9 =	vmul.f32 $1.442695020e+00, v9;
	_ =	sdelay $0x1  }
0x87a: {  	(erf) = vpow2.f32 v9;
	_ =	sdelay $0x8  }
0x87b: {  	v9 =	vpop (erf)  }
0x87c: {  	v9 =	vmul.f32 v9, v11;
	_ =	sdelay $0x1  }
0x87d: {  	[tilespmem:v8+s4+$0x0] =	vst.idx.msk $0xffff, v9  }
0x87e: {  	v9 =	vld [tilespmem:s9+$0x0];
	_ =	sdelay $0x4  }
0x87f: {  	v9 =	vsub.f32 $0.0e+00, v9;
	_ =	sdelay $0x1  }
0x880: {  	v9 =	vmul.f32 $1.442695020e+00, v9;
	_ =	sdelay $0x1  }
0x881: {  	(erf) = vpow2.f32 v9;
	_ =	sdelay $0x8  }
0x882: {  	v9 =	vpop (erf)  }
0x883: {  	v9 =	vmax.f32 v9, $1.000000010e-01  }
0x884: {  	v9 =	vmin.f32 v9, $1.000000000e+02  }
0x885: {  	[tilespmem:s11+$0x0] =	vst v9;
	v9 =	vor.u32 $0x5, v5  }
0x886: {  	v10 =	vor.u32 $0x4, v5;
	v7 =	vld.idx.msk [tilespmem:v7+s28+$0x0], $0xffff  }
0x887: {  	v12 =	vor.u32 $0x7, v5;
	v11 =	vld.idx.msk [tilespmem:v5+s28+$0x0], $0xffff  }
0x888: {  	v13 =	vor.u32 $0x6, v5;
	v8 =	vld.idx.msk [tilespmem:v8+s28+$0x0], $0xffff  }
0x889: {  	v6 =	vld.idx.msk [tilespmem:v6+s28+$0x0], $0xffff  }
0x88a: {  	v9 =	vld.idx.msk [tilespmem:v9+s28+$0x0], $0xffff  }
0x88b: {  	v10 =	vld.idx.msk [tilespmem:v10+s28+$0x0], $0xffff  }
0x88c: {  	v12 =	vld.idx.msk [tilespmem:v12+s28+$0x0], $0xffff  }
0x88d: {  	v13 =	vld.idx.msk [tilespmem:v13+s28+$0x0], $0xffff;
	_ =	sdelay $0x1  }
0x88e: {  	v7 =	vsub.f32 v7, v11;
	v6 =	vsub.f32 v6, v8;
	_ =	sdelay $0x1  }
0x88f: {  	vm0 =	vgt.f32 v6, v7;
	v8 =	vsub.f32 v9, v10  }
0x890: {  	v6 =	vsel vm0, v6, v7  }
0x891: {  	vm1 =	vgt.f32 v8, v6;
	v7 =	vsub.f32 v12, v13  }
0x892: {  	v9 =	vsel vm0, $0x1, v4;
	v6 =	vsel vm1, v8, v6  }
0x893: {  	v8 =	vsel vm1, $0x2, v9;
	vm0 =	vgt.f32 v7, v6  }
0x894: {  	v6 =	vsel vm0, $0x3, v8  }
0x895: {  	v7 =	vshll.u32 v6, $0x1;
	v6 =	vcvt.s32.f32 v6  }
0x896: {  	v5 =	vor.u32 v5, v7  }
0x897: {  	v7 =	vor.u32 $0x8, v5;
	v5 =	vor.u32 $0x9, v5;
	v6 =	vmul.f32 $1.570796370e+00, v6;
	_ =	sdelay $0x1  }
0x898: {  	v6 =	vsel vm0, $0xBFC90FDB, v6;
	_ =	sdelay $0x2  }
0x899: {  	v5 =	vld.idx.msk [tilespmem:v5+s28+$0x0], $0xffff  }
0x89a: {  	v7 =	vld.idx.msk [tilespmem:v7+s28+$0x0], $0xffff;
	_ =	sdelay $0x4  }
0x89b: {  	(erf) = vrcp.f32 v5;
	_ =	sdelay $0x8  }
0x89c: {  	v5 =	vpop (erf)  }
0x89d: {  	v5 =	vmul.f32 v5, v7;
	_ =	sdelay $0x1  }
0x89e: {  	v7 =	vand.u32 $0x7FFFFFFF, v5  }
0x89f: {  	(erf) = vrcp.f32 v7;
	_ =	sdelay $0x8  }
0x8a0: {  	vm0 =	vgt.f32 v7, $1.000000000e+00;
	v8 =	vpop (erf)  }
0x8a1: {  	v7 =	vsel vm0, v8, v7  }
0x8a2: {  	v8 =	vmul.f32 v7, v7;
	_ =	sdelay $0x1  }
0x8a3: {  	v9 =	vmul.f32 $2.083509970e-02, v8;
	_ =	sdelay $0x1  }
0x8a4: {  	v9 =	vadd.f32 $-8.513300120e-02, v9;
	_ =	sdelay $0x1  }
0x8a5: {  	v9 =	vmul.f32 v9, v8;
	_ =	sdelay $0x1  }
0x8a6: {  	v9 =	vadd.f32 $1.801410020e-01, v9;
	_ =	sdelay $0x1  }
0x8a7: {  	v9 =	vmul.f32 v9, v8;
	_ =	sdelay $0x1  }
0x8a8: {  	v9 =	vadd.f32 $-3.302994970e-01, v9;
	_ =	sdelay $0x1  }
0x8a9: {  	v8 =	vmul.f32 v9, v8;
	_ =	sdelay $0x1  }
0x8aa: {  	v8 =	vadd.f32 $9.998660080e-01, v8;
	_ =	sdelay $0x1  }
0x8ab: {  	v7 =	vmul.f32 v8, v7;
	_ =	sdelay $0x1  }
0x8ac: {  	v8 =	vsub.f32 $1.570796370e+00, v7;
	_ =	sdelay $0x1  }
0x8ad: {  	v7 =	vsel vm0, v8, v7  }
0x8ae: {  	v8 =	vsub.f32 $0.0e+00, v7  }
.Ltmp6:
0x8af: {  	vm0 =	vlt.f32 v5, $0.0e+00;
	(pc) =	sbr.rel @p0 .LBB2_14-.Ltmp6, $3  }
0x8b0: {  	v5 =	vsel vm0, v8, v7  }
0x8b1: {  	v6 =	vadd.f32 v5, v6;
	_ =	sdelay $0x1  }
0x8b2: {  	s15 =	smov.u32 s13;
	s10 =	sadd.s32 $0x10, s10;
	s11 =	sadd.s32 $0x10, s11;
	v5 =	vmov s14;
	vm0 =	vgt.f32 v6, $3.141592740e+00;
	v7 =	vadd.f32 $-6.283185480e+00, v6  }
0x8b3: {  	v5 =	vshll.u32 v5, $0x7  }
0x8b4: {  	v5 =	vor.u32 v0, v5;
	v6 =	vsel vm0, v7, v6  }
0x8b5: {  	v8 =	vadd.f32 $6.283185480e+00, v6  }
0x8b6: {  	v7 =	vor.u32 $0x1, v5;
	vm0 =	vlt.f32 v6, $-3.141592740e+00  }
0x8b7: {  	v6 =	vsel vm0, v8, v6  }
0x8b8: {  	[tilespmem:s12+$0x0] =	vst v6  }
0x8b9: {  	v6 =	vld.idx.msk [tilespmem:v5+s1+$0x0], $0xffff  }
0x8ba: {  	v9 =	vor.u32 $0x2, v5;
	v11 =	vld.idx.msk [tilespmem:v5+s25+$0x0], $0xffff  }
0x8bb: {  	v10 =	vor.u32 $0x3, v5;
	v8 =	vld.idx.msk [tilespmem:v7+s25+$0x0], $0xffff  }
0x8bc: {  	v12 =	vld.idx.msk [tilespmem:v7+s1+$0x0], $0xffff;
	_ =	sdelay $0x2  }
0x8bd: {  	v13 =	vld.idx.msk [tilespmem:v9+s25+$0x0], $0xffff  }
0x8be: {  	v14 =	vld.idx.msk [tilespmem:v10+s25+$0x0], $0xffff;
	v11 =	vsub.f32 v6, v11  }
0x8bf: {  	v8 =	vsub.f32 v12, v8  }
0x8c0: {  	v11 =	vmul.f32 $4.000000000e+00, v11  }
0x8c1: {  	v8 =	vmul.f32 $4.000000000e+00, v8  }
0x8c2: {  	v6 =	vadd.f32 v13, v6;
	v11 =	vmax.f32 v11, $0.0e+00  }
0x8c3: {  	v12 =	vadd.f32 v14, v12;
	v11 =	vmin.f32 v11, $1.280000000e+03;
	v8 =	vmax.f32 v8, $0.0e+00  }
0x8c4: {  	v6 =	vmul.f32 $4.000000000e+00, v6;
	[tilespmem:v5+s3+$0x0] =	vst.idx.msk $0xffff, v11;
	v8 =	vmin.f32 v8, $3.840000000e+02  }
0x8c5: {  	v48 =	vmul.f32 $4.000000000e+00, v12;
	[tilespmem:v7+s3+$0x0] =	vst.idx.msk $0xffff, v8  }
0x8c6: {  	[tilespmem:v9+s3+$0x0] =	vst.idx.msk $0xffff, v6  }
0x8c7: {  	[tilespmem:v10+s3+$0x0] =	vst.idx.msk $0xffff, v48  }
0x8c8: {  	v6 =	vld.idx.msk [tilespmem:v5+s26+$0x0], $0xffff;
	_ =	sdelay $0x4  }
0x8c9: {  	v6 =	vmul.f32 $1.442695020e+00, v6;
	_ =	sdelay $0x1  }
0x8ca: {  	(erf) = vpow2.f32 v6  }
0x8cb: {  	s8 =	sadd.s32 $0x10, s8  }
0x8cc: {  	v6 =	vld [tilespmem:s8+$0x0];
	_ =	sdelay $0x4  }
0x8cd: {  	vm0 =	veq.s32 v6, $0x1  }
0x8ce: {  	vm1 =	veq.s32 v6, $0x0;
	v6 =	vsel vm0, $0x3F6B7C6F, v1  }
0x8cf: {  	v6 =	vsel vm1, $0x409AD914, v6;
	v8 =	vpop (erf)  }
0x8d0: {  	v6 =	vmul.f32 v6, v8;
	_ =	sdelay $0x1  }
0x8d1: {  	[tilespmem:v5+s4+$0x0] =	vst.idx.msk $0xffff, v6  }
0x8d2: {  	v6 =	vld.idx.msk [tilespmem:v7+s26+$0x0], $0xffff;
	_ =	sdelay $0x4  }
0x8d3: {  	v6 =	vmul.f32 $1.442695020e+00, v6;
	_ =	sdelay $0x1  }
0x8d4: {  	(erf) = vpow2.f32 v6;
	_ =	sdelay $0x7  }
0x8d5: {  	v6 =	vsel vm0, $0x3FE06312, v2  }
0x8d6: {  	v6 =	vsel vm1, $0x3FE765A6, v6;
	v8 =	vpop (erf)  }
0x8d7: {  	v6 =	vmul.f32 v8, v6;
	_ =	sdelay $0x1  }
0x8d8: {  	[tilespmem:v7+s4+$0x0] =	vst.idx.msk $0xffff, v6  }
0x8d9: {  	v6 =	vld.idx.msk [tilespmem:v9+s26+$0x0], $0xffff;
	_ =	sdelay $0x4  }
0x8da: {  	v6 =	vmul.f32 $1.442695020e+00, v6;
	_ =	sdelay $0x1  }
0x8db: {  	(erf) = vpow2.f32 v6;
	_ =	sdelay $0x7  }
0x8dc: {  	v6 =	vsel vm0, $0x3F5CB9AB, v3  }
0x8dd: {  	v6 =	vsel vm1, $0x400766F1, v6;
	v8 =	vpop (erf)  }
0x8de: {  	v6 =	vmul.f32 v8, v6;
	_ =	sdelay $0x1  }
0x8df: {  	s9 =	sadd.s32 $0x10, s9;
	[tilespmem:v9+s4+$0x0] =	vst.idx.msk $0xffff, v6  }
0x8e0: {  	v6 =	vld [tilespmem:s9+$0x0];
	_ =	sdelay $0x4  }
0x8e1: {  	v6 =	vsub.f32 $0.0e+00, v6;
	_ =	sdelay $0x1  }
0x8e2: {  	v6 =	vmul.f32 $1.442695020e+00, v6;
	_ =	sdelay $0x1  }
0x8e3: {  	(erf) = vpow2.f32 v6;
	_ =	sdelay $0x8  }
0x8e4: {  	v6 =	vpop (erf)  }
0x8e5: {  	v6 =	vmax.f32 v6, $1.000000010e-01  }
0x8e6: {  	v6 =	vmin.f32 v6, $1.000000000e+02  }
0x8e7: {  	v8 =	vor.u32 $0x4, v5;
	[tilespmem:s11+$0x0] =	vst v6  }
0x8e8: {  	v6 =	vor.u32 $0x5, v5;
	v7 =	vld.idx.msk [tilespmem:v7+s28+$0x0], $0xffff  }
0x8e9: {  	v49 =	vor.u32 $0x7, v5;
	v11 =	vld.idx.msk [tilespmem:v5+s28+$0x0], $0xffff  }
0x8ea: {  	v50 =	vor.u32 $0x6, v5;
	v9 =	vld.idx.msk [tilespmem:v9+s28+$0x0], $0xffff  }
0x8eb: {  	v10 =	vld.idx.msk [tilespmem:v10+s28+$0x0], $0xffff  }
0x8ec: {  	v8 =	vld.idx.msk [tilespmem:v8+s28+$0x0], $0xffff  }
0x8ed: {  	v6 =	vld.idx.msk [tilespmem:v6+s28+$0x0], $0xffff  }
0x8ee: {  	v12 =	vld.idx.msk [tilespmem:v49+s28+$0x0], $0xffff  }
0x8ef: {  	v13 =	vld.idx.msk [tilespmem:v50+s28+$0x0], $0xffff  }
0x8f0: {  	v7 =	vsub.f32 v7, v11;
	v9 =	vsub.f32 v10, v9;
	_ =	sdelay $0x1  }
0x8f1: {  	vm0 =	vgt.f32 v9, v7;
	v6 =	vsub.f32 v6, v8  }
0x8f2: {  	v7 =	vsel vm0, v9, v7  }
0x8f3: {  	v8 =	vsub.f32 v12, v13;
	vm1 =	vgt.f32 v6, v7  }
0x8f4: {  	v51 =	vsel vm0, $0x1, v4;
	v6 =	vsel vm1, v6, v7  }
0x8f5: {  	v7 =	vsel vm1, $0x2, v51;
	vm0 =	vgt.f32 v8, v6  }
0x8f6: {  	v6 =	vsel vm0, $0x3, v7  }
0x8f7: {  	v7 =	vshll.u32 v6, $0x1  }
0x8f8: {  	v5 =	vor.u32 v5, v7  }
0x8f9: {  	v7 =	vor.u32 $0x9, v5;
	_ =	sdelay $0x4  }
0x8fa: {  	v7 =	vld.idx.msk [tilespmem:v7+s28+$0x0], $0xffff;
	_ =	sdelay $0x4  }
0x8fb: {  	v5 =	vor.u32 $0x8, v5;
	(erf) = vrcp.f32 v7;
	_ =	sdelay $0x4  }
0x8fc: {  	v5 =	vld.idx.msk [tilespmem:v5+s28+$0x0], $0xffff;
	_ =	sdelay $0x3  }
0x8fd: {  	v7 =	vpop (erf)  }
0x8fe: {  	v5 =	vmul.f32 v7, v5;
	_ =	sdelay $0x1  }
0x8ff: {  	v7 =	vand.u32 $0x7FFFFFFF, v5  }
0x900: {  	(erf) = vrcp.f32 v7;
	_ =	sdelay $0x8  }
0x901: {  	vm1 =	vgt.f32 v7, $1.000000000e+00;
	v8 =	vpop (erf)  }
0x902: {  	v7 =	vsel vm1, v8, v7  }
0x903: {  	v8 =	vmul.f32 v7, v7;
	_ =	sdelay $0x1  }
0x904: {  	v52 =	vmul.f32 $2.083509970e-02, v8;
	_ =	sdelay $0x1  }
0x905: {  	v9 =	vadd.f32 $-8.513300120e-02, v52;
	_ =	sdelay $0x1  }
0x906: {  	v9 =	vmul.f32 v9, v8;
	_ =	sdelay $0x1  }
0x907: {  	v9 =	vadd.f32 $1.801410020e-01, v9;
	_ =	sdelay $0x1  }
0x908: {  	v9 =	vmul.f32 v9, v8;
	_ =	sdelay $0x1  }
0x909: {  	v9 =	vadd.f32 $-3.302994970e-01, v9;
	_ =	sdelay $0x1  }
0x90a: {  	v8 =	vmul.f32 v9, v8;
	_ =	sdelay $0x1  }
0x90b: {  	v8 =	vadd.f32 $9.998660080e-01, v8;
	_ =	sdelay $0x1  }
0x90c: {  	v7 =	vmul.f32 v8, v7;
	_ =	sdelay $0x1  }
0x90d: {  	v8 =	vsub.f32 $1.570796370e+00, v7  }
0x90e: {  	v6 =	vcvt.s32.f32 v6  }
0x90f: {  	v7 =	vsel vm1, v8, v7  }
0x910: {  	v6 =	vmul.f32 $1.570796370e+00, v6;
	v8 =	vsub.f32 $0.0e+00, v7  }
0x911: {  	vm1 =	vlt.f32 v5, $0.0e+00  }
0x912: {  	v5 =	vsel vm0, $0xBFC90FDB, v6;
	v6 =	vsel vm1, v8, v7  }
0x913: {  	v5 =	vadd.f32 v6, v5;
	_ =	sdelay $0x1  }
0x914: {  	v6 =	vadd.f32 $-6.283185480e+00, v5  }
0x915: {  	vm0 =	vgt.f32 v5, $3.141592740e+00  }
0x916: {  	v5 =	vsel vm0, v6, v5  }
0x917: {  	v6 =	vadd.f32 $6.283185480e+00, v5  }
0x918: {  	vm0 =	vlt.f32 v5, $-3.141592740e+00  }
0x919: {  	v5 =	vsel vm0, v6, v5  }
0x91a: {  	s12 =	simm.s32 $0x0;
	[tilespmem:s10+$0x0] =	vst v5  }
0x91b: {  	[hbm4b:s16+s12] =	stream.linear.scatter [tilespmem:s3], [sflag:$0x2], $0x2800, $0x38;
	[tilespmem:$0x19A00] =	vst v63  }
0x91c: {  	_ = 	snop  }
0x91d: {  	[hbm4b:s17+s12] =	stream.linear.scatter [tilespmem:s4], [sflag:$0x2], $0x2800, $0x38;
	[tilespmem:$0x19A00] =	vst v63  }
0x91e: {  	_ =	swait.ge [sflag:s2], $0x2800  }
0x91f: {  	[sflag:s2] =	ssyncset.done $0x0  }
0x920: {  	[sflag:s2] =	ssyncadd.s32 $0xFFFFD800  }
0x921: {  	_ =	swait.ge [sflag:s2], $0x2800  }
0x922: {  	[sflag:s2] =	ssyncset.done $0x0  }
0x923: {  	[sflag:s2] =	ssyncadd.s32 $0xFFFFD800  }
0x924: {  	_ =	swait.ge [sflag:s2], $0x2800  }
0x925: {  	[sflag:s2] =	ssyncset.done $0x0  }
0x926: {  	[sflag:s2] =	ssyncadd.s32 $0xFFFFD800  }
0x927: {  	_ =	swait.ge [sflag:s2], $0x2800  }
0x928: {  	[sflag:s2] =	ssyncset.done $0x0  }
0x929: {  	v5 =	vmov s12;
	[sflag:s2] =	ssyncadd.s32 $0xFFFFD800  }
0x92a: {  	v5 =	vshll.u32 v5, $0x7;
	_ =	swait.ge [sflag:s5], $0x2800  }
0x92b: {  	v5 =	vor.u32 v0, v5;
	[sflag:s5] =	ssyncset.done $0x0  }
0x92c: {  	v6 =	vor.u32 $0x1, v5;
	[sflag:s5] =	ssyncadd.s32 $0xFFFFD800  }
0x92d: {  	_ =	swait.ge [sflag:s5], $0x2800  }
0x92e: {  	[sflag:s5] =	ssyncset.done $0x0  }
0x92f: {  	[sflag:s5] =	ssyncadd.s32 $0xFFFFD800  }
0x930: {  	v7 =	vld.idx.msk [tilespmem:v5+s29+$0x0], $0xffff  }
0x931: {  	v53 =	vor.u32 $0x2, v5;
	v8 =	vld.idx.msk [tilespmem:v6+s30+$0x0], $0xffff  }
0x932: {  	v54 =	vor.u32 $0x3, v5;
	v55 =	vld.idx.msk [tilespmem:v5+s30+$0x0], $0xffff  }
0x933: {  	v56 =	vld.idx.msk [tilespmem:v6+s29+$0x0], $0xffff;
	_ =	sdelay $0x2  }
0x934: {  	v57 =	vld.idx.msk [tilespmem:v53+s30+$0x0], $0xffff  }
0x935: {  	v58 =	vld.idx.msk [tilespmem:v54+s30+$0x0], $0xffff;
	v11 =	vsub.f32 v7, v55  }
0x936: {  	v8 =	vsub.f32 v56, v8  }
0x937: {  	v11 =	vmul.f32 $4.000000000e+00, v11  }
0x938: {  	v8 =	vmul.f32 $4.000000000e+00, v8  }
0x939: {  	v7 =	vadd.f32 v57, v7;
	v11 =	vmax.f32 v11, $0.0e+00  }
0x93a: {  	v12 =	vadd.f32 v58, v56;
	v8 =	vmax.f32 v8, $0.0e+00;
	v11 =	vmin.f32 v11, $1.280000000e+03  }
0x93b: {  	v7 =	vmul.f32 $4.000000000e+00, v7;
	v8 =	vmin.f32 v8, $3.840000000e+02;
	[tilespmem:v5+s3+$0x0] =	vst.idx.msk $0xffff, v11  }
0x93c: {  	v59 =	vmul.f32 $4.000000000e+00, v12;
	[tilespmem:v6+s3+$0x0] =	vst.idx.msk $0xffff, v8  }
0x93d: {  	[tilespmem:v53+s3+$0x0] =	vst.idx.msk $0xffff, v7  }
0x93e: {  	[tilespmem:v54+s3+$0x0] =	vst.idx.msk $0xffff, v59  }
0x93f: {  	v7 =	vld.idx.msk [tilespmem:v5+s31+$0x0], $0xffff;
	_ =	sdelay $0x4  }
0x940: {  	v7 =	vmul.f32 $1.442695020e+00, v7;
	_ =	sdelay $0x1  }
0x941: {  	(erf) = vpow2.f32 v7  }
0x942: {  	s8 =	simm.s32 $0x194B0  }
0x943: {  	v7 =	vld [tilespmem:s8+$0x0];
	_ =	sdelay $0x4  }
0x944: {  	vm0 =	veq.s32 v7, $0x1  }
0x945: {  	vm1 =	veq.s32 v7, $0x0;
	v7 =	vsel vm0, $0x3F6B7C6F, v1  }
0x946: {  	v7 =	vsel vm1, $0x409AD914, v7;
	v8 =	vpop (erf)  }
0x947: {  	v7 =	vmul.f32 v7, v8;
	_ =	sdelay $0x1  }
0x948: {  	[tilespmem:v5+s4+$0x0] =	vst.idx.msk $0xffff, v7  }
0x949: {  	v7 =	vld.idx.msk [tilespmem:v6+s31+$0x0], $0xffff;
	_ =	sdelay $0x4  }
0x94a: {  	v7 =	vmul.f32 $1.442695020e+00, v7;
	_ =	sdelay $0x1  }
0x94b: {  	(erf) = vpow2.f32 v7;
	_ =	sdelay $0x7  }
0x94c: {  	v7 =	vsel vm0, $0x3FE06312, v2  }
0x94d: {  	v7 =	vsel vm1, $0x3FE765A6, v7;
	v8 =	vpop (erf)  }
0x94e: {  	v7 =	vmul.f32 v8, v7;
	_ =	sdelay $0x1  }
0x94f: {  	[tilespmem:v6+s4+$0x0] =	vst.idx.msk $0xffff, v7  }
0x950: {  	v7 =	vld.idx.msk [tilespmem:v53+s31+$0x0], $0xffff;
	_ =	sdelay $0x4  }
0x951: {  	v7 =	vmul.f32 $1.442695020e+00, v7;
	_ =	sdelay $0x1  }
0x952: {  	(erf) = vpow2.f32 v7;
	_ =	sdelay $0x7  }
0x953: {  	v7 =	vsel vm0, $0x3F5CB9AB, v3  }
0x954: {  	v7 =	vsel vm1, $0x400766F1, v7;
	v8 =	vpop (erf)  }
0x955: {  	v7 =	vmul.f32 v8, v7;
	_ =	sdelay $0x1  }
0x956: {  	s9 =	simm.s32 $0x19230;
	[tilespmem:v53+s4+$0x0] =	vst.idx.msk $0xffff, v7  }
0x957: {  	v7 =	vld [tilespmem:s9+$0x0];
	_ =	sdelay $0x4  }
0x958: {  	v7 =	vsub.f32 $0.0e+00, v7;
	_ =	sdelay $0x1  }
0x959: {  	v7 =	vmul.f32 $1.442695020e+00, v7;
	_ =	sdelay $0x1  }
0x95a: {  	(erf) = vpow2.f32 v7;
	_ =	sdelay $0x8  }
0x95b: {  	v7 =	vpop (erf)  }
0x95c: {  	v7 =	vmax.f32 v7, $1.000000010e-01  }
0x95d: {  	s13 =	simm.s32 $0x19730;
	v7 =	vmin.f32 v7, $1.000000000e+02  }
0x95e: {  	v8 =	vor.u32 $0x4, v5;
	[tilespmem:s13+$0x0] =	vst v7  }
0x95f: {  	v7 =	vor.u32 $0x5, v5;
	v6 =	vld.idx.msk [tilespmem:v6+s0+$0x0], $0xffff  }
0x960: {  	v60 =	vor.u32 $0x7, v5;
	v11 =	vld.idx.msk [tilespmem:v5+s0+$0x0], $0xffff  }
0x961: {  	v61 =	vor.u32 $0x6, v5;
	v9 =	vld.idx.msk [tilespmem:v53+s0+$0x0], $0xffff  }
0x962: {  	v10 =	vld.idx.msk [tilespmem:v54+s0+$0x0], $0xffff  }
0x963: {  	v8 =	vld.idx.msk [tilespmem:v8+s0+$0x0], $0xffff  }
0x964: {  	v7 =	vld.idx.msk [tilespmem:v7+s0+$0x0], $0xffff  }
0x965: {  	v12 =	vld.idx.msk [tilespmem:v60+s0+$0x0], $0xffff  }
0x966: {  	v13 =	vld.idx.msk [tilespmem:v61+s0+$0x0], $0xffff  }
0x967: {  	v6 =	vsub.f32 v6, v11;
	v9 =	vsub.f32 v10, v9;
	_ =	sdelay $0x1  }
0x968: {  	vm0 =	vgt.f32 v9, v6;
	v7 =	vsub.f32 v7, v8  }
0x969: {  	v6 =	vsel vm0, v9, v6  }
0x96a: {  	v8 =	vsub.f32 v12, v13;
	vm1 =	vgt.f32 v7, v6  }
0x96b: {  	v62 =	vsel vm0, $0x1, v4;
	v6 =	vsel vm1, v7, v6  }
0x96c: {  	v7 =	vsel vm1, $0x2, v62;
	vm0 =	vgt.f32 v8, v6  }
0x96d: {  	v6 =	vsel vm0, $0x3, v7  }
0x96e: {  	v7 =	vshll.u32 v6, $0x1  }
0x96f: {  	v5 =	vor.u32 v5, v7  }
0x970: {  	v7 =	vor.u32 $0x9, v5;
	_ =	sdelay $0x4  }
0x971: {  	v7 =	vld.idx.msk [tilespmem:v7+s0+$0x0], $0xffff;
	_ =	sdelay $0x4  }
0x972: {  	v5 =	vor.u32 $0x8, v5;
	(erf) = vrcp.f32 v7;
	_ =	sdelay $0x4  }
0x973: {  	v5 =	vld.idx.msk [tilespmem:v5+s0+$0x0], $0xffff;
	_ =	sdelay $0x3  }
0x974: {  	v7 =	vpop (erf)  }
0x975: {  	v5 =	vmul.f32 v7, v5;
	_ =	sdelay $0x1  }
0x976: {  	v7 =	vand.u32 $0x7FFFFFFF, v5  }
0x977: {  	(erf) = vrcp.f32 v7;
	_ =	sdelay $0x8  }
0x978: {  	vm1 =	vgt.f32 v7, $1.000000000e+00;
	v8 =	vpop (erf)  }
0x979: {  	v7 =	vsel vm1, v8, v7  }
0x97a: {  	v8 =	vmul.f32 v7, v7;
	_ =	sdelay $0x1  }
0x97b: {  	v63 =	vmul.f32 $2.083509970e-02, v8;
	_ =	sdelay $0x1  }
0x97c: {  	v9 =	vadd.f32 $-8.513300120e-02, v63;
	_ =	sdelay $0x1  }
0x97d: {  	v9 =	vmul.f32 v9, v8;
	_ =	sdelay $0x1  }
0x97e: {  	v9 =	vadd.f32 $1.801410020e-01, v9;
	_ =	sdelay $0x1  }
0x97f: {  	v9 =	vmul.f32 v9, v8;
	_ =	sdelay $0x1  }
0x980: {  	v9 =	vadd.f32 $-3.302994970e-01, v9;
	_ =	sdelay $0x1  }
0x981: {  	v8 =	vmul.f32 v9, v8;
	_ =	sdelay $0x1  }
0x982: {  	v8 =	vadd.f32 $9.998660080e-01, v8;
	_ =	sdelay $0x1  }
0x983: {  	v7 =	vmul.f32 v8, v7;
	_ =	sdelay $0x1  }
0x984: {  	v8 =	vsub.f32 $1.570796370e+00, v7  }
0x985: {  	v6 =	vcvt.s32.f32 v6  }
0x986: {  	v7 =	vsel vm1, v8, v7  }
0x987: {  	v6 =	vmul.f32 $1.570796370e+00, v6;
	v8 =	vsub.f32 $0.0e+00, v7  }
0x988: {  	vm1 =	vlt.f32 v5, $0.0e+00  }
0x989: {  	v5 =	vsel vm0, $0xBFC90FDB, v6;
	v6 =	vsel vm1, v8, v7  }
0x98a: {  	v6 =	vadd.f32 v6, v5  }
0x98b: {  	s14 =	simm.s32 $0x10;
	s11 =	simm.s32 $0x19740  }
0x98c: {  	s15 =	simm.s32 $0x20;
	s10 =	simm.s32 $0x199C0;
	s12 =	simm.s32 $0x199B0;
	v5 =	vmov s14;
	vm0 =	vgt.f32 v6, $3.141592740e+00;
	v7 =	vadd.f32 $-6.283185480e+00, v6  }
.LBB2_16:
0x98d: {  	s8 =	sadd.s32 $0x10, s8  }
0x98e: {  	v5 =	vshll.u32 v5, $0x7;
	s9 =	sadd.s32 $0x10, s9;
	s14 =	smov.u32 s15;
	s13 =	sadd.s32 $0x10, s15  }
0x98f: {  	p0 =	sne.s32 s15, $0x40;
	v5 =	vor.u32 v0, v5;
	v8 =	vsel vm0, v7, v6  }
0x990: {  	v7 =	vor.u32 $0x1, v5;
	v9 =	vadd.f32 $6.283185480e+00, v8  }
0x991: {  	vm0 =	vlt.f32 v8, $-3.141592740e+00  }
0x992: {  	v6 =	vor.u32 $0x3, v5;
	v8 =	vsel vm0, v9, v8  }
0x993: {  	[tilespmem:s12+$0x0] =	vst v8;
	s12 =	smov.u32 s10  }
0x994: {  	v9 =	vld.idx.msk [tilespmem:v5+s29+$0x0], $0xffff  }
0x995: {  	v8 =	vor.u32 $0x2, v5;
	v10 =	vld.idx.msk [tilespmem:v7+s30+$0x0], $0xffff  }
0x996: {  	v11 =	vld.idx.msk [tilespmem:v5+s30+$0x0], $0xffff  }
0x997: {  	v12 =	vld.idx.msk [tilespmem:v7+s29+$0x0], $0xffff  }
0x998: {  	v13 =	vld.idx.msk [tilespmem:v6+s30+$0x0], $0xffff;
	_ =	sdelay $0x1  }
0x999: {  	v14 =	vld.idx.msk [tilespmem:v8+s30+$0x0], $0xffff;
	_ =	sdelay $0x1  }
0x99a: {  	v11 =	vsub.f32 v9, v11  }
0x99b: {  	v10 =	vsub.f32 v12, v10  }
0x99c: {  	v11 =	vmul.f32 $4.000000000e+00, v11;
	v12 =	vadd.f32 v13, v12  }
0x99d: {  	v10 =	vmul.f32 $4.000000000e+00, v10  }
0x99e: {  	v9 =	vadd.f32 v14, v9;
	v11 =	vmax.f32 v11, $0.0e+00  }
0x99f: {  	v11 =	vmin.f32 v11, $1.280000000e+03;
	v10 =	vmax.f32 v10, $0.0e+00  }
0x9a0: {  	v9 =	vmul.f32 $4.000000000e+00, v9;
	v10 =	vmin.f32 v10, $3.840000000e+02;
	[tilespmem:v5+s3+$0x0] =	vst.idx.msk $0xffff, v11  }
0x9a1: {  	v11 =	vmul.f32 $4.000000000e+00, v12;
	[tilespmem:v7+s3+$0x0] =	vst.idx.msk $0xffff, v10  }
0x9a2: {  	[tilespmem:v8+s3+$0x0] =	vst.idx.msk $0xffff, v9  }
0x9a3: {  	[tilespmem:v6+s3+$0x0] =	vst.idx.msk $0xffff, v11  }
0x9a4: {  	v9 =	vld.idx.msk [tilespmem:v5+s31+$0x0], $0xffff;
	_ =	sdelay $0x5  }
0x9a5: {  	v9 =	vmul.f32 $1.442695020e+00, v9;
	_ =	sdelay $0x1  }
0x9a6: {  	(erf) = vpow2.f32 v9;
	_ =	sdelay $0x1  }
0x9a7: {  	v9 =	vld [tilespmem:s8+$0x0];
	_ =	sdelay $0x4  }
0x9a8: {  	vm0 =	veq.s32 v9, $0x1  }
0x9a9: {  	vm1 =	veq.s32 v9, $0x0;
	v9 =	vsel vm0, $0x3F6B7C6F, v1;
	v10 =	vsel vm0, $0x3FE06312, v2  }
0x9aa: {  	v11 =	vsel vm0, $0x3F5CB9AB, v3;
	v9 =	vsel vm1, $0x409AD914, v9;
	v10 =	vsel vm1, $0x3FE765A6, v10;
	v12 =	vpop (erf)  }
0x9ab: {  	v11 =	vsel vm1, $0x400766F1, v11;
	v9 =	vmul.f32 v9, v12;
	_ =	sdelay $0x1  }
0x9ac: {  	[tilespmem:v5+s4+$0x0] =	vst.idx.msk $0xffff, v9  }
0x9ad: {  	v9 =	vld.idx.msk [tilespmem:v7+s31+$0x0], $0xffff;
	_ =	sdelay $0x5  }
0x9ae: {  	v9 =	vmul.f32 $1.442695020e+00, v9;
	_ =	sdelay $0x1  }
0x9af: {  	(erf) = vpow2.f32 v9;
	_ =	sdelay $0x8  }
0x9b0: {  	v9 =	vpop (erf)  }
0x9b1: {  	v9 =	vmul.f32 v9, v10;
	_ =	sdelay $0x1  }
0x9b2: {  	[tilespmem:v7+s4+$0x0] =	vst.idx.msk $0xffff, v9  }
0x9b3: {  	v9 =	vld.idx.msk [tilespmem:v8+s31+$0x0], $0xffff;
	_ =	sdelay $0x5  }
0x9b4: {  	v9 =	vmul.f32 $1.442695020e+00, v9;
	_ =	sdelay $0x1  }
0x9b5: {  	(erf) = vpow2.f32 v9;
	_ =	sdelay $0x8  }
0x9b6: {  	v9 =	vpop (erf)  }
0x9b7: {  	v9 =	vmul.f32 v9, v11;
	_ =	sdelay $0x1  }
0x9b8: {  	[tilespmem:v8+s4+$0x0] =	vst.idx.msk $0xffff, v9  }
0x9b9: {  	v9 =	vld [tilespmem:s9+$0x0];
	_ =	sdelay $0x4  }
0x9ba: {  	v9 =	vsub.f32 $0.0e+00, v9;
	_ =	sdelay $0x1  }
0x9bb: {  	v9 =	vmul.f32 $1.442695020e+00, v9;
	_ =	sdelay $0x1  }
0x9bc: {  	(erf) = vpow2.f32 v9;
	_ =	sdelay $0x8  }
0x9bd: {  	v9 =	vpop (erf)  }
0x9be: {  	v9 =	vmax.f32 v9, $1.000000010e-01  }
0x9bf: {  	v9 =	vmin.f32 v9, $1.000000000e+02  }
0x9c0: {  	[tilespmem:s11+$0x0] =	vst v9;
	v9 =	vor.u32 $0x5, v5  }
0x9c1: {  	v10 =	vor.u32 $0x4, v5;
	v7 =	vld.idx.msk [tilespmem:v7+s0+$0x0], $0xffff  }
0x9c2: {  	v12 =	vor.u32 $0x7, v5;
	v11 =	vld.idx.msk [tilespmem:v5+s0+$0x0], $0xffff  }
0x9c3: {  	v13 =	vor.u32 $0x6, v5;
	v8 =	vld.idx.msk [tilespmem:v8+s0+$0x0], $0xffff  }
0x9c4: {  	v6 =	vld.idx.msk [tilespmem:v6+s0+$0x0], $0xffff  }
0x9c5: {  	v9 =	vld.idx.msk [tilespmem:v9+s0+$0x0], $0xffff  }
0x9c6: {  	v10 =	vld.idx.msk [tilespmem:v10+s0+$0x0], $0xffff  }
0x9c7: {  	v12 =	vld.idx.msk [tilespmem:v12+s0+$0x0], $0xffff  }
0x9c8: {  	v13 =	vld.idx.msk [tilespmem:v13+s0+$0x0], $0xffff;
	_ =	sdelay $0x1  }
0x9c9: {  	v7 =	vsub.f32 v7, v11;
	v6 =	vsub.f32 v6, v8;
	_ =	sdelay $0x1  }
0x9ca: {  	vm0 =	vgt.f32 v6, v7;
	v8 =	vsub.f32 v9, v10  }
0x9cb: {  	v6 =	vsel vm0, v6, v7  }
0x9cc: {  	vm1 =	vgt.f32 v8, v6;
	v7 =	vsub.f32 v12, v13  }
0x9cd: {  	v9 =	vsel vm0, $0x1, v4;
	v6 =	vsel vm1, v8, v6  }
0x9ce: {  	v8 =	vsel vm1, $0x2, v9;
	vm0 =	vgt.f32 v7, v6  }
0x9cf: {  	v6 =	vsel vm0, $0x3, v8  }
0x9d0: {  	v7 =	vshll.u32 v6, $0x1;
	v6 =	vcvt.s32.f32 v6  }
0x9d1: {  	v5 =	vor.u32 v5, v7  }
0x9d2: {  	v7 =	vor.u32 $0x8, v5;
	v5 =	vor.u32 $0x9, v5;
	v6 =	vmul.f32 $1.570796370e+00, v6;
	_ =	sdelay $0x1  }
0x9d3: {  	v6 =	vsel vm0, $0xBFC90FDB, v6;
	_ =	sdelay $0x2  }
0x9d4: {  	v5 =	vld.idx.msk [tilespmem:v5+s0+$0x0], $0xffff  }
0x9d5: {  	v7 =	vld.idx.msk [tilespmem:v7+s0+$0x0], $0xffff;
	_ =	sdelay $0x4  }
0x9d6: {  	(erf) = vrcp.f32 v5;
	_ =	sdelay $0x8  }
0x9d7: {  	v5 =	vpop (erf)  }
0x9d8: {  	v5 =	vmul.f32 v5, v7;
	_ =	sdelay $0x1  }
0x9d9: {  	v7 =	vand.u32 $0x7FFFFFFF, v5  }
0x9da: {  	(erf) = vrcp.f32 v7;
	_ =	sdelay $0x8  }
0x9db: {  	vm0 =	vgt.f32 v7, $1.000000000e+00;
	v8 =	vpop (erf)  }
0x9dc: {  	v7 =	vsel vm0, v8, v7  }
0x9dd: {  	v8 =	vmul.f32 v7, v7;
	_ =	sdelay $0x1  }
0x9de: {  	v9 =	vmul.f32 $2.083509970e-02, v8;
	_ =	sdelay $0x1  }
0x9df: {  	v9 =	vadd.f32 $-8.513300120e-02, v9;
	_ =	sdelay $0x1  }
0x9e0: {  	v9 =	vmul.f32 v9, v8;
	_ =	sdelay $0x1  }
0x9e1: {  	v9 =	vadd.f32 $1.801410020e-01, v9;
	_ =	sdelay $0x1  }
0x9e2: {  	v9 =	vmul.f32 v9, v8;
	_ =	sdelay $0x1  }
0x9e3: {  	v9 =	vadd.f32 $-3.302994970e-01, v9;
	_ =	sdelay $0x1  }
0x9e4: {  	v8 =	vmul.f32 v9, v8;
	_ =	sdelay $0x1  }
0x9e5: {  	v8 =	vadd.f32 $9.998660080e-01, v8;
	_ =	sdelay $0x1  }
0x9e6: {  	v7 =	vmul.f32 v8, v7;
	_ =	sdelay $0x1  }
0x9e7: {  	v8 =	vsub.f32 $1.570796370e+00, v7;
	_ =	sdelay $0x1  }
0x9e8: {  	v7 =	vsel vm0, v8, v7  }
0x9e9: {  	v8 =	vsub.f32 $0.0e+00, v7  }
.Ltmp7:
0x9ea: {  	vm0 =	vlt.f32 v5, $0.0e+00;
	(pc) =	sbr.rel @p0 .LBB2_16-.Ltmp7, $3  }
0x9eb: {  	v5 =	vsel vm0, v8, v7  }
0x9ec: {  	v6 =	vadd.f32 v5, v6;
	_ =	sdelay $0x1  }
0x9ed: {  	s15 =	smov.u32 s13;
	s10 =	sadd.s32 $0x10, s10;
	s11 =	sadd.s32 $0x10, s11;
	v5 =	vmov s14;
	vm0 =	vgt.f32 v6, $3.141592740e+00;
	v7 =	vadd.f32 $-6.283185480e+00, v6  }
0x9ee: {  	v5 =	vshll.u32 v5, $0x7  }
0x9ef: {  	v5 =	vor.u32 v0, v5;
	v6 =	vsel vm0, v7, v6  }
0x9f0: {  	v8 =	vadd.f32 $6.283185480e+00, v6  }
0x9f1: {  	v7 =	vor.u32 $0x1, v5;
	vm0 =	vlt.f32 v6, $-3.141592740e+00  }
0x9f2: {  	v6 =	vsel vm0, v8, v6  }
0x9f3: {  	[tilespmem:s12+$0x0] =	vst v6  }
0x9f4: {  	v6 =	vld.idx.msk [tilespmem:v5+s29+$0x0], $0xffff  }
0x9f5: {  	v9 =	vor.u32 $0x2, v5;
	v11 =	vld.idx.msk [tilespmem:v5+s30+$0x0], $0xffff  }
0x9f6: {  	v10 =	vor.u32 $0x3, v5;
	v52 =	vld.idx.msk [tilespmem:v7+s30+$0x0], $0xffff  }
0x9f7: {  	v12 =	vld.idx.msk [tilespmem:v7+s29+$0x0], $0xffff;
	_ =	sdelay $0x2  }
0x9f8: {  	v13 =	vld.idx.msk [tilespmem:v9+s30+$0x0], $0xffff  }
0x9f9: {  	v14 =	vld.idx.msk [tilespmem:v10+s30+$0x0], $0xffff;
	v11 =	vsub.f32 v6, v11  }
0x9fa: {  	v8 =	vsub.f32 v12, v52  }
0x9fb: {  	v11 =	vmul.f32 $4.000000000e+00, v11  }
0x9fc: {  	v8 =	vmul.f32 $4.000000000e+00, v8  }
0x9fd: {  	v6 =	vadd.f32 v13, v6;
	v11 =	vmax.f32 v11, $0.0e+00  }
0x9fe: {  	v12 =	vadd.f32 v14, v12;
	v11 =	vmin.f32 v11, $1.280000000e+03;
	v8 =	vmax.f32 v8, $0.0e+00  }
0x9ff: {  	v6 =	vmul.f32 $4.000000000e+00, v6;
	[tilespmem:v5+s3+$0x0] =	vst.idx.msk $0xffff, v11;
	v8 =	vmin.f32 v8, $3.840000000e+02  }
0xa00: {  	v53 =	vmul.f32 $4.000000000e+00, v12;
	[tilespmem:v7+s3+$0x0] =	vst.idx.msk $0xffff, v8  }
0xa01: {  	[tilespmem:v9+s3+$0x0] =	vst.idx.msk $0xffff, v6  }
0xa02: {  	[tilespmem:v10+s3+$0x0] =	vst.idx.msk $0xffff, v53  }
0xa03: {  	v6 =	vld.idx.msk [tilespmem:v5+s31+$0x0], $0xffff;
	_ =	sdelay $0x4  }
0xa04: {  	v6 =	vmul.f32 $1.442695020e+00, v6;
	_ =	sdelay $0x1  }
0xa05: {  	(erf) = vpow2.f32 v6  }
0xa06: {  	s8 =	sadd.s32 $0x10, s8  }
0xa07: {  	v6 =	vld [tilespmem:s8+$0x0];
	_ =	sdelay $0x4  }
0xa08: {  	vm9 =	veq.s32 v6, $0x1  }
0xa09: {  	vm1 =	veq.s32 v6, $0x0;
	v6 =	vsel vm9, $0x3F6B7C6F, v1  }
0xa0a: {  	v6 =	vsel vm1, $0x409AD914, v6;
	v54 =	vpop (erf)  }
0xa0b: {  	v6 =	vmul.f32 v6, v54;
	_ =	sdelay $0x1  }
0xa0c: {  	[tilespmem:v5+s4+$0x0] =	vst.idx.msk $0xffff, v6  }
0xa0d: {  	v6 =	vld.idx.msk [tilespmem:v7+s31+$0x0], $0xffff;
	_ =	sdelay $0x4  }
0xa0e: {  	v6 =	vmul.f32 $1.442695020e+00, v6;
	_ =	sdelay $0x1  }
0xa0f: {  	(erf) = vpow2.f32 v6;
	_ =	sdelay $0x7  }
0xa10: {  	v6 =	vsel vm9, $0x3FE06312, v2  }
0xa11: {  	v6 =	vsel vm1, $0x3FE765A6, v6;
	v55 =	vpop (erf)  }
0xa12: {  	v6 =	vmul.f32 v55, v6;
	_ =	sdelay $0x1  }
0xa13: {  	[tilespmem:v7+s4+$0x0] =	vst.idx.msk $0xffff, v6  }
0xa14: {  	v6 =	vld.idx.msk [tilespmem:v9+s31+$0x0], $0xffff;
	_ =	sdelay $0x4  }
0xa15: {  	v6 =	vmul.f32 $1.442695020e+00, v6;
	_ =	sdelay $0x1  }
0xa16: {  	(erf) = vpow2.f32 v6;
	_ =	sdelay $0x7  }
0xa17: {  	v6 =	vsel vm9, $0x3F5CB9AB, v3  }
0xa18: {  	v6 =	vsel vm1, $0x400766F1, v6;
	v56 =	vpop (erf)  }
0xa19: {  	v6 =	vmul.f32 v56, v6;
	_ =	sdelay $0x1  }
0xa1a: {  	s14 =	sadd.s32 $0x10, s9;
	[tilespmem:v9+s4+$0x0] =	vst.idx.msk $0xffff, v6  }
0xa1b: {  	v6 =	vld [tilespmem:s14+$0x0];
	_ =	sdelay $0x4  }
0xa1c: {  	v6 =	vsub.f32 $0.0e+00, v6;
	_ =	sdelay $0x1  }
0xa1d: {  	v6 =	vmul.f32 $1.442695020e+00, v6;
	_ =	sdelay $0x1  }
0xa1e: {  	(erf) = vpow2.f32 v6;
	_ =	sdelay $0x8  }
0xa1f: {  	v6 =	vpop (erf)  }
0xa20: {  	v6 =	vmax.f32 v6, $1.000000010e-01  }
0xa21: {  	v6 =	vmin.f32 v6, $1.000000000e+02  }
0xa22: {  	v57 =	vor.u32 $0x4, v5;
	[tilespmem:s11+$0x0] =	vst v6  }
0xa23: {  	v6 =	vor.u32 $0x5, v5;
	v7 =	vld.idx.msk [tilespmem:v7+s0+$0x0], $0xffff  }
0xa24: {  	v58 =	vor.u32 $0x7, v5;
	v11 =	vld.idx.msk [tilespmem:v5+s0+$0x0], $0xffff  }
0xa25: {  	v59 =	vor.u32 $0x6, v5;
	v9 =	vld.idx.msk [tilespmem:v9+s0+$0x0], $0xffff  }
0xa26: {  	v10 =	vld.idx.msk [tilespmem:v10+s0+$0x0], $0xffff  }
0xa27: {  	v8 =	vld.idx.msk [tilespmem:v57+s0+$0x0], $0xffff  }
0xa28: {  	v6 =	vld.idx.msk [tilespmem:v6+s0+$0x0], $0xffff  }
0xa29: {  	v12 =	vld.idx.msk [tilespmem:v58+s0+$0x0], $0xffff  }
0xa2a: {  	v13 =	vld.idx.msk [tilespmem:v59+s0+$0x0], $0xffff  }
0xa2b: {  	v7 =	vsub.f32 v7, v11;
	v9 =	vsub.f32 v10, v9;
	_ =	sdelay $0x1  }
0xa2c: {  	vm10 =	vgt.f32 v9, v7;
	v6 =	vsub.f32 v6, v8  }
0xa2d: {  	v7 =	vsel vm10, v9, v7  }
0xa2e: {  	v60 =	vsub.f32 v12, v13;
	vm11 =	vgt.f32 v6, v7  }
0xa2f: {  	v61 =	vsel vm10, $0x1, v4;
	v6 =	vsel vm11, v6, v7  }
0xa30: {  	v7 =	vsel vm11, $0x2, v61;
	vm12 =	vgt.f32 v60, v6  }
0xa31: {  	v6 =	vsel vm12, $0x3, v7  }
0xa32: {  	v7 =	vshll.u32 v6, $0x1  }
0xa33: {  	v5 =	vor.u32 v5, v7  }
0xa34: {  	v7 =	vor.u32 $0x9, v5;
	_ =	sdelay $0x4  }
0xa35: {  	v7 =	vld.idx.msk [tilespmem:v7+s0+$0x0], $0xffff;
	_ =	sdelay $0x4  }
0xa36: {  	v5 =	vor.u32 $0x8, v5;
	(erf) = vrcp.f32 v7;
	_ =	sdelay $0x4  }
0xa37: {  	v5 =	vld.idx.msk [tilespmem:v5+s0+$0x0], $0xffff;
	_ =	sdelay $0x3  }
0xa38: {  	v7 =	vpop (erf)  }
0xa39: {  	v5 =	vmul.f32 v7, v5;
	_ =	sdelay $0x1  }
0xa3a: {  	v7 =	vand.u32 $0x7FFFFFFF, v5  }
0xa3b: {  	(erf) = vrcp.f32 v7;
	_ =	sdelay $0x8  }
0xa3c: {  	vm13 =	vgt.f32 v7, $1.000000000e+00;
	v62 =	vpop (erf)  }
0xa3d: {  	v7 =	vsel vm13, v62, v7  }
0xa3e: {  	v8 =	vmul.f32 v7, v7;
	_ =	sdelay $0x1  }
0xa3f: {  	v63 =	vmul.f32 $2.083509970e-02, v8;
	_ =	sdelay $0x1  }
0xa40: {  	v9 =	vadd.f32 $-8.513300120e-02, v63;
	_ =	sdelay $0x1  }
0xa41: {  	v9 =	vmul.f32 v9, v8;
	_ =	sdelay $0x1  }
0xa42: {  	v9 =	vadd.f32 $1.801410020e-01, v9;
	_ =	sdelay $0x1  }
0xa43: {  	v9 =	vmul.f32 v9, v8;
	_ =	sdelay $0x1  }
0xa44: {  	v9 =	vadd.f32 $-3.302994970e-01, v9;
	_ =	sdelay $0x1  }
0xa45: {  	v8 =	vmul.f32 v9, v8;
	_ =	sdelay $0x1  }
0xa46: {  	v8 =	vadd.f32 $9.998660080e-01, v8;
	_ =	sdelay $0x1  }
0xa47: {  	v7 =	vmul.f32 v8, v7;
	_ =	sdelay $0x1  }
0xa48: {  	v8 =	vsub.f32 $1.570796370e+00, v7  }
0xa49: {  	v6 =	vcvt.s32.f32 v6  }
0xa4a: {  	v7 =	vsel vm13, v8, v7  }
0xa4b: {  	v6 =	vmul.f32 $1.570796370e+00, v6;
	v8 =	vsub.f32 $0.0e+00, v7  }
0xa4c: {  	vm14 =	vlt.f32 v5, $0.0e+00  }
0xa4d: {  	v5 =	vsel vm12, $0xBFC90FDB, v6;
	v6 =	vsel vm14, v8, v7  }
0xa4e: {  	v5 =	vadd.f32 v6, v5;
	_ =	sdelay $0x1  }
0xa4f: {  	v6 =	vadd.f32 $-6.283185480e+00, v5  }
0xa50: {  	vm15 =	vgt.f32 v5, $3.141592740e+00  }
0xa51: {  	v5 =	vsel vm15, v6, v5  }
0xa52: {  	v6 =	vadd.f32 $6.283185480e+00, v5  }
0xa53: {  	vm0 =	vlt.f32 v5, $-3.141592740e+00  }
0xa54: {  	v5 =	vsel vm0, v6, v5  }
0xa55: {  	[tilespmem:s10+$0x0] =	vst v5  }
0xa56: {  	[hbm4b:s18+s1] =	stream.linear.scatter [tilespmem:s3], [sflag:$0x2], $0x2800, $0x38;
	[tilespmem:$0x19A00] =	vst v63  }
0xa57: {  	_ = 	snop  }
0xa58: {  	[hbm4b:s19+s1] =	stream.linear.scatter [tilespmem:s4], [sflag:$0x2], $0x2800, $0x38;
	[tilespmem:$0x19A00] =	vst v63  }
0xa59: {  	_ =	swait.ge [sflag:s5], $0x2800  }
0xa5a: {  	[sflag:s5] =	ssyncset.done $0x0  }
0xa5b: {  	[sflag:s5] =	ssyncadd.s32 $0xFFFFD800  }
0xa5c: {  	_ =	swait.ge [sflag:s5], $0x2800  }
0xa5d: {  	[sflag:s5] =	ssyncset.done $0x0  }
0xa5e: {  	s11 =	simm.s32 $0x19500;
	[sflag:s5] =	ssyncadd.s32 $0xFFFFD800  }
0xa5f: {  	[hbm4b:s22+s1] =	stream.linear.scatter [tilespmem:s11], [sflag:$0x3], $0x280, $0x38;
	[tilespmem:$0x19A00] =	vst v63  }
0xa60: {  	s7 =	sadd.s32 $0x1, s7;
	_ =	swait.ge [sflag:s6], $0x280  }
0xa61: {  	p0 =	sne.s32 s7, s24;
	[sflag:s6] =	ssyncset.done $0x0  }
.Ltmp8:
0xa62: {  	s15 =	simm.s32 $0x19780;
	[sflag:s6] =	ssyncadd.s32 $0xFFFFFD80;
	(pc) =	sbr.rel @p0 .LBB2_1-.Ltmp8, $4  }
0xa63: {  	[hbm4b:s23+s1] =	stream.linear.scatter [tilespmem:s15], [sflag:$0x3], $0x280, $0x38;
	[tilespmem:$0x19A00] =	vst v63  }
0xa64: {  	_ =	swait.ge [sflag:s6], $0x280  }
0xa65: {  	[sflag:s6] =	ssyncset.done $0x0  }
0xa66: {  	[sflag:s6] =	ssyncadd.s32 $0xFFFFFD80  }
0xa67: {  	_ =	sfence.sel $0x180000  }
0xa68: {  	[bflag:$0x0] =	sbarrier.arrive $0xFFFF  }
0xa69: {  	_ =	strace $0x90000047  }
0xa6a: {  	s0 =	stileid.u32;
	[bflag:$0x2] =	sbarrier.arrive $0xFFFF  }
0xa6b: {  	p0 =	sne.s32 s0, $0x0;
	s0 =	rddreg [dreg:$0x5]  }
0xa6c: {  	s0 =	sadd.s32 @!p0 $0x100000, s0  }
0xa6d: {  	[sflag:s0] =	ssyncadd.tile.s32 @!p0 $0x1;
	_ =	shalt  }
.Lfunc_end2:
_tile_overlayer_lowered:
.L_overlay_start_2:
0xa6e: {  	(tag) =	ssettag $0x2  }
0xa6f: {  	s0 =	rddreg [dreg:$0x0];
	s2 =	stileid.u32  }
0xa70: {  	s1 =	rddreg [dreg:$0x1];
	p0 =	sne.s32 s2, $0x0  }
0xa71: {  	s3 =	rddreg [dreg:$0x2];
	[bflag:$0x3] =	sbarrier.arrive $0xFFFF;
	s2 =	simm.s32 @!p0 $0x1C03  }
0xa72: {  	[timem:s3], [sflag:s2] =	dma.local @!p0 [hbm:s0], s1  }
0xa73: {  	s0 =	simm.s32 @!p0 $0x3  }
0xa74: {  	_ =	swait.ge @!p0 [sflag:s0], s1  }
0xa75: {  	s1 =	ssub.s32 @!p0 $0x0, s1;
	[sflag:s0] =	ssyncset.done @!p0 $0x0  }
0xa76: {  	[sflag:s0] =	ssyncadd.s32 @!p0 s1  }
0xa77: {  	[bflag:$0x3] =	sbarrier.arrive $0xFFFF  }
0xa78: {  	_ =	shalt  }

</sc_bundles>
